<compile_context>
chip_gen: v7x
topology: tpu7x:2x2x1
jax: 0.10.2.dev20260603
libtpu: 0.0.44.dev20260713+nightly
codegen_flags: <defaults>
</compile_context>

<pallas_src>
import math

import jax
import jax.numpy as jnp
from jax import lax
from jax.experimental import pallas as pl
from jax.experimental.pallas import tpu as pltpu
from jax.experimental.pallas import tpu_sc as plsc

NUM_CLASSES = 128
LOG_2PI = math.log(2.0 * math.pi)

NC = 2
NS = 16
CH = 64


def _scp_body(p_hbm, idx_hbm, z_hbm, segp_hbm,
              pbufa0, pbufa1, pbufb, tbuf0, tbuf1, acca, accb,
              sga0, sga1, sgi0, sgi1, sgb, ssa, ssb):
    cid = lax.axis_index("c")
    sid = lax.axis_index("s")
    d = p_hbm.shape[1]
    dq = d // (2 * NC)
    ep_t = p_hbm.shape[0] // NS
    nchunk = ep_t // CH
    c0a = cid * dq
    c0b = (NC + cid) * dq
    r0 = sid * NUM_CLASSES

    pltpu.sync_copy(z_hbm, acca.at[pl.ds(r0, NUM_CLASSES)])
    pltpu.sync_copy(z_hbm, accb.at[pl.ds(r0, NUM_CLASSES)])

    pba = (pbufa0, pbufa1)
    tb = (tbuf0, tbuf1)
    sga = (sga0, sga1)
    sgi = (sgi0, sgi1)


    def gather(buf, g, c0, s):
        e0 = sid * ep_t + g * CH
        return pltpu.async_copy(
            p_hbm.at[pl.ds(e0, CH), pl.ds(c0, dq)], buf, s)

    def gather_idx(g):
        e0 = sid * ep_t + g * CH
        return pltpu.async_copy(idx_hbm.at[pl.ds(e0, CH)], tb[g % 2],
                                sgi[g % 2])

    def scatter(buf, g, acc, s):
        return pltpu.async_copy(buf, acc.at[tb[g % 2]], s, add=True)

    ga = {0: gather(pba[0], 0, c0a, sga[0]), 1: gather(pba[1], 1, c0a, sga[1])}
    gi = {0: gather_idx(0), 1: gather_idx(1)}
    gb = {0: gather(pbufb, 0, c0b, sgb)}
    tail = []
    for g in range(nchunk):
        ga.pop(g).wait()
        gi.pop(g).wait()
        gb.pop(g).wait()
        sca = scatter(pba[g % 2], g, acca, ssa)
        scb = scatter(pbufb, g, accb, ssb)
        scb.wait()
        if g + 1 < nchunk:
            gb[g + 1] = gather(pbufb, g + 1, c0b, sgb)
        if g + 2 < nchunk:
            sca.wait()
            ga[g + 2] = gather(pba[g % 2], g + 2, c0a, sga[g % 2])
            gi[g + 2] = gather_idx(g + 2)
        else:
            tail.append(sca)
    for sca in tail:
        sca.wait()

    pltpu.sync_copy(acca.at[pl.ds(r0, NUM_CLASSES)],
                    segp_hbm.at[pl.ds(r0, NUM_CLASSES), pl.ds(c0a, dq)])
    pltpu.sync_copy(accb.at[pl.ds(r0, NUM_CLASSES)],
                    segp_hbm.at[pl.ds(r0, NUM_CLASSES), pl.ds(c0b, dq)])


def _split_dot(oh, x):
    x_hi = x.astype(jnp.bfloat16)
    x_lo = (x - x_hi.astype(jnp.float32)).astype(jnp.bfloat16)
    dn = (((0,), (0,)), ((), ()))
    hi = lax.dot_general(oh, x_hi, dn, preferred_element_type=jnp.float32)
    lo = lax.dot_general(oh, x_lo, dn, preferred_element_type=jnp.float32)
    return hi + lo


def _tc_body(t_ref, p_ref, m_ref, segpm_out, scal_out):
    p = p_ref[0]
    m = m_ref[0]
    t = t_ref[0]
    n_ex, _ = p.shape
    cls = lax.broadcasted_iota(jnp.int32, (n_ex, NUM_CLASSES), 1)
    mask = t.reshape(n_ex, 1) == cls
    oh = mask.astype(jnp.bfloat16)

    pm = p * m
    segpm_out[0] = _split_dot(oh, pm)

    r_pmm = jnp.sum(pm * m, axis=1, keepdims=True)
    r_lp = jnp.sum(jnp.log(p), axis=1, keepdims=True)
    seg_pmm = jnp.sum(jnp.where(mask, r_pmm, 0.0), axis=0, keepdims=True)
    seg_rlp = jnp.sum(jnp.where(mask, r_lp, 0.0), axis=0, keepdims=True)
    counts = jnp.sum(mask.astype(jnp.float32), axis=0, keepdims=True)
    zero5 = jnp.zeros((5, NUM_CLASSES), jnp.float32)
    scal_out[0] = jnp.concatenate([seg_pmm, seg_rlp, counts, zero5], axis=0)


def _fin_body(segp_ref, segpm_ref, scal_ref, pm_out, ln_out):
    sp = segp_ref[0]
    spm = segpm_ref[0]
    sc = scal_ref[0]
    d = sp.shape[1]
    mean = spm * jnp.reciprocal(sp)
    pm_out[0] = mean
    seg_pmm = sc[0:1, :]
    seg_rlp = sc[1:2, :]
    ns = jnp.maximum(sc[2:3, :], 1.0)
    expo = 0.5 * (jnp.sum(spm * mean, axis=1).reshape(1, NUM_CLASSES)
                  - seg_pmm)
    log_det = 0.5 * (seg_rlp
                     - jnp.sum(jnp.log(sp), axis=1).reshape(1, NUM_CLASSES))
    ln_out[0] = 0.5 * (1.0 - ns) * (d * LOG_2PI) + log_det + expo


def kernel(means, precisions, targets):
    b, n, d = means.shape
    e = b * n
    rows = b * NUM_CLASSES
    dh = d // NC
    t3 = targets.reshape(b, 1, n)
    rowid = (targets + NUM_CLASSES * jnp.arange(b, dtype=jnp.int32)[:, None]
             ).reshape(e)
    p_flat = precisions.reshape(e, d)
    dq = d // (2 * NC)
    z = jnp.zeros((NUM_CLASSES, dq), jnp.float32)

    sc_scatter = pl.kernel(
        _scp_body,
        out_type=[jax.ShapeDtypeStruct((rows, d), jnp.float32)],
        mesh=plsc.VectorSubcoreMesh(core_axis_name="c", subcore_axis_name="s"),
        scratch_types=[
            pltpu.VMEM((CH, dq), jnp.float32),
            pltpu.VMEM((CH, dq), jnp.float32),
            pltpu.VMEM((CH, dq), jnp.float32),
            pltpu.VMEM((CH,), jnp.int32),
            pltpu.VMEM((CH,), jnp.int32),
            pltpu.VMEM_SHARED((rows, dq), jnp.float32),
            pltpu.VMEM_SHARED((rows, dq), jnp.float32),
            pltpu.SemaphoreType.DMA,
            pltpu.SemaphoreType.DMA,
            pltpu.SemaphoreType.DMA,
            pltpu.SemaphoreType.DMA,
            pltpu.SemaphoreType.DMA,
            pltpu.SemaphoreType.DMA,
            pltpu.SemaphoreType.DMA,
        ],
    )
    (segp,) = sc_scatter(p_flat, rowid, z)

    segpm, scal = pl.pallas_call(
        _tc_body,
        grid=(b,),
        in_specs=[
            pl.BlockSpec((1, 1, n), lambda i: (i, 0, 0)),
            pl.BlockSpec((1, n, d), lambda i: (i, 0, 0)),
            pl.BlockSpec((1, n, d), lambda i: (i, 0, 0)),
        ],
        out_specs=[
            pl.BlockSpec((1, NUM_CLASSES, d), lambda i: (i, 0, 0)),
            pl.BlockSpec((1, 8, NUM_CLASSES), lambda i: (i, 0, 0)),
        ],
        out_shape=[
            jax.ShapeDtypeStruct((b, NUM_CLASSES, d), jnp.float32),
            jax.ShapeDtypeStruct((b, 8, NUM_CLASSES), jnp.float32),
        ],
    )(t3, precisions, means)

    segp3 = segp.reshape(b, NUM_CLASSES, d)
    pm_o, ln_o = pl.pallas_call(
        _fin_body,
        grid=(b,),
        in_specs=[
            pl.BlockSpec((1, NUM_CLASSES, d), lambda i: (i, 0, 0)),
            pl.BlockSpec((1, NUM_CLASSES, d), lambda i: (i, 0, 0)),
            pl.BlockSpec((1, 8, NUM_CLASSES), lambda i: (i, 0, 0)),
        ],
        out_specs=[
            pl.BlockSpec((1, NUM_CLASSES, d), lambda i: (i, 0, 0)),
            pl.BlockSpec((1, 1, NUM_CLASSES), lambda i: (i, 0, 0)),
        ],
        out_shape=[
            jax.ShapeDtypeStruct((b, NUM_CLASSES, d), jnp.float32),
            jax.ShapeDtypeStruct((b, 1, NUM_CLASSES), jnp.float32),
        ],
    )(segp3, segpm, scal)

    return (pm_o, segp3, ln_o.reshape(b, NUM_CLASSES))

# --- scband reference (transcript-rebuilt; emitter-appended) ---
"""Pipeline reference for scband-generative-contrastive-modelling-23699629540092 (READ-ONLY COPY).

The authoritative reference and input builder live on the scoring server;
editing this copy changes nothing except your own understanding.
"""

import jax, jax.numpy as jnp
import numpy as np
import math

NUM_CLASSES = 128


def setup_inputs(seed: int = 0) -> dict:
    key = jax.random.key(seed)
    k1, k2, k3 = jax.random.split(key, 3)
    means = jax.random.normal(k1, (16, 2048, 512), dtype=jnp.float32)
    precisions = jax.random.uniform(k2, (16, 2048, 512), dtype=jnp.float32)
    targets = jax.random.randint(k3, (16, 2048), 0, NUM_CLASSES, dtype=jnp.int32)
    return {"means": means, "precisions": precisions, "targets": targets}


def _seg_sum(data, targets, num_classes):
    # batched scatter-add along axis 1: (B, N, D) + (B, N) -> (B, C, D)
    return jax.vmap(lambda d, t: jax.ops.segment_sum(d, t, num_segments=num_classes))(data, targets)


def reference(means, precisions, targets):
    batch_size, num_examples, embedding_size = means.shape
    num_classes = NUM_CLASSES  # == len(unique(targets)) by construction

    # get_num_samples: scatter_add of ones -> per-class counts
    ones = jnp.ones(targets.shape, dtype=means.dtype)
    num_samples = jax.vmap(lambda o, t: jax.ops.segment_sum(o, t, num_segments=num_classes))(ones, targets)
    num_samples = jnp.maximum(num_samples, jnp.ones_like(num_samples))[..., None]  # (B, C, 1)

    product_precision = _seg_sum(precisions, targets, num_classes)
    product_mean = jnp.reciprocal(product_precision) * _seg_sum(precisions * means, targets, num_classes)
    product_normalisation_exponent = 0.5 * (
        product_precision * jnp.square(product_mean)
        - _seg_sum(precisions * jnp.square(means), targets, num_classes)
    )
    log_product_normalisation = (
        0.5 * (1.0 - num_samples) * jnp.log(jnp.ones_like(num_samples) * (2.0 * math.pi))
        + 0.5 * (_seg_sum(jnp.log(precisions), targets, num_classes) - jnp.log(product_precision))
        + product_normalisation_exponent
    )
    log_product_normalisation = log_product_normalisation.sum(axis=-1)
    return (product_mean, product_precision, log_product_normalisation)

if __name__ == "__main__":
    import jax
    _d = setup_inputs()
    print(jax.jit(kernel)(*tuple(_d.values())))

</pallas_src>

<mosaic_0001>
#map = affine_map<(d0, d1) -> (0, 0)>
#map1 = affine_map<(d0, d1) -> (0)>
module attributes {stable_mosaic.version = 14 : i64} {
  func.func @_scp_body(%arg0: i32, %arg1: i32, %arg2: memref<32768x512xf32, #tpu.memory_space<hbm>>, %arg3: memref<32768xi32, #tpu.memory_space<hbm>>, %arg4: memref<128x128xf32, #tpu.memory_space<hbm>>, %arg5: memref<2048x512xf32, #tpu.memory_space<hbm>>, %arg6: memref<64x128xf32, #tpu.memory_space<vmem>>, %arg7: memref<64x128xf32, #tpu.memory_space<vmem>>, %arg8: memref<64x128xf32, #tpu.memory_space<vmem>>, %arg9: memref<64xi32, #tpu.memory_space<vmem>>, %arg10: memref<64xi32, #tpu.memory_space<vmem>>, %arg11: memref<2048x128xf32, #tpu.memory_space<vmem_shared>>, %arg12: memref<2048x128xf32, #tpu.memory_space<vmem_shared>>, %arg13: memref<!tpu.dma_semaphore, #tpu.memory_space<semaphore_mem>>, %arg14: memref<!tpu.dma_semaphore, #tpu.memory_space<semaphore_mem>>, %arg15: memref<!tpu.dma_semaphore, #tpu.memory_space<semaphore_mem>>, %arg16: memref<!tpu.dma_semaphore, #tpu.memory_space<semaphore_mem>>, %arg17: memref<!tpu.dma_semaphore, #tpu.memory_space<semaphore_mem>>, %arg18: memref<!tpu.dma_semaphore, #tpu.memory_space<semaphore_mem>>, %arg19: memref<!tpu.dma_semaphore, #tpu.memory_space<semaphore_mem>>) attributes {dimension_semantics = [#tpu.dimension_semantics<core_parallel>, #tpu.dimension_semantics<subcore_parallel>], iteration_bounds = array<i64: 2, 16>, scalar_prefetch = 0 : i64, scratch_operands = 14 : i64, tpu.core_type = #tpu.core_type<sc_vector_subcore>, window_params = [{transform_indices = #map}, {transform_indices = #map1}, {transform_indices = #map}, {transform_indices = #map}]} {
    %mul3A = arith.constant 128 : i32
    %mul3A_0 = arith.muli %arg0, %mul3A : i32
    %add3A = arith.constant 2 : i32
    %add3A_1 = arith.addi %add3A, %arg0 : i32
    %mul3A_2 = arith.constant 128 : i32
    %mul3A_3 = arith.muli %add3A_1, %mul3A_2 : i32
    %mul3A_4 = arith.constant 128 : i32
    %mul3A_5 = arith.muli %arg1, %mul3A_4 : i32
    "tpu.region"() ({
      %run_scoped3A = tpu.sem_alloc : memref<!tpu.dma_semaphore, #tpu.memory_space<semaphore_mem>>
      %dma_start3A_1156 = arith.constant 0 : i32
      %dma_start3A_1157 = tpu.memref_slice %arg11[%mul3A_5, %dma_start3A_1156] : memref<2048x128xf32, #tpu.memory_space<vmem_shared>> -> memref<128x128xf32, #tpu.memory_space<vmem_shared>>
      tpu.enqueue_dma source(%arg4 : memref<128x128xf32, #tpu.memory_space<hbm>>) target(%dma_start3A_1157 : memref<128x128xf32, #tpu.memory_space<vmem_shared>>) target_semaphore(%run_scoped3A : memref<!tpu.dma_semaphore, #tpu.memory_space<semaphore_mem>>)
      %dma_wait3A_1158 = arith.constant 0 : i32
      %dma_wait3A_1159 = tpu.memref_slice %arg11[%mul3A_5, %dma_wait3A_1158] : memref<2048x128xf32, #tpu.memory_space<vmem_shared>> -> memref<128x128xf32, #tpu.memory_space<vmem_shared>>
      tpu.wait_dma2 semaphore(%run_scoped3A : memref<!tpu.dma_semaphore, #tpu.memory_space<semaphore_mem>>) src(%arg4 : memref<128x128xf32, #tpu.memory_space<hbm>>) dst(%dma_wait3A_1159 : memref<128x128xf32, #tpu.memory_space<vmem_shared>>)
      tpu.yield
    }) : () -> ()
    "tpu.region"() ({
      %run_scoped3A = tpu.sem_alloc : memref<!tpu.dma_semaphore, #tpu.memory_space<semaphore_mem>>
      %dma_start3A_1156 = arith.constant 0 : i32
      %dma_start3A_1157 = tpu.memref_slice %arg12[%mul3A_5, %dma_start3A_1156] : memref<2048x128xf32, #tpu.memory_space<vmem_shared>> -> memref<128x128xf32, #tpu.memory_space<vmem_shared>>
      tpu.enqueue_dma source(%arg4 : memref<128x128xf32, #tpu.memory_space<hbm>>) target(%dma_start3A_1157 : memref<128x128xf32, #tpu.memory_space<vmem_shared>>) target_semaphore(%run_scoped3A : memref<!tpu.dma_semaphore, #tpu.memory_space<semaphore_mem>>)
      %dma_wait3A_1158 = arith.constant 0 : i32
      %dma_wait3A_1159 = tpu.memref_slice %arg12[%mul3A_5, %dma_wait3A_1158] : memref<2048x128xf32, #tpu.memory_space<vmem_shared>> -> memref<128x128xf32, #tpu.memory_space<vmem_shared>>
      tpu.wait_dma2 semaphore(%run_scoped3A : memref<!tpu.dma_semaphore, #tpu.memory_space<semaphore_mem>>) src(%arg4 : memref<128x128xf32, #tpu.memory_space<hbm>>) dst(%dma_wait3A_1159 : memref<128x128xf32, #tpu.memory_space<vmem_shared>>)
      tpu.yield
    }) : () -> ()
    %mul3A_6 = arith.constant 2048 : i32
    %mul3A_7 = arith.muli %arg1, %mul3A_6 : i32
    %add3A_8 = arith.constant 0 : i32
    %add3A_9 = arith.addi %mul3A_7, %add3A_8 : i32
    %dma_start3A = tpu.memref_slice %arg2[%add3A_9, %mul3A_0] : memref<32768x512xf32, #tpu.memory_space<hbm>> -> memref<64x128xf32, #tpu.memory_space<hbm>>
    %dma_start3A_10 = tpu.memref_slice %arg2[%add3A_9, %mul3A_0] : memref<32768x512xf32, #tpu.memory_space<hbm>> -> memref<64x128xf32, #tpu.memory_space<hbm>>
    tpu.enqueue_dma source(%dma_start3A_10 : memref<64x128xf32, #tpu.memory_space<hbm>>) target(%arg6 : memref<64x128xf32, #tpu.memory_space<vmem>>) target_semaphore(%arg13 : memref<!tpu.dma_semaphore, #tpu.memory_space<semaphore_mem>>)
    %mul3A_11 = arith.constant 2048 : i32
    %mul3A_12 = arith.muli %arg1, %mul3A_11 : i32
    %add3A_13 = arith.constant 64 : i32
    %add3A_14 = arith.addi %mul3A_12, %add3A_13 : i32
    %dma_start3A_15 = tpu.memref_slice %arg2[%add3A_14, %mul3A_0] : memref<32768x512xf32, #tpu.memory_space<hbm>> -> memref<64x128xf32, #tpu.memory_space<hbm>>
    %dma_start3A_16 = tpu.memref_slice %arg2[%add3A_14, %mul3A_0] : memref<32768x512xf32, #tpu.memory_space<hbm>> -> memref<64x128xf32, #tpu.memory_space<hbm>>
    tpu.enqueue_dma source(%dma_start3A_16 : memref<64x128xf32, #tpu.memory_space<hbm>>) target(%arg7 : memref<64x128xf32, #tpu.memory_space<vmem>>) target_semaphore(%arg14 : memref<!tpu.dma_semaphore, #tpu.memory_space<semaphore_mem>>)
    %mul3A_17 = arith.constant 2048 : i32
    %mul3A_18 = arith.muli %arg1, %mul3A_17 : i32
    %add3A_19 = arith.constant 0 : i32
    %add3A_20 = arith.addi %mul3A_18, %add3A_19 : i32
    %dma_start3A_21 = tpu.memref_slice %arg3[%add3A_20] : memref<32768xi32, #tpu.memory_space<hbm>> -> memref<64xi32, #tpu.memory_space<hbm>>
    %dma_start3A_22 = tpu.memref_slice %arg3[%add3A_20] : memref<32768xi32, #tpu.memory_space<hbm>> -> memref<64xi32, #tpu.memory_space<hbm>>
    tpu.enqueue_dma source(%dma_start3A_22 : memref<64xi32, #tpu.memory_space<hbm>>) target(%arg9 : memref<64xi32, #tpu.memory_space<vmem>>) target_semaphore(%arg15 : memref<!tpu.dma_semaphore, #tpu.memory_space<semaphore_mem>>)
    %mul3A_23 = arith.constant 2048 : i32
    %mul3A_24 = arith.muli %arg1, %mul3A_23 : i32
    %add3A_25 = arith.constant 64 : i32
    %add3A_26 = arith.addi %mul3A_24, %add3A_25 : i32
    %dma_start3A_27 = tpu.memref_slice %arg3[%add3A_26] : memref<32768xi32, #tpu.memory_space<hbm>> -> memref<64xi32, #tpu.memory_space<hbm>>
    %dma_start3A_28 = tpu.memref_slice %arg3[%add3A_26] : memref<32768xi32, #tpu.memory_space<hbm>> -> memref<64xi32, #tpu.memory_space<hbm>>
    tpu.enqueue_dma source(%dma_start3A_28 : memref<64xi32, #tpu.memory_space<hbm>>) target(%arg10 : memref<64xi32, #tpu.memory_space<vmem>>) target_semaphore(%arg16 : memref<!tpu.dma_semaphore, #tpu.memory_space<semaphore_mem>>)
    %mul3A_29 = arith.constant 2048 : i32
    %mul3A_30 = arith.muli %arg1, %mul3A_29 : i32
    %add3A_31 = arith.constant 0 : i32
    %add3A_32 = arith.addi %mul3A_30, %add3A_31 : i32
    %dma_start3A_33 = tpu.memref_slice %arg2[%add3A_32, %mul3A_3] : memref<32768x512xf32, #tpu.memory_space<hbm>> -> memref<64x128xf32, #tpu.memory_space<hbm>>
    %dma_start3A_34 = tpu.memref_slice %arg2[%add3A_32, %mul3A_3] : memref<32768x512xf32, #tpu.memory_space<hbm>> -> memref<64x128xf32, #tpu.memory_space<hbm>>
    tpu.enqueue_dma source(%dma_start3A_34 : memref<64x128xf32, #tpu.memory_space<hbm>>) target(%arg8 : memref<64x128xf32, #tpu.memory_space<vmem>>) target_semaphore(%arg17 : memref<!tpu.dma_semaphore, #tpu.memory_space<semaphore_mem>>)
    %dma_wait3A = tpu.memref_slice %arg2[%add3A_9, %mul3A_0] : memref<32768x512xf32, #tpu.memory_space<hbm>> -> memref<64x128xf32, #tpu.memory_space<hbm>>
    %dma_wait3A_35 = tpu.memref_slice %arg2[%add3A_9, %mul3A_0] : memref<32768x512xf32, #tpu.memory_space<hbm>> -> memref<64x128xf32, #tpu.memory_space<hbm>>
    tpu.wait_dma2 semaphore(%arg13 : memref<!tpu.dma_semaphore, #tpu.memory_space<semaphore_mem>>) src(%dma_wait3A_35 : memref<64x128xf32, #tpu.memory_space<hbm>>) dst(%arg6 : memref<64x128xf32, #tpu.memory_space<vmem>>)
    %dma_wait3A_36 = tpu.memref_slice %arg3[%add3A_20] : memref<32768xi32, #tpu.memory_space<hbm>> -> memref<64xi32, #tpu.memory_space<hbm>>
    %dma_wait3A_37 = tpu.memref_slice %arg3[%add3A_20] : memref<32768xi32, #tpu.memory_space<hbm>> -> memref<64xi32, #tpu.memory_space<hbm>>
    tpu.wait_dma2 semaphore(%arg15 : memref<!tpu.dma_semaphore, #tpu.memory_space<semaphore_mem>>) src(%dma_wait3A_37 : memref<64xi32, #tpu.memory_space<hbm>>) dst(%arg9 : memref<64xi32, #tpu.memory_space<vmem>>)
    %dma_wait3A_38 = tpu.memref_slice %arg2[%add3A_32, %mul3A_3] : memref<32768x512xf32, #tpu.memory_space<hbm>> -> memref<64x128xf32, #tpu.memory_space<hbm>>
    %dma_wait3A_39 = tpu.memref_slice %arg2[%add3A_32, %mul3A_3] : memref<32768x512xf32, #tpu.memory_space<hbm>> -> memref<64x128xf32, #tpu.memory_space<hbm>>
    tpu.wait_dma2 semaphore(%arg17 : memref<!tpu.dma_semaphore, #tpu.memory_space<semaphore_mem>>) src(%dma_wait3A_39 : memref<64x128xf32, #tpu.memory_space<hbm>>) dst(%arg8 : memref<64x128xf32, #tpu.memory_space<vmem>>)
    %dma_start3A_40 = arith.constant 0 : i32
    %dma_start3A_41 = arith.constant 0 : i32
    %dma_start3A_42 = tpu.memref_slice %arg11[%dma_start3A_40, %dma_start3A_41] : memref<2048x128xf32, #tpu.memory_space<vmem_shared>> -> memref<2048x128xf32, #tpu.memory_space<vmem_shared>>
    tpu.enqueue_indirect_dma source(%arg6 : memref<64x128xf32, #tpu.memory_space<vmem>>) target(%dma_start3A_42 : memref<2048x128xf32, #tpu.memory_space<vmem_shared>>) offsets(%arg9 : memref<64xi32, #tpu.memory_space<vmem>>) semaphore(%arg18 : memref<!tpu.dma_semaphore, #tpu.memory_space<semaphore_mem>>) {add = true}
    %dma_start3A_43 = arith.constant 0 : i32
    %dma_start3A_44 = arith.constant 0 : i32
    %dma_start3A_45 = tpu.memref_slice %arg12[%dma_start3A_43, %dma_start3A_44] : memref<2048x128xf32, #tpu.memory_space<vmem_shared>> -> memref<2048x128xf32, #tpu.memory_space<vmem_shared>>
    tpu.enqueue_indirect_dma source(%arg8 : memref<64x128xf32, #tpu.memory_space<vmem>>) target(%dma_start3A_45 : memref<2048x128xf32, #tpu.memory_space<vmem_shared>>) offsets(%arg9 : memref<64xi32, #tpu.memory_space<vmem>>) semaphore(%arg19 : memref<!tpu.dma_semaphore, #tpu.memory_space<semaphore_mem>>) {add = true}
    %dma_wait3A_46 = arith.constant 0 : i32
    %dma_wait3A_47 = arith.constant 0 : i32
    %dma_wait3A_48 = tpu.memref_slice %arg12[%dma_wait3A_46, %dma_wait3A_47] : memref<2048x128xf32, #tpu.memory_space<vmem_shared>> -> memref<2048x128xf32, #tpu.memory_space<vmem_shared>>
    tpu.wait_indirect_dma semaphore(%arg19 : memref<!tpu.dma_semaphore, #tpu.memory_space<semaphore_mem>>) src(%arg8 : memref<64x128xf32, #tpu.memory_space<vmem>>) dst(%dma_wait3A_48 : memref<2048x128xf32, #tpu.memory_space<vmem_shared>>)
    %mul3A_49 = arith.constant 2048 : i32
    %mul3A_50 = arith.muli %arg1, %mul3A_49 : i32
    %add3A_51 = arith.constant 64 : i32
    %add3A_52 = arith.addi %mul3A_50, %add3A_51 : i32
    %dma_start3A_53 = tpu.memref_slice %arg2[%add3A_52, %mul3A_3] : memref<32768x512xf32, #tpu.memory_space<hbm>> -> memref<64x128xf32, #tpu.memory_space<hbm>>
    %dma_start3A_54 = tpu.memref_slice %arg2[%add3A_52, %mul3A_3] : memref<32768x512xf32, #tpu.memory_space<hbm>> -> memref<64x128xf32, #tpu.memory_space<hbm>>
    tpu.enqueue_dma source(%dma_start3A_54 : memref<64x128xf32, #tpu.memory_space<hbm>>) target(%arg8 : memref<64x128xf32, #tpu.memory_space<vmem>>) target_semaphore(%arg17 : memref<!tpu.dma_semaphore, #tpu.memory_space<semaphore_mem>>)
    %dma_wait3A_55 = arith.constant 0 : i32
    %dma_wait3A_56 = arith.constant 0 : i32
    %dma_wait3A_57 = tpu.memref_slice %arg11[%dma_wait3A_55, %dma_wait3A_56] : memref<2048x128xf32, #tpu.memory_space<vmem_shared>> -> memref<2048x128xf32, #tpu.memory_space<vmem_shared>>
    tpu.wait_indirect_dma semaphore(%arg18 : memref<!tpu.dma_semaphore, #tpu.memory_space<semaphore_mem>>) src(%arg6 : memref<64x128xf32, #tpu.memory_space<vmem>>) dst(%dma_wait3A_57 : memref<2048x128xf32, #tpu.memory_space<vmem_shared>>)
    %mul3A_58 = arith.constant 2048 : i32
    %mul3A_59 = arith.muli %arg1, %mul3A_58 : i32
    %add3A_60 = arith.constant 128 : i32
    %add3A_61 = arith.addi %mul3A_59, %add3A_60 : i32
    %dma_start3A_62 = tpu.memref_slice %arg2[%add3A_61, %mul3A_0] : memref<32768x512xf32, #tpu.memory_space<hbm>> -> memref<64x128xf32, #tpu.memory_space<hbm>>
    %dma_start3A_63 = tpu.memref_slice %arg2[%add3A_61, %mul3A_0] : memref<32768x512xf32, #tpu.memory_space<hbm>> -> memref<64x128xf32, #tpu.memory_space<hbm>>
    tpu.enqueue_dma source(%dma_start3A_63 : memref<64x128xf32, #tpu.memory_space<hbm>>) target(%arg6 : memref<64x128xf32, #tpu.memory_space<vmem>>) target_semaphore(%arg13 : memref<!tpu.dma_semaphore, #tpu.memory_space<semaphore_mem>>)
    %mul3A_64 = arith.constant 2048 : i32
    %mul3A_65 = arith.muli %arg1, %mul3A_64 : i32
    %add3A_66 = arith.constant 128 : i32
    %add3A_67 = arith.addi %mul3A_65, %add3A_66 : i32
    %dma_start3A_68 = tpu.memref_slice %arg3[%add3A_67] : memref<32768xi32, #tpu.memory_space<hbm>> -> memref<64xi32, #tpu.memory_space<hbm>>
    %dma_start3A_69 = tpu.memref_slice %arg3[%add3A_67] : memref<32768xi32, #tpu.memory_space<hbm>> -> memref<64xi32, #tpu.memory_space<hbm>>
    tpu.enqueue_dma source(%dma_start3A_69 : memref<64xi32, #tpu.memory_space<hbm>>) target(%arg9 : memref<64xi32, #tpu.memory_space<vmem>>) target_semaphore(%arg15 : memref<!tpu.dma_semaphore, #tpu.memory_space<semaphore_mem>>)
    %dma_wait3A_70 = tpu.memref_slice %arg2[%add3A_14, %mul3A_0] : memref<32768x512xf32, #tpu.memory_space<hbm>> -> memref<64x128xf32, #tpu.memory_space<hbm>>
    %dma_wait3A_71 = tpu.memref_slice %arg2[%add3A_14, %mul3A_0] : memref<32768x512xf32, #tpu.memory_space<hbm>> -> memref<64x128xf32, #tpu.memory_space<hbm>>
    tpu.wait_dma2 semaphore(%arg14 : memref<!tpu.dma_semaphore, #tpu.memory_space<semaphore_mem>>) src(%dma_wait3A_71 : memref<64x128xf32, #tpu.memory_space<hbm>>) dst(%arg7 : memref<64x128xf32, #tpu.memory_space<vmem>>)
    %dma_wait3A_72 = tpu.memref_slice %arg3[%add3A_26] : memref<32768xi32, #tpu.memory_space<hbm>> -> memref<64xi32, #tpu.memory_space<hbm>>
    %dma_wait3A_73 = tpu.memref_slice %arg3[%add3A_26] : memref<32768xi32, #tpu.memory_space<hbm>> -> memref<64xi32, #tpu.memory_space<hbm>>
    tpu.wait_dma2 semaphore(%arg16 : memref<!tpu.dma_semaphore, #tpu.memory_space<semaphore_mem>>) src(%dma_wait3A_73 : memref<64xi32, #tpu.memory_space<hbm>>) dst(%arg10 : memref<64xi32, #tpu.memory_space<vmem>>)
    %dma_wait3A_74 = tpu.memref_slice %arg2[%add3A_52, %mul3A_3] : memref<32768x512xf32, #tpu.memory_space<hbm>> -> memref<64x128xf32, #tpu.memory_space<hbm>>
    %dma_wait3A_75 = tpu.memref_slice %arg2[%add3A_52, %mul3A_3] : memref<32768x512xf32, #tpu.memory_space<hbm>> -> memref<64x128xf32, #tpu.memory_space<hbm>>
    tpu.wait_dma2 semaphore(%arg17 : memref<!tpu.dma_semaphore, #tpu.memory_space<semaphore_mem>>) src(%dma_wait3A_75 : memref<64x128xf32, #tpu.memory_space<hbm>>) dst(%arg8 : memref<64x128xf32, #tpu.memory_space<vmem>>)
    %dma_start3A_76 = arith.constant 0 : i32
    %dma_start3A_77 = arith.constant 0 : i32
    %dma_start3A_78 = tpu.memref_slice %arg11[%dma_start3A_76, %dma_start3A_77] : memref<2048x128xf32, #tpu.memory_space<vmem_shared>> -> memref<2048x128xf32, #tpu.memory_space<vmem_shared>>
    tpu.enqueue_indirect_dma source(%arg7 : memref<64x128xf32, #tpu.memory_space<vmem>>) target(%dma_start3A_78 : memref<2048x128xf32, #tpu.memory_space<vmem_shared>>) offsets(%arg10 : memref<64xi32, #tpu.memory_space<vmem>>) semaphore(%arg18 : memref<!tpu.dma_semaphore, #tpu.memory_space<semaphore_mem>>) {add = true}
    %dma_start3A_79 = arith.constant 0 : i32
    %dma_start3A_80 = arith.constant 0 : i32
    %dma_start3A_81 = tpu.memref_slice %arg12[%dma_start3A_79, %dma_start3A_80] : memref<2048x128xf32, #tpu.memory_space<vmem_shared>> -> memref<2048x128xf32, #tpu.memory_space<vmem_shared>>
    tpu.enqueue_indirect_dma source(%arg8 : memref<64x128xf32, #tpu.memory_space<vmem>>) target(%dma_start3A_81 : memref<2048x128xf32, #tpu.memory_space<vmem_shared>>) offsets(%arg10 : memref<64xi32, #tpu.memory_space<vmem>>) semaphore(%arg19 : memref<!tpu.dma_semaphore, #tpu.memory_space<semaphore_mem>>) {add = true}
    %dma_wait3A_82 = arith.constant 0 : i32
    %dma_wait3A_83 = arith.constant 0 : i32
    %dma_wait3A_84 = tpu.memref_slice %arg12[%dma_wait3A_82, %dma_wait3A_83] : memref<2048x128xf32, #tpu.memory_space<vmem_shared>> -> memref<2048x128xf32, #tpu.memory_space<vmem_shared>>
    tpu.wait_indirect_dma semaphore(%arg19 : memref<!tpu.dma_semaphore, #tpu.memory_space<semaphore_mem>>) src(%arg8 : memref<64x128xf32, #tpu.memory_space<vmem>>) dst(%dma_wait3A_84 : memref<2048x128xf32, #tpu.memory_space<vmem_shared>>)
    %mul3A_85 = arith.constant 2048 : i32
    %mul3A_86 = arith.muli %arg1, %mul3A_85 : i32
    %add3A_87 = arith.constant 128 : i32
    %add3A_88 = arith.addi %mul3A_86, %add3A_87 : i32
    %dma_start3A_89 = tpu.memref_slice %arg2[%add3A_88, %mul3A_3] : memref<32768x512xf32, #tpu.memory_space<hbm>> -> memref<64x128xf32, #tpu.memory_space<hbm>>
    %dma_start3A_90 = tpu.memref_slice %arg2[%add3A_88, %mul3A_3] : memref<32768x512xf32, #tpu.memory_space<hbm>> -> memref<64x128xf32, #tpu.memory_space<hbm>>
    tpu.enqueue_dma source(%dma_start3A_90 : memref<64x128xf32, #tpu.memory_space<hbm>>) target(%arg8 : memref<64x128xf32, #tpu.memory_space<vmem>>) target_semaphore(%arg17 : memref<!tpu.dma_semaphore, #tpu.memory_space<semaphore_mem>>)
    %dma_wait3A_91 = arith.constant 0 : i32
    %dma_wait3A_92 = arith.constant 0 : i32
    %dma_wait3A_93 = tpu.memref_slice %arg11[%dma_wait3A_91, %dma_wait3A_92] : memref<2048x128xf32, #tpu.memory_space<vmem_shared>> -> memref<2048x128xf32, #tpu.memory_space<vmem_shared>>
    tpu.wait_indirect_dma semaphore(%arg18 : memref<!tpu.dma_semaphore, #tpu.memory_space<semaphore_mem>>) src(%arg7 : memref<64x128xf32, #tpu.memory_space<vmem>>) dst(%dma_wait3A_93 : memref<2048x128xf32, #tpu.memory_space<vmem_shared>>)
    %mul3A_94 = arith.constant 2048 : i32
    %mul3A_95 = arith.muli %arg1, %mul3A_94 : i32
    %add3A_96 = arith.constant 192 : i32
    %add3A_97 = arith.addi %mul3A_95, %add3A_96 : i32
    %dma_start3A_98 = tpu.memref_slice %arg2[%add3A_97, %mul3A_0] : memref<32768x512xf32, #tpu.memory_space<hbm>> -> memref<64x128xf32, #tpu.memory_space<hbm>>
    %dma_start3A_99 = tpu.memref_slice %arg2[%add3A_97, %mul3A_0] : memref<32768x512xf32, #tpu.memory_space<hbm>> -> memref<64x128xf32, #tpu.memory_space<hbm>>
    tpu.enqueue_dma source(%dma_start3A_99 : memref<64x128xf32, #tpu.memory_space<hbm>>) target(%arg7 : memref<64x128xf32, #tpu.memory_space<vmem>>) target_semaphore(%arg14 : memref<!tpu.dma_semaphore, #tpu.memory_space<semaphore_mem>>)
    %mul3A_100 = arith.constant 2048 : i32
    %mul3A_101 = arith.muli %arg1, %mul3A_100 : i32
    %add3A_102 = arith.constant 192 : i32
    %add3A_103 = arith.addi %mul3A_101, %add3A_102 : i32
    %dma_start3A_104 = tpu.memref_slice %arg3[%add3A_103] : memref<32768xi32, #tpu.memory_space<hbm>> -> memref<64xi32, #tpu.memory_space<hbm>>
    %dma_start3A_105 = tpu.memref_slice %arg3[%add3A_103] : memref<32768xi32, #tpu.memory_space<hbm>> -> memref<64xi32, #tpu.memory_space<hbm>>
    tpu.enqueue_dma source(%dma_start3A_105 : memref<64xi32, #tpu.memory_space<hbm>>) target(%arg10 : memref<64xi32, #tpu.memory_space<vmem>>) target_semaphore(%arg16 : memref<!tpu.dma_semaphore, #tpu.memory_space<semaphore_mem>>)
    %dma_wait3A_106 = tpu.memref_slice %arg2[%add3A_61, %mul3A_0] : memref<32768x512xf32, #tpu.memory_space<hbm>> -> memref<64x128xf32, #tpu.memory_space<hbm>>
    %dma_wait3A_107 = tpu.memref_slice %arg2[%add3A_61, %mul3A_0] : memref<32768x512xf32, #tpu.memory_space<hbm>> -> memref<64x128xf32, #tpu.memory_space<hbm>>
    tpu.wait_dma2 semaphore(%arg13 : memref<!tpu.dma_semaphore, #tpu.memory_space<semaphore_mem>>) src(%dma_wait3A_107 : memref<64x128xf32, #tpu.memory_space<hbm>>) dst(%arg6 : memref<64x128xf32, #tpu.memory_space<vmem>>)
    %dma_wait3A_108 = tpu.memref_slice %arg3[%add3A_67] : memref<32768xi32, #tpu.memory_space<hbm>> -> memref<64xi32, #tpu.memory_space<hbm>>
    %dma_wait3A_109 = tpu.memref_slice %arg3[%add3A_67] : memref<32768xi32, #tpu.memory_space<hbm>> -> memref<64xi32, #tpu.memory_space<hbm>>
    tpu.wait_dma2 semaphore(%arg15 : memref<!tpu.dma_semaphore, #tpu.memory_space<semaphore_mem>>) src(%dma_wait3A_109 : memref<64xi32, #tpu.memory_space<hbm>>) dst(%arg9 : memref<64xi32, #tpu.memory_space<vmem>>)
    %dma_wait3A_110 = tpu.memref_slice %arg2[%add3A_88, %mul3A_3] : memref<32768x512xf32, #tpu.memory_space<hbm>> -> memref<64x128xf32, #tpu.memory_space<hbm>>
    %dma_wait3A_111 = tpu.memref_slice %arg2[%add3A_88, %mul3A_3] : memref<32768x512xf32, #tpu.memory_space<hbm>> -> memref<64x128xf32, #tpu.memory_space<hbm>>
    tpu.wait_dma2 semaphore(%arg17 : memref<!tpu.dma_semaphore, #tpu.memory_space<semaphore_mem>>) src(%dma_wait3A_111 : memref<64x128xf32, #tpu.memory_space<hbm>>) dst(%arg8 : memref<64x128xf32, #tpu.memory_space<vmem>>)
    %dma_start3A_112 = arith.constant 0 : i32
    %dma_start3A_113 = arith.constant 0 : i32
    %dma_start3A_114 = tpu.memref_slice %arg11[%dma_start3A_112, %dma_start3A_113] : memref<2048x128xf32, #tpu.memory_space<vmem_shared>> -> memref<2048x128xf32, #tpu.memory_space<vmem_shared>>
    tpu.enqueue_indirect_dma source(%arg6 : memref<64x128xf32, #tpu.memory_space<vmem>>) target(%dma_start3A_114 : memref<2048x128xf32, #tpu.memory_space<vmem_shared>>) offsets(%arg9 : memref<64xi32, #tpu.memory_space<vmem>>) semaphore(%arg18 : memref<!tpu.dma_semaphore, #tpu.memory_space<semaphore_mem>>) {add = true}
    %dma_start3A_115 = arith.constant 0 : i32
    %dma_start3A_116 = arith.constant 0 : i32
    %dma_start3A_117 = tpu.memref_slice %arg12[%dma_start3A_115, %dma_start3A_116] : memref<2048x128xf32, #tpu.memory_space<vmem_shared>> -> memref<2048x128xf32, #tpu.memory_space<vmem_shared>>
    tpu.enqueue_indirect_dma source(%arg8 : memref<64x128xf32, #tpu.memory_space<vmem>>) target(%dma_start3A_117 : memref<2048x128xf32, #tpu.memory_space<vmem_shared>>) offsets(%arg9 : memref<64xi32, #tpu.memory_space<vmem>>) semaphore(%arg19 : memref<!tpu.dma_semaphore, #tpu.memory_space<semaphore_mem>>) {add = true}
    %dma_wait3A_118 = arith.constant 0 : i32
    %dma_wait3A_119 = arith.constant 0 : i32
    %dma_wait3A_120 = tpu.memref_slice %arg12[%dma_wait3A_118, %dma_wait3A_119] : memref<2048x128xf32, #tpu.memory_space<vmem_shared>> -> memref<2048x128xf32, #tpu.memory_space<vmem_shared>>
    tpu.wait_indirect_dma semaphore(%arg19 : memref<!tpu.dma_semaphore, #tpu.memory_space<semaphore_mem>>) src(%arg8 : memref<64x128xf32, #tpu.memory_space<vmem>>) dst(%dma_wait3A_120 : memref<2048x128xf32, #tpu.memory_space<vmem_shared>>)
    %mul3A_121 = arith.constant 2048 : i32
    %mul3A_122 = arith.muli %arg1, %mul3A_121 : i32
    %add3A_123 = arith.constant 192 : i32
    %add3A_124 = arith.addi %mul3A_122, %add3A_123 : i32
    %dma_start3A_125 = tpu.memref_slice %arg2[%add3A_124, %mul3A_3] : memref<32768x512xf32, #tpu.memory_space<hbm>> -> memref<64x128xf32, #tpu.memory_space<hbm>>
    %dma_start3A_126 = tpu.memref_slice %arg2[%add3A_124, %mul3A_3] : memref<32768x512xf32, #tpu.memory_space<hbm>> -> memref<64x128xf32, #tpu.memory_space<hbm>>
    tpu.enqueue_dma source(%dma_start3A_126 : memref<64x128xf32, #tpu.memory_space<hbm>>) target(%arg8 : memref<64x128xf32, #tpu.memory_space<vmem>>) target_semaphore(%arg17 : memref<!tpu.dma_semaphore, #tpu.memory_space<semaphore_mem>>)
    %dma_wait3A_127 = arith.constant 0 : i32
    %dma_wait3A_128 = arith.constant 0 : i32
    %dma_wait3A_129 = tpu.memref_slice %arg11[%dma_wait3A_127, %dma_wait3A_128] : memref<2048x128xf32, #tpu.memory_space<vmem_shared>> -> memref<2048x128xf32, #tpu.memory_space<vmem_shared>>
    tpu.wait_indirect_dma semaphore(%arg18 : memref<!tpu.dma_semaphore, #tpu.memory_space<semaphore_mem>>) src(%arg6 : memref<64x128xf32, #tpu.memory_space<vmem>>) dst(%dma_wait3A_129 : memref<2048x128xf32, #tpu.memory_space<vmem_shared>>)
    %mul3A_130 = arith.constant 2048 : i32
    %mul3A_131 = arith.muli %arg1, %mul3A_130 : i32
    %add3A_132 = arith.constant 256 : i32
    %add3A_133 = arith.addi %mul3A_131, %add3A_132 : i32
    %dma_start3A_134 = tpu.memref_slice %arg2[%add3A_133, %mul3A_0] : memref<32768x512xf32, #tpu.memory_space<hbm>> -> memref<64x128xf32, #tpu.memory_space<hbm>>
    %dma_start3A_135 = tpu.memref_slice %arg2[%add3A_133, %mul3A_0] : memref<32768x512xf32, #tpu.memory_space<hbm>> -> memref<64x128xf32, #tpu.memory_space<hbm>>
    tpu.enqueue_dma source(%dma_start3A_135 : memref<64x128xf32, #tpu.memory_space<hbm>>) target(%arg6 : memref<64x128xf32, #tpu.memory_space<vmem>>) target_semaphore(%arg13 : memref<!tpu.dma_semaphore, #tpu.memory_space<semaphore_mem>>)
    %mul3A_136 = arith.constant 2048 : i32
    %mul3A_137 = arith.muli %arg1, %mul3A_136 : i32
    %add3A_138 = arith.constant 256 : i32
    %add3A_139 = arith.addi %mul3A_137, %add3A_138 : i32
    %dma_start3A_140 = tpu.memref_slice %arg3[%add3A_139] : memref<32768xi32, #tpu.memory_space<hbm>> -> memref<64xi32, #tpu.memory_space<hbm>>
    %dma_start3A_141 = tpu.memref_slice %arg3[%add3A_139] : memref<32768xi32, #tpu.memory_space<hbm>> -> memref<64xi32, #tpu.memory_space<hbm>>
    tpu.enqueue_dma source(%dma_start3A_141 : memref<64xi32, #tpu.memory_space<hbm>>) target(%arg9 : memref<64xi32, #tpu.memory_space<vmem>>) target_semaphore(%arg15 : memref<!tpu.dma_semaphore, #tpu.memory_space<semaphore_mem>>)
    %dma_wait3A_142 = tpu.memref_slice %arg2[%add3A_97, %mul3A_0] : memref<32768x512xf32, #tpu.memory_space<hbm>> -> memref<64x128xf32, #tpu.memory_space<hbm>>
    %dma_wait3A_143 = tpu.memref_slice %arg2[%add3A_97, %mul3A_0] : memref<32768x512xf32, #tpu.memory_space<hbm>> -> memref<64x128xf32, #tpu.memory_space<hbm>>
    tpu.wait_dma2 semaphore(%arg14 : memref<!tpu.dma_semaphore, #tpu.memory_space<semaphore_mem>>) src(%dma_wait3A_143 : memref<64x128xf32, #tpu.memory_space<hbm>>) dst(%arg7 : memref<64x128xf32, #tpu.memory_space<vmem>>)
    %dma_wait3A_144 = tpu.memref_slice %arg3[%add3A_103] : memref<32768xi32, #tpu.memory_space<hbm>> -> memref<64xi32, #tpu.memory_space<hbm>>
    %dma_wait3A_145 = tpu.memref_slice %arg3[%add3A_103] : memref<32768xi32, #tpu.memory_space<hbm>> -> memref<64xi32, #tpu.memory_space<hbm>>
    tpu.wait_dma2 semaphore(%arg16 : memref<!tpu.dma_semaphore, #tpu.memory_space<semaphore_mem>>) src(%dma_wait3A_145 : memref<64xi32, #tpu.memory_space<hbm>>) dst(%arg10 : memref<64xi32, #tpu.memory_space<vmem>>)
    %dma_wait3A_146 = tpu.memref_slice %arg2[%add3A_124, %mul3A_3] : memref<32768x512xf32, #tpu.memory_space<hbm>> -> memref<64x128xf32, #tpu.memory_space<hbm>>
    %dma_wait3A_147 = tpu.memref_slice %arg2[%add3A_124, %mul3A_3] : memref<32768x512xf32, #tpu.memory_space<hbm>> -> memref<64x128xf32, #tpu.memory_space<hbm>>
    tpu.wait_dma2 semaphore(%arg17 : memref<!tpu.dma_semaphore, #tpu.memory_space<semaphore_mem>>) src(%dma_wait3A_147 : memref<64x128xf32, #tpu.memory_space<hbm>>) dst(%arg8 : memref<64x128xf32, #tpu.memory_space<vmem>>)
    %dma_start3A_148 = arith.constant 0 : i32
    %dma_start3A_149 = arith.constant 0 : i32
    %dma_start3A_150 = tpu.memref_slice %arg11[%dma_start3A_148, %dma_start3A_149] : memref<2048x128xf32, #tpu.memory_space<vmem_shared>> -> memref<2048x128xf32, #tpu.memory_space<vmem_shared>>
    tpu.enqueue_indirect_dma source(%arg7 : memref<64x128xf32, #tpu.memory_space<vmem>>) target(%dma_start3A_150 : memref<2048x128xf32, #tpu.memory_space<vmem_shared>>) offsets(%arg10 : memref<64xi32, #tpu.memory_space<vmem>>) semaphore(%arg18 : memref<!tpu.dma_semaphore, #tpu.memory_space<semaphore_mem>>) {add = true}
    %dma_start3A_151 = arith.constant 0 : i32
    %dma_start3A_152 = arith.constant 0 : i32
    %dma_start3A_153 = tpu.memref_slice %arg12[%dma_start3A_151, %dma_start3A_152] : memref<2048x128xf32, #tpu.memory_space<vmem_shared>> -> memref<2048x128xf32, #tpu.memory_space<vmem_shared>>
    tpu.enqueue_indirect_dma source(%arg8 : memref<64x128xf32, #tpu.memory_space<vmem>>) target(%dma_start3A_153 : memref<2048x128xf32, #tpu.memory_space<vmem_shared>>) offsets(%arg10 : memref<64xi32, #tpu.memory_space<vmem>>) semaphore(%arg19 : memref<!tpu.dma_semaphore, #tpu.memory_space<semaphore_mem>>) {add = true}
    %dma_wait3A_154 = arith.constant 0 : i32
    %dma_wait3A_155 = arith.constant 0 : i32
    %dma_wait3A_156 = tpu.memref_slice %arg12[%dma_wait3A_154, %dma_wait3A_155] : memref<2048x128xf32, #tpu.memory_space<vmem_shared>> -> memref<2048x128xf32, #tpu.memory_space<vmem_shared>>
    tpu.wait_indirect_dma semaphore(%arg19 : memref<!tpu.dma_semaphore, #tpu.memory_space<semaphore_mem>>) src(%arg8 : memref<64x128xf32, #tpu.memory_space<vmem>>) dst(%dma_wait3A_156 : memref<2048x128xf32, #tpu.memory_space<vmem_shared>>)
    %mul3A_157 = arith.constant 2048 : i32
    %mul3A_158 = arith.muli %arg1, %mul3A_157 : i32
    %add3A_159 = arith.constant 256 : i32
    %add3A_160 = arith.addi %mul3A_158, %add3A_159 : i32
    %dma_start3A_161 = tpu.memref_slice %arg2[%add3A_160, %mul3A_3] : memref<32768x512xf32, #tpu.memory_space<hbm>> -> memref<64x128xf32, #tpu.memory_space<hbm>>
    %dma_start3A_162 = tpu.memref_slice %arg2[%add3A_160, %mul3A_3] : memref<32768x512xf32, #tpu.memory_space<hbm>> -> memref<64x128xf32, #tpu.memory_space<hbm>>
    tpu.enqueue_dma source(%dma_start3A_162 : memref<64x128xf32, #tpu.memory_space<hbm>>) target(%arg8 : memref<64x128xf32, #tpu.memory_space<vmem>>) target_semaphore(%arg17 : memref<!tpu.dma_semaphore, #tpu.memory_space<semaphore_mem>>)
    %dma_wait3A_163 = arith.constant 0 : i32
    %dma_wait3A_164 = arith.constant 0 : i32
    %dma_wait3A_165 = tpu.memref_slice %arg11[%dma_wait3A_163, %dma_wait3A_164] : memref<2048x128xf32, #tpu.memory_space<vmem_shared>> -> memref<2048x128xf32, #tpu.memory_space<vmem_shared>>
    tpu.wait_indirect_dma semaphore(%arg18 : memref<!tpu.dma_semaphore, #tpu.memory_space<semaphore_mem>>) src(%arg7 : memref<64x128xf32, #tpu.memory_space<vmem>>) dst(%dma_wait3A_165 : memref<2048x128xf32, #tpu.memory_space<vmem_shared>>)
    %mul3A_166 = arith.constant 2048 : i32
    %mul3A_167 = arith.muli %arg1, %mul3A_166 : i32
    %add3A_168 = arith.constant 320 : i32
    %add3A_169 = arith.addi %mul3A_167, %add3A_168 : i32
    %dma_start3A_170 = tpu.memref_slice %arg2[%add3A_169, %mul3A_0] : memref<32768x512xf32, #tpu.memory_space<hbm>> -> memref<64x128xf32, #tpu.memory_space<hbm>>
    %dma_start3A_171 = tpu.memref_slice %arg2[%add3A_169, %mul3A_0] : memref<32768x512xf32, #tpu.memory_space<hbm>> -> memref<64x128xf32, #tpu.memory_space<hbm>>
    tpu.enqueue_dma source(%dma_start3A_171 : memref<64x128xf32, #tpu.memory_space<hbm>>) target(%arg7 : memref<64x128xf32, #tpu.memory_space<vmem>>) target_semaphore(%arg14 : memref<!tpu.dma_semaphore, #tpu.memory_space<semaphore_mem>>)
    %mul3A_172 = arith.constant 2048 : i32
    %mul3A_173 = arith.muli %arg1, %mul3A_172 : i32
    %add3A_174 = arith.constant 320 : i32
    %add3A_175 = arith.addi %mul3A_173, %add3A_174 : i32
    %dma_start3A_176 = tpu.memref_slice %arg3[%add3A_175] : memref<32768xi32, #tpu.memory_space<hbm>> -> memref<64xi32, #tpu.memory_space<hbm>>
    %dma_start3A_177 = tpu.memref_slice %arg3[%add3A_175] : memref<32768xi32, #tpu.memory_space<hbm>> -> memref<64xi32, #tpu.memory_space<hbm>>
    tpu.enqueue_dma source(%dma_start3A_177 : memref<64xi32, #tpu.memory_space<hbm>>) target(%arg10 : memref<64xi32, #tpu.memory_space<vmem>>) target_semaphore(%arg16 : memref<!tpu.dma_semaphore, #tpu.memory_space<semaphore_mem>>)
    %dma_wait3A_178 = tpu.memref_slice %arg2[%add3A_133, %mul3A_0] : memref<32768x512xf32, #tpu.memory_space<hbm>> -> memref<64x128xf32, #tpu.memory_space<hbm>>
    %dma_wait3A_179 = tpu.memref_slice %arg2[%add3A_133, %mul3A_0] : memref<32768x512xf32, #tpu.memory_space<hbm>> -> memref<64x128xf32, #tpu.memory_space<hbm>>
    tpu.wait_dma2 semaphore(%arg13 : memref<!tpu.dma_semaphore, #tpu.memory_space<semaphore_mem>>) src(%dma_wait3A_179 : memref<64x128xf32, #tpu.memory_space<hbm>>) dst(%arg6 : memref<64x128xf32, #tpu.memory_space<vmem>>)
    %dma_wait3A_180 = tpu.memref_slice %arg3[%add3A_139] : memref<32768xi32, #tpu.memory_space<hbm>> -> memref<64xi32, #tpu.memory_space<hbm>>
    %dma_wait3A_181 = tpu.memref_slice %arg3[%add3A_139] : memref<32768xi32, #tpu.memory_space<hbm>> -> memref<64xi32, #tpu.memory_space<hbm>>
    tpu.wait_dma2 semaphore(%arg15 : memref<!tpu.dma_semaphore, #tpu.memory_space<semaphore_mem>>) src(%dma_wait3A_181 : memref<64xi32, #tpu.memory_space<hbm>>) dst(%arg9 : memref<64xi32, #tpu.memory_space<vmem>>)
    %dma_wait3A_182 = tpu.memref_slice %arg2[%add3A_160, %mul3A_3] : memref<32768x512xf32, #tpu.memory_space<hbm>> -> memref<64x128xf32, #tpu.memory_space<hbm>>
    %dma_wait3A_183 = tpu.memref_slice %arg2[%add3A_160, %mul3A_3] : memref<32768x512xf32, #tpu.memory_space<hbm>> -> memref<64x128xf32, #tpu.memory_space<hbm>>
    tpu.wait_dma2 semaphore(%arg17 : memref<!tpu.dma_semaphore, #tpu.memory_space<semaphore_mem>>) src(%dma_wait3A_183 : memref<64x128xf32, #tpu.memory_space<hbm>>) dst(%arg8 : memref<64x128xf32, #tpu.memory_space<vmem>>)
    %dma_start3A_184 = arith.constant 0 : i32
    %dma_start3A_185 = arith.constant 0 : i32
    %dma_start3A_186 = tpu.memref_slice %arg11[%dma_start3A_184, %dma_start3A_185] : memref<2048x128xf32, #tpu.memory_space<vmem_shared>> -> memref<2048x128xf32, #tpu.memory_space<vmem_shared>>
    tpu.enqueue_indirect_dma source(%arg6 : memref<64x128xf32, #tpu.memory_space<vmem>>) target(%dma_start3A_186 : memref<2048x128xf32, #tpu.memory_space<vmem_shared>>) offsets(%arg9 : memref<64xi32, #tpu.memory_space<vmem>>) semaphore(%arg18 : memref<!tpu.dma_semaphore, #tpu.memory_space<semaphore_mem>>) {add = true}
    %dma_start3A_187 = arith.constant 0 : i32
    %dma_start3A_188 = arith.constant 0 : i32
    %dma_start3A_189 = tpu.memref_slice %arg12[%dma_start3A_187, %dma_start3A_188] : memref<2048x128xf32, #tpu.memory_space<vmem_shared>> -> memref<2048x128xf32, #tpu.memory_space<vmem_shared>>
    tpu.enqueue_indirect_dma source(%arg8 : memref<64x128xf32, #tpu.memory_space<vmem>>) target(%dma_start3A_189 : memref<2048x128xf32, #tpu.memory_space<vmem_shared>>) offsets(%arg9 : memref<64xi32, #tpu.memory_space<vmem>>) semaphore(%arg19 : memref<!tpu.dma_semaphore, #tpu.memory_space<semaphore_mem>>) {add = true}
    %dma_wait3A_190 = arith.constant 0 : i32
    %dma_wait3A_191 = arith.constant 0 : i32
    %dma_wait3A_192 = tpu.memref_slice %arg12[%dma_wait3A_190, %dma_wait3A_191] : memref<2048x128xf32, #tpu.memory_space<vmem_shared>> -> memref<2048x128xf32, #tpu.memory_space<vmem_shared>>
    tpu.wait_indirect_dma semaphore(%arg19 : memref<!tpu.dma_semaphore, #tpu.memory_space<semaphore_mem>>) src(%arg8 : memref<64x128xf32, #tpu.memory_space<vmem>>) dst(%dma_wait3A_192 : memref<2048x128xf32, #tpu.memory_space<vmem_shared>>)
    %mul3A_193 = arith.constant 2048 : i32
    %mul3A_194 = arith.muli %arg1, %mul3A_193 : i32
    %add3A_195 = arith.constant 320 : i32
    %add3A_196 = arith.addi %mul3A_194, %add3A_195 : i32
    %dma_start3A_197 = tpu.memref_slice %arg2[%add3A_196, %mul3A_3] : memref<32768x512xf32, #tpu.memory_space<hbm>> -> memref<64x128xf32, #tpu.memory_space<hbm>>
    %dma_start3A_198 = tpu.memref_slice %arg2[%add3A_196, %mul3A_3] : memref<32768x512xf32, #tpu.memory_space<hbm>> -> memref<64x128xf32, #tpu.memory_space<hbm>>
    tpu.enqueue_dma source(%dma_start3A_198 : memref<64x128xf32, #tpu.memory_space<hbm>>) target(%arg8 : memref<64x128xf32, #tpu.memory_space<vmem>>) target_semaphore(%arg17 : memref<!tpu.dma_semaphore, #tpu.memory_space<semaphore_mem>>)
    %dma_wait3A_199 = arith.constant 0 : i32
    %dma_wait3A_200 = arith.constant 0 : i32
    %dma_wait3A_201 = tpu.memref_slice %arg11[%dma_wait3A_199, %dma_wait3A_200] : memref<2048x128xf32, #tpu.memory_space<vmem_shared>> -> memref<2048x128xf32, #tpu.memory_space<vmem_shared>>
    tpu.wait_indirect_dma semaphore(%arg18 : memref<!tpu.dma_semaphore, #tpu.memory_space<semaphore_mem>>) src(%arg6 : memref<64x128xf32, #tpu.memory_space<vmem>>) dst(%dma_wait3A_201 : memref<2048x128xf32, #tpu.memory_space<vmem_shared>>)
    %mul3A_202 = arith.constant 2048 : i32
    %mul3A_203 = arith.muli %arg1, %mul3A_202 : i32
    %add3A_204 = arith.constant 384 : i32
    %add3A_205 = arith.addi %mul3A_203, %add3A_204 : i32
    %dma_start3A_206 = tpu.memref_slice %arg2[%add3A_205, %mul3A_0] : memref<32768x512xf32, #tpu.memory_space<hbm>> -> memref<64x128xf32, #tpu.memory_space<hbm>>
    %dma_start3A_207 = tpu.memref_slice %arg2[%add3A_205, %mul3A_0] : memref<32768x512xf32, #tpu.memory_space<hbm>> -> memref<64x128xf32, #tpu.memory_space<hbm>>
    tpu.enqueue_dma source(%dma_start3A_207 : memref<64x128xf32, #tpu.memory_space<hbm>>) target(%arg6 : memref<64x128xf32, #tpu.memory_space<vmem>>) target_semaphore(%arg13 : memref<!tpu.dma_semaphore, #tpu.memory_space<semaphore_mem>>)
    %mul3A_208 = arith.constant 2048 : i32
    %mul3A_209 = arith.muli %arg1, %mul3A_208 : i32
    %add3A_210 = arith.constant 384 : i32
    %add3A_211 = arith.addi %mul3A_209, %add3A_210 : i32
    %dma_start3A_212 = tpu.memref_slice %arg3[%add3A_211] : memref<32768xi32, #tpu.memory_space<hbm>> -> memref<64xi32, #tpu.memory_space<hbm>>
    %dma_start3A_213 = tpu.memref_slice %arg3[%add3A_211] : memref<32768xi32, #tpu.memory_space<hbm>> -> memref<64xi32, #tpu.memory_space<hbm>>
    tpu.enqueue_dma source(%dma_start3A_213 : memref<64xi32, #tpu.memory_space<hbm>>) target(%arg9 : memref<64xi32, #tpu.memory_space<vmem>>) target_semaphore(%arg15 : memref<!tpu.dma_semaphore, #tpu.memory_space<semaphore_mem>>)
    %dma_wait3A_214 = tpu.memref_slice %arg2[%add3A_169, %mul3A_0] : memref<32768x512xf32, #tpu.memory_space<hbm>> -> memref<64x128xf32, #tpu.memory_space<hbm>>
    %dma_wait3A_215 = tpu.memref_slice %arg2[%add3A_169, %mul3A_0] : memref<32768x512xf32, #tpu.memory_space<hbm>> -> memref<64x128xf32, #tpu.memory_space<hbm>>
    tpu.wait_dma2 semaphore(%arg14 : memref<!tpu.dma_semaphore, #tpu.memory_space<semaphore_mem>>) src(%dma_wait3A_215 : memref<64x128xf32, #tpu.memory_space<hbm>>) dst(%arg7 : memref<64x128xf32, #tpu.memory_space<vmem>>)
    %dma_wait3A_216 = tpu.memref_slice %arg3[%add3A_175] : memref<32768xi32, #tpu.memory_space<hbm>> -> memref<64xi32, #tpu.memory_space<hbm>>
    %dma_wait3A_217 = tpu.memref_slice %arg3[%add3A_175] : memref<32768xi32, #tpu.memory_space<hbm>> -> memref<64xi32, #tpu.memory_space<hbm>>
    tpu.wait_dma2 semaphore(%arg16 : memref<!tpu.dma_semaphore, #tpu.memory_space<semaphore_mem>>) src(%dma_wait3A_217 : memref<64xi32, #tpu.memory_space<hbm>>) dst(%arg10 : memref<64xi32, #tpu.memory_space<vmem>>)
    %dma_wait3A_218 = tpu.memref_slice %arg2[%add3A_196, %mul3A_3] : memref<32768x512xf32, #tpu.memory_space<hbm>> -> memref<64x128xf32, #tpu.memory_space<hbm>>
    %dma_wait3A_219 = tpu.memref_slice %arg2[%add3A_196, %mul3A_3] : memref<32768x512xf32, #tpu.memory_space<hbm>> -> memref<64x128xf32, #tpu.memory_space<hbm>>
    tpu.wait_dma2 semaphore(%arg17 : memref<!tpu.dma_semaphore, #tpu.memory_space<semaphore_mem>>) src(%dma_wait3A_219 : memref<64x128xf32, #tpu.memory_space<hbm>>) dst(%arg8 : memref<64x128xf32, #tpu.memory_space<vmem>>)
    %dma_start3A_220 = arith.constant 0 : i32
    %dma_start3A_221 = arith.constant 0 : i32
    %dma_start3A_222 = tpu.memref_slice %arg11[%dma_start3A_220, %dma_start3A_221] : memref<2048x128xf32, #tpu.memory_space<vmem_shared>> -> memref<2048x128xf32, #tpu.memory_space<vmem_shared>>
    tpu.enqueue_indirect_dma source(%arg7 : memref<64x128xf32, #tpu.memory_space<vmem>>) target(%dma_start3A_222 : memref<2048x128xf32, #tpu.memory_space<vmem_shared>>) offsets(%arg10 : memref<64xi32, #tpu.memory_space<vmem>>) semaphore(%arg18 : memref<!tpu.dma_semaphore, #tpu.memory_space<semaphore_mem>>) {add = true}
    %dma_start3A_223 = arith.constant 0 : i32
    %dma_start3A_224 = arith.constant 0 : i32
    %dma_start3A_225 = tpu.memref_slice %arg12[%dma_start3A_223, %dma_start3A_224] : memref<2048x128xf32, #tpu.memory_space<vmem_shared>> -> memref<2048x128xf32, #tpu.memory_space<vmem_shared>>
    tpu.enqueue_indirect_dma source(%arg8 : memref<64x128xf32, #tpu.memory_space<vmem>>) target(%dma_start3A_225 : memref<2048x128xf32, #tpu.memory_space<vmem_shared>>) offsets(%arg10 : memref<64xi32, #tpu.memory_space<vmem>>) semaphore(%arg19 : memref<!tpu.dma_semaphore, #tpu.memory_space<semaphore_mem>>) {add = true}
    %dma_wait3A_226 = arith.constant 0 : i32
    %dma_wait3A_227 = arith.constant 0 : i32
    %dma_wait3A_228 = tpu.memref_slice %arg12[%dma_wait3A_226, %dma_wait3A_227] : memref<2048x128xf32, #tpu.memory_space<vmem_shared>> -> memref<2048x128xf32, #tpu.memory_space<vmem_shared>>
    tpu.wait_indirect_dma semaphore(%arg19 : memref<!tpu.dma_semaphore, #tpu.memory_space<semaphore_mem>>) src(%arg8 : memref<64x128xf32, #tpu.memory_space<vmem>>) dst(%dma_wait3A_228 : memref<2048x128xf32, #tpu.memory_space<vmem_shared>>)
    %mul3A_229 = arith.constant 2048 : i32
    %mul3A_230 = arith.muli %arg1, %mul3A_229 : i32
    %add3A_231 = arith.constant 384 : i32
    %add3A_232 = arith.addi %mul3A_230, %add3A_231 : i32
    %dma_start3A_233 = tpu.memref_slice %arg2[%add3A_232, %mul3A_3] : memref<32768x512xf32, #tpu.memory_space<hbm>> -> memref<64x128xf32, #tpu.memory_space<hbm>>
    %dma_start3A_234 = tpu.memref_slice %arg2[%add3A_232, %mul3A_3] : memref<32768x512xf32, #tpu.memory_space<hbm>> -> memref<64x128xf32, #tpu.memory_space<hbm>>
    tpu.enqueue_dma source(%dma_start3A_234 : memref<64x128xf32, #tpu.memory_space<hbm>>) target(%arg8 : memref<64x128xf32, #tpu.memory_space<vmem>>) target_semaphore(%arg17 : memref<!tpu.dma_semaphore, #tpu.memory_space<semaphore_mem>>)
    %dma_wait3A_235 = arith.constant 0 : i32
    %dma_wait3A_236 = arith.constant 0 : i32
    %dma_wait3A_237 = tpu.memref_slice %arg11[%dma_wait3A_235, %dma_wait3A_236] : memref<2048x128xf32, #tpu.memory_space<vmem_shared>> -> memref<2048x128xf32, #tpu.memory_space<vmem_shared>>
    tpu.wait_indirect_dma semaphore(%arg18 : memref<!tpu.dma_semaphore, #tpu.memory_space<semaphore_mem>>) src(%arg7 : memref<64x128xf32, #tpu.memory_space<vmem>>) dst(%dma_wait3A_237 : memref<2048x128xf32, #tpu.memory_space<vmem_shared>>)
    %mul3A_238 = arith.constant 2048 : i32
    %mul3A_239 = arith.muli %arg1, %mul3A_238 : i32
    %add3A_240 = arith.constant 448 : i32
    %add3A_241 = arith.addi %mul3A_239, %add3A_240 : i32
    %dma_start3A_242 = tpu.memref_slice %arg2[%add3A_241, %mul3A_0] : memref<32768x512xf32, #tpu.memory_space<hbm>> -> memref<64x128xf32, #tpu.memory_space<hbm>>
    %dma_start3A_243 = tpu.memref_slice %arg2[%add3A_241, %mul3A_0] : memref<32768x512xf32, #tpu.memory_space<hbm>> -> memref<64x128xf32, #tpu.memory_space<hbm>>
    tpu.enqueue_dma source(%dma_start3A_243 : memref<64x128xf32, #tpu.memory_space<hbm>>) target(%arg7 : memref<64x128xf32, #tpu.memory_space<vmem>>) target_semaphore(%arg14 : memref<!tpu.dma_semaphore, #tpu.memory_space<semaphore_mem>>)
    %mul3A_244 = arith.constant 2048 : i32
    %mul3A_245 = arith.muli %arg1, %mul3A_244 : i32
    %add3A_246 = arith.constant 448 : i32
    %add3A_247 = arith.addi %mul3A_245, %add3A_246 : i32
    %dma_start3A_248 = tpu.memref_slice %arg3[%add3A_247] : memref<32768xi32, #tpu.memory_space<hbm>> -> memref<64xi32, #tpu.memory_space<hbm>>
    %dma_start3A_249 = tpu.memref_slice %arg3[%add3A_247] : memref<32768xi32, #tpu.memory_space<hbm>> -> memref<64xi32, #tpu.memory_space<hbm>>
    tpu.enqueue_dma source(%dma_start3A_249 : memref<64xi32, #tpu.memory_space<hbm>>) target(%arg10 : memref<64xi32, #tpu.memory_space<vmem>>) target_semaphore(%arg16 : memref<!tpu.dma_semaphore, #tpu.memory_space<semaphore_mem>>)
    %dma_wait3A_250 = tpu.memref_slice %arg2[%add3A_205, %mul3A_0] : memref<32768x512xf32, #tpu.memory_space<hbm>> -> memref<64x128xf32, #tpu.memory_space<hbm>>
    %dma_wait3A_251 = tpu.memref_slice %arg2[%add3A_205, %mul3A_0] : memref<32768x512xf32, #tpu.memory_space<hbm>> -> memref<64x128xf32, #tpu.memory_space<hbm>>
    tpu.wait_dma2 semaphore(%arg13 : memref<!tpu.dma_semaphore, #tpu.memory_space<semaphore_mem>>) src(%dma_wait3A_251 : memref<64x128xf32, #tpu.memory_space<hbm>>) dst(%arg6 : memref<64x128xf32, #tpu.memory_space<vmem>>)
    %dma_wait3A_252 = tpu.memref_slice %arg3[%add3A_211] : memref<32768xi32, #tpu.memory_space<hbm>> -> memref<64xi32, #tpu.memory_space<hbm>>
    %dma_wait3A_253 = tpu.memref_slice %arg3[%add3A_211] : memref<32768xi32, #tpu.memory_space<hbm>> -> memref<64xi32, #tpu.memory_space<hbm>>
    tpu.wait_dma2 semaphore(%arg15 : memref<!tpu.dma_semaphore, #tpu.memory_space<semaphore_mem>>) src(%dma_wait3A_253 : memref<64xi32, #tpu.memory_space<hbm>>) dst(%arg9 : memref<64xi32, #tpu.memory_space<vmem>>)
    %dma_wait3A_254 = tpu.memref_slice %arg2[%add3A_232, %mul3A_3] : memref<32768x512xf32, #tpu.memory_space<hbm>> -> memref<64x128xf32, #tpu.memory_space<hbm>>
    %dma_wait3A_255 = tpu.memref_slice %arg2[%add3A_232, %mul3A_3] : memref<32768x512xf32, #tpu.memory_space<hbm>> -> memref<64x128xf32, #tpu.memory_space<hbm>>
    tpu.wait_dma2 semaphore(%arg17 : memref<!tpu.dma_semaphore, #tpu.memory_space<semaphore_mem>>) src(%dma_wait3A_255 : memref<64x128xf32, #tpu.memory_space<hbm>>) dst(%arg8 : memref<64x128xf32, #tpu.memory_space<vmem>>)
    %dma_start3A_256 = arith.constant 0 : i32
    %dma_start3A_257 = arith.constant 0 : i32
    %dma_start3A_258 = tpu.memref_slice %arg11[%dma_start3A_256, %dma_start3A_257] : memref<2048x128xf32, #tpu.memory_space<vmem_shared>> -> memref<2048x128xf32, #tpu.memory_space<vmem_shared>>
    tpu.enqueue_indirect_dma source(%arg6 : memref<64x128xf32, #tpu.memory_space<vmem>>) target(%dma_start3A_258 : memref<2048x128xf32, #tpu.memory_space<vmem_shared>>) offsets(%arg9 : memref<64xi32, #tpu.memory_space<vmem>>) semaphore(%arg18 : memref<!tpu.dma_semaphore, #tpu.memory_space<semaphore_mem>>) {add = true}
    %dma_start3A_259 = arith.constant 0 : i32
    %dma_start3A_260 = arith.constant 0 : i32
    %dma_start3A_261 = tpu.memref_slice %arg12[%dma_start3A_259, %dma_start3A_260] : memref<2048x128xf32, #tpu.memory_space<vmem_shared>> -> memref<2048x128xf32, #tpu.memory_space<vmem_shared>>
    tpu.enqueue_indirect_dma source(%arg8 : memref<64x128xf32, #tpu.memory_space<vmem>>) target(%dma_start3A_261 : memref<2048x128xf32, #tpu.memory_space<vmem_shared>>) offsets(%arg9 : memref<64xi32, #tpu.memory_space<vmem>>) semaphore(%arg19 : memref<!tpu.dma_semaphore, #tpu.memory_space<semaphore_mem>>) {add = true}
    %dma_wait3A_262 = arith.constant 0 : i32
    %dma_wait3A_263 = arith.constant 0 : i32
    %dma_wait3A_264 = tpu.memref_slice %arg12[%dma_wait3A_262, %dma_wait3A_263] : memref<2048x128xf32, #tpu.memory_space<vmem_shared>> -> memref<2048x128xf32, #tpu.memory_space<vmem_shared>>
    tpu.wait_indirect_dma semaphore(%arg19 : memref<!tpu.dma_semaphore, #tpu.memory_space<semaphore_mem>>) src(%arg8 : memref<64x128xf32, #tpu.memory_space<vmem>>) dst(%dma_wait3A_264 : memref<2048x128xf32, #tpu.memory_space<vmem_shared>>)
    %mul3A_265 = arith.constant 2048 : i32
    %mul3A_266 = arith.muli %arg1, %mul3A_265 : i32
    %add3A_267 = arith.constant 448 : i32
    %add3A_268 = arith.addi %mul3A_266, %add3A_267 : i32
    %dma_start3A_269 = tpu.memref_slice %arg2[%add3A_268, %mul3A_3] : memref<32768x512xf32, #tpu.memory_space<hbm>> -> memref<64x128xf32, #tpu.memory_space<hbm>>
    %dma_start3A_270 = tpu.memref_slice %arg2[%add3A_268, %mul3A_3] : memref<32768x512xf32, #tpu.memory_space<hbm>> -> memref<64x128xf32, #tpu.memory_space<hbm>>
    tpu.enqueue_dma source(%dma_start3A_270 : memref<64x128xf32, #tpu.memory_space<hbm>>) target(%arg8 : memref<64x128xf32, #tpu.memory_space<vmem>>) target_semaphore(%arg17 : memref<!tpu.dma_semaphore, #tpu.memory_space<semaphore_mem>>)
    %dma_wait3A_271 = arith.constant 0 : i32
    %dma_wait3A_272 = arith.constant 0 : i32
    %dma_wait3A_273 = tpu.memref_slice %arg11[%dma_wait3A_271, %dma_wait3A_272] : memref<2048x128xf32, #tpu.memory_space<vmem_shared>> -> memref<2048x128xf32, #tpu.memory_space<vmem_shared>>
    tpu.wait_indirect_dma semaphore(%arg18 : memref<!tpu.dma_semaphore, #tpu.memory_space<semaphore_mem>>) src(%arg6 : memref<64x128xf32, #tpu.memory_space<vmem>>) dst(%dma_wait3A_273 : memref<2048x128xf32, #tpu.memory_space<vmem_shared>>)
    %mul3A_274 = arith.constant 2048 : i32
    %mul3A_275 = arith.muli %arg1, %mul3A_274 : i32
    %add3A_276 = arith.constant 512 : i32
    %add3A_277 = arith.addi %mul3A_275, %add3A_276 : i32
    %dma_start3A_278 = tpu.memref_slice %arg2[%add3A_277, %mul3A_0] : memref<32768x512xf32, #tpu.memory_space<hbm>> -> memref<64x128xf32, #tpu.memory_space<hbm>>
    %dma_start3A_279 = tpu.memref_slice %arg2[%add3A_277, %mul3A_0] : memref<32768x512xf32, #tpu.memory_space<hbm>> -> memref<64x128xf32, #tpu.memory_space<hbm>>
    tpu.enqueue_dma source(%dma_start3A_279 : memref<64x128xf32, #tpu.memory_space<hbm>>) target(%arg6 : memref<64x128xf32, #tpu.memory_space<vmem>>) target_semaphore(%arg13 : memref<!tpu.dma_semaphore, #tpu.memory_space<semaphore_mem>>)
    %mul3A_280 = arith.constant 2048 : i32
    %mul3A_281 = arith.muli %arg1, %mul3A_280 : i32
    %add3A_282 = arith.constant 512 : i32
    %add3A_283 = arith.addi %mul3A_281, %add3A_282 : i32
    %dma_start3A_284 = tpu.memref_slice %arg3[%add3A_283] : memref<32768xi32, #tpu.memory_space<hbm>> -> memref<64xi32, #tpu.memory_space<hbm>>
    %dma_start3A_285 = tpu.memref_slice %arg3[%add3A_283] : memref<32768xi32, #tpu.memory_space<hbm>> -> memref<64xi32, #tpu.memory_space<hbm>>
    tpu.enqueue_dma source(%dma_start3A_285 : memref<64xi32, #tpu.memory_space<hbm>>) target(%arg9 : memref<64xi32, #tpu.memory_space<vmem>>) target_semaphore(%arg15 : memref<!tpu.dma_semaphore, #tpu.memory_space<semaphore_mem>>)
    %dma_wait3A_286 = tpu.memref_slice %arg2[%add3A_241, %mul3A_0] : memref<32768x512xf32, #tpu.memory_space<hbm>> -> memref<64x128xf32, #tpu.memory_space<hbm>>
    %dma_wait3A_287 = tpu.memref_slice %arg2[%add3A_241, %mul3A_0] : memref<32768x512xf32, #tpu.memory_space<hbm>> -> memref<64x128xf32, #tpu.memory_space<hbm>>
    tpu.wait_dma2 semaphore(%arg14 : memref<!tpu.dma_semaphore, #tpu.memory_space<semaphore_mem>>) src(%dma_wait3A_287 : memref<64x128xf32, #tpu.memory_space<hbm>>) dst(%arg7 : memref<64x128xf32, #tpu.memory_space<vmem>>)
    %dma_wait3A_288 = tpu.memref_slice %arg3[%add3A_247] : memref<32768xi32, #tpu.memory_space<hbm>> -> memref<64xi32, #tpu.memory_space<hbm>>
    %dma_wait3A_289 = tpu.memref_slice %arg3[%add3A_247] : memref<32768xi32, #tpu.memory_space<hbm>> -> memref<64xi32, #tpu.memory_space<hbm>>
    tpu.wait_dma2 semaphore(%arg16 : memref<!tpu.dma_semaphore, #tpu.memory_space<semaphore_mem>>) src(%dma_wait3A_289 : memref<64xi32, #tpu.memory_space<hbm>>) dst(%arg10 : memref<64xi32, #tpu.memory_space<vmem>>)
    %dma_wait3A_290 = tpu.memref_slice %arg2[%add3A_268, %mul3A_3] : memref<32768x512xf32, #tpu.memory_space<hbm>> -> memref<64x128xf32, #tpu.memory_space<hbm>>
    %dma_wait3A_291 = tpu.memref_slice %arg2[%add3A_268, %mul3A_3] : memref<32768x512xf32, #tpu.memory_space<hbm>> -> memref<64x128xf32, #tpu.memory_space<hbm>>
    tpu.wait_dma2 semaphore(%arg17 : memref<!tpu.dma_semaphore, #tpu.memory_space<semaphore_mem>>) src(%dma_wait3A_291 : memref<64x128xf32, #tpu.memory_space<hbm>>) dst(%arg8 : memref<64x128xf32, #tpu.memory_space<vmem>>)
    %dma_start3A_292 = arith.constant 0 : i32
    %dma_start3A_293 = arith.constant 0 : i32
    %dma_start3A_294 = tpu.memref_slice %arg11[%dma_start3A_292, %dma_start3A_293] : memref<2048x128xf32, #tpu.memory_space<vmem_shared>> -> memref<2048x128xf32, #tpu.memory_space<vmem_shared>>
    tpu.enqueue_indirect_dma source(%arg7 : memref<64x128xf32, #tpu.memory_space<vmem>>) target(%dma_start3A_294 : memref<2048x128xf32, #tpu.memory_space<vmem_shared>>) offsets(%arg10 : memref<64xi32, #tpu.memory_space<vmem>>) semaphore(%arg18 : memref<!tpu.dma_semaphore, #tpu.memory_space<semaphore_mem>>) {add = true}
    %dma_start3A_295 = arith.constant 0 : i32
    %dma_start3A_296 = arith.constant 0 : i32
    %dma_start3A_297 = tpu.memref_slice %arg12[%dma_start3A_295, %dma_start3A_296] : memref<2048x128xf32, #tpu.memory_space<vmem_shared>> -> memref<2048x128xf32, #tpu.memory_space<vmem_shared>>
    tpu.enqueue_indirect_dma source(%arg8 : memref<64x128xf32, #tpu.memory_space<vmem>>) target(%dma_start3A_297 : memref<2048x128xf32, #tpu.memory_space<vmem_shared>>) offsets(%arg10 : memref<64xi32, #tpu.memory_space<vmem>>) semaphore(%arg19 : memref<!tpu.dma_semaphore, #tpu.memory_space<semaphore_mem>>) {add = true}
    %dma_wait3A_298 = arith.constant 0 : i32
    %dma_wait3A_299 = arith.constant 0 : i32
    %dma_wait3A_300 = tpu.memref_slice %arg12[%dma_wait3A_298, %dma_wait3A_299] : memref<2048x128xf32, #tpu.memory_space<vmem_shared>> -> memref<2048x128xf32, #tpu.memory_space<vmem_shared>>
    tpu.wait_indirect_dma semaphore(%arg19 : memref<!tpu.dma_semaphore, #tpu.memory_space<semaphore_mem>>) src(%arg8 : memref<64x128xf32, #tpu.memory_space<vmem>>) dst(%dma_wait3A_300 : memref<2048x128xf32, #tpu.memory_space<vmem_shared>>)
    %mul3A_301 = arith.constant 2048 : i32
    %mul3A_302 = arith.muli %arg1, %mul3A_301 : i32
    %add3A_303 = arith.constant 512 : i32
    %add3A_304 = arith.addi %mul3A_302, %add3A_303 : i32
    %dma_start3A_305 = tpu.memref_slice %arg2[%add3A_304, %mul3A_3] : memref<32768x512xf32, #tpu.memory_space<hbm>> -> memref<64x128xf32, #tpu.memory_space<hbm>>
    %dma_start3A_306 = tpu.memref_slice %arg2[%add3A_304, %mul3A_3] : memref<32768x512xf32, #tpu.memory_space<hbm>> -> memref<64x128xf32, #tpu.memory_space<hbm>>
    tpu.enqueue_dma source(%dma_start3A_306 : memref<64x128xf32, #tpu.memory_space<hbm>>) target(%arg8 : memref<64x128xf32, #tpu.memory_space<vmem>>) target_semaphore(%arg17 : memref<!tpu.dma_semaphore, #tpu.memory_space<semaphore_mem>>)
    %dma_wait3A_307 = arith.constant 0 : i32
    %dma_wait3A_308 = arith.constant 0 : i32
    %dma_wait3A_309 = tpu.memref_slice %arg11[%dma_wait3A_307, %dma_wait3A_308] : memref<2048x128xf32, #tpu.memory_space<vmem_shared>> -> memref<2048x128xf32, #tpu.memory_space<vmem_shared>>
    tpu.wait_indirect_dma semaphore(%arg18 : memref<!tpu.dma_semaphore, #tpu.memory_space<semaphore_mem>>) src(%arg7 : memref<64x128xf32, #tpu.memory_space<vmem>>) dst(%dma_wait3A_309 : memref<2048x128xf32, #tpu.memory_space<vmem_shared>>)
    %mul3A_310 = arith.constant 2048 : i32
    %mul3A_311 = arith.muli %arg1, %mul3A_310 : i32
    %add3A_312 = arith.constant 576 : i32
    %add3A_313 = arith.addi %mul3A_311, %add3A_312 : i32
    %dma_start3A_314 = tpu.memref_slice %arg2[%add3A_313, %mul3A_0] : memref<32768x512xf32, #tpu.memory_space<hbm>> -> memref<64x128xf32, #tpu.memory_space<hbm>>
    %dma_start3A_315 = tpu.memref_slice %arg2[%add3A_313, %mul3A_0] : memref<32768x512xf32, #tpu.memory_space<hbm>> -> memref<64x128xf32, #tpu.memory_space<hbm>>
    tpu.enqueue_dma source(%dma_start3A_315 : memref<64x128xf32, #tpu.memory_space<hbm>>) target(%arg7 : memref<64x128xf32, #tpu.memory_space<vmem>>) target_semaphore(%arg14 : memref<!tpu.dma_semaphore, #tpu.memory_space<semaphore_mem>>)
    %mul3A_316 = arith.constant 2048 : i32
    %mul3A_317 = arith.muli %arg1, %mul3A_316 : i32
    %add3A_318 = arith.constant 576 : i32
    %add3A_319 = arith.addi %mul3A_317, %add3A_318 : i32
    %dma_start3A_320 = tpu.memref_slice %arg3[%add3A_319] : memref<32768xi32, #tpu.memory_space<hbm>> -> memref<64xi32, #tpu.memory_space<hbm>>
    %dma_start3A_321 = tpu.memref_slice %arg3[%add3A_319] : memref<32768xi32, #tpu.memory_space<hbm>> -> memref<64xi32, #tpu.memory_space<hbm>>
    tpu.enqueue_dma source(%dma_start3A_321 : memref<64xi32, #tpu.memory_space<hbm>>) target(%arg10 : memref<64xi32, #tpu.memory_space<vmem>>) target_semaphore(%arg16 : memref<!tpu.dma_semaphore, #tpu.memory_space<semaphore_mem>>)
    %dma_wait3A_322 = tpu.memref_slice %arg2[%add3A_277, %mul3A_0] : memref<32768x512xf32, #tpu.memory_space<hbm>> -> memref<64x128xf32, #tpu.memory_space<hbm>>
    %dma_wait3A_323 = tpu.memref_slice %arg2[%add3A_277, %mul3A_0] : memref<32768x512xf32, #tpu.memory_space<hbm>> -> memref<64x128xf32, #tpu.memory_space<hbm>>
    tpu.wait_dma2 semaphore(%arg13 : memref<!tpu.dma_semaphore, #tpu.memory_space<semaphore_mem>>) src(%dma_wait3A_323 : memref<64x128xf32, #tpu.memory_space<hbm>>) dst(%arg6 : memref<64x128xf32, #tpu.memory_space<vmem>>)
    %dma_wait3A_324 = tpu.memref_slice %arg3[%add3A_283] : memref<32768xi32, #tpu.memory_space<hbm>> -> memref<64xi32, #tpu.memory_space<hbm>>
    %dma_wait3A_325 = tpu.memref_slice %arg3[%add3A_283] : memref<32768xi32, #tpu.memory_space<hbm>> -> memref<64xi32, #tpu.memory_space<hbm>>
    tpu.wait_dma2 semaphore(%arg15 : memref<!tpu.dma_semaphore, #tpu.memory_space<semaphore_mem>>) src(%dma_wait3A_325 : memref<64xi32, #tpu.memory_space<hbm>>) dst(%arg9 : memref<64xi32, #tpu.memory_space<vmem>>)
    %dma_wait3A_326 = tpu.memref_slice %arg2[%add3A_304, %mul3A_3] : memref<32768x512xf32, #tpu.memory_space<hbm>> -> memref<64x128xf32, #tpu.memory_space<hbm>>
    %dma_wait3A_327 = tpu.memref_slice %arg2[%add3A_304, %mul3A_3] : memref<32768x512xf32, #tpu.memory_space<hbm>> -> memref<64x128xf32, #tpu.memory_space<hbm>>
    tpu.wait_dma2 semaphore(%arg17 : memref<!tpu.dma_semaphore, #tpu.memory_space<semaphore_mem>>) src(%dma_wait3A_327 : memref<64x128xf32, #tpu.memory_space<hbm>>) dst(%arg8 : memref<64x128xf32, #tpu.memory_space<vmem>>)
    %dma_start3A_328 = arith.constant 0 : i32
    %dma_start3A_329 = arith.constant 0 : i32
    %dma_start3A_330 = tpu.memref_slice %arg11[%dma_start3A_328, %dma_start3A_329] : memref<2048x128xf32, #tpu.memory_space<vmem_shared>> -> memref<2048x128xf32, #tpu.memory_space<vmem_shared>>
    tpu.enqueue_indirect_dma source(%arg6 : memref<64x128xf32, #tpu.memory_space<vmem>>) target(%dma_start3A_330 : memref<2048x128xf32, #tpu.memory_space<vmem_shared>>) offsets(%arg9 : memref<64xi32, #tpu.memory_space<vmem>>) semaphore(%arg18 : memref<!tpu.dma_semaphore, #tpu.memory_space<semaphore_mem>>) {add = true}
    %dma_start3A_331 = arith.constant 0 : i32
    %dma_start3A_332 = arith.constant 0 : i32
    %dma_start3A_333 = tpu.memref_slice %arg12[%dma_start3A_331, %dma_start3A_332] : memref<2048x128xf32, #tpu.memory_space<vmem_shared>> -> memref<2048x128xf32, #tpu.memory_space<vmem_shared>>
    tpu.enqueue_indirect_dma source(%arg8 : memref<64x128xf32, #tpu.memory_space<vmem>>) target(%dma_start3A_333 : memref<2048x128xf32, #tpu.memory_space<vmem_shared>>) offsets(%arg9 : memref<64xi32, #tpu.memory_space<vmem>>) semaphore(%arg19 : memref<!tpu.dma_semaphore, #tpu.memory_space<semaphore_mem>>) {add = true}
    %dma_wait3A_334 = arith.constant 0 : i32
    %dma_wait3A_335 = arith.constant 0 : i32
    %dma_wait3A_336 = tpu.memref_slice %arg12[%dma_wait3A_334, %dma_wait3A_335] : memref<2048x128xf32, #tpu.memory_space<vmem_shared>> -> memref<2048x128xf32, #tpu.memory_space<vmem_shared>>
    tpu.wait_indirect_dma semaphore(%arg19 : memref<!tpu.dma_semaphore, #tpu.memory_space<semaphore_mem>>) src(%arg8 : memref<64x128xf32, #tpu.memory_space<vmem>>) dst(%dma_wait3A_336 : memref<2048x128xf32, #tpu.memory_space<vmem_shared>>)
    %mul3A_337 = arith.constant 2048 : i32
    %mul3A_338 = arith.muli %arg1, %mul3A_337 : i32
    %add3A_339 = arith.constant 576 : i32
    %add3A_340 = arith.addi %mul3A_338, %add3A_339 : i32
    %dma_start3A_341 = tpu.memref_slice %arg2[%add3A_340, %mul3A_3] : memref<32768x512xf32, #tpu.memory_space<hbm>> -> memref<64x128xf32, #tpu.memory_space<hbm>>
    %dma_start3A_342 = tpu.memref_slice %arg2[%add3A_340, %mul3A_3] : memref<32768x512xf32, #tpu.memory_space<hbm>> -> memref<64x128xf32, #tpu.memory_space<hbm>>
    tpu.enqueue_dma source(%dma_start3A_342 : memref<64x128xf32, #tpu.memory_space<hbm>>) target(%arg8 : memref<64x128xf32, #tpu.memory_space<vmem>>) target_semaphore(%arg17 : memref<!tpu.dma_semaphore, #tpu.memory_space<semaphore_mem>>)
    %dma_wait3A_343 = arith.constant 0 : i32
    %dma_wait3A_344 = arith.constant 0 : i32
    %dma_wait3A_345 = tpu.memref_slice %arg11[%dma_wait3A_343, %dma_wait3A_344] : memref<2048x128xf32, #tpu.memory_space<vmem_shared>> -> memref<2048x128xf32, #tpu.memory_space<vmem_shared>>
    tpu.wait_indirect_dma semaphore(%arg18 : memref<!tpu.dma_semaphore, #tpu.memory_space<semaphore_mem>>) src(%arg6 : memref<64x128xf32, #tpu.memory_space<vmem>>) dst(%dma_wait3A_345 : memref<2048x128xf32, #tpu.memory_space<vmem_shared>>)
    %mul3A_346 = arith.constant 2048 : i32
    %mul3A_347 = arith.muli %arg1, %mul3A_346 : i32
    %add3A_348 = arith.constant 640 : i32
    %add3A_349 = arith.addi %mul3A_347, %add3A_348 : i32
    %dma_start3A_350 = tpu.memref_slice %arg2[%add3A_349, %mul3A_0] : memref<32768x512xf32, #tpu.memory_space<hbm>> -> memref<64x128xf32, #tpu.memory_space<hbm>>
    %dma_start3A_351 = tpu.memref_slice %arg2[%add3A_349, %mul3A_0] : memref<32768x512xf32, #tpu.memory_space<hbm>> -> memref<64x128xf32, #tpu.memory_space<hbm>>
    tpu.enqueue_dma source(%dma_start3A_351 : memref<64x128xf32, #tpu.memory_space<hbm>>) target(%arg6 : memref<64x128xf32, #tpu.memory_space<vmem>>) target_semaphore(%arg13 : memref<!tpu.dma_semaphore, #tpu.memory_space<semaphore_mem>>)
    %mul3A_352 = arith.constant 2048 : i32
    %mul3A_353 = arith.muli %arg1, %mul3A_352 : i32
    %add3A_354 = arith.constant 640 : i32
    %add3A_355 = arith.addi %mul3A_353, %add3A_354 : i32
    %dma_start3A_356 = tpu.memref_slice %arg3[%add3A_355] : memref<32768xi32, #tpu.memory_space<hbm>> -> memref<64xi32, #tpu.memory_space<hbm>>
    %dma_start3A_357 = tpu.memref_slice %arg3[%add3A_355] : memref<32768xi32, #tpu.memory_space<hbm>> -> memref<64xi32, #tpu.memory_space<hbm>>
    tpu.enqueue_dma source(%dma_start3A_357 : memref<64xi32, #tpu.memory_space<hbm>>) target(%arg9 : memref<64xi32, #tpu.memory_space<vmem>>) target_semaphore(%arg15 : memref<!tpu.dma_semaphore, #tpu.memory_space<semaphore_mem>>)
    %dma_wait3A_358 = tpu.memref_slice %arg2[%add3A_313, %mul3A_0] : memref<32768x512xf32, #tpu.memory_space<hbm>> -> memref<64x128xf32, #tpu.memory_space<hbm>>
    %dma_wait3A_359 = tpu.memref_slice %arg2[%add3A_313, %mul3A_0] : memref<32768x512xf32, #tpu.memory_space<hbm>> -> memref<64x128xf32, #tpu.memory_space<hbm>>
    tpu.wait_dma2 semaphore(%arg14 : memref<!tpu.dma_semaphore, #tpu.memory_space<semaphore_mem>>) src(%dma_wait3A_359 : memref<64x128xf32, #tpu.memory_space<hbm>>) dst(%arg7 : memref<64x128xf32, #tpu.memory_space<vmem>>)
    %dma_wait3A_360 = tpu.memref_slice %arg3[%add3A_319] : memref<32768xi32, #tpu.memory_space<hbm>> -> memref<64xi32, #tpu.memory_space<hbm>>
    %dma_wait3A_361 = tpu.memref_slice %arg3[%add3A_319] : memref<32768xi32, #tpu.memory_space<hbm>> -> memref<64xi32, #tpu.memory_space<hbm>>
    tpu.wait_dma2 semaphore(%arg16 : memref<!tpu.dma_semaphore, #tpu.memory_space<semaphore_mem>>) src(%dma_wait3A_361 : memref<64xi32, #tpu.memory_space<hbm>>) dst(%arg10 : memref<64xi32, #tpu.memory_space<vmem>>)
    %dma_wait3A_362 = tpu.memref_slice %arg2[%add3A_340, %mul3A_3] : memref<32768x512xf32, #tpu.memory_space<hbm>> -> memref<64x128xf32, #tpu.memory_space<hbm>>
    %dma_wait3A_363 = tpu.memref_slice %arg2[%add3A_340, %mul3A_3] : memref<32768x512xf32, #tpu.memory_space<hbm>> -> memref<64x128xf32, #tpu.memory_space<hbm>>
    tpu.wait_dma2 semaphore(%arg17 : memref<!tpu.dma_semaphore, #tpu.memory_space<semaphore_mem>>) src(%dma_wait3A_363 : memref<64x128xf32, #tpu.memory_space<hbm>>) dst(%arg8 : memref<64x128xf32, #tpu.memory_space<vmem>>)
    %dma_start3A_364 = arith.constant 0 : i32
    %dma_start3A_365 = arith.constant 0 : i32
    %dma_start3A_366 = tpu.memref_slice %arg11[%dma_start3A_364, %dma_start3A_365] : memref<2048x128xf32, #tpu.memory_space<vmem_shared>> -> memref<2048x128xf32, #tpu.memory_space<vmem_shared>>
    tpu.enqueue_indirect_dma source(%arg7 : memref<64x128xf32, #tpu.memory_space<vmem>>) target(%dma_start3A_366 : memref<2048x128xf32, #tpu.memory_space<vmem_shared>>) offsets(%arg10 : memref<64xi32, #tpu.memory_space<vmem>>) semaphore(%arg18 : memref<!tpu.dma_semaphore, #tpu.memory_space<semaphore_mem>>) {add = true}
    %dma_start3A_367 = arith.constant 0 : i32
    %dma_start3A_368 = arith.constant 0 : i32
    %dma_start3A_369 = tpu.memref_slice %arg12[%dma_start3A_367, %dma_start3A_368] : memref<2048x128xf32, #tpu.memory_space<vmem_shared>> -> memref<2048x128xf32, #tpu.memory_space<vmem_shared>>
    tpu.enqueue_indirect_dma source(%arg8 : memref<64x128xf32, #tpu.memory_space<vmem>>) target(%dma_start3A_369 : memref<2048x128xf32, #tpu.memory_space<vmem_shared>>) offsets(%arg10 : memref<64xi32, #tpu.memory_space<vmem>>) semaphore(%arg19 : memref<!tpu.dma_semaphore, #tpu.memory_space<semaphore_mem>>) {add = true}
    %dma_wait3A_370 = arith.constant 0 : i32
    %dma_wait3A_371 = arith.constant 0 : i32
    %dma_wait3A_372 = tpu.memref_slice %arg12[%dma_wait3A_370, %dma_wait3A_371] : memref<2048x128xf32, #tpu.memory_space<vmem_shared>> -> memref<2048x128xf32, #tpu.memory_space<vmem_shared>>
    tpu.wait_indirect_dma semaphore(%arg19 : memref<!tpu.dma_semaphore, #tpu.memory_space<semaphore_mem>>) src(%arg8 : memref<64x128xf32, #tpu.memory_space<vmem>>) dst(%dma_wait3A_372 : memref<2048x128xf32, #tpu.memory_space<vmem_shared>>)
    %mul3A_373 = arith.constant 2048 : i32
    %mul3A_374 = arith.muli %arg1, %mul3A_373 : i32
    %add3A_375 = arith.constant 640 : i32
    %add3A_376 = arith.addi %mul3A_374, %add3A_375 : i32
    %dma_start3A_377 = tpu.memref_slice %arg2[%add3A_376, %mul3A_3] : memref<32768x512xf32, #tpu.memory_space<hbm>> -> memref<64x128xf32, #tpu.memory_space<hbm>>
    %dma_start3A_378 = tpu.memref_slice %arg2[%add3A_376, %mul3A_3] : memref<32768x512xf32, #tpu.memory_space<hbm>> -> memref<64x128xf32, #tpu.memory_space<hbm>>
    tpu.enqueue_dma source(%dma_start3A_378 : memref<64x128xf32, #tpu.memory_space<hbm>>) target(%arg8 : memref<64x128xf32, #tpu.memory_space<vmem>>) target_semaphore(%arg17 : memref<!tpu.dma_semaphore, #tpu.memory_space<semaphore_mem>>)
    %dma_wait3A_379 = arith.constant 0 : i32
    %dma_wait3A_380 = arith.constant 0 : i32
    %dma_wait3A_381 = tpu.memref_slice %arg11[%dma_wait3A_379, %dma_wait3A_380] : memref<2048x128xf32, #tpu.memory_space<vmem_shared>> -> memref<2048x128xf32, #tpu.memory_space<vmem_shared>>
    tpu.wait_indirect_dma semaphore(%arg18 : memref<!tpu.dma_semaphore, #tpu.memory_space<semaphore_mem>>) src(%arg7 : memref<64x128xf32, #tpu.memory_space<vmem>>) dst(%dma_wait3A_381 : memref<2048x128xf32, #tpu.memory_space<vmem_shared>>)
    %mul3A_382 = arith.constant 2048 : i32
    %mul3A_383 = arith.muli %arg1, %mul3A_382 : i32
    %add3A_384 = arith.constant 704 : i32
    %add3A_385 = arith.addi %mul3A_383, %add3A_384 : i32
    %dma_start3A_386 = tpu.memref_slice %arg2[%add3A_385, %mul3A_0] : memref<32768x512xf32, #tpu.memory_space<hbm>> -> memref<64x128xf32, #tpu.memory_space<hbm>>
    %dma_start3A_387 = tpu.memref_slice %arg2[%add3A_385, %mul3A_0] : memref<32768x512xf32, #tpu.memory_space<hbm>> -> memref<64x128xf32, #tpu.memory_space<hbm>>
    tpu.enqueue_dma source(%dma_start3A_387 : memref<64x128xf32, #tpu.memory_space<hbm>>) target(%arg7 : memref<64x128xf32, #tpu.memory_space<vmem>>) target_semaphore(%arg14 : memref<!tpu.dma_semaphore, #tpu.memory_space<semaphore_mem>>)
    %mul3A_388 = arith.constant 2048 : i32
    %mul3A_389 = arith.muli %arg1, %mul3A_388 : i32
    %add3A_390 = arith.constant 704 : i32
    %add3A_391 = arith.addi %mul3A_389, %add3A_390 : i32
    %dma_start3A_392 = tpu.memref_slice %arg3[%add3A_391] : memref<32768xi32, #tpu.memory_space<hbm>> -> memref<64xi32, #tpu.memory_space<hbm>>
    %dma_start3A_393 = tpu.memref_slice %arg3[%add3A_391] : memref<32768xi32, #tpu.memory_space<hbm>> -> memref<64xi32, #tpu.memory_space<hbm>>
    tpu.enqueue_dma source(%dma_start3A_393 : memref<64xi32, #tpu.memory_space<hbm>>) target(%arg10 : memref<64xi32, #tpu.memory_space<vmem>>) target_semaphore(%arg16 : memref<!tpu.dma_semaphore, #tpu.memory_space<semaphore_mem>>)
    %dma_wait3A_394 = tpu.memref_slice %arg2[%add3A_349, %mul3A_0] : memref<32768x512xf32, #tpu.memory_space<hbm>> -> memref<64x128xf32, #tpu.memory_space<hbm>>
    %dma_wait3A_395 = tpu.memref_slice %arg2[%add3A_349, %mul3A_0] : memref<32768x512xf32, #tpu.memory_space<hbm>> -> memref<64x128xf32, #tpu.memory_space<hbm>>
    tpu.wait_dma2 semaphore(%arg13 : memref<!tpu.dma_semaphore, #tpu.memory_space<semaphore_mem>>) src(%dma_wait3A_395 : memref<64x128xf32, #tpu.memory_space<hbm>>) dst(%arg6 : memref<64x128xf32, #tpu.memory_space<vmem>>)
    %dma_wait3A_396 = tpu.memref_slice %arg3[%add3A_355] : memref<32768xi32, #tpu.memory_space<hbm>> -> memref<64xi32, #tpu.memory_space<hbm>>
    %dma_wait3A_397 = tpu.memref_slice %arg3[%add3A_355] : memref<32768xi32, #tpu.memory_space<hbm>> -> memref<64xi32, #tpu.memory_space<hbm>>
    tpu.wait_dma2 semaphore(%arg15 : memref<!tpu.dma_semaphore, #tpu.memory_space<semaphore_mem>>) src(%dma_wait3A_397 : memref<64xi32, #tpu.memory_space<hbm>>) dst(%arg9 : memref<64xi32, #tpu.memory_space<vmem>>)
    %dma_wait3A_398 = tpu.memref_slice %arg2[%add3A_376, %mul3A_3] : memref<32768x512xf32, #tpu.memory_space<hbm>> -> memref<64x128xf32, #tpu.memory_space<hbm>>
    %dma_wait3A_399 = tpu.memref_slice %arg2[%add3A_376, %mul3A_3] : memref<32768x512xf32, #tpu.memory_space<hbm>> -> memref<64x128xf32, #tpu.memory_space<hbm>>
    tpu.wait_dma2 semaphore(%arg17 : memref<!tpu.dma_semaphore, #tpu.memory_space<semaphore_mem>>) src(%dma_wait3A_399 : memref<64x128xf32, #tpu.memory_space<hbm>>) dst(%arg8 : memref<64x128xf32, #tpu.memory_space<vmem>>)
    %dma_start3A_400 = arith.constant 0 : i32
    %dma_start3A_401 = arith.constant 0 : i32
    %dma_start3A_402 = tpu.memref_slice %arg11[%dma_start3A_400, %dma_start3A_401] : memref<2048x128xf32, #tpu.memory_space<vmem_shared>> -> memref<2048x128xf32, #tpu.memory_space<vmem_shared>>
    tpu.enqueue_indirect_dma source(%arg6 : memref<64x128xf32, #tpu.memory_space<vmem>>) target(%dma_start3A_402 : memref<2048x128xf32, #tpu.memory_space<vmem_shared>>) offsets(%arg9 : memref<64xi32, #tpu.memory_space<vmem>>) semaphore(%arg18 : memref<!tpu.dma_semaphore, #tpu.memory_space<semaphore_mem>>) {add = true}
    %dma_start3A_403 = arith.constant 0 : i32
    %dma_start3A_404 = arith.constant 0 : i32
    %dma_start3A_405 = tpu.memref_slice %arg12[%dma_start3A_403, %dma_start3A_404] : memref<2048x128xf32, #tpu.memory_space<vmem_shared>> -> memref<2048x128xf32, #tpu.memory_space<vmem_shared>>
    tpu.enqueue_indirect_dma source(%arg8 : memref<64x128xf32, #tpu.memory_space<vmem>>) target(%dma_start3A_405 : memref<2048x128xf32, #tpu.memory_space<vmem_shared>>) offsets(%arg9 : memref<64xi32, #tpu.memory_space<vmem>>) semaphore(%arg19 : memref<!tpu.dma_semaphore, #tpu.memory_space<semaphore_mem>>) {add = true}
    %dma_wait3A_406 = arith.constant 0 : i32
    %dma_wait3A_407 = arith.constant 0 : i32
    %dma_wait3A_408 = tpu.memref_slice %arg12[%dma_wait3A_406, %dma_wait3A_407] : memref<2048x128xf32, #tpu.memory_space<vmem_shared>> -> memref<2048x128xf32, #tpu.memory_space<vmem_shared>>
    tpu.wait_indirect_dma semaphore(%arg19 : memref<!tpu.dma_semaphore, #tpu.memory_space<semaphore_mem>>) src(%arg8 : memref<64x128xf32, #tpu.memory_space<vmem>>) dst(%dma_wait3A_408 : memref<2048x128xf32, #tpu.memory_space<vmem_shared>>)
    %mul3A_409 = arith.constant 2048 : i32
    %mul3A_410 = arith.muli %arg1, %mul3A_409 : i32
    %add3A_411 = arith.constant 704 : i32
    %add3A_412 = arith.addi %mul3A_410, %add3A_411 : i32
    %dma_start3A_413 = tpu.memref_slice %arg2[%add3A_412, %mul3A_3] : memref<32768x512xf32, #tpu.memory_space<hbm>> -> memref<64x128xf32, #tpu.memory_space<hbm>>
    %dma_start3A_414 = tpu.memref_slice %arg2[%add3A_412, %mul3A_3] : memref<32768x512xf32, #tpu.memory_space<hbm>> -> memref<64x128xf32, #tpu.memory_space<hbm>>
    tpu.enqueue_dma source(%dma_start3A_414 : memref<64x128xf32, #tpu.memory_space<hbm>>) target(%arg8 : memref<64x128xf32, #tpu.memory_space<vmem>>) target_semaphore(%arg17 : memref<!tpu.dma_semaphore, #tpu.memory_space<semaphore_mem>>)
    %dma_wait3A_415 = arith.constant 0 : i32
    %dma_wait3A_416 = arith.constant 0 : i32
    %dma_wait3A_417 = tpu.memref_slice %arg11[%dma_wait3A_415, %dma_wait3A_416] : memref<2048x128xf32, #tpu.memory_space<vmem_shared>> -> memref<2048x128xf32, #tpu.memory_space<vmem_shared>>
    tpu.wait_indirect_dma semaphore(%arg18 : memref<!tpu.dma_semaphore, #tpu.memory_space<semaphore_mem>>) src(%arg6 : memref<64x128xf32, #tpu.memory_space<vmem>>) dst(%dma_wait3A_417 : memref<2048x128xf32, #tpu.memory_space<vmem_shared>>)
    %mul3A_418 = arith.constant 2048 : i32
    %mul3A_419 = arith.muli %arg1, %mul3A_418 : i32
    %add3A_420 = arith.constant 768 : i32
    %add3A_421 = arith.addi %mul3A_419, %add3A_420 : i32
    %dma_start3A_422 = tpu.memref_slice %arg2[%add3A_421, %mul3A_0] : memref<32768x512xf32, #tpu.memory_space<hbm>> -> memref<64x128xf32, #tpu.memory_space<hbm>>
    %dma_start3A_423 = tpu.memref_slice %arg2[%add3A_421, %mul3A_0] : memref<32768x512xf32, #tpu.memory_space<hbm>> -> memref<64x128xf32, #tpu.memory_space<hbm>>
    tpu.enqueue_dma source(%dma_start3A_423 : memref<64x128xf32, #tpu.memory_space<hbm>>) target(%arg6 : memref<64x128xf32, #tpu.memory_space<vmem>>) target_semaphore(%arg13 : memref<!tpu.dma_semaphore, #tpu.memory_space<semaphore_mem>>)
    %mul3A_424 = arith.constant 2048 : i32
    %mul3A_425 = arith.muli %arg1, %mul3A_424 : i32
    %add3A_426 = arith.constant 768 : i32
    %add3A_427 = arith.addi %mul3A_425, %add3A_426 : i32
    %dma_start3A_428 = tpu.memref_slice %arg3[%add3A_427] : memref<32768xi32, #tpu.memory_space<hbm>> -> memref<64xi32, #tpu.memory_space<hbm>>
    %dma_start3A_429 = tpu.memref_slice %arg3[%add3A_427] : memref<32768xi32, #tpu.memory_space<hbm>> -> memref<64xi32, #tpu.memory_space<hbm>>
    tpu.enqueue_dma source(%dma_start3A_429 : memref<64xi32, #tpu.memory_space<hbm>>) target(%arg9 : memref<64xi32, #tpu.memory_space<vmem>>) target_semaphore(%arg15 : memref<!tpu.dma_semaphore, #tpu.memory_space<semaphore_mem>>)
    %dma_wait3A_430 = tpu.memref_slice %arg2[%add3A_385, %mul3A_0] : memref<32768x512xf32, #tpu.memory_space<hbm>> -> memref<64x128xf32, #tpu.memory_space<hbm>>
    %dma_wait3A_431 = tpu.memref_slice %arg2[%add3A_385, %mul3A_0] : memref<32768x512xf32, #tpu.memory_space<hbm>> -> memref<64x128xf32, #tpu.memory_space<hbm>>
    tpu.wait_dma2 semaphore(%arg14 : memref<!tpu.dma_semaphore, #tpu.memory_space<semaphore_mem>>) src(%dma_wait3A_431 : memref<64x128xf32, #tpu.memory_space<hbm>>) dst(%arg7 : memref<64x128xf32, #tpu.memory_space<vmem>>)
    %dma_wait3A_432 = tpu.memref_slice %arg3[%add3A_391] : memref<32768xi32, #tpu.memory_space<hbm>> -> memref<64xi32, #tpu.memory_space<hbm>>
    %dma_wait3A_433 = tpu.memref_slice %arg3[%add3A_391] : memref<32768xi32, #tpu.memory_space<hbm>> -> memref<64xi32, #tpu.memory_space<hbm>>
    tpu.wait_dma2 semaphore(%arg16 : memref<!tpu.dma_semaphore, #tpu.memory_space<semaphore_mem>>) src(%dma_wait3A_433 : memref<64xi32, #tpu.memory_space<hbm>>) dst(%arg10 : memref<64xi32, #tpu.memory_space<vmem>>)
    %dma_wait3A_434 = tpu.memref_slice %arg2[%add3A_412, %mul3A_3] : memref<32768x512xf32, #tpu.memory_space<hbm>> -> memref<64x128xf32, #tpu.memory_space<hbm>>
    %dma_wait3A_435 = tpu.memref_slice %arg2[%add3A_412, %mul3A_3] : memref<32768x512xf32, #tpu.memory_space<hbm>> -> memref<64x128xf32, #tpu.memory_space<hbm>>
    tpu.wait_dma2 semaphore(%arg17 : memref<!tpu.dma_semaphore, #tpu.memory_space<semaphore_mem>>) src(%dma_wait3A_435 : memref<64x128xf32, #tpu.memory_space<hbm>>) dst(%arg8 : memref<64x128xf32, #tpu.memory_space<vmem>>)
    %dma_start3A_436 = arith.constant 0 : i32
    %dma_start3A_437 = arith.constant 0 : i32
    %dma_start3A_438 = tpu.memref_slice %arg11[%dma_start3A_436, %dma_start3A_437] : memref<2048x128xf32, #tpu.memory_space<vmem_shared>> -> memref<2048x128xf32, #tpu.memory_space<vmem_shared>>
    tpu.enqueue_indirect_dma source(%arg7 : memref<64x128xf32, #tpu.memory_space<vmem>>) target(%dma_start3A_438 : memref<2048x128xf32, #tpu.memory_space<vmem_shared>>) offsets(%arg10 : memref<64xi32, #tpu.memory_space<vmem>>) semaphore(%arg18 : memref<!tpu.dma_semaphore, #tpu.memory_space<semaphore_mem>>) {add = true}
    %dma_start3A_439 = arith.constant 0 : i32
    %dma_start3A_440 = arith.constant 0 : i32
    %dma_start3A_441 = tpu.memref_slice %arg12[%dma_start3A_439, %dma_start3A_440] : memref<2048x128xf32, #tpu.memory_space<vmem_shared>> -> memref<2048x128xf32, #tpu.memory_space<vmem_shared>>
    tpu.enqueue_indirect_dma source(%arg8 : memref<64x128xf32, #tpu.memory_space<vmem>>) target(%dma_start3A_441 : memref<2048x128xf32, #tpu.memory_space<vmem_shared>>) offsets(%arg10 : memref<64xi32, #tpu.memory_space<vmem>>) semaphore(%arg19 : memref<!tpu.dma_semaphore, #tpu.memory_space<semaphore_mem>>) {add = true}
    %dma_wait3A_442 = arith.constant 0 : i32
    %dma_wait3A_443 = arith.constant 0 : i32
    %dma_wait3A_444 = tpu.memref_slice %arg12[%dma_wait3A_442, %dma_wait3A_443] : memref<2048x128xf32, #tpu.memory_space<vmem_shared>> -> memref<2048x128xf32, #tpu.memory_space<vmem_shared>>
    tpu.wait_indirect_dma semaphore(%arg19 : memref<!tpu.dma_semaphore, #tpu.memory_space<semaphore_mem>>) src(%arg8 : memref<64x128xf32, #tpu.memory_space<vmem>>) dst(%dma_wait3A_444 : memref<2048x128xf32, #tpu.memory_space<vmem_shared>>)
    %mul3A_445 = arith.constant 2048 : i32
    %mul3A_446 = arith.muli %arg1, %mul3A_445 : i32
    %add3A_447 = arith.constant 768 : i32
    %add3A_448 = arith.addi %mul3A_446, %add3A_447 : i32
    %dma_start3A_449 = tpu.memref_slice %arg2[%add3A_448, %mul3A_3] : memref<32768x512xf32, #tpu.memory_space<hbm>> -> memref<64x128xf32, #tpu.memory_space<hbm>>
    %dma_start3A_450 = tpu.memref_slice %arg2[%add3A_448, %mul3A_3] : memref<32768x512xf32, #tpu.memory_space<hbm>> -> memref<64x128xf32, #tpu.memory_space<hbm>>
    tpu.enqueue_dma source(%dma_start3A_450 : memref<64x128xf32, #tpu.memory_space<hbm>>) target(%arg8 : memref<64x128xf32, #tpu.memory_space<vmem>>) target_semaphore(%arg17 : memref<!tpu.dma_semaphore, #tpu.memory_space<semaphore_mem>>)
    %dma_wait3A_451 = arith.constant 0 : i32
    %dma_wait3A_452 = arith.constant 0 : i32
    %dma_wait3A_453 = tpu.memref_slice %arg11[%dma_wait3A_451, %dma_wait3A_452] : memref<2048x128xf32, #tpu.memory_space<vmem_shared>> -> memref<2048x128xf32, #tpu.memory_space<vmem_shared>>
    tpu.wait_indirect_dma semaphore(%arg18 : memref<!tpu.dma_semaphore, #tpu.memory_space<semaphore_mem>>) src(%arg7 : memref<64x128xf32, #tpu.memory_space<vmem>>) dst(%dma_wait3A_453 : memref<2048x128xf32, #tpu.memory_space<vmem_shared>>)
    %mul3A_454 = arith.constant 2048 : i32
    %mul3A_455 = arith.muli %arg1, %mul3A_454 : i32
    %add3A_456 = arith.constant 832 : i32
    %add3A_457 = arith.addi %mul3A_455, %add3A_456 : i32
    %dma_start3A_458 = tpu.memref_slice %arg2[%add3A_457, %mul3A_0] : memref<32768x512xf32, #tpu.memory_space<hbm>> -> memref<64x128xf32, #tpu.memory_space<hbm>>
    %dma_start3A_459 = tpu.memref_slice %arg2[%add3A_457, %mul3A_0] : memref<32768x512xf32, #tpu.memory_space<hbm>> -> memref<64x128xf32, #tpu.memory_space<hbm>>
    tpu.enqueue_dma source(%dma_start3A_459 : memref<64x128xf32, #tpu.memory_space<hbm>>) target(%arg7 : memref<64x128xf32, #tpu.memory_space<vmem>>) target_semaphore(%arg14 : memref<!tpu.dma_semaphore, #tpu.memory_space<semaphore_mem>>)
    %mul3A_460 = arith.constant 2048 : i32
    %mul3A_461 = arith.muli %arg1, %mul3A_460 : i32
    %add3A_462 = arith.constant 832 : i32
    %add3A_463 = arith.addi %mul3A_461, %add3A_462 : i32
    %dma_start3A_464 = tpu.memref_slice %arg3[%add3A_463] : memref<32768xi32, #tpu.memory_space<hbm>> -> memref<64xi32, #tpu.memory_space<hbm>>
    %dma_start3A_465 = tpu.memref_slice %arg3[%add3A_463] : memref<32768xi32, #tpu.memory_space<hbm>> -> memref<64xi32, #tpu.memory_space<hbm>>
    tpu.enqueue_dma source(%dma_start3A_465 : memref<64xi32, #tpu.memory_space<hbm>>) target(%arg10 : memref<64xi32, #tpu.memory_space<vmem>>) target_semaphore(%arg16 : memref<!tpu.dma_semaphore, #tpu.memory_space<semaphore_mem>>)
    %dma_wait3A_466 = tpu.memref_slice %arg2[%add3A_421, %mul3A_0] : memref<32768x512xf32, #tpu.memory_space<hbm>> -> memref<64x128xf32, #tpu.memory_space<hbm>>
    %dma_wait3A_467 = tpu.memref_slice %arg2[%add3A_421, %mul3A_0] : memref<32768x512xf32, #tpu.memory_space<hbm>> -> memref<64x128xf32, #tpu.memory_space<hbm>>
    tpu.wait_dma2 semaphore(%arg13 : memref<!tpu.dma_semaphore, #tpu.memory_space<semaphore_mem>>) src(%dma_wait3A_467 : memref<64x128xf32, #tpu.memory_space<hbm>>) dst(%arg6 : memref<64x128xf32, #tpu.memory_space<vmem>>)
    %dma_wait3A_468 = tpu.memref_slice %arg3[%add3A_427] : memref<32768xi32, #tpu.memory_space<hbm>> -> memref<64xi32, #tpu.memory_space<hbm>>
    %dma_wait3A_469 = tpu.memref_slice %arg3[%add3A_427] : memref<32768xi32, #tpu.memory_space<hbm>> -> memref<64xi32, #tpu.memory_space<hbm>>
    tpu.wait_dma2 semaphore(%arg15 : memref<!tpu.dma_semaphore, #tpu.memory_space<semaphore_mem>>) src(%dma_wait3A_469 : memref<64xi32, #tpu.memory_space<hbm>>) dst(%arg9 : memref<64xi32, #tpu.memory_space<vmem>>)
    %dma_wait3A_470 = tpu.memref_slice %arg2[%add3A_448, %mul3A_3] : memref<32768x512xf32, #tpu.memory_space<hbm>> -> memref<64x128xf32, #tpu.memory_space<hbm>>
    %dma_wait3A_471 = tpu.memref_slice %arg2[%add3A_448, %mul3A_3] : memref<32768x512xf32, #tpu.memory_space<hbm>> -> memref<64x128xf32, #tpu.memory_space<hbm>>
    tpu.wait_dma2 semaphore(%arg17 : memref<!tpu.dma_semaphore, #tpu.memory_space<semaphore_mem>>) src(%dma_wait3A_471 : memref<64x128xf32, #tpu.memory_space<hbm>>) dst(%arg8 : memref<64x128xf32, #tpu.memory_space<vmem>>)
    %dma_start3A_472 = arith.constant 0 : i32
    %dma_start3A_473 = arith.constant 0 : i32
    %dma_start3A_474 = tpu.memref_slice %arg11[%dma_start3A_472, %dma_start3A_473] : memref<2048x128xf32, #tpu.memory_space<vmem_shared>> -> memref<2048x128xf32, #tpu.memory_space<vmem_shared>>
    tpu.enqueue_indirect_dma source(%arg6 : memref<64x128xf32, #tpu.memory_space<vmem>>) target(%dma_start3A_474 : memref<2048x128xf32, #tpu.memory_space<vmem_shared>>) offsets(%arg9 : memref<64xi32, #tpu.memory_space<vmem>>) semaphore(%arg18 : memref<!tpu.dma_semaphore, #tpu.memory_space<semaphore_mem>>) {add = true}
    %dma_start3A_475 = arith.constant 0 : i32
    %dma_start3A_476 = arith.constant 0 : i32
    %dma_start3A_477 = tpu.memref_slice %arg12[%dma_start3A_475, %dma_start3A_476] : memref<2048x128xf32, #tpu.memory_space<vmem_shared>> -> memref<2048x128xf32, #tpu.memory_space<vmem_shared>>
    tpu.enqueue_indirect_dma source(%arg8 : memref<64x128xf32, #tpu.memory_space<vmem>>) target(%dma_start3A_477 : memref<2048x128xf32, #tpu.memory_space<vmem_shared>>) offsets(%arg9 : memref<64xi32, #tpu.memory_space<vmem>>) semaphore(%arg19 : memref<!tpu.dma_semaphore, #tpu.memory_space<semaphore_mem>>) {add = true}
    %dma_wait3A_478 = arith.constant 0 : i32
    %dma_wait3A_479 = arith.constant 0 : i32
    %dma_wait3A_480 = tpu.memref_slice %arg12[%dma_wait3A_478, %dma_wait3A_479] : memref<2048x128xf32, #tpu.memory_space<vmem_shared>> -> memref<2048x128xf32, #tpu.memory_space<vmem_shared>>
    tpu.wait_indirect_dma semaphore(%arg19 : memref<!tpu.dma_semaphore, #tpu.memory_space<semaphore_mem>>) src(%arg8 : memref<64x128xf32, #tpu.memory_space<vmem>>) dst(%dma_wait3A_480 : memref<2048x128xf32, #tpu.memory_space<vmem_shared>>)
    %mul3A_481 = arith.constant 2048 : i32
    %mul3A_482 = arith.muli %arg1, %mul3A_481 : i32
    %add3A_483 = arith.constant 832 : i32
    %add3A_484 = arith.addi %mul3A_482, %add3A_483 : i32
    %dma_start3A_485 = tpu.memref_slice %arg2[%add3A_484, %mul3A_3] : memref<32768x512xf32, #tpu.memory_space<hbm>> -> memref<64x128xf32, #tpu.memory_space<hbm>>
    %dma_start3A_486 = tpu.memref_slice %arg2[%add3A_484, %mul3A_3] : memref<32768x512xf32, #tpu.memory_space<hbm>> -> memref<64x128xf32, #tpu.memory_space<hbm>>
    tpu.enqueue_dma source(%dma_start3A_486 : memref<64x128xf32, #tpu.memory_space<hbm>>) target(%arg8 : memref<64x128xf32, #tpu.memory_space<vmem>>) target_semaphore(%arg17 : memref<!tpu.dma_semaphore, #tpu.memory_space<semaphore_mem>>)
    %dma_wait3A_487 = arith.constant 0 : i32
    %dma_wait3A_488 = arith.constant 0 : i32
    %dma_wait3A_489 = tpu.memref_slice %arg11[%dma_wait3A_487, %dma_wait3A_488] : memref<2048x128xf32, #tpu.memory_space<vmem_shared>> -> memref<2048x128xf32, #tpu.memory_space<vmem_shared>>
    tpu.wait_indirect_dma semaphore(%arg18 : memref<!tpu.dma_semaphore, #tpu.memory_space<semaphore_mem>>) src(%arg6 : memref<64x128xf32, #tpu.memory_space<vmem>>) dst(%dma_wait3A_489 : memref<2048x128xf32, #tpu.memory_space<vmem_shared>>)
    %mul3A_490 = arith.constant 2048 : i32
    %mul3A_491 = arith.muli %arg1, %mul3A_490 : i32
    %add3A_492 = arith.constant 896 : i32
    %add3A_493 = arith.addi %mul3A_491, %add3A_492 : i32
    %dma_start3A_494 = tpu.memref_slice %arg2[%add3A_493, %mul3A_0] : memref<32768x512xf32, #tpu.memory_space<hbm>> -> memref<64x128xf32, #tpu.memory_space<hbm>>
    %dma_start3A_495 = tpu.memref_slice %arg2[%add3A_493, %mul3A_0] : memref<32768x512xf32, #tpu.memory_space<hbm>> -> memref<64x128xf32, #tpu.memory_space<hbm>>
    tpu.enqueue_dma source(%dma_start3A_495 : memref<64x128xf32, #tpu.memory_space<hbm>>) target(%arg6 : memref<64x128xf32, #tpu.memory_space<vmem>>) target_semaphore(%arg13 : memref<!tpu.dma_semaphore, #tpu.memory_space<semaphore_mem>>)
    %mul3A_496 = arith.constant 2048 : i32
    %mul3A_497 = arith.muli %arg1, %mul3A_496 : i32
    %add3A_498 = arith.constant 896 : i32
    %add3A_499 = arith.addi %mul3A_497, %add3A_498 : i32
    %dma_start3A_500 = tpu.memref_slice %arg3[%add3A_499] : memref<32768xi32, #tpu.memory_space<hbm>> -> memref<64xi32, #tpu.memory_space<hbm>>
    %dma_start3A_501 = tpu.memref_slice %arg3[%add3A_499] : memref<32768xi32, #tpu.memory_space<hbm>> -> memref<64xi32, #tpu.memory_space<hbm>>
    tpu.enqueue_dma source(%dma_start3A_501 : memref<64xi32, #tpu.memory_space<hbm>>) target(%arg9 : memref<64xi32, #tpu.memory_space<vmem>>) target_semaphore(%arg15 : memref<!tpu.dma_semaphore, #tpu.memory_space<semaphore_mem>>)
    %dma_wait3A_502 = tpu.memref_slice %arg2[%add3A_457, %mul3A_0] : memref<32768x512xf32, #tpu.memory_space<hbm>> -> memref<64x128xf32, #tpu.memory_space<hbm>>
    %dma_wait3A_503 = tpu.memref_slice %arg2[%add3A_457, %mul3A_0] : memref<32768x512xf32, #tpu.memory_space<hbm>> -> memref<64x128xf32, #tpu.memory_space<hbm>>
    tpu.wait_dma2 semaphore(%arg14 : memref<!tpu.dma_semaphore, #tpu.memory_space<semaphore_mem>>) src(%dma_wait3A_503 : memref<64x128xf32, #tpu.memory_space<hbm>>) dst(%arg7 : memref<64x128xf32, #tpu.memory_space<vmem>>)
    %dma_wait3A_504 = tpu.memref_slice %arg3[%add3A_463] : memref<32768xi32, #tpu.memory_space<hbm>> -> memref<64xi32, #tpu.memory_space<hbm>>
    %dma_wait3A_505 = tpu.memref_slice %arg3[%add3A_463] : memref<32768xi32, #tpu.memory_space<hbm>> -> memref<64xi32, #tpu.memory_space<hbm>>
    tpu.wait_dma2 semaphore(%arg16 : memref<!tpu.dma_semaphore, #tpu.memory_space<semaphore_mem>>) src(%dma_wait3A_505 : memref<64xi32, #tpu.memory_space<hbm>>) dst(%arg10 : memref<64xi32, #tpu.memory_space<vmem>>)
    %dma_wait3A_506 = tpu.memref_slice %arg2[%add3A_484, %mul3A_3] : memref<32768x512xf32, #tpu.memory_space<hbm>> -> memref<64x128xf32, #tpu.memory_space<hbm>>
    %dma_wait3A_507 = tpu.memref_slice %arg2[%add3A_484, %mul3A_3] : memref<32768x512xf32, #tpu.memory_space<hbm>> -> memref<64x128xf32, #tpu.memory_space<hbm>>
    tpu.wait_dma2 semaphore(%arg17 : memref<!tpu.dma_semaphore, #tpu.memory_space<semaphore_mem>>) src(%dma_wait3A_507 : memref<64x128xf32, #tpu.memory_space<hbm>>) dst(%arg8 : memref<64x128xf32, #tpu.memory_space<vmem>>)
    %dma_start3A_508 = arith.constant 0 : i32
    %dma_start3A_509 = arith.constant 0 : i32
    %dma_start3A_510 = tpu.memref_slice %arg11[%dma_start3A_508, %dma_start3A_509] : memref<2048x128xf32, #tpu.memory_space<vmem_shared>> -> memref<2048x128xf32, #tpu.memory_space<vmem_shared>>
    tpu.enqueue_indirect_dma source(%arg7 : memref<64x128xf32, #tpu.memory_space<vmem>>) target(%dma_start3A_510 : memref<2048x128xf32, #tpu.memory_space<vmem_shared>>) offsets(%arg10 : memref<64xi32, #tpu.memory_space<vmem>>) semaphore(%arg18 : memref<!tpu.dma_semaphore, #tpu.memory_space<semaphore_mem>>) {add = true}
    %dma_start3A_511 = arith.constant 0 : i32
    %dma_start3A_512 = arith.constant 0 : i32
    %dma_start3A_513 = tpu.memref_slice %arg12[%dma_start3A_511, %dma_start3A_512] : memref<2048x128xf32, #tpu.memory_space<vmem_shared>> -> memref<2048x128xf32, #tpu.memory_space<vmem_shared>>
    tpu.enqueue_indirect_dma source(%arg8 : memref<64x128xf32, #tpu.memory_space<vmem>>) target(%dma_start3A_513 : memref<2048x128xf32, #tpu.memory_space<vmem_shared>>) offsets(%arg10 : memref<64xi32, #tpu.memory_space<vmem>>) semaphore(%arg19 : memref<!tpu.dma_semaphore, #tpu.memory_space<semaphore_mem>>) {add = true}
    %dma_wait3A_514 = arith.constant 0 : i32
    %dma_wait3A_515 = arith.constant 0 : i32
    %dma_wait3A_516 = tpu.memref_slice %arg12[%dma_wait3A_514, %dma_wait3A_515] : memref<2048x128xf32, #tpu.memory_space<vmem_shared>> -> memref<2048x128xf32, #tpu.memory_space<vmem_shared>>
    tpu.wait_indirect_dma semaphore(%arg19 : memref<!tpu.dma_semaphore, #tpu.memory_space<semaphore_mem>>) src(%arg8 : memref<64x128xf32, #tpu.memory_space<vmem>>) dst(%dma_wait3A_516 : memref<2048x128xf32, #tpu.memory_space<vmem_shared>>)
    %mul3A_517 = arith.constant 2048 : i32
    %mul3A_518 = arith.muli %arg1, %mul3A_517 : i32
    %add3A_519 = arith.constant 896 : i32
    %add3A_520 = arith.addi %mul3A_518, %add3A_519 : i32
    %dma_start3A_521 = tpu.memref_slice %arg2[%add3A_520, %mul3A_3] : memref<32768x512xf32, #tpu.memory_space<hbm>> -> memref<64x128xf32, #tpu.memory_space<hbm>>
    %dma_start3A_522 = tpu.memref_slice %arg2[%add3A_520, %mul3A_3] : memref<32768x512xf32, #tpu.memory_space<hbm>> -> memref<64x128xf32, #tpu.memory_space<hbm>>
    tpu.enqueue_dma source(%dma_start3A_522 : memref<64x128xf32, #tpu.memory_space<hbm>>) target(%arg8 : memref<64x128xf32, #tpu.memory_space<vmem>>) target_semaphore(%arg17 : memref<!tpu.dma_semaphore, #tpu.memory_space<semaphore_mem>>)
    %dma_wait3A_523 = arith.constant 0 : i32
    %dma_wait3A_524 = arith.constant 0 : i32
    %dma_wait3A_525 = tpu.memref_slice %arg11[%dma_wait3A_523, %dma_wait3A_524] : memref<2048x128xf32, #tpu.memory_space<vmem_shared>> -> memref<2048x128xf32, #tpu.memory_space<vmem_shared>>
    tpu.wait_indirect_dma semaphore(%arg18 : memref<!tpu.dma_semaphore, #tpu.memory_space<semaphore_mem>>) src(%arg7 : memref<64x128xf32, #tpu.memory_space<vmem>>) dst(%dma_wait3A_525 : memref<2048x128xf32, #tpu.memory_space<vmem_shared>>)
    %mul3A_526 = arith.constant 2048 : i32
    %mul3A_527 = arith.muli %arg1, %mul3A_526 : i32
    %add3A_528 = arith.constant 960 : i32
    %add3A_529 = arith.addi %mul3A_527, %add3A_528 : i32
    %dma_start3A_530 = tpu.memref_slice %arg2[%add3A_529, %mul3A_0] : memref<32768x512xf32, #tpu.memory_space<hbm>> -> memref<64x128xf32, #tpu.memory_space<hbm>>
    %dma_start3A_531 = tpu.memref_slice %arg2[%add3A_529, %mul3A_0] : memref<32768x512xf32, #tpu.memory_space<hbm>> -> memref<64x128xf32, #tpu.memory_space<hbm>>
    tpu.enqueue_dma source(%dma_start3A_531 : memref<64x128xf32, #tpu.memory_space<hbm>>) target(%arg7 : memref<64x128xf32, #tpu.memory_space<vmem>>) target_semaphore(%arg14 : memref<!tpu.dma_semaphore, #tpu.memory_space<semaphore_mem>>)
    %mul3A_532 = arith.constant 2048 : i32
    %mul3A_533 = arith.muli %arg1, %mul3A_532 : i32
    %add3A_534 = arith.constant 960 : i32
    %add3A_535 = arith.addi %mul3A_533, %add3A_534 : i32
    %dma_start3A_536 = tpu.memref_slice %arg3[%add3A_535] : memref<32768xi32, #tpu.memory_space<hbm>> -> memref<64xi32, #tpu.memory_space<hbm>>
    %dma_start3A_537 = tpu.memref_slice %arg3[%add3A_535] : memref<32768xi32, #tpu.memory_space<hbm>> -> memref<64xi32, #tpu.memory_space<hbm>>
    tpu.enqueue_dma source(%dma_start3A_537 : memref<64xi32, #tpu.memory_space<hbm>>) target(%arg10 : memref<64xi32, #tpu.memory_space<vmem>>) target_semaphore(%arg16 : memref<!tpu.dma_semaphore, #tpu.memory_space<semaphore_mem>>)
    %dma_wait3A_538 = tpu.memref_slice %arg2[%add3A_493, %mul3A_0] : memref<32768x512xf32, #tpu.memory_space<hbm>> -> memref<64x128xf32, #tpu.memory_space<hbm>>
    %dma_wait3A_539 = tpu.memref_slice %arg2[%add3A_493, %mul3A_0] : memref<32768x512xf32, #tpu.memory_space<hbm>> -> memref<64x128xf32, #tpu.memory_space<hbm>>
    tpu.wait_dma2 semaphore(%arg13 : memref<!tpu.dma_semaphore, #tpu.memory_space<semaphore_mem>>) src(%dma_wait3A_539 : memref<64x128xf32, #tpu.memory_space<hbm>>) dst(%arg6 : memref<64x128xf32, #tpu.memory_space<vmem>>)
    %dma_wait3A_540 = tpu.memref_slice %arg3[%add3A_499] : memref<32768xi32, #tpu.memory_space<hbm>> -> memref<64xi32, #tpu.memory_space<hbm>>
    %dma_wait3A_541 = tpu.memref_slice %arg3[%add3A_499] : memref<32768xi32, #tpu.memory_space<hbm>> -> memref<64xi32, #tpu.memory_space<hbm>>
    tpu.wait_dma2 semaphore(%arg15 : memref<!tpu.dma_semaphore, #tpu.memory_space<semaphore_mem>>) src(%dma_wait3A_541 : memref<64xi32, #tpu.memory_space<hbm>>) dst(%arg9 : memref<64xi32, #tpu.memory_space<vmem>>)
    %dma_wait3A_542 = tpu.memref_slice %arg2[%add3A_520, %mul3A_3] : memref<32768x512xf32, #tpu.memory_space<hbm>> -> memref<64x128xf32, #tpu.memory_space<hbm>>
    %dma_wait3A_543 = tpu.memref_slice %arg2[%add3A_520, %mul3A_3] : memref<32768x512xf32, #tpu.memory_space<hbm>> -> memref<64x128xf32, #tpu.memory_space<hbm>>
    tpu.wait_dma2 semaphore(%arg17 : memref<!tpu.dma_semaphore, #tpu.memory_space<semaphore_mem>>) src(%dma_wait3A_543 : memref<64x128xf32, #tpu.memory_space<hbm>>) dst(%arg8 : memref<64x128xf32, #tpu.memory_space<vmem>>)
    %dma_start3A_544 = arith.constant 0 : i32
    %dma_start3A_545 = arith.constant 0 : i32
    %dma_start3A_546 = tpu.memref_slice %arg11[%dma_start3A_544, %dma_start3A_545] : memref<2048x128xf32, #tpu.memory_space<vmem_shared>> -> memref<2048x128xf32, #tpu.memory_space<vmem_shared>>
    tpu.enqueue_indirect_dma source(%arg6 : memref<64x128xf32, #tpu.memory_space<vmem>>) target(%dma_start3A_546 : memref<2048x128xf32, #tpu.memory_space<vmem_shared>>) offsets(%arg9 : memref<64xi32, #tpu.memory_space<vmem>>) semaphore(%arg18 : memref<!tpu.dma_semaphore, #tpu.memory_space<semaphore_mem>>) {add = true}
    %dma_start3A_547 = arith.constant 0 : i32
    %dma_start3A_548 = arith.constant 0 : i32
    %dma_start3A_549 = tpu.memref_slice %arg12[%dma_start3A_547, %dma_start3A_548] : memref<2048x128xf32, #tpu.memory_space<vmem_shared>> -> memref<2048x128xf32, #tpu.memory_space<vmem_shared>>
    tpu.enqueue_indirect_dma source(%arg8 : memref<64x128xf32, #tpu.memory_space<vmem>>) target(%dma_start3A_549 : memref<2048x128xf32, #tpu.memory_space<vmem_shared>>) offsets(%arg9 : memref<64xi32, #tpu.memory_space<vmem>>) semaphore(%arg19 : memref<!tpu.dma_semaphore, #tpu.memory_space<semaphore_mem>>) {add = true}
    %dma_wait3A_550 = arith.constant 0 : i32
    %dma_wait3A_551 = arith.constant 0 : i32
    %dma_wait3A_552 = tpu.memref_slice %arg12[%dma_wait3A_550, %dma_wait3A_551] : memref<2048x128xf32, #tpu.memory_space<vmem_shared>> -> memref<2048x128xf32, #tpu.memory_space<vmem_shared>>
    tpu.wait_indirect_dma semaphore(%arg19 : memref<!tpu.dma_semaphore, #tpu.memory_space<semaphore_mem>>) src(%arg8 : memref<64x128xf32, #tpu.memory_space<vmem>>) dst(%dma_wait3A_552 : memref<2048x128xf32, #tpu.memory_space<vmem_shared>>)
    %mul3A_553 = arith.constant 2048 : i32
    %mul3A_554 = arith.muli %arg1, %mul3A_553 : i32
    %add3A_555 = arith.constant 960 : i32
    %add3A_556 = arith.addi %mul3A_554, %add3A_555 : i32
    %dma_start3A_557 = tpu.memref_slice %arg2[%add3A_556, %mul3A_3] : memref<32768x512xf32, #tpu.memory_space<hbm>> -> memref<64x128xf32, #tpu.memory_space<hbm>>
    %dma_start3A_558 = tpu.memref_slice %arg2[%add3A_556, %mul3A_3] : memref<32768x512xf32, #tpu.memory_space<hbm>> -> memref<64x128xf32, #tpu.memory_space<hbm>>
    tpu.enqueue_dma source(%dma_start3A_558 : memref<64x128xf32, #tpu.memory_space<hbm>>) target(%arg8 : memref<64x128xf32, #tpu.memory_space<vmem>>) target_semaphore(%arg17 : memref<!tpu.dma_semaphore, #tpu.memory_space<semaphore_mem>>)
    %dma_wait3A_559 = arith.constant 0 : i32
    %dma_wait3A_560 = arith.constant 0 : i32
    %dma_wait3A_561 = tpu.memref_slice %arg11[%dma_wait3A_559, %dma_wait3A_560] : memref<2048x128xf32, #tpu.memory_space<vmem_shared>> -> memref<2048x128xf32, #tpu.memory_space<vmem_shared>>
    tpu.wait_indirect_dma semaphore(%arg18 : memref<!tpu.dma_semaphore, #tpu.memory_space<semaphore_mem>>) src(%arg6 : memref<64x128xf32, #tpu.memory_space<vmem>>) dst(%dma_wait3A_561 : memref<2048x128xf32, #tpu.memory_space<vmem_shared>>)
    %mul3A_562 = arith.constant 2048 : i32
    %mul3A_563 = arith.muli %arg1, %mul3A_562 : i32
    %add3A_564 = arith.constant 1024 : i32
    %add3A_565 = arith.addi %mul3A_563, %add3A_564 : i32
    %dma_start3A_566 = tpu.memref_slice %arg2[%add3A_565, %mul3A_0] : memref<32768x512xf32, #tpu.memory_space<hbm>> -> memref<64x128xf32, #tpu.memory_space<hbm>>
    %dma_start3A_567 = tpu.memref_slice %arg2[%add3A_565, %mul3A_0] : memref<32768x512xf32, #tpu.memory_space<hbm>> -> memref<64x128xf32, #tpu.memory_space<hbm>>
    tpu.enqueue_dma source(%dma_start3A_567 : memref<64x128xf32, #tpu.memory_space<hbm>>) target(%arg6 : memref<64x128xf32, #tpu.memory_space<vmem>>) target_semaphore(%arg13 : memref<!tpu.dma_semaphore, #tpu.memory_space<semaphore_mem>>)
    %mul3A_568 = arith.constant 2048 : i32
    %mul3A_569 = arith.muli %arg1, %mul3A_568 : i32
    %add3A_570 = arith.constant 1024 : i32
    %add3A_571 = arith.addi %mul3A_569, %add3A_570 : i32
    %dma_start3A_572 = tpu.memref_slice %arg3[%add3A_571] : memref<32768xi32, #tpu.memory_space<hbm>> -> memref<64xi32, #tpu.memory_space<hbm>>
    %dma_start3A_573 = tpu.memref_slice %arg3[%add3A_571] : memref<32768xi32, #tpu.memory_space<hbm>> -> memref<64xi32, #tpu.memory_space<hbm>>
    tpu.enqueue_dma source(%dma_start3A_573 : memref<64xi32, #tpu.memory_space<hbm>>) target(%arg9 : memref<64xi32, #tpu.memory_space<vmem>>) target_semaphore(%arg15 : memref<!tpu.dma_semaphore, #tpu.memory_space<semaphore_mem>>)
    %dma_wait3A_574 = tpu.memref_slice %arg2[%add3A_529, %mul3A_0] : memref<32768x512xf32, #tpu.memory_space<hbm>> -> memref<64x128xf32, #tpu.memory_space<hbm>>
    %dma_wait3A_575 = tpu.memref_slice %arg2[%add3A_529, %mul3A_0] : memref<32768x512xf32, #tpu.memory_space<hbm>> -> memref<64x128xf32, #tpu.memory_space<hbm>>
    tpu.wait_dma2 semaphore(%arg14 : memref<!tpu.dma_semaphore, #tpu.memory_space<semaphore_mem>>) src(%dma_wait3A_575 : memref<64x128xf32, #tpu.memory_space<hbm>>) dst(%arg7 : memref<64x128xf32, #tpu.memory_space<vmem>>)
    %dma_wait3A_576 = tpu.memref_slice %arg3[%add3A_535] : memref<32768xi32, #tpu.memory_space<hbm>> -> memref<64xi32, #tpu.memory_space<hbm>>
    %dma_wait3A_577 = tpu.memref_slice %arg3[%add3A_535] : memref<32768xi32, #tpu.memory_space<hbm>> -> memref<64xi32, #tpu.memory_space<hbm>>
    tpu.wait_dma2 semaphore(%arg16 : memref<!tpu.dma_semaphore, #tpu.memory_space<semaphore_mem>>) src(%dma_wait3A_577 : memref<64xi32, #tpu.memory_space<hbm>>) dst(%arg10 : memref<64xi32, #tpu.memory_space<vmem>>)
    %dma_wait3A_578 = tpu.memref_slice %arg2[%add3A_556, %mul3A_3] : memref<32768x512xf32, #tpu.memory_space<hbm>> -> memref<64x128xf32, #tpu.memory_space<hbm>>
    %dma_wait3A_579 = tpu.memref_slice %arg2[%add3A_556, %mul3A_3] : memref<32768x512xf32, #tpu.memory_space<hbm>> -> memref<64x128xf32, #tpu.memory_space<hbm>>
    tpu.wait_dma2 semaphore(%arg17 : memref<!tpu.dma_semaphore, #tpu.memory_space<semaphore_mem>>) src(%dma_wait3A_579 : memref<64x128xf32, #tpu.memory_space<hbm>>) dst(%arg8 : memref<64x128xf32, #tpu.memory_space<vmem>>)
    %dma_start3A_580 = arith.constant 0 : i32
    %dma_start3A_581 = arith.constant 0 : i32
    %dma_start3A_582 = tpu.memref_slice %arg11[%dma_start3A_580, %dma_start3A_581] : memref<2048x128xf32, #tpu.memory_space<vmem_shared>> -> memref<2048x128xf32, #tpu.memory_space<vmem_shared>>
    tpu.enqueue_indirect_dma source(%arg7 : memref<64x128xf32, #tpu.memory_space<vmem>>) target(%dma_start3A_582 : memref<2048x128xf32, #tpu.memory_space<vmem_shared>>) offsets(%arg10 : memref<64xi32, #tpu.memory_space<vmem>>) semaphore(%arg18 : memref<!tpu.dma_semaphore, #tpu.memory_space<semaphore_mem>>) {add = true}
    %dma_start3A_583 = arith.constant 0 : i32
    %dma_start3A_584 = arith.constant 0 : i32
    %dma_start3A_585 = tpu.memref_slice %arg12[%dma_start3A_583, %dma_start3A_584] : memref<2048x128xf32, #tpu.memory_space<vmem_shared>> -> memref<2048x128xf32, #tpu.memory_space<vmem_shared>>
    tpu.enqueue_indirect_dma source(%arg8 : memref<64x128xf32, #tpu.memory_space<vmem>>) target(%dma_start3A_585 : memref<2048x128xf32, #tpu.memory_space<vmem_shared>>) offsets(%arg10 : memref<64xi32, #tpu.memory_space<vmem>>) semaphore(%arg19 : memref<!tpu.dma_semaphore, #tpu.memory_space<semaphore_mem>>) {add = true}
    %dma_wait3A_586 = arith.constant 0 : i32
    %dma_wait3A_587 = arith.constant 0 : i32
    %dma_wait3A_588 = tpu.memref_slice %arg12[%dma_wait3A_586, %dma_wait3A_587] : memref<2048x128xf32, #tpu.memory_space<vmem_shared>> -> memref<2048x128xf32, #tpu.memory_space<vmem_shared>>
    tpu.wait_indirect_dma semaphore(%arg19 : memref<!tpu.dma_semaphore, #tpu.memory_space<semaphore_mem>>) src(%arg8 : memref<64x128xf32, #tpu.memory_space<vmem>>) dst(%dma_wait3A_588 : memref<2048x128xf32, #tpu.memory_space<vmem_shared>>)
    %mul3A_589 = arith.constant 2048 : i32
    %mul3A_590 = arith.muli %arg1, %mul3A_589 : i32
    %add3A_591 = arith.constant 1024 : i32
    %add3A_592 = arith.addi %mul3A_590, %add3A_591 : i32
    %dma_start3A_593 = tpu.memref_slice %arg2[%add3A_592, %mul3A_3] : memref<32768x512xf32, #tpu.memory_space<hbm>> -> memref<64x128xf32, #tpu.memory_space<hbm>>
    %dma_start3A_594 = tpu.memref_slice %arg2[%add3A_592, %mul3A_3] : memref<32768x512xf32, #tpu.memory_space<hbm>> -> memref<64x128xf32, #tpu.memory_space<hbm>>
    tpu.enqueue_dma source(%dma_start3A_594 : memref<64x128xf32, #tpu.memory_space<hbm>>) target(%arg8 : memref<64x128xf32, #tpu.memory_space<vmem>>) target_semaphore(%arg17 : memref<!tpu.dma_semaphore, #tpu.memory_space<semaphore_mem>>)
    %dma_wait3A_595 = arith.constant 0 : i32
    %dma_wait3A_596 = arith.constant 0 : i32
    %dma_wait3A_597 = tpu.memref_slice %arg11[%dma_wait3A_595, %dma_wait3A_596] : memref<2048x128xf32, #tpu.memory_space<vmem_shared>> -> memref<2048x128xf32, #tpu.memory_space<vmem_shared>>
    tpu.wait_indirect_dma semaphore(%arg18 : memref<!tpu.dma_semaphore, #tpu.memory_space<semaphore_mem>>) src(%arg7 : memref<64x128xf32, #tpu.memory_space<vmem>>) dst(%dma_wait3A_597 : memref<2048x128xf32, #tpu.memory_space<vmem_shared>>)
    %mul3A_598 = arith.constant 2048 : i32
    %mul3A_599 = arith.muli %arg1, %mul3A_598 : i32
    %add3A_600 = arith.constant 1088 : i32
    %add3A_601 = arith.addi %mul3A_599, %add3A_600 : i32
    %dma_start3A_602 = tpu.memref_slice %arg2[%add3A_601, %mul3A_0] : memref<32768x512xf32, #tpu.memory_space<hbm>> -> memref<64x128xf32, #tpu.memory_space<hbm>>
    %dma_start3A_603 = tpu.memref_slice %arg2[%add3A_601, %mul3A_0] : memref<32768x512xf32, #tpu.memory_space<hbm>> -> memref<64x128xf32, #tpu.memory_space<hbm>>
    tpu.enqueue_dma source(%dma_start3A_603 : memref<64x128xf32, #tpu.memory_space<hbm>>) target(%arg7 : memref<64x128xf32, #tpu.memory_space<vmem>>) target_semaphore(%arg14 : memref<!tpu.dma_semaphore, #tpu.memory_space<semaphore_mem>>)
    %mul3A_604 = arith.constant 2048 : i32
    %mul3A_605 = arith.muli %arg1, %mul3A_604 : i32
    %add3A_606 = arith.constant 1088 : i32
    %add3A_607 = arith.addi %mul3A_605, %add3A_606 : i32
    %dma_start3A_608 = tpu.memref_slice %arg3[%add3A_607] : memref<32768xi32, #tpu.memory_space<hbm>> -> memref<64xi32, #tpu.memory_space<hbm>>
    %dma_start3A_609 = tpu.memref_slice %arg3[%add3A_607] : memref<32768xi32, #tpu.memory_space<hbm>> -> memref<64xi32, #tpu.memory_space<hbm>>
    tpu.enqueue_dma source(%dma_start3A_609 : memref<64xi32, #tpu.memory_space<hbm>>) target(%arg10 : memref<64xi32, #tpu.memory_space<vmem>>) target_semaphore(%arg16 : memref<!tpu.dma_semaphore, #tpu.memory_space<semaphore_mem>>)
    %dma_wait3A_610 = tpu.memref_slice %arg2[%add3A_565, %mul3A_0] : memref<32768x512xf32, #tpu.memory_space<hbm>> -> memref<64x128xf32, #tpu.memory_space<hbm>>
    %dma_wait3A_611 = tpu.memref_slice %arg2[%add3A_565, %mul3A_0] : memref<32768x512xf32, #tpu.memory_space<hbm>> -> memref<64x128xf32, #tpu.memory_space<hbm>>
    tpu.wait_dma2 semaphore(%arg13 : memref<!tpu.dma_semaphore, #tpu.memory_space<semaphore_mem>>) src(%dma_wait3A_611 : memref<64x128xf32, #tpu.memory_space<hbm>>) dst(%arg6 : memref<64x128xf32, #tpu.memory_space<vmem>>)
    %dma_wait3A_612 = tpu.memref_slice %arg3[%add3A_571] : memref<32768xi32, #tpu.memory_space<hbm>> -> memref<64xi32, #tpu.memory_space<hbm>>
    %dma_wait3A_613 = tpu.memref_slice %arg3[%add3A_571] : memref<32768xi32, #tpu.memory_space<hbm>> -> memref<64xi32, #tpu.memory_space<hbm>>
    tpu.wait_dma2 semaphore(%arg15 : memref<!tpu.dma_semaphore, #tpu.memory_space<semaphore_mem>>) src(%dma_wait3A_613 : memref<64xi32, #tpu.memory_space<hbm>>) dst(%arg9 : memref<64xi32, #tpu.memory_space<vmem>>)
    %dma_wait3A_614 = tpu.memref_slice %arg2[%add3A_592, %mul3A_3] : memref<32768x512xf32, #tpu.memory_space<hbm>> -> memref<64x128xf32, #tpu.memory_space<hbm>>
    %dma_wait3A_615 = tpu.memref_slice %arg2[%add3A_592, %mul3A_3] : memref<32768x512xf32, #tpu.memory_space<hbm>> -> memref<64x128xf32, #tpu.memory_space<hbm>>
    tpu.wait_dma2 semaphore(%arg17 : memref<!tpu.dma_semaphore, #tpu.memory_space<semaphore_mem>>) src(%dma_wait3A_615 : memref<64x128xf32, #tpu.memory_space<hbm>>) dst(%arg8 : memref<64x128xf32, #tpu.memory_space<vmem>>)
    %dma_start3A_616 = arith.constant 0 : i32
    %dma_start3A_617 = arith.constant 0 : i32
    %dma_start3A_618 = tpu.memref_slice %arg11[%dma_start3A_616, %dma_start3A_617] : memref<2048x128xf32, #tpu.memory_space<vmem_shared>> -> memref<2048x128xf32, #tpu.memory_space<vmem_shared>>
    tpu.enqueue_indirect_dma source(%arg6 : memref<64x128xf32, #tpu.memory_space<vmem>>) target(%dma_start3A_618 : memref<2048x128xf32, #tpu.memory_space<vmem_shared>>) offsets(%arg9 : memref<64xi32, #tpu.memory_space<vmem>>) semaphore(%arg18 : memref<!tpu.dma_semaphore, #tpu.memory_space<semaphore_mem>>) {add = true}
    %dma_start3A_619 = arith.constant 0 : i32
    %dma_start3A_620 = arith.constant 0 : i32
    %dma_start3A_621 = tpu.memref_slice %arg12[%dma_start3A_619, %dma_start3A_620] : memref<2048x128xf32, #tpu.memory_space<vmem_shared>> -> memref<2048x128xf32, #tpu.memory_space<vmem_shared>>
    tpu.enqueue_indirect_dma source(%arg8 : memref<64x128xf32, #tpu.memory_space<vmem>>) target(%dma_start3A_621 : memref<2048x128xf32, #tpu.memory_space<vmem_shared>>) offsets(%arg9 : memref<64xi32, #tpu.memory_space<vmem>>) semaphore(%arg19 : memref<!tpu.dma_semaphore, #tpu.memory_space<semaphore_mem>>) {add = true}
    %dma_wait3A_622 = arith.constant 0 : i32
    %dma_wait3A_623 = arith.constant 0 : i32
    %dma_wait3A_624 = tpu.memref_slice %arg12[%dma_wait3A_622, %dma_wait3A_623] : memref<2048x128xf32, #tpu.memory_space<vmem_shared>> -> memref<2048x128xf32, #tpu.memory_space<vmem_shared>>
    tpu.wait_indirect_dma semaphore(%arg19 : memref<!tpu.dma_semaphore, #tpu.memory_space<semaphore_mem>>) src(%arg8 : memref<64x128xf32, #tpu.memory_space<vmem>>) dst(%dma_wait3A_624 : memref<2048x128xf32, #tpu.memory_space<vmem_shared>>)
    %mul3A_625 = arith.constant 2048 : i32
    %mul3A_626 = arith.muli %arg1, %mul3A_625 : i32
    %add3A_627 = arith.constant 1088 : i32
    %add3A_628 = arith.addi %mul3A_626, %add3A_627 : i32
    %dma_start3A_629 = tpu.memref_slice %arg2[%add3A_628, %mul3A_3] : memref<32768x512xf32, #tpu.memory_space<hbm>> -> memref<64x128xf32, #tpu.memory_space<hbm>>
    %dma_start3A_630 = tpu.memref_slice %arg2[%add3A_628, %mul3A_3] : memref<32768x512xf32, #tpu.memory_space<hbm>> -> memref<64x128xf32, #tpu.memory_space<hbm>>
    tpu.enqueue_dma source(%dma_start3A_630 : memref<64x128xf32, #tpu.memory_space<hbm>>) target(%arg8 : memref<64x128xf32, #tpu.memory_space<vmem>>) target_semaphore(%arg17 : memref<!tpu.dma_semaphore, #tpu.memory_space<semaphore_mem>>)
    %dma_wait3A_631 = arith.constant 0 : i32
    %dma_wait3A_632 = arith.constant 0 : i32
    %dma_wait3A_633 = tpu.memref_slice %arg11[%dma_wait3A_631, %dma_wait3A_632] : memref<2048x128xf32, #tpu.memory_space<vmem_shared>> -> memref<2048x128xf32, #tpu.memory_space<vmem_shared>>
    tpu.wait_indirect_dma semaphore(%arg18 : memref<!tpu.dma_semaphore, #tpu.memory_space<semaphore_mem>>) src(%arg6 : memref<64x128xf32, #tpu.memory_space<vmem>>) dst(%dma_wait3A_633 : memref<2048x128xf32, #tpu.memory_space<vmem_shared>>)
    %mul3A_634 = arith.constant 2048 : i32
    %mul3A_635 = arith.muli %arg1, %mul3A_634 : i32
    %add3A_636 = arith.constant 1152 : i32
    %add3A_637 = arith.addi %mul3A_635, %add3A_636 : i32
    %dma_start3A_638 = tpu.memref_slice %arg2[%add3A_637, %mul3A_0] : memref<32768x512xf32, #tpu.memory_space<hbm>> -> memref<64x128xf32, #tpu.memory_space<hbm>>
    %dma_start3A_639 = tpu.memref_slice %arg2[%add3A_637, %mul3A_0] : memref<32768x512xf32, #tpu.memory_space<hbm>> -> memref<64x128xf32, #tpu.memory_space<hbm>>
    tpu.enqueue_dma source(%dma_start3A_639 : memref<64x128xf32, #tpu.memory_space<hbm>>) target(%arg6 : memref<64x128xf32, #tpu.memory_space<vmem>>) target_semaphore(%arg13 : memref<!tpu.dma_semaphore, #tpu.memory_space<semaphore_mem>>)
    %mul3A_640 = arith.constant 2048 : i32
    %mul3A_641 = arith.muli %arg1, %mul3A_640 : i32
    %add3A_642 = arith.constant 1152 : i32
    %add3A_643 = arith.addi %mul3A_641, %add3A_642 : i32
    %dma_start3A_644 = tpu.memref_slice %arg3[%add3A_643] : memref<32768xi32, #tpu.memory_space<hbm>> -> memref<64xi32, #tpu.memory_space<hbm>>
    %dma_start3A_645 = tpu.memref_slice %arg3[%add3A_643] : memref<32768xi32, #tpu.memory_space<hbm>> -> memref<64xi32, #tpu.memory_space<hbm>>
    tpu.enqueue_dma source(%dma_start3A_645 : memref<64xi32, #tpu.memory_space<hbm>>) target(%arg9 : memref<64xi32, #tpu.memory_space<vmem>>) target_semaphore(%arg15 : memref<!tpu.dma_semaphore, #tpu.memory_space<semaphore_mem>>)
    %dma_wait3A_646 = tpu.memref_slice %arg2[%add3A_601, %mul3A_0] : memref<32768x512xf32, #tpu.memory_space<hbm>> -> memref<64x128xf32, #tpu.memory_space<hbm>>
    %dma_wait3A_647 = tpu.memref_slice %arg2[%add3A_601, %mul3A_0] : memref<32768x512xf32, #tpu.memory_space<hbm>> -> memref<64x128xf32, #tpu.memory_space<hbm>>
    tpu.wait_dma2 semaphore(%arg14 : memref<!tpu.dma_semaphore, #tpu.memory_space<semaphore_mem>>) src(%dma_wait3A_647 : memref<64x128xf32, #tpu.memory_space<hbm>>) dst(%arg7 : memref<64x128xf32, #tpu.memory_space<vmem>>)
    %dma_wait3A_648 = tpu.memref_slice %arg3[%add3A_607] : memref<32768xi32, #tpu.memory_space<hbm>> -> memref<64xi32, #tpu.memory_space<hbm>>
    %dma_wait3A_649 = tpu.memref_slice %arg3[%add3A_607] : memref<32768xi32, #tpu.memory_space<hbm>> -> memref<64xi32, #tpu.memory_space<hbm>>
    tpu.wait_dma2 semaphore(%arg16 : memref<!tpu.dma_semaphore, #tpu.memory_space<semaphore_mem>>) src(%dma_wait3A_649 : memref<64xi32, #tpu.memory_space<hbm>>) dst(%arg10 : memref<64xi32, #tpu.memory_space<vmem>>)
    %dma_wait3A_650 = tpu.memref_slice %arg2[%add3A_628, %mul3A_3] : memref<32768x512xf32, #tpu.memory_space<hbm>> -> memref<64x128xf32, #tpu.memory_space<hbm>>
    %dma_wait3A_651 = tpu.memref_slice %arg2[%add3A_628, %mul3A_3] : memref<32768x512xf32, #tpu.memory_space<hbm>> -> memref<64x128xf32, #tpu.memory_space<hbm>>
    tpu.wait_dma2 semaphore(%arg17 : memref<!tpu.dma_semaphore, #tpu.memory_space<semaphore_mem>>) src(%dma_wait3A_651 : memref<64x128xf32, #tpu.memory_space<hbm>>) dst(%arg8 : memref<64x128xf32, #tpu.memory_space<vmem>>)
    %dma_start3A_652 = arith.constant 0 : i32
    %dma_start3A_653 = arith.constant 0 : i32
    %dma_start3A_654 = tpu.memref_slice %arg11[%dma_start3A_652, %dma_start3A_653] : memref<2048x128xf32, #tpu.memory_space<vmem_shared>> -> memref<2048x128xf32, #tpu.memory_space<vmem_shared>>
    tpu.enqueue_indirect_dma source(%arg7 : memref<64x128xf32, #tpu.memory_space<vmem>>) target(%dma_start3A_654 : memref<2048x128xf32, #tpu.memory_space<vmem_shared>>) offsets(%arg10 : memref<64xi32, #tpu.memory_space<vmem>>) semaphore(%arg18 : memref<!tpu.dma_semaphore, #tpu.memory_space<semaphore_mem>>) {add = true}
    %dma_start3A_655 = arith.constant 0 : i32
    %dma_start3A_656 = arith.constant 0 : i32
    %dma_start3A_657 = tpu.memref_slice %arg12[%dma_start3A_655, %dma_start3A_656] : memref<2048x128xf32, #tpu.memory_space<vmem_shared>> -> memref<2048x128xf32, #tpu.memory_space<vmem_shared>>
    tpu.enqueue_indirect_dma source(%arg8 : memref<64x128xf32, #tpu.memory_space<vmem>>) target(%dma_start3A_657 : memref<2048x128xf32, #tpu.memory_space<vmem_shared>>) offsets(%arg10 : memref<64xi32, #tpu.memory_space<vmem>>) semaphore(%arg19 : memref<!tpu.dma_semaphore, #tpu.memory_space<semaphore_mem>>) {add = true}
    %dma_wait3A_658 = arith.constant 0 : i32
    %dma_wait3A_659 = arith.constant 0 : i32
    %dma_wait3A_660 = tpu.memref_slice %arg12[%dma_wait3A_658, %dma_wait3A_659] : memref<2048x128xf32, #tpu.memory_space<vmem_shared>> -> memref<2048x128xf32, #tpu.memory_space<vmem_shared>>
    tpu.wait_indirect_dma semaphore(%arg19 : memref<!tpu.dma_semaphore, #tpu.memory_space<semaphore_mem>>) src(%arg8 : memref<64x128xf32, #tpu.memory_space<vmem>>) dst(%dma_wait3A_660 : memref<2048x128xf32, #tpu.memory_space<vmem_shared>>)
    %mul3A_661 = arith.constant 2048 : i32
    %mul3A_662 = arith.muli %arg1, %mul3A_661 : i32
    %add3A_663 = arith.constant 1152 : i32
    %add3A_664 = arith.addi %mul3A_662, %add3A_663 : i32
    %dma_start3A_665 = tpu.memref_slice %arg2[%add3A_664, %mul3A_3] : memref<32768x512xf32, #tpu.memory_space<hbm>> -> memref<64x128xf32, #tpu.memory_space<hbm>>
    %dma_start3A_666 = tpu.memref_slice %arg2[%add3A_664, %mul3A_3] : memref<32768x512xf32, #tpu.memory_space<hbm>> -> memref<64x128xf32, #tpu.memory_space<hbm>>
    tpu.enqueue_dma source(%dma_start3A_666 : memref<64x128xf32, #tpu.memory_space<hbm>>) target(%arg8 : memref<64x128xf32, #tpu.memory_space<vmem>>) target_semaphore(%arg17 : memref<!tpu.dma_semaphore, #tpu.memory_space<semaphore_mem>>)
    %dma_wait3A_667 = arith.constant 0 : i32
    %dma_wait3A_668 = arith.constant 0 : i32
    %dma_wait3A_669 = tpu.memref_slice %arg11[%dma_wait3A_667, %dma_wait3A_668] : memref<2048x128xf32, #tpu.memory_space<vmem_shared>> -> memref<2048x128xf32, #tpu.memory_space<vmem_shared>>
    tpu.wait_indirect_dma semaphore(%arg18 : memref<!tpu.dma_semaphore, #tpu.memory_space<semaphore_mem>>) src(%arg7 : memref<64x128xf32, #tpu.memory_space<vmem>>) dst(%dma_wait3A_669 : memref<2048x128xf32, #tpu.memory_space<vmem_shared>>)
    %mul3A_670 = arith.constant 2048 : i32
    %mul3A_671 = arith.muli %arg1, %mul3A_670 : i32
    %add3A_672 = arith.constant 1216 : i32
    %add3A_673 = arith.addi %mul3A_671, %add3A_672 : i32
    %dma_start3A_674 = tpu.memref_slice %arg2[%add3A_673, %mul3A_0] : memref<32768x512xf32, #tpu.memory_space<hbm>> -> memref<64x128xf32, #tpu.memory_space<hbm>>
    %dma_start3A_675 = tpu.memref_slice %arg2[%add3A_673, %mul3A_0] : memref<32768x512xf32, #tpu.memory_space<hbm>> -> memref<64x128xf32, #tpu.memory_space<hbm>>
    tpu.enqueue_dma source(%dma_start3A_675 : memref<64x128xf32, #tpu.memory_space<hbm>>) target(%arg7 : memref<64x128xf32, #tpu.memory_space<vmem>>) target_semaphore(%arg14 : memref<!tpu.dma_semaphore, #tpu.memory_space<semaphore_mem>>)
    %mul3A_676 = arith.constant 2048 : i32
    %mul3A_677 = arith.muli %arg1, %mul3A_676 : i32
    %add3A_678 = arith.constant 1216 : i32
    %add3A_679 = arith.addi %mul3A_677, %add3A_678 : i32
    %dma_start3A_680 = tpu.memref_slice %arg3[%add3A_679] : memref<32768xi32, #tpu.memory_space<hbm>> -> memref<64xi32, #tpu.memory_space<hbm>>
    %dma_start3A_681 = tpu.memref_slice %arg3[%add3A_679] : memref<32768xi32, #tpu.memory_space<hbm>> -> memref<64xi32, #tpu.memory_space<hbm>>
    tpu.enqueue_dma source(%dma_start3A_681 : memref<64xi32, #tpu.memory_space<hbm>>) target(%arg10 : memref<64xi32, #tpu.memory_space<vmem>>) target_semaphore(%arg16 : memref<!tpu.dma_semaphore, #tpu.memory_space<semaphore_mem>>)
    %dma_wait3A_682 = tpu.memref_slice %arg2[%add3A_637, %mul3A_0] : memref<32768x512xf32, #tpu.memory_space<hbm>> -> memref<64x128xf32, #tpu.memory_space<hbm>>
    %dma_wait3A_683 = tpu.memref_slice %arg2[%add3A_637, %mul3A_0] : memref<32768x512xf32, #tpu.memory_space<hbm>> -> memref<64x128xf32, #tpu.memory_space<hbm>>
    tpu.wait_dma2 semaphore(%arg13 : memref<!tpu.dma_semaphore, #tpu.memory_space<semaphore_mem>>) src(%dma_wait3A_683 : memref<64x128xf32, #tpu.memory_space<hbm>>) dst(%arg6 : memref<64x128xf32, #tpu.memory_space<vmem>>)
    %dma_wait3A_684 = tpu.memref_slice %arg3[%add3A_643] : memref<32768xi32, #tpu.memory_space<hbm>> -> memref<64xi32, #tpu.memory_space<hbm>>
    %dma_wait3A_685 = tpu.memref_slice %arg3[%add3A_643] : memref<32768xi32, #tpu.memory_space<hbm>> -> memref<64xi32, #tpu.memory_space<hbm>>
    tpu.wait_dma2 semaphore(%arg15 : memref<!tpu.dma_semaphore, #tpu.memory_space<semaphore_mem>>) src(%dma_wait3A_685 : memref<64xi32, #tpu.memory_space<hbm>>) dst(%arg9 : memref<64xi32, #tpu.memory_space<vmem>>)
    %dma_wait3A_686 = tpu.memref_slice %arg2[%add3A_664, %mul3A_3] : memref<32768x512xf32, #tpu.memory_space<hbm>> -> memref<64x128xf32, #tpu.memory_space<hbm>>
    %dma_wait3A_687 = tpu.memref_slice %arg2[%add3A_664, %mul3A_3] : memref<32768x512xf32, #tpu.memory_space<hbm>> -> memref<64x128xf32, #tpu.memory_space<hbm>>
    tpu.wait_dma2 semaphore(%arg17 : memref<!tpu.dma_semaphore, #tpu.memory_space<semaphore_mem>>) src(%dma_wait3A_687 : memref<64x128xf32, #tpu.memory_space<hbm>>) dst(%arg8 : memref<64x128xf32, #tpu.memory_space<vmem>>)
    %dma_start3A_688 = arith.constant 0 : i32
    %dma_start3A_689 = arith.constant 0 : i32
    %dma_start3A_690 = tpu.memref_slice %arg11[%dma_start3A_688, %dma_start3A_689] : memref<2048x128xf32, #tpu.memory_space<vmem_shared>> -> memref<2048x128xf32, #tpu.memory_space<vmem_shared>>
    tpu.enqueue_indirect_dma source(%arg6 : memref<64x128xf32, #tpu.memory_space<vmem>>) target(%dma_start3A_690 : memref<2048x128xf32, #tpu.memory_space<vmem_shared>>) offsets(%arg9 : memref<64xi32, #tpu.memory_space<vmem>>) semaphore(%arg18 : memref<!tpu.dma_semaphore, #tpu.memory_space<semaphore_mem>>) {add = true}
    %dma_start3A_691 = arith.constant 0 : i32
    %dma_start3A_692 = arith.constant 0 : i32
    %dma_start3A_693 = tpu.memref_slice %arg12[%dma_start3A_691, %dma_start3A_692] : memref<2048x128xf32, #tpu.memory_space<vmem_shared>> -> memref<2048x128xf32, #tpu.memory_space<vmem_shared>>
    tpu.enqueue_indirect_dma source(%arg8 : memref<64x128xf32, #tpu.memory_space<vmem>>) target(%dma_start3A_693 : memref<2048x128xf32, #tpu.memory_space<vmem_shared>>) offsets(%arg9 : memref<64xi32, #tpu.memory_space<vmem>>) semaphore(%arg19 : memref<!tpu.dma_semaphore, #tpu.memory_space<semaphore_mem>>) {add = true}
    %dma_wait3A_694 = arith.constant 0 : i32
    %dma_wait3A_695 = arith.constant 0 : i32
    %dma_wait3A_696 = tpu.memref_slice %arg12[%dma_wait3A_694, %dma_wait3A_695] : memref<2048x128xf32, #tpu.memory_space<vmem_shared>> -> memref<2048x128xf32, #tpu.memory_space<vmem_shared>>
    tpu.wait_indirect_dma semaphore(%arg19 : memref<!tpu.dma_semaphore, #tpu.memory_space<semaphore_mem>>) src(%arg8 : memref<64x128xf32, #tpu.memory_space<vmem>>) dst(%dma_wait3A_696 : memref<2048x128xf32, #tpu.memory_space<vmem_shared>>)
    %mul3A_697 = arith.constant 2048 : i32
    %mul3A_698 = arith.muli %arg1, %mul3A_697 : i32
    %add3A_699 = arith.constant 1216 : i32
    %add3A_700 = arith.addi %mul3A_698, %add3A_699 : i32
    %dma_start3A_701 = tpu.memref_slice %arg2[%add3A_700, %mul3A_3] : memref<32768x512xf32, #tpu.memory_space<hbm>> -> memref<64x128xf32, #tpu.memory_space<hbm>>
    %dma_start3A_702 = tpu.memref_slice %arg2[%add3A_700, %mul3A_3] : memref<32768x512xf32, #tpu.memory_space<hbm>> -> memref<64x128xf32, #tpu.memory_space<hbm>>
    tpu.enqueue_dma source(%dma_start3A_702 : memref<64x128xf32, #tpu.memory_space<hbm>>) target(%arg8 : memref<64x128xf32, #tpu.memory_space<vmem>>) target_semaphore(%arg17 : memref<!tpu.dma_semaphore, #tpu.memory_space<semaphore_mem>>)
    %dma_wait3A_703 = arith.constant 0 : i32
    %dma_wait3A_704 = arith.constant 0 : i32
    %dma_wait3A_705 = tpu.memref_slice %arg11[%dma_wait3A_703, %dma_wait3A_704] : memref<2048x128xf32, #tpu.memory_space<vmem_shared>> -> memref<2048x128xf32, #tpu.memory_space<vmem_shared>>
    tpu.wait_indirect_dma semaphore(%arg18 : memref<!tpu.dma_semaphore, #tpu.memory_space<semaphore_mem>>) src(%arg6 : memref<64x128xf32, #tpu.memory_space<vmem>>) dst(%dma_wait3A_705 : memref<2048x128xf32, #tpu.memory_space<vmem_shared>>)
    %mul3A_706 = arith.constant 2048 : i32
    %mul3A_707 = arith.muli %arg1, %mul3A_706 : i32
    %add3A_708 = arith.constant 1280 : i32
    %add3A_709 = arith.addi %mul3A_707, %add3A_708 : i32
    %dma_start3A_710 = tpu.memref_slice %arg2[%add3A_709, %mul3A_0] : memref<32768x512xf32, #tpu.memory_space<hbm>> -> memref<64x128xf32, #tpu.memory_space<hbm>>
    %dma_start3A_711 = tpu.memref_slice %arg2[%add3A_709, %mul3A_0] : memref<32768x512xf32, #tpu.memory_space<hbm>> -> memref<64x128xf32, #tpu.memory_space<hbm>>
    tpu.enqueue_dma source(%dma_start3A_711 : memref<64x128xf32, #tpu.memory_space<hbm>>) target(%arg6 : memref<64x128xf32, #tpu.memory_space<vmem>>) target_semaphore(%arg13 : memref<!tpu.dma_semaphore, #tpu.memory_space<semaphore_mem>>)
    %mul3A_712 = arith.constant 2048 : i32
    %mul3A_713 = arith.muli %arg1, %mul3A_712 : i32
    %add3A_714 = arith.constant 1280 : i32
    %add3A_715 = arith.addi %mul3A_713, %add3A_714 : i32
    %dma_start3A_716 = tpu.memref_slice %arg3[%add3A_715] : memref<32768xi32, #tpu.memory_space<hbm>> -> memref<64xi32, #tpu.memory_space<hbm>>
    %dma_start3A_717 = tpu.memref_slice %arg3[%add3A_715] : memref<32768xi32, #tpu.memory_space<hbm>> -> memref<64xi32, #tpu.memory_space<hbm>>
    tpu.enqueue_dma source(%dma_start3A_717 : memref<64xi32, #tpu.memory_space<hbm>>) target(%arg9 : memref<64xi32, #tpu.memory_space<vmem>>) target_semaphore(%arg15 : memref<!tpu.dma_semaphore, #tpu.memory_space<semaphore_mem>>)
    %dma_wait3A_718 = tpu.memref_slice %arg2[%add3A_673, %mul3A_0] : memref<32768x512xf32, #tpu.memory_space<hbm>> -> memref<64x128xf32, #tpu.memory_space<hbm>>
    %dma_wait3A_719 = tpu.memref_slice %arg2[%add3A_673, %mul3A_0] : memref<32768x512xf32, #tpu.memory_space<hbm>> -> memref<64x128xf32, #tpu.memory_space<hbm>>
    tpu.wait_dma2 semaphore(%arg14 : memref<!tpu.dma_semaphore, #tpu.memory_space<semaphore_mem>>) src(%dma_wait3A_719 : memref<64x128xf32, #tpu.memory_space<hbm>>) dst(%arg7 : memref<64x128xf32, #tpu.memory_space<vmem>>)
    %dma_wait3A_720 = tpu.memref_slice %arg3[%add3A_679] : memref<32768xi32, #tpu.memory_space<hbm>> -> memref<64xi32, #tpu.memory_space<hbm>>
    %dma_wait3A_721 = tpu.memref_slice %arg3[%add3A_679] : memref<32768xi32, #tpu.memory_space<hbm>> -> memref<64xi32, #tpu.memory_space<hbm>>
    tpu.wait_dma2 semaphore(%arg16 : memref<!tpu.dma_semaphore, #tpu.memory_space<semaphore_mem>>) src(%dma_wait3A_721 : memref<64xi32, #tpu.memory_space<hbm>>) dst(%arg10 : memref<64xi32, #tpu.memory_space<vmem>>)
    %dma_wait3A_722 = tpu.memref_slice %arg2[%add3A_700, %mul3A_3] : memref<32768x512xf32, #tpu.memory_space<hbm>> -> memref<64x128xf32, #tpu.memory_space<hbm>>
    %dma_wait3A_723 = tpu.memref_slice %arg2[%add3A_700, %mul3A_3] : memref<32768x512xf32, #tpu.memory_space<hbm>> -> memref<64x128xf32, #tpu.memory_space<hbm>>
    tpu.wait_dma2 semaphore(%arg17 : memref<!tpu.dma_semaphore, #tpu.memory_space<semaphore_mem>>) src(%dma_wait3A_723 : memref<64x128xf32, #tpu.memory_space<hbm>>) dst(%arg8 : memref<64x128xf32, #tpu.memory_space<vmem>>)
    %dma_start3A_724 = arith.constant 0 : i32
    %dma_start3A_725 = arith.constant 0 : i32
    %dma_start3A_726 = tpu.memref_slice %arg11[%dma_start3A_724, %dma_start3A_725] : memref<2048x128xf32, #tpu.memory_space<vmem_shared>> -> memref<2048x128xf32, #tpu.memory_space<vmem_shared>>
    tpu.enqueue_indirect_dma source(%arg7 : memref<64x128xf32, #tpu.memory_space<vmem>>) target(%dma_start3A_726 : memref<2048x128xf32, #tpu.memory_space<vmem_shared>>) offsets(%arg10 : memref<64xi32, #tpu.memory_space<vmem>>) semaphore(%arg18 : memref<!tpu.dma_semaphore, #tpu.memory_space<semaphore_mem>>) {add = true}
    %dma_start3A_727 = arith.constant 0 : i32
    %dma_start3A_728 = arith.constant 0 : i32
    %dma_start3A_729 = tpu.memref_slice %arg12[%dma_start3A_727, %dma_start3A_728] : memref<2048x128xf32, #tpu.memory_space<vmem_shared>> -> memref<2048x128xf32, #tpu.memory_space<vmem_shared>>
    tpu.enqueue_indirect_dma source(%arg8 : memref<64x128xf32, #tpu.memory_space<vmem>>) target(%dma_start3A_729 : memref<2048x128xf32, #tpu.memory_space<vmem_shared>>) offsets(%arg10 : memref<64xi32, #tpu.memory_space<vmem>>) semaphore(%arg19 : memref<!tpu.dma_semaphore, #tpu.memory_space<semaphore_mem>>) {add = true}
    %dma_wait3A_730 = arith.constant 0 : i32
    %dma_wait3A_731 = arith.constant 0 : i32
    %dma_wait3A_732 = tpu.memref_slice %arg12[%dma_wait3A_730, %dma_wait3A_731] : memref<2048x128xf32, #tpu.memory_space<vmem_shared>> -> memref<2048x128xf32, #tpu.memory_space<vmem_shared>>
    tpu.wait_indirect_dma semaphore(%arg19 : memref<!tpu.dma_semaphore, #tpu.memory_space<semaphore_mem>>) src(%arg8 : memref<64x128xf32, #tpu.memory_space<vmem>>) dst(%dma_wait3A_732 : memref<2048x128xf32, #tpu.memory_space<vmem_shared>>)
    %mul3A_733 = arith.constant 2048 : i32
    %mul3A_734 = arith.muli %arg1, %mul3A_733 : i32
    %add3A_735 = arith.constant 1280 : i32
    %add3A_736 = arith.addi %mul3A_734, %add3A_735 : i32
    %dma_start3A_737 = tpu.memref_slice %arg2[%add3A_736, %mul3A_3] : memref<32768x512xf32, #tpu.memory_space<hbm>> -> memref<64x128xf32, #tpu.memory_space<hbm>>
    %dma_start3A_738 = tpu.memref_slice %arg2[%add3A_736, %mul3A_3] : memref<32768x512xf32, #tpu.memory_space<hbm>> -> memref<64x128xf32, #tpu.memory_space<hbm>>
    tpu.enqueue_dma source(%dma_start3A_738 : memref<64x128xf32, #tpu.memory_space<hbm>>) target(%arg8 : memref<64x128xf32, #tpu.memory_space<vmem>>) target_semaphore(%arg17 : memref<!tpu.dma_semaphore, #tpu.memory_space<semaphore_mem>>)
    %dma_wait3A_739 = arith.constant 0 : i32
    %dma_wait3A_740 = arith.constant 0 : i32
    %dma_wait3A_741 = tpu.memref_slice %arg11[%dma_wait3A_739, %dma_wait3A_740] : memref<2048x128xf32, #tpu.memory_space<vmem_shared>> -> memref<2048x128xf32, #tpu.memory_space<vmem_shared>>
    tpu.wait_indirect_dma semaphore(%arg18 : memref<!tpu.dma_semaphore, #tpu.memory_space<semaphore_mem>>) src(%arg7 : memref<64x128xf32, #tpu.memory_space<vmem>>) dst(%dma_wait3A_741 : memref<2048x128xf32, #tpu.memory_space<vmem_shared>>)
    %mul3A_742 = arith.constant 2048 : i32
    %mul3A_743 = arith.muli %arg1, %mul3A_742 : i32
    %add3A_744 = arith.constant 1344 : i32
    %add3A_745 = arith.addi %mul3A_743, %add3A_744 : i32
    %dma_start3A_746 = tpu.memref_slice %arg2[%add3A_745, %mul3A_0] : memref<32768x512xf32, #tpu.memory_space<hbm>> -> memref<64x128xf32, #tpu.memory_space<hbm>>
    %dma_start3A_747 = tpu.memref_slice %arg2[%add3A_745, %mul3A_0] : memref<32768x512xf32, #tpu.memory_space<hbm>> -> memref<64x128xf32, #tpu.memory_space<hbm>>
    tpu.enqueue_dma source(%dma_start3A_747 : memref<64x128xf32, #tpu.memory_space<hbm>>) target(%arg7 : memref<64x128xf32, #tpu.memory_space<vmem>>) target_semaphore(%arg14 : memref<!tpu.dma_semaphore, #tpu.memory_space<semaphore_mem>>)
    %mul3A_748 = arith.constant 2048 : i32
    %mul3A_749 = arith.muli %arg1, %mul3A_748 : i32
    %add3A_750 = arith.constant 1344 : i32
    %add3A_751 = arith.addi %mul3A_749, %add3A_750 : i32
    %dma_start3A_752 = tpu.memref_slice %arg3[%add3A_751] : memref<32768xi32, #tpu.memory_space<hbm>> -> memref<64xi32, #tpu.memory_space<hbm>>
    %dma_start3A_753 = tpu.memref_slice %arg3[%add3A_751] : memref<32768xi32, #tpu.memory_space<hbm>> -> memref<64xi32, #tpu.memory_space<hbm>>
    tpu.enqueue_dma source(%dma_start3A_753 : memref<64xi32, #tpu.memory_space<hbm>>) target(%arg10 : memref<64xi32, #tpu.memory_space<vmem>>) target_semaphore(%arg16 : memref<!tpu.dma_semaphore, #tpu.memory_space<semaphore_mem>>)
    %dma_wait3A_754 = tpu.memref_slice %arg2[%add3A_709, %mul3A_0] : memref<32768x512xf32, #tpu.memory_space<hbm>> -> memref<64x128xf32, #tpu.memory_space<hbm>>
    %dma_wait3A_755 = tpu.memref_slice %arg2[%add3A_709, %mul3A_0] : memref<32768x512xf32, #tpu.memory_space<hbm>> -> memref<64x128xf32, #tpu.memory_space<hbm>>
    tpu.wait_dma2 semaphore(%arg13 : memref<!tpu.dma_semaphore, #tpu.memory_space<semaphore_mem>>) src(%dma_wait3A_755 : memref<64x128xf32, #tpu.memory_space<hbm>>) dst(%arg6 : memref<64x128xf32, #tpu.memory_space<vmem>>)
    %dma_wait3A_756 = tpu.memref_slice %arg3[%add3A_715] : memref<32768xi32, #tpu.memory_space<hbm>> -> memref<64xi32, #tpu.memory_space<hbm>>
    %dma_wait3A_757 = tpu.memref_slice %arg3[%add3A_715] : memref<32768xi32, #tpu.memory_space<hbm>> -> memref<64xi32, #tpu.memory_space<hbm>>
    tpu.wait_dma2 semaphore(%arg15 : memref<!tpu.dma_semaphore, #tpu.memory_space<semaphore_mem>>) src(%dma_wait3A_757 : memref<64xi32, #tpu.memory_space<hbm>>) dst(%arg9 : memref<64xi32, #tpu.memory_space<vmem>>)
    %dma_wait3A_758 = tpu.memref_slice %arg2[%add3A_736, %mul3A_3] : memref<32768x512xf32, #tpu.memory_space<hbm>> -> memref<64x128xf32, #tpu.memory_space<hbm>>
    %dma_wait3A_759 = tpu.memref_slice %arg2[%add3A_736, %mul3A_3] : memref<32768x512xf32, #tpu.memory_space<hbm>> -> memref<64x128xf32, #tpu.memory_space<hbm>>
    tpu.wait_dma2 semaphore(%arg17 : memref<!tpu.dma_semaphore, #tpu.memory_space<semaphore_mem>>) src(%dma_wait3A_759 : memref<64x128xf32, #tpu.memory_space<hbm>>) dst(%arg8 : memref<64x128xf32, #tpu.memory_space<vmem>>)
    %dma_start3A_760 = arith.constant 0 : i32
    %dma_start3A_761 = arith.constant 0 : i32
    %dma_start3A_762 = tpu.memref_slice %arg11[%dma_start3A_760, %dma_start3A_761] : memref<2048x128xf32, #tpu.memory_space<vmem_shared>> -> memref<2048x128xf32, #tpu.memory_space<vmem_shared>>
    tpu.enqueue_indirect_dma source(%arg6 : memref<64x128xf32, #tpu.memory_space<vmem>>) target(%dma_start3A_762 : memref<2048x128xf32, #tpu.memory_space<vmem_shared>>) offsets(%arg9 : memref<64xi32, #tpu.memory_space<vmem>>) semaphore(%arg18 : memref<!tpu.dma_semaphore, #tpu.memory_space<semaphore_mem>>) {add = true}
    %dma_start3A_763 = arith.constant 0 : i32
    %dma_start3A_764 = arith.constant 0 : i32
    %dma_start3A_765 = tpu.memref_slice %arg12[%dma_start3A_763, %dma_start3A_764] : memref<2048x128xf32, #tpu.memory_space<vmem_shared>> -> memref<2048x128xf32, #tpu.memory_space<vmem_shared>>
    tpu.enqueue_indirect_dma source(%arg8 : memref<64x128xf32, #tpu.memory_space<vmem>>) target(%dma_start3A_765 : memref<2048x128xf32, #tpu.memory_space<vmem_shared>>) offsets(%arg9 : memref<64xi32, #tpu.memory_space<vmem>>) semaphore(%arg19 : memref<!tpu.dma_semaphore, #tpu.memory_space<semaphore_mem>>) {add = true}
    %dma_wait3A_766 = arith.constant 0 : i32
    %dma_wait3A_767 = arith.constant 0 : i32
    %dma_wait3A_768 = tpu.memref_slice %arg12[%dma_wait3A_766, %dma_wait3A_767] : memref<2048x128xf32, #tpu.memory_space<vmem_shared>> -> memref<2048x128xf32, #tpu.memory_space<vmem_shared>>
    tpu.wait_indirect_dma semaphore(%arg19 : memref<!tpu.dma_semaphore, #tpu.memory_space<semaphore_mem>>) src(%arg8 : memref<64x128xf32, #tpu.memory_space<vmem>>) dst(%dma_wait3A_768 : memref<2048x128xf32, #tpu.memory_space<vmem_shared>>)
    %mul3A_769 = arith.constant 2048 : i32
    %mul3A_770 = arith.muli %arg1, %mul3A_769 : i32
    %add3A_771 = arith.constant 1344 : i32
    %add3A_772 = arith.addi %mul3A_770, %add3A_771 : i32
    %dma_start3A_773 = tpu.memref_slice %arg2[%add3A_772, %mul3A_3] : memref<32768x512xf32, #tpu.memory_space<hbm>> -> memref<64x128xf32, #tpu.memory_space<hbm>>
    %dma_start3A_774 = tpu.memref_slice %arg2[%add3A_772, %mul3A_3] : memref<32768x512xf32, #tpu.memory_space<hbm>> -> memref<64x128xf32, #tpu.memory_space<hbm>>
    tpu.enqueue_dma source(%dma_start3A_774 : memref<64x128xf32, #tpu.memory_space<hbm>>) target(%arg8 : memref<64x128xf32, #tpu.memory_space<vmem>>) target_semaphore(%arg17 : memref<!tpu.dma_semaphore, #tpu.memory_space<semaphore_mem>>)
    %dma_wait3A_775 = arith.constant 0 : i32
    %dma_wait3A_776 = arith.constant 0 : i32
    %dma_wait3A_777 = tpu.memref_slice %arg11[%dma_wait3A_775, %dma_wait3A_776] : memref<2048x128xf32, #tpu.memory_space<vmem_shared>> -> memref<2048x128xf32, #tpu.memory_space<vmem_shared>>
    tpu.wait_indirect_dma semaphore(%arg18 : memref<!tpu.dma_semaphore, #tpu.memory_space<semaphore_mem>>) src(%arg6 : memref<64x128xf32, #tpu.memory_space<vmem>>) dst(%dma_wait3A_777 : memref<2048x128xf32, #tpu.memory_space<vmem_shared>>)
    %mul3A_778 = arith.constant 2048 : i32
    %mul3A_779 = arith.muli %arg1, %mul3A_778 : i32
    %add3A_780 = arith.constant 1408 : i32
    %add3A_781 = arith.addi %mul3A_779, %add3A_780 : i32
    %dma_start3A_782 = tpu.memref_slice %arg2[%add3A_781, %mul3A_0] : memref<32768x512xf32, #tpu.memory_space<hbm>> -> memref<64x128xf32, #tpu.memory_space<hbm>>
    %dma_start3A_783 = tpu.memref_slice %arg2[%add3A_781, %mul3A_0] : memref<32768x512xf32, #tpu.memory_space<hbm>> -> memref<64x128xf32, #tpu.memory_space<hbm>>
    tpu.enqueue_dma source(%dma_start3A_783 : memref<64x128xf32, #tpu.memory_space<hbm>>) target(%arg6 : memref<64x128xf32, #tpu.memory_space<vmem>>) target_semaphore(%arg13 : memref<!tpu.dma_semaphore, #tpu.memory_space<semaphore_mem>>)
    %mul3A_784 = arith.constant 2048 : i32
    %mul3A_785 = arith.muli %arg1, %mul3A_784 : i32
    %add3A_786 = arith.constant 1408 : i32
    %add3A_787 = arith.addi %mul3A_785, %add3A_786 : i32
    %dma_start3A_788 = tpu.memref_slice %arg3[%add3A_787] : memref<32768xi32, #tpu.memory_space<hbm>> -> memref<64xi32, #tpu.memory_space<hbm>>
    %dma_start3A_789 = tpu.memref_slice %arg3[%add3A_787] : memref<32768xi32, #tpu.memory_space<hbm>> -> memref<64xi32, #tpu.memory_space<hbm>>
    tpu.enqueue_dma source(%dma_start3A_789 : memref<64xi32, #tpu.memory_space<hbm>>) target(%arg9 : memref<64xi32, #tpu.memory_space<vmem>>) target_semaphore(%arg15 : memref<!tpu.dma_semaphore, #tpu.memory_space<semaphore_mem>>)
    %dma_wait3A_790 = tpu.memref_slice %arg2[%add3A_745, %mul3A_0] : memref<32768x512xf32, #tpu.memory_space<hbm>> -> memref<64x128xf32, #tpu.memory_space<hbm>>
    %dma_wait3A_791 = tpu.memref_slice %arg2[%add3A_745, %mul3A_0] : memref<32768x512xf32, #tpu.memory_space<hbm>> -> memref<64x128xf32, #tpu.memory_space<hbm>>
    tpu.wait_dma2 semaphore(%arg14 : memref<!tpu.dma_semaphore, #tpu.memory_space<semaphore_mem>>) src(%dma_wait3A_791 : memref<64x128xf32, #tpu.memory_space<hbm>>) dst(%arg7 : memref<64x128xf32, #tpu.memory_space<vmem>>)
    %dma_wait3A_792 = tpu.memref_slice %arg3[%add3A_751] : memref<32768xi32, #tpu.memory_space<hbm>> -> memref<64xi32, #tpu.memory_space<hbm>>
    %dma_wait3A_793 = tpu.memref_slice %arg3[%add3A_751] : memref<32768xi32, #tpu.memory_space<hbm>> -> memref<64xi32, #tpu.memory_space<hbm>>
    tpu.wait_dma2 semaphore(%arg16 : memref<!tpu.dma_semaphore, #tpu.memory_space<semaphore_mem>>) src(%dma_wait3A_793 : memref<64xi32, #tpu.memory_space<hbm>>) dst(%arg10 : memref<64xi32, #tpu.memory_space<vmem>>)
    %dma_wait3A_794 = tpu.memref_slice %arg2[%add3A_772, %mul3A_3] : memref<32768x512xf32, #tpu.memory_space<hbm>> -> memref<64x128xf32, #tpu.memory_space<hbm>>
    %dma_wait3A_795 = tpu.memref_slice %arg2[%add3A_772, %mul3A_3] : memref<32768x512xf32, #tpu.memory_space<hbm>> -> memref<64x128xf32, #tpu.memory_space<hbm>>
    tpu.wait_dma2 semaphore(%arg17 : memref<!tpu.dma_semaphore, #tpu.memory_space<semaphore_mem>>) src(%dma_wait3A_795 : memref<64x128xf32, #tpu.memory_space<hbm>>) dst(%arg8 : memref<64x128xf32, #tpu.memory_space<vmem>>)
    %dma_start3A_796 = arith.constant 0 : i32
    %dma_start3A_797 = arith.constant 0 : i32
    %dma_start3A_798 = tpu.memref_slice %arg11[%dma_start3A_796, %dma_start3A_797] : memref<2048x128xf32, #tpu.memory_space<vmem_shared>> -> memref<2048x128xf32, #tpu.memory_space<vmem_shared>>
    tpu.enqueue_indirect_dma source(%arg7 : memref<64x128xf32, #tpu.memory_space<vmem>>) target(%dma_start3A_798 : memref<2048x128xf32, #tpu.memory_space<vmem_shared>>) offsets(%arg10 : memref<64xi32, #tpu.memory_space<vmem>>) semaphore(%arg18 : memref<!tpu.dma_semaphore, #tpu.memory_space<semaphore_mem>>) {add = true}
    %dma_start3A_799 = arith.constant 0 : i32
    %dma_start3A_800 = arith.constant 0 : i32
    %dma_start3A_801 = tpu.memref_slice %arg12[%dma_start3A_799, %dma_start3A_800] : memref<2048x128xf32, #tpu.memory_space<vmem_shared>> -> memref<2048x128xf32, #tpu.memory_space<vmem_shared>>
    tpu.enqueue_indirect_dma source(%arg8 : memref<64x128xf32, #tpu.memory_space<vmem>>) target(%dma_start3A_801 : memref<2048x128xf32, #tpu.memory_space<vmem_shared>>) offsets(%arg10 : memref<64xi32, #tpu.memory_space<vmem>>) semaphore(%arg19 : memref<!tpu.dma_semaphore, #tpu.memory_space<semaphore_mem>>) {add = true}
    %dma_wait3A_802 = arith.constant 0 : i32
    %dma_wait3A_803 = arith.constant 0 : i32
    %dma_wait3A_804 = tpu.memref_slice %arg12[%dma_wait3A_802, %dma_wait3A_803] : memref<2048x128xf32, #tpu.memory_space<vmem_shared>> -> memref<2048x128xf32, #tpu.memory_space<vmem_shared>>
    tpu.wait_indirect_dma semaphore(%arg19 : memref<!tpu.dma_semaphore, #tpu.memory_space<semaphore_mem>>) src(%arg8 : memref<64x128xf32, #tpu.memory_space<vmem>>) dst(%dma_wait3A_804 : memref<2048x128xf32, #tpu.memory_space<vmem_shared>>)
    %mul3A_805 = arith.constant 2048 : i32
    %mul3A_806 = arith.muli %arg1, %mul3A_805 : i32
    %add3A_807 = arith.constant 1408 : i32
    %add3A_808 = arith.addi %mul3A_806, %add3A_807 : i32
    %dma_start3A_809 = tpu.memref_slice %arg2[%add3A_808, %mul3A_3] : memref<32768x512xf32, #tpu.memory_space<hbm>> -> memref<64x128xf32, #tpu.memory_space<hbm>>
    %dma_start3A_810 = tpu.memref_slice %arg2[%add3A_808, %mul3A_3] : memref<32768x512xf32, #tpu.memory_space<hbm>> -> memref<64x128xf32, #tpu.memory_space<hbm>>
    tpu.enqueue_dma source(%dma_start3A_810 : memref<64x128xf32, #tpu.memory_space<hbm>>) target(%arg8 : memref<64x128xf32, #tpu.memory_space<vmem>>) target_semaphore(%arg17 : memref<!tpu.dma_semaphore, #tpu.memory_space<semaphore_mem>>)
    %dma_wait3A_811 = arith.constant 0 : i32
    %dma_wait3A_812 = arith.constant 0 : i32
    %dma_wait3A_813 = tpu.memref_slice %arg11[%dma_wait3A_811, %dma_wait3A_812] : memref<2048x128xf32, #tpu.memory_space<vmem_shared>> -> memref<2048x128xf32, #tpu.memory_space<vmem_shared>>
    tpu.wait_indirect_dma semaphore(%arg18 : memref<!tpu.dma_semaphore, #tpu.memory_space<semaphore_mem>>) src(%arg7 : memref<64x128xf32, #tpu.memory_space<vmem>>) dst(%dma_wait3A_813 : memref<2048x128xf32, #tpu.memory_space<vmem_shared>>)
    %mul3A_814 = arith.constant 2048 : i32
    %mul3A_815 = arith.muli %arg1, %mul3A_814 : i32
    %add3A_816 = arith.constant 1472 : i32
    %add3A_817 = arith.addi %mul3A_815, %add3A_816 : i32
    %dma_start3A_818 = tpu.memref_slice %arg2[%add3A_817, %mul3A_0] : memref<32768x512xf32, #tpu.memory_space<hbm>> -> memref<64x128xf32, #tpu.memory_space<hbm>>
    %dma_start3A_819 = tpu.memref_slice %arg2[%add3A_817, %mul3A_0] : memref<32768x512xf32, #tpu.memory_space<hbm>> -> memref<64x128xf32, #tpu.memory_space<hbm>>
    tpu.enqueue_dma source(%dma_start3A_819 : memref<64x128xf32, #tpu.memory_space<hbm>>) target(%arg7 : memref<64x128xf32, #tpu.memory_space<vmem>>) target_semaphore(%arg14 : memref<!tpu.dma_semaphore, #tpu.memory_space<semaphore_mem>>)
    %mul3A_820 = arith.constant 2048 : i32
    %mul3A_821 = arith.muli %arg1, %mul3A_820 : i32
    %add3A_822 = arith.constant 1472 : i32
    %add3A_823 = arith.addi %mul3A_821, %add3A_822 : i32
    %dma_start3A_824 = tpu.memref_slice %arg3[%add3A_823] : memref<32768xi32, #tpu.memory_space<hbm>> -> memref<64xi32, #tpu.memory_space<hbm>>
    %dma_start3A_825 = tpu.memref_slice %arg3[%add3A_823] : memref<32768xi32, #tpu.memory_space<hbm>> -> memref<64xi32, #tpu.memory_space<hbm>>
    tpu.enqueue_dma source(%dma_start3A_825 : memref<64xi32, #tpu.memory_space<hbm>>) target(%arg10 : memref<64xi32, #tpu.memory_space<vmem>>) target_semaphore(%arg16 : memref<!tpu.dma_semaphore, #tpu.memory_space<semaphore_mem>>)
    %dma_wait3A_826 = tpu.memref_slice %arg2[%add3A_781, %mul3A_0] : memref<32768x512xf32, #tpu.memory_space<hbm>> -> memref<64x128xf32, #tpu.memory_space<hbm>>
    %dma_wait3A_827 = tpu.memref_slice %arg2[%add3A_781, %mul3A_0] : memref<32768x512xf32, #tpu.memory_space<hbm>> -> memref<64x128xf32, #tpu.memory_space<hbm>>
    tpu.wait_dma2 semaphore(%arg13 : memref<!tpu.dma_semaphore, #tpu.memory_space<semaphore_mem>>) src(%dma_wait3A_827 : memref<64x128xf32, #tpu.memory_space<hbm>>) dst(%arg6 : memref<64x128xf32, #tpu.memory_space<vmem>>)
    %dma_wait3A_828 = tpu.memref_slice %arg3[%add3A_787] : memref<32768xi32, #tpu.memory_space<hbm>> -> memref<64xi32, #tpu.memory_space<hbm>>
    %dma_wait3A_829 = tpu.memref_slice %arg3[%add3A_787] : memref<32768xi32, #tpu.memory_space<hbm>> -> memref<64xi32, #tpu.memory_space<hbm>>
    tpu.wait_dma2 semaphore(%arg15 : memref<!tpu.dma_semaphore, #tpu.memory_space<semaphore_mem>>) src(%dma_wait3A_829 : memref<64xi32, #tpu.memory_space<hbm>>) dst(%arg9 : memref<64xi32, #tpu.memory_space<vmem>>)
    %dma_wait3A_830 = tpu.memref_slice %arg2[%add3A_808, %mul3A_3] : memref<32768x512xf32, #tpu.memory_space<hbm>> -> memref<64x128xf32, #tpu.memory_space<hbm>>
    %dma_wait3A_831 = tpu.memref_slice %arg2[%add3A_808, %mul3A_3] : memref<32768x512xf32, #tpu.memory_space<hbm>> -> memref<64x128xf32, #tpu.memory_space<hbm>>
    tpu.wait_dma2 semaphore(%arg17 : memref<!tpu.dma_semaphore, #tpu.memory_space<semaphore_mem>>) src(%dma_wait3A_831 : memref<64x128xf32, #tpu.memory_space<hbm>>) dst(%arg8 : memref<64x128xf32, #tpu.memory_space<vmem>>)
    %dma_start3A_832 = arith.constant 0 : i32
    %dma_start3A_833 = arith.constant 0 : i32
    %dma_start3A_834 = tpu.memref_slice %arg11[%dma_start3A_832, %dma_start3A_833] : memref<2048x128xf32, #tpu.memory_space<vmem_shared>> -> memref<2048x128xf32, #tpu.memory_space<vmem_shared>>
    tpu.enqueue_indirect_dma source(%arg6 : memref<64x128xf32, #tpu.memory_space<vmem>>) target(%dma_start3A_834 : memref<2048x128xf32, #tpu.memory_space<vmem_shared>>) offsets(%arg9 : memref<64xi32, #tpu.memory_space<vmem>>) semaphore(%arg18 : memref<!tpu.dma_semaphore, #tpu.memory_space<semaphore_mem>>) {add = true}
    %dma_start3A_835 = arith.constant 0 : i32
    %dma_start3A_836 = arith.constant 0 : i32
    %dma_start3A_837 = tpu.memref_slice %arg12[%dma_start3A_835, %dma_start3A_836] : memref<2048x128xf32, #tpu.memory_space<vmem_shared>> -> memref<2048x128xf32, #tpu.memory_space<vmem_shared>>
    tpu.enqueue_indirect_dma source(%arg8 : memref<64x128xf32, #tpu.memory_space<vmem>>) target(%dma_start3A_837 : memref<2048x128xf32, #tpu.memory_space<vmem_shared>>) offsets(%arg9 : memref<64xi32, #tpu.memory_space<vmem>>) semaphore(%arg19 : memref<!tpu.dma_semaphore, #tpu.memory_space<semaphore_mem>>) {add = true}
    %dma_wait3A_838 = arith.constant 0 : i32
    %dma_wait3A_839 = arith.constant 0 : i32
    %dma_wait3A_840 = tpu.memref_slice %arg12[%dma_wait3A_838, %dma_wait3A_839] : memref<2048x128xf32, #tpu.memory_space<vmem_shared>> -> memref<2048x128xf32, #tpu.memory_space<vmem_shared>>
    tpu.wait_indirect_dma semaphore(%arg19 : memref<!tpu.dma_semaphore, #tpu.memory_space<semaphore_mem>>) src(%arg8 : memref<64x128xf32, #tpu.memory_space<vmem>>) dst(%dma_wait3A_840 : memref<2048x128xf32, #tpu.memory_space<vmem_shared>>)
    %mul3A_841 = arith.constant 2048 : i32
    %mul3A_842 = arith.muli %arg1, %mul3A_841 : i32
    %add3A_843 = arith.constant 1472 : i32
    %add3A_844 = arith.addi %mul3A_842, %add3A_843 : i32
    %dma_start3A_845 = tpu.memref_slice %arg2[%add3A_844, %mul3A_3] : memref<32768x512xf32, #tpu.memory_space<hbm>> -> memref<64x128xf32, #tpu.memory_space<hbm>>
    %dma_start3A_846 = tpu.memref_slice %arg2[%add3A_844, %mul3A_3] : memref<32768x512xf32, #tpu.memory_space<hbm>> -> memref<64x128xf32, #tpu.memory_space<hbm>>
    tpu.enqueue_dma source(%dma_start3A_846 : memref<64x128xf32, #tpu.memory_space<hbm>>) target(%arg8 : memref<64x128xf32, #tpu.memory_space<vmem>>) target_semaphore(%arg17 : memref<!tpu.dma_semaphore, #tpu.memory_space<semaphore_mem>>)
    %dma_wait3A_847 = arith.constant 0 : i32
    %dma_wait3A_848 = arith.constant 0 : i32
    %dma_wait3A_849 = tpu.memref_slice %arg11[%dma_wait3A_847, %dma_wait3A_848] : memref<2048x128xf32, #tpu.memory_space<vmem_shared>> -> memref<2048x128xf32, #tpu.memory_space<vmem_shared>>
    tpu.wait_indirect_dma semaphore(%arg18 : memref<!tpu.dma_semaphore, #tpu.memory_space<semaphore_mem>>) src(%arg6 : memref<64x128xf32, #tpu.memory_space<vmem>>) dst(%dma_wait3A_849 : memref<2048x128xf32, #tpu.memory_space<vmem_shared>>)
    %mul3A_850 = arith.constant 2048 : i32
    %mul3A_851 = arith.muli %arg1, %mul3A_850 : i32
    %add3A_852 = arith.constant 1536 : i32
    %add3A_853 = arith.addi %mul3A_851, %add3A_852 : i32
    %dma_start3A_854 = tpu.memref_slice %arg2[%add3A_853, %mul3A_0] : memref<32768x512xf32, #tpu.memory_space<hbm>> -> memref<64x128xf32, #tpu.memory_space<hbm>>
    %dma_start3A_855 = tpu.memref_slice %arg2[%add3A_853, %mul3A_0] : memref<32768x512xf32, #tpu.memory_space<hbm>> -> memref<64x128xf32, #tpu.memory_space<hbm>>
    tpu.enqueue_dma source(%dma_start3A_855 : memref<64x128xf32, #tpu.memory_space<hbm>>) target(%arg6 : memref<64x128xf32, #tpu.memory_space<vmem>>) target_semaphore(%arg13 : memref<!tpu.dma_semaphore, #tpu.memory_space<semaphore_mem>>)
    %mul3A_856 = arith.constant 2048 : i32
    %mul3A_857 = arith.muli %arg1, %mul3A_856 : i32
    %add3A_858 = arith.constant 1536 : i32
    %add3A_859 = arith.addi %mul3A_857, %add3A_858 : i32
    %dma_start3A_860 = tpu.memref_slice %arg3[%add3A_859] : memref<32768xi32, #tpu.memory_space<hbm>> -> memref<64xi32, #tpu.memory_space<hbm>>
    %dma_start3A_861 = tpu.memref_slice %arg3[%add3A_859] : memref<32768xi32, #tpu.memory_space<hbm>> -> memref<64xi32, #tpu.memory_space<hbm>>
    tpu.enqueue_dma source(%dma_start3A_861 : memref<64xi32, #tpu.memory_space<hbm>>) target(%arg9 : memref<64xi32, #tpu.memory_space<vmem>>) target_semaphore(%arg15 : memref<!tpu.dma_semaphore, #tpu.memory_space<semaphore_mem>>)
    %dma_wait3A_862 = tpu.memref_slice %arg2[%add3A_817, %mul3A_0] : memref<32768x512xf32, #tpu.memory_space<hbm>> -> memref<64x128xf32, #tpu.memory_space<hbm>>
    %dma_wait3A_863 = tpu.memref_slice %arg2[%add3A_817, %mul3A_0] : memref<32768x512xf32, #tpu.memory_space<hbm>> -> memref<64x128xf32, #tpu.memory_space<hbm>>
    tpu.wait_dma2 semaphore(%arg14 : memref<!tpu.dma_semaphore, #tpu.memory_space<semaphore_mem>>) src(%dma_wait3A_863 : memref<64x128xf32, #tpu.memory_space<hbm>>) dst(%arg7 : memref<64x128xf32, #tpu.memory_space<vmem>>)
    %dma_wait3A_864 = tpu.memref_slice %arg3[%add3A_823] : memref<32768xi32, #tpu.memory_space<hbm>> -> memref<64xi32, #tpu.memory_space<hbm>>
    %dma_wait3A_865 = tpu.memref_slice %arg3[%add3A_823] : memref<32768xi32, #tpu.memory_space<hbm>> -> memref<64xi32, #tpu.memory_space<hbm>>
    tpu.wait_dma2 semaphore(%arg16 : memref<!tpu.dma_semaphore, #tpu.memory_space<semaphore_mem>>) src(%dma_wait3A_865 : memref<64xi32, #tpu.memory_space<hbm>>) dst(%arg10 : memref<64xi32, #tpu.memory_space<vmem>>)
    %dma_wait3A_866 = tpu.memref_slice %arg2[%add3A_844, %mul3A_3] : memref<32768x512xf32, #tpu.memory_space<hbm>> -> memref<64x128xf32, #tpu.memory_space<hbm>>
    %dma_wait3A_867 = tpu.memref_slice %arg2[%add3A_844, %mul3A_3] : memref<32768x512xf32, #tpu.memory_space<hbm>> -> memref<64x128xf32, #tpu.memory_space<hbm>>
    tpu.wait_dma2 semaphore(%arg17 : memref<!tpu.dma_semaphore, #tpu.memory_space<semaphore_mem>>) src(%dma_wait3A_867 : memref<64x128xf32, #tpu.memory_space<hbm>>) dst(%arg8 : memref<64x128xf32, #tpu.memory_space<vmem>>)
    %dma_start3A_868 = arith.constant 0 : i32
    %dma_start3A_869 = arith.constant 0 : i32
    %dma_start3A_870 = tpu.memref_slice %arg11[%dma_start3A_868, %dma_start3A_869] : memref<2048x128xf32, #tpu.memory_space<vmem_shared>> -> memref<2048x128xf32, #tpu.memory_space<vmem_shared>>
    tpu.enqueue_indirect_dma source(%arg7 : memref<64x128xf32, #tpu.memory_space<vmem>>) target(%dma_start3A_870 : memref<2048x128xf32, #tpu.memory_space<vmem_shared>>) offsets(%arg10 : memref<64xi32, #tpu.memory_space<vmem>>) semaphore(%arg18 : memref<!tpu.dma_semaphore, #tpu.memory_space<semaphore_mem>>) {add = true}
    %dma_start3A_871 = arith.constant 0 : i32
    %dma_start3A_872 = arith.constant 0 : i32
    %dma_start3A_873 = tpu.memref_slice %arg12[%dma_start3A_871, %dma_start3A_872] : memref<2048x128xf32, #tpu.memory_space<vmem_shared>> -> memref<2048x128xf32, #tpu.memory_space<vmem_shared>>
    tpu.enqueue_indirect_dma source(%arg8 : memref<64x128xf32, #tpu.memory_space<vmem>>) target(%dma_start3A_873 : memref<2048x128xf32, #tpu.memory_space<vmem_shared>>) offsets(%arg10 : memref<64xi32, #tpu.memory_space<vmem>>) semaphore(%arg19 : memref<!tpu.dma_semaphore, #tpu.memory_space<semaphore_mem>>) {add = true}
    %dma_wait3A_874 = arith.constant 0 : i32
    %dma_wait3A_875 = arith.constant 0 : i32
    %dma_wait3A_876 = tpu.memref_slice %arg12[%dma_wait3A_874, %dma_wait3A_875] : memref<2048x128xf32, #tpu.memory_space<vmem_shared>> -> memref<2048x128xf32, #tpu.memory_space<vmem_shared>>
    tpu.wait_indirect_dma semaphore(%arg19 : memref<!tpu.dma_semaphore, #tpu.memory_space<semaphore_mem>>) src(%arg8 : memref<64x128xf32, #tpu.memory_space<vmem>>) dst(%dma_wait3A_876 : memref<2048x128xf32, #tpu.memory_space<vmem_shared>>)
    %mul3A_877 = arith.constant 2048 : i32
    %mul3A_878 = arith.muli %arg1, %mul3A_877 : i32
    %add3A_879 = arith.constant 1536 : i32
    %add3A_880 = arith.addi %mul3A_878, %add3A_879 : i32
    %dma_start3A_881 = tpu.memref_slice %arg2[%add3A_880, %mul3A_3] : memref<32768x512xf32, #tpu.memory_space<hbm>> -> memref<64x128xf32, #tpu.memory_space<hbm>>
    %dma_start3A_882 = tpu.memref_slice %arg2[%add3A_880, %mul3A_3] : memref<32768x512xf32, #tpu.memory_space<hbm>> -> memref<64x128xf32, #tpu.memory_space<hbm>>
    tpu.enqueue_dma source(%dma_start3A_882 : memref<64x128xf32, #tpu.memory_space<hbm>>) target(%arg8 : memref<64x128xf32, #tpu.memory_space<vmem>>) target_semaphore(%arg17 : memref<!tpu.dma_semaphore, #tpu.memory_space<semaphore_mem>>)
    %dma_wait3A_883 = arith.constant 0 : i32
    %dma_wait3A_884 = arith.constant 0 : i32
    %dma_wait3A_885 = tpu.memref_slice %arg11[%dma_wait3A_883, %dma_wait3A_884] : memref<2048x128xf32, #tpu.memory_space<vmem_shared>> -> memref<2048x128xf32, #tpu.memory_space<vmem_shared>>
    tpu.wait_indirect_dma semaphore(%arg18 : memref<!tpu.dma_semaphore, #tpu.memory_space<semaphore_mem>>) src(%arg7 : memref<64x128xf32, #tpu.memory_space<vmem>>) dst(%dma_wait3A_885 : memref<2048x128xf32, #tpu.memory_space<vmem_shared>>)
    %mul3A_886 = arith.constant 2048 : i32
    %mul3A_887 = arith.muli %arg1, %mul3A_886 : i32
    %add3A_888 = arith.constant 1600 : i32
    %add3A_889 = arith.addi %mul3A_887, %add3A_888 : i32
    %dma_start3A_890 = tpu.memref_slice %arg2[%add3A_889, %mul3A_0] : memref<32768x512xf32, #tpu.memory_space<hbm>> -> memref<64x128xf32, #tpu.memory_space<hbm>>
    %dma_start3A_891 = tpu.memref_slice %arg2[%add3A_889, %mul3A_0] : memref<32768x512xf32, #tpu.memory_space<hbm>> -> memref<64x128xf32, #tpu.memory_space<hbm>>
    tpu.enqueue_dma source(%dma_start3A_891 : memref<64x128xf32, #tpu.memory_space<hbm>>) target(%arg7 : memref<64x128xf32, #tpu.memory_space<vmem>>) target_semaphore(%arg14 : memref<!tpu.dma_semaphore, #tpu.memory_space<semaphore_mem>>)
    %mul3A_892 = arith.constant 2048 : i32
    %mul3A_893 = arith.muli %arg1, %mul3A_892 : i32
    %add3A_894 = arith.constant 1600 : i32
    %add3A_895 = arith.addi %mul3A_893, %add3A_894 : i32
    %dma_start3A_896 = tpu.memref_slice %arg3[%add3A_895] : memref<32768xi32, #tpu.memory_space<hbm>> -> memref<64xi32, #tpu.memory_space<hbm>>
    %dma_start3A_897 = tpu.memref_slice %arg3[%add3A_895] : memref<32768xi32, #tpu.memory_space<hbm>> -> memref<64xi32, #tpu.memory_space<hbm>>
    tpu.enqueue_dma source(%dma_start3A_897 : memref<64xi32, #tpu.memory_space<hbm>>) target(%arg10 : memref<64xi32, #tpu.memory_space<vmem>>) target_semaphore(%arg16 : memref<!tpu.dma_semaphore, #tpu.memory_space<semaphore_mem>>)
    %dma_wait3A_898 = tpu.memref_slice %arg2[%add3A_853, %mul3A_0] : memref<32768x512xf32, #tpu.memory_space<hbm>> -> memref<64x128xf32, #tpu.memory_space<hbm>>
    %dma_wait3A_899 = tpu.memref_slice %arg2[%add3A_853, %mul3A_0] : memref<32768x512xf32, #tpu.memory_space<hbm>> -> memref<64x128xf32, #tpu.memory_space<hbm>>
    tpu.wait_dma2 semaphore(%arg13 : memref<!tpu.dma_semaphore, #tpu.memory_space<semaphore_mem>>) src(%dma_wait3A_899 : memref<64x128xf32, #tpu.memory_space<hbm>>) dst(%arg6 : memref<64x128xf32, #tpu.memory_space<vmem>>)
    %dma_wait3A_900 = tpu.memref_slice %arg3[%add3A_859] : memref<32768xi32, #tpu.memory_space<hbm>> -> memref<64xi32, #tpu.memory_space<hbm>>
    %dma_wait3A_901 = tpu.memref_slice %arg3[%add3A_859] : memref<32768xi32, #tpu.memory_space<hbm>> -> memref<64xi32, #tpu.memory_space<hbm>>
    tpu.wait_dma2 semaphore(%arg15 : memref<!tpu.dma_semaphore, #tpu.memory_space<semaphore_mem>>) src(%dma_wait3A_901 : memref<64xi32, #tpu.memory_space<hbm>>) dst(%arg9 : memref<64xi32, #tpu.memory_space<vmem>>)
    %dma_wait3A_902 = tpu.memref_slice %arg2[%add3A_880, %mul3A_3] : memref<32768x512xf32, #tpu.memory_space<hbm>> -> memref<64x128xf32, #tpu.memory_space<hbm>>
    %dma_wait3A_903 = tpu.memref_slice %arg2[%add3A_880, %mul3A_3] : memref<32768x512xf32, #tpu.memory_space<hbm>> -> memref<64x128xf32, #tpu.memory_space<hbm>>
    tpu.wait_dma2 semaphore(%arg17 : memref<!tpu.dma_semaphore, #tpu.memory_space<semaphore_mem>>) src(%dma_wait3A_903 : memref<64x128xf32, #tpu.memory_space<hbm>>) dst(%arg8 : memref<64x128xf32, #tpu.memory_space<vmem>>)
    %dma_start3A_904 = arith.constant 0 : i32
    %dma_start3A_905 = arith.constant 0 : i32
    %dma_start3A_906 = tpu.memref_slice %arg11[%dma_start3A_904, %dma_start3A_905] : memref<2048x128xf32, #tpu.memory_space<vmem_shared>> -> memref<2048x128xf32, #tpu.memory_space<vmem_shared>>
    tpu.enqueue_indirect_dma source(%arg6 : memref<64x128xf32, #tpu.memory_space<vmem>>) target(%dma_start3A_906 : memref<2048x128xf32, #tpu.memory_space<vmem_shared>>) offsets(%arg9 : memref<64xi32, #tpu.memory_space<vmem>>) semaphore(%arg18 : memref<!tpu.dma_semaphore, #tpu.memory_space<semaphore_mem>>) {add = true}
    %dma_start3A_907 = arith.constant 0 : i32
    %dma_start3A_908 = arith.constant 0 : i32
    %dma_start3A_909 = tpu.memref_slice %arg12[%dma_start3A_907, %dma_start3A_908] : memref<2048x128xf32, #tpu.memory_space<vmem_shared>> -> memref<2048x128xf32, #tpu.memory_space<vmem_shared>>
    tpu.enqueue_indirect_dma source(%arg8 : memref<64x128xf32, #tpu.memory_space<vmem>>) target(%dma_start3A_909 : memref<2048x128xf32, #tpu.memory_space<vmem_shared>>) offsets(%arg9 : memref<64xi32, #tpu.memory_space<vmem>>) semaphore(%arg19 : memref<!tpu.dma_semaphore, #tpu.memory_space<semaphore_mem>>) {add = true}
    %dma_wait3A_910 = arith.constant 0 : i32
    %dma_wait3A_911 = arith.constant 0 : i32
    %dma_wait3A_912 = tpu.memref_slice %arg12[%dma_wait3A_910, %dma_wait3A_911] : memref<2048x128xf32, #tpu.memory_space<vmem_shared>> -> memref<2048x128xf32, #tpu.memory_space<vmem_shared>>
    tpu.wait_indirect_dma semaphore(%arg19 : memref<!tpu.dma_semaphore, #tpu.memory_space<semaphore_mem>>) src(%arg8 : memref<64x128xf32, #tpu.memory_space<vmem>>) dst(%dma_wait3A_912 : memref<2048x128xf32, #tpu.memory_space<vmem_shared>>)
    %mul3A_913 = arith.constant 2048 : i32
    %mul3A_914 = arith.muli %arg1, %mul3A_913 : i32
    %add3A_915 = arith.constant 1600 : i32
    %add3A_916 = arith.addi %mul3A_914, %add3A_915 : i32
    %dma_start3A_917 = tpu.memref_slice %arg2[%add3A_916, %mul3A_3] : memref<32768x512xf32, #tpu.memory_space<hbm>> -> memref<64x128xf32, #tpu.memory_space<hbm>>
    %dma_start3A_918 = tpu.memref_slice %arg2[%add3A_916, %mul3A_3] : memref<32768x512xf32, #tpu.memory_space<hbm>> -> memref<64x128xf32, #tpu.memory_space<hbm>>
    tpu.enqueue_dma source(%dma_start3A_918 : memref<64x128xf32, #tpu.memory_space<hbm>>) target(%arg8 : memref<64x128xf32, #tpu.memory_space<vmem>>) target_semaphore(%arg17 : memref<!tpu.dma_semaphore, #tpu.memory_space<semaphore_mem>>)
    %dma_wait3A_919 = arith.constant 0 : i32
    %dma_wait3A_920 = arith.constant 0 : i32
    %dma_wait3A_921 = tpu.memref_slice %arg11[%dma_wait3A_919, %dma_wait3A_920] : memref<2048x128xf32, #tpu.memory_space<vmem_shared>> -> memref<2048x128xf32, #tpu.memory_space<vmem_shared>>
    tpu.wait_indirect_dma semaphore(%arg18 : memref<!tpu.dma_semaphore, #tpu.memory_space<semaphore_mem>>) src(%arg6 : memref<64x128xf32, #tpu.memory_space<vmem>>) dst(%dma_wait3A_921 : memref<2048x128xf32, #tpu.memory_space<vmem_shared>>)
    %mul3A_922 = arith.constant 2048 : i32
    %mul3A_923 = arith.muli %arg1, %mul3A_922 : i32
    %add3A_924 = arith.constant 1664 : i32
    %add3A_925 = arith.addi %mul3A_923, %add3A_924 : i32
    %dma_start3A_926 = tpu.memref_slice %arg2[%add3A_925, %mul3A_0] : memref<32768x512xf32, #tpu.memory_space<hbm>> -> memref<64x128xf32, #tpu.memory_space<hbm>>
    %dma_start3A_927 = tpu.memref_slice %arg2[%add3A_925, %mul3A_0] : memref<32768x512xf32, #tpu.memory_space<hbm>> -> memref<64x128xf32, #tpu.memory_space<hbm>>
    tpu.enqueue_dma source(%dma_start3A_927 : memref<64x128xf32, #tpu.memory_space<hbm>>) target(%arg6 : memref<64x128xf32, #tpu.memory_space<vmem>>) target_semaphore(%arg13 : memref<!tpu.dma_semaphore, #tpu.memory_space<semaphore_mem>>)
    %mul3A_928 = arith.constant 2048 : i32
    %mul3A_929 = arith.muli %arg1, %mul3A_928 : i32
    %add3A_930 = arith.constant 1664 : i32
    %add3A_931 = arith.addi %mul3A_929, %add3A_930 : i32
    %dma_start3A_932 = tpu.memref_slice %arg3[%add3A_931] : memref<32768xi32, #tpu.memory_space<hbm>> -> memref<64xi32, #tpu.memory_space<hbm>>
    %dma_start3A_933 = tpu.memref_slice %arg3[%add3A_931] : memref<32768xi32, #tpu.memory_space<hbm>> -> memref<64xi32, #tpu.memory_space<hbm>>
    tpu.enqueue_dma source(%dma_start3A_933 : memref<64xi32, #tpu.memory_space<hbm>>) target(%arg9 : memref<64xi32, #tpu.memory_space<vmem>>) target_semaphore(%arg15 : memref<!tpu.dma_semaphore, #tpu.memory_space<semaphore_mem>>)
    %dma_wait3A_934 = tpu.memref_slice %arg2[%add3A_889, %mul3A_0] : memref<32768x512xf32, #tpu.memory_space<hbm>> -> memref<64x128xf32, #tpu.memory_space<hbm>>
    %dma_wait3A_935 = tpu.memref_slice %arg2[%add3A_889, %mul3A_0] : memref<32768x512xf32, #tpu.memory_space<hbm>> -> memref<64x128xf32, #tpu.memory_space<hbm>>
    tpu.wait_dma2 semaphore(%arg14 : memref<!tpu.dma_semaphore, #tpu.memory_space<semaphore_mem>>) src(%dma_wait3A_935 : memref<64x128xf32, #tpu.memory_space<hbm>>) dst(%arg7 : memref<64x128xf32, #tpu.memory_space<vmem>>)
    %dma_wait3A_936 = tpu.memref_slice %arg3[%add3A_895] : memref<32768xi32, #tpu.memory_space<hbm>> -> memref<64xi32, #tpu.memory_space<hbm>>
    %dma_wait3A_937 = tpu.memref_slice %arg3[%add3A_895] : memref<32768xi32, #tpu.memory_space<hbm>> -> memref<64xi32, #tpu.memory_space<hbm>>
    tpu.wait_dma2 semaphore(%arg16 : memref<!tpu.dma_semaphore, #tpu.memory_space<semaphore_mem>>) src(%dma_wait3A_937 : memref<64xi32, #tpu.memory_space<hbm>>) dst(%arg10 : memref<64xi32, #tpu.memory_space<vmem>>)
    %dma_wait3A_938 = tpu.memref_slice %arg2[%add3A_916, %mul3A_3] : memref<32768x512xf32, #tpu.memory_space<hbm>> -> memref<64x128xf32, #tpu.memory_space<hbm>>
    %dma_wait3A_939 = tpu.memref_slice %arg2[%add3A_916, %mul3A_3] : memref<32768x512xf32, #tpu.memory_space<hbm>> -> memref<64x128xf32, #tpu.memory_space<hbm>>
    tpu.wait_dma2 semaphore(%arg17 : memref<!tpu.dma_semaphore, #tpu.memory_space<semaphore_mem>>) src(%dma_wait3A_939 : memref<64x128xf32, #tpu.memory_space<hbm>>) dst(%arg8 : memref<64x128xf32, #tpu.memory_space<vmem>>)
    %dma_start3A_940 = arith.constant 0 : i32
    %dma_start3A_941 = arith.constant 0 : i32
    %dma_start3A_942 = tpu.memref_slice %arg11[%dma_start3A_940, %dma_start3A_941] : memref<2048x128xf32, #tpu.memory_space<vmem_shared>> -> memref<2048x128xf32, #tpu.memory_space<vmem_shared>>
    tpu.enqueue_indirect_dma source(%arg7 : memref<64x128xf32, #tpu.memory_space<vmem>>) target(%dma_start3A_942 : memref<2048x128xf32, #tpu.memory_space<vmem_shared>>) offsets(%arg10 : memref<64xi32, #tpu.memory_space<vmem>>) semaphore(%arg18 : memref<!tpu.dma_semaphore, #tpu.memory_space<semaphore_mem>>) {add = true}
    %dma_start3A_943 = arith.constant 0 : i32
    %dma_start3A_944 = arith.constant 0 : i32
    %dma_start3A_945 = tpu.memref_slice %arg12[%dma_start3A_943, %dma_start3A_944] : memref<2048x128xf32, #tpu.memory_space<vmem_shared>> -> memref<2048x128xf32, #tpu.memory_space<vmem_shared>>
    tpu.enqueue_indirect_dma source(%arg8 : memref<64x128xf32, #tpu.memory_space<vmem>>) target(%dma_start3A_945 : memref<2048x128xf32, #tpu.memory_space<vmem_shared>>) offsets(%arg10 : memref<64xi32, #tpu.memory_space<vmem>>) semaphore(%arg19 : memref<!tpu.dma_semaphore, #tpu.memory_space<semaphore_mem>>) {add = true}
    %dma_wait3A_946 = arith.constant 0 : i32
    %dma_wait3A_947 = arith.constant 0 : i32
    %dma_wait3A_948 = tpu.memref_slice %arg12[%dma_wait3A_946, %dma_wait3A_947] : memref<2048x128xf32, #tpu.memory_space<vmem_shared>> -> memref<2048x128xf32, #tpu.memory_space<vmem_shared>>
    tpu.wait_indirect_dma semaphore(%arg19 : memref<!tpu.dma_semaphore, #tpu.memory_space<semaphore_mem>>) src(%arg8 : memref<64x128xf32, #tpu.memory_space<vmem>>) dst(%dma_wait3A_948 : memref<2048x128xf32, #tpu.memory_space<vmem_shared>>)
    %mul3A_949 = arith.constant 2048 : i32
    %mul3A_950 = arith.muli %arg1, %mul3A_949 : i32
    %add3A_951 = arith.constant 1664 : i32
    %add3A_952 = arith.addi %mul3A_950, %add3A_951 : i32
    %dma_start3A_953 = tpu.memref_slice %arg2[%add3A_952, %mul3A_3] : memref<32768x512xf32, #tpu.memory_space<hbm>> -> memref<64x128xf32, #tpu.memory_space<hbm>>
    %dma_start3A_954 = tpu.memref_slice %arg2[%add3A_952, %mul3A_3] : memref<32768x512xf32, #tpu.memory_space<hbm>> -> memref<64x128xf32, #tpu.memory_space<hbm>>
    tpu.enqueue_dma source(%dma_start3A_954 : memref<64x128xf32, #tpu.memory_space<hbm>>) target(%arg8 : memref<64x128xf32, #tpu.memory_space<vmem>>) target_semaphore(%arg17 : memref<!tpu.dma_semaphore, #tpu.memory_space<semaphore_mem>>)
    %dma_wait3A_955 = arith.constant 0 : i32
    %dma_wait3A_956 = arith.constant 0 : i32
    %dma_wait3A_957 = tpu.memref_slice %arg11[%dma_wait3A_955, %dma_wait3A_956] : memref<2048x128xf32, #tpu.memory_space<vmem_shared>> -> memref<2048x128xf32, #tpu.memory_space<vmem_shared>>
    tpu.wait_indirect_dma semaphore(%arg18 : memref<!tpu.dma_semaphore, #tpu.memory_space<semaphore_mem>>) src(%arg7 : memref<64x128xf32, #tpu.memory_space<vmem>>) dst(%dma_wait3A_957 : memref<2048x128xf32, #tpu.memory_space<vmem_shared>>)
    %mul3A_958 = arith.constant 2048 : i32
    %mul3A_959 = arith.muli %arg1, %mul3A_958 : i32
    %add3A_960 = arith.constant 1728 : i32
    %add3A_961 = arith.addi %mul3A_959, %add3A_960 : i32
    %dma_start3A_962 = tpu.memref_slice %arg2[%add3A_961, %mul3A_0] : memref<32768x512xf32, #tpu.memory_space<hbm>> -> memref<64x128xf32, #tpu.memory_space<hbm>>
    %dma_start3A_963 = tpu.memref_slice %arg2[%add3A_961, %mul3A_0] : memref<32768x512xf32, #tpu.memory_space<hbm>> -> memref<64x128xf32, #tpu.memory_space<hbm>>
    tpu.enqueue_dma source(%dma_start3A_963 : memref<64x128xf32, #tpu.memory_space<hbm>>) target(%arg7 : memref<64x128xf32, #tpu.memory_space<vmem>>) target_semaphore(%arg14 : memref<!tpu.dma_semaphore, #tpu.memory_space<semaphore_mem>>)
    %mul3A_964 = arith.constant 2048 : i32
    %mul3A_965 = arith.muli %arg1, %mul3A_964 : i32
    %add3A_966 = arith.constant 1728 : i32
    %add3A_967 = arith.addi %mul3A_965, %add3A_966 : i32
    %dma_start3A_968 = tpu.memref_slice %arg3[%add3A_967] : memref<32768xi32, #tpu.memory_space<hbm>> -> memref<64xi32, #tpu.memory_space<hbm>>
    %dma_start3A_969 = tpu.memref_slice %arg3[%add3A_967] : memref<32768xi32, #tpu.memory_space<hbm>> -> memref<64xi32, #tpu.memory_space<hbm>>
    tpu.enqueue_dma source(%dma_start3A_969 : memref<64xi32, #tpu.memory_space<hbm>>) target(%arg10 : memref<64xi32, #tpu.memory_space<vmem>>) target_semaphore(%arg16 : memref<!tpu.dma_semaphore, #tpu.memory_space<semaphore_mem>>)
    %dma_wait3A_970 = tpu.memref_slice %arg2[%add3A_925, %mul3A_0] : memref<32768x512xf32, #tpu.memory_space<hbm>> -> memref<64x128xf32, #tpu.memory_space<hbm>>
    %dma_wait3A_971 = tpu.memref_slice %arg2[%add3A_925, %mul3A_0] : memref<32768x512xf32, #tpu.memory_space<hbm>> -> memref<64x128xf32, #tpu.memory_space<hbm>>
    tpu.wait_dma2 semaphore(%arg13 : memref<!tpu.dma_semaphore, #tpu.memory_space<semaphore_mem>>) src(%dma_wait3A_971 : memref<64x128xf32, #tpu.memory_space<hbm>>) dst(%arg6 : memref<64x128xf32, #tpu.memory_space<vmem>>)
    %dma_wait3A_972 = tpu.memref_slice %arg3[%add3A_931] : memref<32768xi32, #tpu.memory_space<hbm>> -> memref<64xi32, #tpu.memory_space<hbm>>
    %dma_wait3A_973 = tpu.memref_slice %arg3[%add3A_931] : memref<32768xi32, #tpu.memory_space<hbm>> -> memref<64xi32, #tpu.memory_space<hbm>>
    tpu.wait_dma2 semaphore(%arg15 : memref<!tpu.dma_semaphore, #tpu.memory_space<semaphore_mem>>) src(%dma_wait3A_973 : memref<64xi32, #tpu.memory_space<hbm>>) dst(%arg9 : memref<64xi32, #tpu.memory_space<vmem>>)
    %dma_wait3A_974 = tpu.memref_slice %arg2[%add3A_952, %mul3A_3] : memref<32768x512xf32, #tpu.memory_space<hbm>> -> memref<64x128xf32, #tpu.memory_space<hbm>>
    %dma_wait3A_975 = tpu.memref_slice %arg2[%add3A_952, %mul3A_3] : memref<32768x512xf32, #tpu.memory_space<hbm>> -> memref<64x128xf32, #tpu.memory_space<hbm>>
    tpu.wait_dma2 semaphore(%arg17 : memref<!tpu.dma_semaphore, #tpu.memory_space<semaphore_mem>>) src(%dma_wait3A_975 : memref<64x128xf32, #tpu.memory_space<hbm>>) dst(%arg8 : memref<64x128xf32, #tpu.memory_space<vmem>>)
    %dma_start3A_976 = arith.constant 0 : i32
    %dma_start3A_977 = arith.constant 0 : i32
    %dma_start3A_978 = tpu.memref_slice %arg11[%dma_start3A_976, %dma_start3A_977] : memref<2048x128xf32, #tpu.memory_space<vmem_shared>> -> memref<2048x128xf32, #tpu.memory_space<vmem_shared>>
    tpu.enqueue_indirect_dma source(%arg6 : memref<64x128xf32, #tpu.memory_space<vmem>>) target(%dma_start3A_978 : memref<2048x128xf32, #tpu.memory_space<vmem_shared>>) offsets(%arg9 : memref<64xi32, #tpu.memory_space<vmem>>) semaphore(%arg18 : memref<!tpu.dma_semaphore, #tpu.memory_space<semaphore_mem>>) {add = true}
    %dma_start3A_979 = arith.constant 0 : i32
    %dma_start3A_980 = arith.constant 0 : i32
    %dma_start3A_981 = tpu.memref_slice %arg12[%dma_start3A_979, %dma_start3A_980] : memref<2048x128xf32, #tpu.memory_space<vmem_shared>> -> memref<2048x128xf32, #tpu.memory_space<vmem_shared>>
    tpu.enqueue_indirect_dma source(%arg8 : memref<64x128xf32, #tpu.memory_space<vmem>>) target(%dma_start3A_981 : memref<2048x128xf32, #tpu.memory_space<vmem_shared>>) offsets(%arg9 : memref<64xi32, #tpu.memory_space<vmem>>) semaphore(%arg19 : memref<!tpu.dma_semaphore, #tpu.memory_space<semaphore_mem>>) {add = true}
    %dma_wait3A_982 = arith.constant 0 : i32
    %dma_wait3A_983 = arith.constant 0 : i32
    %dma_wait3A_984 = tpu.memref_slice %arg12[%dma_wait3A_982, %dma_wait3A_983] : memref<2048x128xf32, #tpu.memory_space<vmem_shared>> -> memref<2048x128xf32, #tpu.memory_space<vmem_shared>>
    tpu.wait_indirect_dma semaphore(%arg19 : memref<!tpu.dma_semaphore, #tpu.memory_space<semaphore_mem>>) src(%arg8 : memref<64x128xf32, #tpu.memory_space<vmem>>) dst(%dma_wait3A_984 : memref<2048x128xf32, #tpu.memory_space<vmem_shared>>)
    %mul3A_985 = arith.constant 2048 : i32
    %mul3A_986 = arith.muli %arg1, %mul3A_985 : i32
    %add3A_987 = arith.constant 1728 : i32
    %add3A_988 = arith.addi %mul3A_986, %add3A_987 : i32
    %dma_start3A_989 = tpu.memref_slice %arg2[%add3A_988, %mul3A_3] : memref<32768x512xf32, #tpu.memory_space<hbm>> -> memref<64x128xf32, #tpu.memory_space<hbm>>
    %dma_start3A_990 = tpu.memref_slice %arg2[%add3A_988, %mul3A_3] : memref<32768x512xf32, #tpu.memory_space<hbm>> -> memref<64x128xf32, #tpu.memory_space<hbm>>
    tpu.enqueue_dma source(%dma_start3A_990 : memref<64x128xf32, #tpu.memory_space<hbm>>) target(%arg8 : memref<64x128xf32, #tpu.memory_space<vmem>>) target_semaphore(%arg17 : memref<!tpu.dma_semaphore, #tpu.memory_space<semaphore_mem>>)
    %dma_wait3A_991 = arith.constant 0 : i32
    %dma_wait3A_992 = arith.constant 0 : i32
    %dma_wait3A_993 = tpu.memref_slice %arg11[%dma_wait3A_991, %dma_wait3A_992] : memref<2048x128xf32, #tpu.memory_space<vmem_shared>> -> memref<2048x128xf32, #tpu.memory_space<vmem_shared>>
    tpu.wait_indirect_dma semaphore(%arg18 : memref<!tpu.dma_semaphore, #tpu.memory_space<semaphore_mem>>) src(%arg6 : memref<64x128xf32, #tpu.memory_space<vmem>>) dst(%dma_wait3A_993 : memref<2048x128xf32, #tpu.memory_space<vmem_shared>>)
    %mul3A_994 = arith.constant 2048 : i32
    %mul3A_995 = arith.muli %arg1, %mul3A_994 : i32
    %add3A_996 = arith.constant 1792 : i32
    %add3A_997 = arith.addi %mul3A_995, %add3A_996 : i32
    %dma_start3A_998 = tpu.memref_slice %arg2[%add3A_997, %mul3A_0] : memref<32768x512xf32, #tpu.memory_space<hbm>> -> memref<64x128xf32, #tpu.memory_space<hbm>>
    %dma_start3A_999 = tpu.memref_slice %arg2[%add3A_997, %mul3A_0] : memref<32768x512xf32, #tpu.memory_space<hbm>> -> memref<64x128xf32, #tpu.memory_space<hbm>>
    tpu.enqueue_dma source(%dma_start3A_999 : memref<64x128xf32, #tpu.memory_space<hbm>>) target(%arg6 : memref<64x128xf32, #tpu.memory_space<vmem>>) target_semaphore(%arg13 : memref<!tpu.dma_semaphore, #tpu.memory_space<semaphore_mem>>)
    %mul3A_1000 = arith.constant 2048 : i32
    %mul3A_1001 = arith.muli %arg1, %mul3A_1000 : i32
    %add3A_1002 = arith.constant 1792 : i32
    %add3A_1003 = arith.addi %mul3A_1001, %add3A_1002 : i32
    %dma_start3A_1004 = tpu.memref_slice %arg3[%add3A_1003] : memref<32768xi32, #tpu.memory_space<hbm>> -> memref<64xi32, #tpu.memory_space<hbm>>
    %dma_start3A_1005 = tpu.memref_slice %arg3[%add3A_1003] : memref<32768xi32, #tpu.memory_space<hbm>> -> memref<64xi32, #tpu.memory_space<hbm>>
    tpu.enqueue_dma source(%dma_start3A_1005 : memref<64xi32, #tpu.memory_space<hbm>>) target(%arg9 : memref<64xi32, #tpu.memory_space<vmem>>) target_semaphore(%arg15 : memref<!tpu.dma_semaphore, #tpu.memory_space<semaphore_mem>>)
    %dma_wait3A_1006 = tpu.memref_slice %arg2[%add3A_961, %mul3A_0] : memref<32768x512xf32, #tpu.memory_space<hbm>> -> memref<64x128xf32, #tpu.memory_space<hbm>>
    %dma_wait3A_1007 = tpu.memref_slice %arg2[%add3A_961, %mul3A_0] : memref<32768x512xf32, #tpu.memory_space<hbm>> -> memref<64x128xf32, #tpu.memory_space<hbm>>
    tpu.wait_dma2 semaphore(%arg14 : memref<!tpu.dma_semaphore, #tpu.memory_space<semaphore_mem>>) src(%dma_wait3A_1007 : memref<64x128xf32, #tpu.memory_space<hbm>>) dst(%arg7 : memref<64x128xf32, #tpu.memory_space<vmem>>)
    %dma_wait3A_1008 = tpu.memref_slice %arg3[%add3A_967] : memref<32768xi32, #tpu.memory_space<hbm>> -> memref<64xi32, #tpu.memory_space<hbm>>
    %dma_wait3A_1009 = tpu.memref_slice %arg3[%add3A_967] : memref<32768xi32, #tpu.memory_space<hbm>> -> memref<64xi32, #tpu.memory_space<hbm>>
    tpu.wait_dma2 semaphore(%arg16 : memref<!tpu.dma_semaphore, #tpu.memory_space<semaphore_mem>>) src(%dma_wait3A_1009 : memref<64xi32, #tpu.memory_space<hbm>>) dst(%arg10 : memref<64xi32, #tpu.memory_space<vmem>>)
    %dma_wait3A_1010 = tpu.memref_slice %arg2[%add3A_988, %mul3A_3] : memref<32768x512xf32, #tpu.memory_space<hbm>> -> memref<64x128xf32, #tpu.memory_space<hbm>>
    %dma_wait3A_1011 = tpu.memref_slice %arg2[%add3A_988, %mul3A_3] : memref<32768x512xf32, #tpu.memory_space<hbm>> -> memref<64x128xf32, #tpu.memory_space<hbm>>
    tpu.wait_dma2 semaphore(%arg17 : memref<!tpu.dma_semaphore, #tpu.memory_space<semaphore_mem>>) src(%dma_wait3A_1011 : memref<64x128xf32, #tpu.memory_space<hbm>>) dst(%arg8 : memref<64x128xf32, #tpu.memory_space<vmem>>)
    %dma_start3A_1012 = arith.constant 0 : i32
    %dma_start3A_1013 = arith.constant 0 : i32
    %dma_start3A_1014 = tpu.memref_slice %arg11[%dma_start3A_1012, %dma_start3A_1013] : memref<2048x128xf32, #tpu.memory_space<vmem_shared>> -> memref<2048x128xf32, #tpu.memory_space<vmem_shared>>
    tpu.enqueue_indirect_dma source(%arg7 : memref<64x128xf32, #tpu.memory_space<vmem>>) target(%dma_start3A_1014 : memref<2048x128xf32, #tpu.memory_space<vmem_shared>>) offsets(%arg10 : memref<64xi32, #tpu.memory_space<vmem>>) semaphore(%arg18 : memref<!tpu.dma_semaphore, #tpu.memory_space<semaphore_mem>>) {add = true}
    %dma_start3A_1015 = arith.constant 0 : i32
    %dma_start3A_1016 = arith.constant 0 : i32
    %dma_start3A_1017 = tpu.memref_slice %arg12[%dma_start3A_1015, %dma_start3A_1016] : memref<2048x128xf32, #tpu.memory_space<vmem_shared>> -> memref<2048x128xf32, #tpu.memory_space<vmem_shared>>
    tpu.enqueue_indirect_dma source(%arg8 : memref<64x128xf32, #tpu.memory_space<vmem>>) target(%dma_start3A_1017 : memref<2048x128xf32, #tpu.memory_space<vmem_shared>>) offsets(%arg10 : memref<64xi32, #tpu.memory_space<vmem>>) semaphore(%arg19 : memref<!tpu.dma_semaphore, #tpu.memory_space<semaphore_mem>>) {add = true}
    %dma_wait3A_1018 = arith.constant 0 : i32
    %dma_wait3A_1019 = arith.constant 0 : i32
    %dma_wait3A_1020 = tpu.memref_slice %arg12[%dma_wait3A_1018, %dma_wait3A_1019] : memref<2048x128xf32, #tpu.memory_space<vmem_shared>> -> memref<2048x128xf32, #tpu.memory_space<vmem_shared>>
    tpu.wait_indirect_dma semaphore(%arg19 : memref<!tpu.dma_semaphore, #tpu.memory_space<semaphore_mem>>) src(%arg8 : memref<64x128xf32, #tpu.memory_space<vmem>>) dst(%dma_wait3A_1020 : memref<2048x128xf32, #tpu.memory_space<vmem_shared>>)
    %mul3A_1021 = arith.constant 2048 : i32
    %mul3A_1022 = arith.muli %arg1, %mul3A_1021 : i32
    %add3A_1023 = arith.constant 1792 : i32
    %add3A_1024 = arith.addi %mul3A_1022, %add3A_1023 : i32
    %dma_start3A_1025 = tpu.memref_slice %arg2[%add3A_1024, %mul3A_3] : memref<32768x512xf32, #tpu.memory_space<hbm>> -> memref<64x128xf32, #tpu.memory_space<hbm>>
    %dma_start3A_1026 = tpu.memref_slice %arg2[%add3A_1024, %mul3A_3] : memref<32768x512xf32, #tpu.memory_space<hbm>> -> memref<64x128xf32, #tpu.memory_space<hbm>>
    tpu.enqueue_dma source(%dma_start3A_1026 : memref<64x128xf32, #tpu.memory_space<hbm>>) target(%arg8 : memref<64x128xf32, #tpu.memory_space<vmem>>) target_semaphore(%arg17 : memref<!tpu.dma_semaphore, #tpu.memory_space<semaphore_mem>>)
    %dma_wait3A_1027 = arith.constant 0 : i32
    %dma_wait3A_1028 = arith.constant 0 : i32
    %dma_wait3A_1029 = tpu.memref_slice %arg11[%dma_wait3A_1027, %dma_wait3A_1028] : memref<2048x128xf32, #tpu.memory_space<vmem_shared>> -> memref<2048x128xf32, #tpu.memory_space<vmem_shared>>
    tpu.wait_indirect_dma semaphore(%arg18 : memref<!tpu.dma_semaphore, #tpu.memory_space<semaphore_mem>>) src(%arg7 : memref<64x128xf32, #tpu.memory_space<vmem>>) dst(%dma_wait3A_1029 : memref<2048x128xf32, #tpu.memory_space<vmem_shared>>)
    %mul3A_1030 = arith.constant 2048 : i32
    %mul3A_1031 = arith.muli %arg1, %mul3A_1030 : i32
    %add3A_1032 = arith.constant 1856 : i32
    %add3A_1033 = arith.addi %mul3A_1031, %add3A_1032 : i32
    %dma_start3A_1034 = tpu.memref_slice %arg2[%add3A_1033, %mul3A_0] : memref<32768x512xf32, #tpu.memory_space<hbm>> -> memref<64x128xf32, #tpu.memory_space<hbm>>
    %dma_start3A_1035 = tpu.memref_slice %arg2[%add3A_1033, %mul3A_0] : memref<32768x512xf32, #tpu.memory_space<hbm>> -> memref<64x128xf32, #tpu.memory_space<hbm>>
    tpu.enqueue_dma source(%dma_start3A_1035 : memref<64x128xf32, #tpu.memory_space<hbm>>) target(%arg7 : memref<64x128xf32, #tpu.memory_space<vmem>>) target_semaphore(%arg14 : memref<!tpu.dma_semaphore, #tpu.memory_space<semaphore_mem>>)
    %mul3A_1036 = arith.constant 2048 : i32
    %mul3A_1037 = arith.muli %arg1, %mul3A_1036 : i32
    %add3A_1038 = arith.constant 1856 : i32
    %add3A_1039 = arith.addi %mul3A_1037, %add3A_1038 : i32
    %dma_start3A_1040 = tpu.memref_slice %arg3[%add3A_1039] : memref<32768xi32, #tpu.memory_space<hbm>> -> memref<64xi32, #tpu.memory_space<hbm>>
    %dma_start3A_1041 = tpu.memref_slice %arg3[%add3A_1039] : memref<32768xi32, #tpu.memory_space<hbm>> -> memref<64xi32, #tpu.memory_space<hbm>>
    tpu.enqueue_dma source(%dma_start3A_1041 : memref<64xi32, #tpu.memory_space<hbm>>) target(%arg10 : memref<64xi32, #tpu.memory_space<vmem>>) target_semaphore(%arg16 : memref<!tpu.dma_semaphore, #tpu.memory_space<semaphore_mem>>)
    %dma_wait3A_1042 = tpu.memref_slice %arg2[%add3A_997, %mul3A_0] : memref<32768x512xf32, #tpu.memory_space<hbm>> -> memref<64x128xf32, #tpu.memory_space<hbm>>
    %dma_wait3A_1043 = tpu.memref_slice %arg2[%add3A_997, %mul3A_0] : memref<32768x512xf32, #tpu.memory_space<hbm>> -> memref<64x128xf32, #tpu.memory_space<hbm>>
    tpu.wait_dma2 semaphore(%arg13 : memref<!tpu.dma_semaphore, #tpu.memory_space<semaphore_mem>>) src(%dma_wait3A_1043 : memref<64x128xf32, #tpu.memory_space<hbm>>) dst(%arg6 : memref<64x128xf32, #tpu.memory_space<vmem>>)
    %dma_wait3A_1044 = tpu.memref_slice %arg3[%add3A_1003] : memref<32768xi32, #tpu.memory_space<hbm>> -> memref<64xi32, #tpu.memory_space<hbm>>
    %dma_wait3A_1045 = tpu.memref_slice %arg3[%add3A_1003] : memref<32768xi32, #tpu.memory_space<hbm>> -> memref<64xi32, #tpu.memory_space<hbm>>
    tpu.wait_dma2 semaphore(%arg15 : memref<!tpu.dma_semaphore, #tpu.memory_space<semaphore_mem>>) src(%dma_wait3A_1045 : memref<64xi32, #tpu.memory_space<hbm>>) dst(%arg9 : memref<64xi32, #tpu.memory_space<vmem>>)
    %dma_wait3A_1046 = tpu.memref_slice %arg2[%add3A_1024, %mul3A_3] : memref<32768x512xf32, #tpu.memory_space<hbm>> -> memref<64x128xf32, #tpu.memory_space<hbm>>
    %dma_wait3A_1047 = tpu.memref_slice %arg2[%add3A_1024, %mul3A_3] : memref<32768x512xf32, #tpu.memory_space<hbm>> -> memref<64x128xf32, #tpu.memory_space<hbm>>
    tpu.wait_dma2 semaphore(%arg17 : memref<!tpu.dma_semaphore, #tpu.memory_space<semaphore_mem>>) src(%dma_wait3A_1047 : memref<64x128xf32, #tpu.memory_space<hbm>>) dst(%arg8 : memref<64x128xf32, #tpu.memory_space<vmem>>)
    %dma_start3A_1048 = arith.constant 0 : i32
    %dma_start3A_1049 = arith.constant 0 : i32
    %dma_start3A_1050 = tpu.memref_slice %arg11[%dma_start3A_1048, %dma_start3A_1049] : memref<2048x128xf32, #tpu.memory_space<vmem_shared>> -> memref<2048x128xf32, #tpu.memory_space<vmem_shared>>
    tpu.enqueue_indirect_dma source(%arg6 : memref<64x128xf32, #tpu.memory_space<vmem>>) target(%dma_start3A_1050 : memref<2048x128xf32, #tpu.memory_space<vmem_shared>>) offsets(%arg9 : memref<64xi32, #tpu.memory_space<vmem>>) semaphore(%arg18 : memref<!tpu.dma_semaphore, #tpu.memory_space<semaphore_mem>>) {add = true}
    %dma_start3A_1051 = arith.constant 0 : i32
    %dma_start3A_1052 = arith.constant 0 : i32
    %dma_start3A_1053 = tpu.memref_slice %arg12[%dma_start3A_1051, %dma_start3A_1052] : memref<2048x128xf32, #tpu.memory_space<vmem_shared>> -> memref<2048x128xf32, #tpu.memory_space<vmem_shared>>
    tpu.enqueue_indirect_dma source(%arg8 : memref<64x128xf32, #tpu.memory_space<vmem>>) target(%dma_start3A_1053 : memref<2048x128xf32, #tpu.memory_space<vmem_shared>>) offsets(%arg9 : memref<64xi32, #tpu.memory_space<vmem>>) semaphore(%arg19 : memref<!tpu.dma_semaphore, #tpu.memory_space<semaphore_mem>>) {add = true}
    %dma_wait3A_1054 = arith.constant 0 : i32
    %dma_wait3A_1055 = arith.constant 0 : i32
    %dma_wait3A_1056 = tpu.memref_slice %arg12[%dma_wait3A_1054, %dma_wait3A_1055] : memref<2048x128xf32, #tpu.memory_space<vmem_shared>> -> memref<2048x128xf32, #tpu.memory_space<vmem_shared>>
    tpu.wait_indirect_dma semaphore(%arg19 : memref<!tpu.dma_semaphore, #tpu.memory_space<semaphore_mem>>) src(%arg8 : memref<64x128xf32, #tpu.memory_space<vmem>>) dst(%dma_wait3A_1056 : memref<2048x128xf32, #tpu.memory_space<vmem_shared>>)
    %mul3A_1057 = arith.constant 2048 : i32
    %mul3A_1058 = arith.muli %arg1, %mul3A_1057 : i32
    %add3A_1059 = arith.constant 1856 : i32
    %add3A_1060 = arith.addi %mul3A_1058, %add3A_1059 : i32
    %dma_start3A_1061 = tpu.memref_slice %arg2[%add3A_1060, %mul3A_3] : memref<32768x512xf32, #tpu.memory_space<hbm>> -> memref<64x128xf32, #tpu.memory_space<hbm>>
    %dma_start3A_1062 = tpu.memref_slice %arg2[%add3A_1060, %mul3A_3] : memref<32768x512xf32, #tpu.memory_space<hbm>> -> memref<64x128xf32, #tpu.memory_space<hbm>>
    tpu.enqueue_dma source(%dma_start3A_1062 : memref<64x128xf32, #tpu.memory_space<hbm>>) target(%arg8 : memref<64x128xf32, #tpu.memory_space<vmem>>) target_semaphore(%arg17 : memref<!tpu.dma_semaphore, #tpu.memory_space<semaphore_mem>>)
    %dma_wait3A_1063 = arith.constant 0 : i32
    %dma_wait3A_1064 = arith.constant 0 : i32
    %dma_wait3A_1065 = tpu.memref_slice %arg11[%dma_wait3A_1063, %dma_wait3A_1064] : memref<2048x128xf32, #tpu.memory_space<vmem_shared>> -> memref<2048x128xf32, #tpu.memory_space<vmem_shared>>
    tpu.wait_indirect_dma semaphore(%arg18 : memref<!tpu.dma_semaphore, #tpu.memory_space<semaphore_mem>>) src(%arg6 : memref<64x128xf32, #tpu.memory_space<vmem>>) dst(%dma_wait3A_1065 : memref<2048x128xf32, #tpu.memory_space<vmem_shared>>)
    %mul3A_1066 = arith.constant 2048 : i32
    %mul3A_1067 = arith.muli %arg1, %mul3A_1066 : i32
    %add3A_1068 = arith.constant 1920 : i32
    %add3A_1069 = arith.addi %mul3A_1067, %add3A_1068 : i32
    %dma_start3A_1070 = tpu.memref_slice %arg2[%add3A_1069, %mul3A_0] : memref<32768x512xf32, #tpu.memory_space<hbm>> -> memref<64x128xf32, #tpu.memory_space<hbm>>
    %dma_start3A_1071 = tpu.memref_slice %arg2[%add3A_1069, %mul3A_0] : memref<32768x512xf32, #tpu.memory_space<hbm>> -> memref<64x128xf32, #tpu.memory_space<hbm>>
    tpu.enqueue_dma source(%dma_start3A_1071 : memref<64x128xf32, #tpu.memory_space<hbm>>) target(%arg6 : memref<64x128xf32, #tpu.memory_space<vmem>>) target_semaphore(%arg13 : memref<!tpu.dma_semaphore, #tpu.memory_space<semaphore_mem>>)
    %mul3A_1072 = arith.constant 2048 : i32
    %mul3A_1073 = arith.muli %arg1, %mul3A_1072 : i32
    %add3A_1074 = arith.constant 1920 : i32
    %add3A_1075 = arith.addi %mul3A_1073, %add3A_1074 : i32
    %dma_start3A_1076 = tpu.memref_slice %arg3[%add3A_1075] : memref<32768xi32, #tpu.memory_space<hbm>> -> memref<64xi32, #tpu.memory_space<hbm>>
    %dma_start3A_1077 = tpu.memref_slice %arg3[%add3A_1075] : memref<32768xi32, #tpu.memory_space<hbm>> -> memref<64xi32, #tpu.memory_space<hbm>>
    tpu.enqueue_dma source(%dma_start3A_1077 : memref<64xi32, #tpu.memory_space<hbm>>) target(%arg9 : memref<64xi32, #tpu.memory_space<vmem>>) target_semaphore(%arg15 : memref<!tpu.dma_semaphore, #tpu.memory_space<semaphore_mem>>)
    %dma_wait3A_1078 = tpu.memref_slice %arg2[%add3A_1033, %mul3A_0] : memref<32768x512xf32, #tpu.memory_space<hbm>> -> memref<64x128xf32, #tpu.memory_space<hbm>>
    %dma_wait3A_1079 = tpu.memref_slice %arg2[%add3A_1033, %mul3A_0] : memref<32768x512xf32, #tpu.memory_space<hbm>> -> memref<64x128xf32, #tpu.memory_space<hbm>>
    tpu.wait_dma2 semaphore(%arg14 : memref<!tpu.dma_semaphore, #tpu.memory_space<semaphore_mem>>) src(%dma_wait3A_1079 : memref<64x128xf32, #tpu.memory_space<hbm>>) dst(%arg7 : memref<64x128xf32, #tpu.memory_space<vmem>>)
    %dma_wait3A_1080 = tpu.memref_slice %arg3[%add3A_1039] : memref<32768xi32, #tpu.memory_space<hbm>> -> memref<64xi32, #tpu.memory_space<hbm>>
    %dma_wait3A_1081 = tpu.memref_slice %arg3[%add3A_1039] : memref<32768xi32, #tpu.memory_space<hbm>> -> memref<64xi32, #tpu.memory_space<hbm>>
    tpu.wait_dma2 semaphore(%arg16 : memref<!tpu.dma_semaphore, #tpu.memory_space<semaphore_mem>>) src(%dma_wait3A_1081 : memref<64xi32, #tpu.memory_space<hbm>>) dst(%arg10 : memref<64xi32, #tpu.memory_space<vmem>>)
    %dma_wait3A_1082 = tpu.memref_slice %arg2[%add3A_1060, %mul3A_3] : memref<32768x512xf32, #tpu.memory_space<hbm>> -> memref<64x128xf32, #tpu.memory_space<hbm>>
    %dma_wait3A_1083 = tpu.memref_slice %arg2[%add3A_1060, %mul3A_3] : memref<32768x512xf32, #tpu.memory_space<hbm>> -> memref<64x128xf32, #tpu.memory_space<hbm>>
    tpu.wait_dma2 semaphore(%arg17 : memref<!tpu.dma_semaphore, #tpu.memory_space<semaphore_mem>>) src(%dma_wait3A_1083 : memref<64x128xf32, #tpu.memory_space<hbm>>) dst(%arg8 : memref<64x128xf32, #tpu.memory_space<vmem>>)
    %dma_start3A_1084 = arith.constant 0 : i32
    %dma_start3A_1085 = arith.constant 0 : i32
    %dma_start3A_1086 = tpu.memref_slice %arg11[%dma_start3A_1084, %dma_start3A_1085] : memref<2048x128xf32, #tpu.memory_space<vmem_shared>> -> memref<2048x128xf32, #tpu.memory_space<vmem_shared>>
    tpu.enqueue_indirect_dma source(%arg7 : memref<64x128xf32, #tpu.memory_space<vmem>>) target(%dma_start3A_1086 : memref<2048x128xf32, #tpu.memory_space<vmem_shared>>) offsets(%arg10 : memref<64xi32, #tpu.memory_space<vmem>>) semaphore(%arg18 : memref<!tpu.dma_semaphore, #tpu.memory_space<semaphore_mem>>) {add = true}
    %dma_start3A_1087 = arith.constant 0 : i32
    %dma_start3A_1088 = arith.constant 0 : i32
    %dma_start3A_1089 = tpu.memref_slice %arg12[%dma_start3A_1087, %dma_start3A_1088] : memref<2048x128xf32, #tpu.memory_space<vmem_shared>> -> memref<2048x128xf32, #tpu.memory_space<vmem_shared>>
    tpu.enqueue_indirect_dma source(%arg8 : memref<64x128xf32, #tpu.memory_space<vmem>>) target(%dma_start3A_1089 : memref<2048x128xf32, #tpu.memory_space<vmem_shared>>) offsets(%arg10 : memref<64xi32, #tpu.memory_space<vmem>>) semaphore(%arg19 : memref<!tpu.dma_semaphore, #tpu.memory_space<semaphore_mem>>) {add = true}
    %dma_wait3A_1090 = arith.constant 0 : i32
    %dma_wait3A_1091 = arith.constant 0 : i32
    %dma_wait3A_1092 = tpu.memref_slice %arg12[%dma_wait3A_1090, %dma_wait3A_1091] : memref<2048x128xf32, #tpu.memory_space<vmem_shared>> -> memref<2048x128xf32, #tpu.memory_space<vmem_shared>>
    tpu.wait_indirect_dma semaphore(%arg19 : memref<!tpu.dma_semaphore, #tpu.memory_space<semaphore_mem>>) src(%arg8 : memref<64x128xf32, #tpu.memory_space<vmem>>) dst(%dma_wait3A_1092 : memref<2048x128xf32, #tpu.memory_space<vmem_shared>>)
    %mul3A_1093 = arith.constant 2048 : i32
    %mul3A_1094 = arith.muli %arg1, %mul3A_1093 : i32
    %add3A_1095 = arith.constant 1920 : i32
    %add3A_1096 = arith.addi %mul3A_1094, %add3A_1095 : i32
    %dma_start3A_1097 = tpu.memref_slice %arg2[%add3A_1096, %mul3A_3] : memref<32768x512xf32, #tpu.memory_space<hbm>> -> memref<64x128xf32, #tpu.memory_space<hbm>>
    %dma_start3A_1098 = tpu.memref_slice %arg2[%add3A_1096, %mul3A_3] : memref<32768x512xf32, #tpu.memory_space<hbm>> -> memref<64x128xf32, #tpu.memory_space<hbm>>
    tpu.enqueue_dma source(%dma_start3A_1098 : memref<64x128xf32, #tpu.memory_space<hbm>>) target(%arg8 : memref<64x128xf32, #tpu.memory_space<vmem>>) target_semaphore(%arg17 : memref<!tpu.dma_semaphore, #tpu.memory_space<semaphore_mem>>)
    %dma_wait3A_1099 = arith.constant 0 : i32
    %dma_wait3A_1100 = arith.constant 0 : i32
    %dma_wait3A_1101 = tpu.memref_slice %arg11[%dma_wait3A_1099, %dma_wait3A_1100] : memref<2048x128xf32, #tpu.memory_space<vmem_shared>> -> memref<2048x128xf32, #tpu.memory_space<vmem_shared>>
    tpu.wait_indirect_dma semaphore(%arg18 : memref<!tpu.dma_semaphore, #tpu.memory_space<semaphore_mem>>) src(%arg7 : memref<64x128xf32, #tpu.memory_space<vmem>>) dst(%dma_wait3A_1101 : memref<2048x128xf32, #tpu.memory_space<vmem_shared>>)
    %mul3A_1102 = arith.constant 2048 : i32
    %mul3A_1103 = arith.muli %arg1, %mul3A_1102 : i32
    %add3A_1104 = arith.constant 1984 : i32
    %add3A_1105 = arith.addi %mul3A_1103, %add3A_1104 : i32
    %dma_start3A_1106 = tpu.memref_slice %arg2[%add3A_1105, %mul3A_0] : memref<32768x512xf32, #tpu.memory_space<hbm>> -> memref<64x128xf32, #tpu.memory_space<hbm>>
    %dma_start3A_1107 = tpu.memref_slice %arg2[%add3A_1105, %mul3A_0] : memref<32768x512xf32, #tpu.memory_space<hbm>> -> memref<64x128xf32, #tpu.memory_space<hbm>>
    tpu.enqueue_dma source(%dma_start3A_1107 : memref<64x128xf32, #tpu.memory_space<hbm>>) target(%arg7 : memref<64x128xf32, #tpu.memory_space<vmem>>) target_semaphore(%arg14 : memref<!tpu.dma_semaphore, #tpu.memory_space<semaphore_mem>>)
    %mul3A_1108 = arith.constant 2048 : i32
    %mul3A_1109 = arith.muli %arg1, %mul3A_1108 : i32
    %add3A_1110 = arith.constant 1984 : i32
    %add3A_1111 = arith.addi %mul3A_1109, %add3A_1110 : i32
    %dma_start3A_1112 = tpu.memref_slice %arg3[%add3A_1111] : memref<32768xi32, #tpu.memory_space<hbm>> -> memref<64xi32, #tpu.memory_space<hbm>>
    %dma_start3A_1113 = tpu.memref_slice %arg3[%add3A_1111] : memref<32768xi32, #tpu.memory_space<hbm>> -> memref<64xi32, #tpu.memory_space<hbm>>
    tpu.enqueue_dma source(%dma_start3A_1113 : memref<64xi32, #tpu.memory_space<hbm>>) target(%arg10 : memref<64xi32, #tpu.memory_space<vmem>>) target_semaphore(%arg16 : memref<!tpu.dma_semaphore, #tpu.memory_space<semaphore_mem>>)
    %dma_wait3A_1114 = tpu.memref_slice %arg2[%add3A_1069, %mul3A_0] : memref<32768x512xf32, #tpu.memory_space<hbm>> -> memref<64x128xf32, #tpu.memory_space<hbm>>
    %dma_wait3A_1115 = tpu.memref_slice %arg2[%add3A_1069, %mul3A_0] : memref<32768x512xf32, #tpu.memory_space<hbm>> -> memref<64x128xf32, #tpu.memory_space<hbm>>
    tpu.wait_dma2 semaphore(%arg13 : memref<!tpu.dma_semaphore, #tpu.memory_space<semaphore_mem>>) src(%dma_wait3A_1115 : memref<64x128xf32, #tpu.memory_space<hbm>>) dst(%arg6 : memref<64x128xf32, #tpu.memory_space<vmem>>)
    %dma_wait3A_1116 = tpu.memref_slice %arg3[%add3A_1075] : memref<32768xi32, #tpu.memory_space<hbm>> -> memref<64xi32, #tpu.memory_space<hbm>>
    %dma_wait3A_1117 = tpu.memref_slice %arg3[%add3A_1075] : memref<32768xi32, #tpu.memory_space<hbm>> -> memref<64xi32, #tpu.memory_space<hbm>>
    tpu.wait_dma2 semaphore(%arg15 : memref<!tpu.dma_semaphore, #tpu.memory_space<semaphore_mem>>) src(%dma_wait3A_1117 : memref<64xi32, #tpu.memory_space<hbm>>) dst(%arg9 : memref<64xi32, #tpu.memory_space<vmem>>)
    %dma_wait3A_1118 = tpu.memref_slice %arg2[%add3A_1096, %mul3A_3] : memref<32768x512xf32, #tpu.memory_space<hbm>> -> memref<64x128xf32, #tpu.memory_space<hbm>>
    %dma_wait3A_1119 = tpu.memref_slice %arg2[%add3A_1096, %mul3A_3] : memref<32768x512xf32, #tpu.memory_space<hbm>> -> memref<64x128xf32, #tpu.memory_space<hbm>>
    tpu.wait_dma2 semaphore(%arg17 : memref<!tpu.dma_semaphore, #tpu.memory_space<semaphore_mem>>) src(%dma_wait3A_1119 : memref<64x128xf32, #tpu.memory_space<hbm>>) dst(%arg8 : memref<64x128xf32, #tpu.memory_space<vmem>>)
    %dma_start3A_1120 = arith.constant 0 : i32
    %dma_start3A_1121 = arith.constant 0 : i32
    %dma_start3A_1122 = tpu.memref_slice %arg11[%dma_start3A_1120, %dma_start3A_1121] : memref<2048x128xf32, #tpu.memory_space<vmem_shared>> -> memref<2048x128xf32, #tpu.memory_space<vmem_shared>>
    tpu.enqueue_indirect_dma source(%arg6 : memref<64x128xf32, #tpu.memory_space<vmem>>) target(%dma_start3A_1122 : memref<2048x128xf32, #tpu.memory_space<vmem_shared>>) offsets(%arg9 : memref<64xi32, #tpu.memory_space<vmem>>) semaphore(%arg18 : memref<!tpu.dma_semaphore, #tpu.memory_space<semaphore_mem>>) {add = true}
    %dma_start3A_1123 = arith.constant 0 : i32
    %dma_start3A_1124 = arith.constant 0 : i32
    %dma_start3A_1125 = tpu.memref_slice %arg12[%dma_start3A_1123, %dma_start3A_1124] : memref<2048x128xf32, #tpu.memory_space<vmem_shared>> -> memref<2048x128xf32, #tpu.memory_space<vmem_shared>>
    tpu.enqueue_indirect_dma source(%arg8 : memref<64x128xf32, #tpu.memory_space<vmem>>) target(%dma_start3A_1125 : memref<2048x128xf32, #tpu.memory_space<vmem_shared>>) offsets(%arg9 : memref<64xi32, #tpu.memory_space<vmem>>) semaphore(%arg19 : memref<!tpu.dma_semaphore, #tpu.memory_space<semaphore_mem>>) {add = true}
    %dma_wait3A_1126 = arith.constant 0 : i32
    %dma_wait3A_1127 = arith.constant 0 : i32
    %dma_wait3A_1128 = tpu.memref_slice %arg12[%dma_wait3A_1126, %dma_wait3A_1127] : memref<2048x128xf32, #tpu.memory_space<vmem_shared>> -> memref<2048x128xf32, #tpu.memory_space<vmem_shared>>
    tpu.wait_indirect_dma semaphore(%arg19 : memref<!tpu.dma_semaphore, #tpu.memory_space<semaphore_mem>>) src(%arg8 : memref<64x128xf32, #tpu.memory_space<vmem>>) dst(%dma_wait3A_1128 : memref<2048x128xf32, #tpu.memory_space<vmem_shared>>)
    %mul3A_1129 = arith.constant 2048 : i32
    %mul3A_1130 = arith.muli %arg1, %mul3A_1129 : i32
    %add3A_1131 = arith.constant 1984 : i32
    %add3A_1132 = arith.addi %mul3A_1130, %add3A_1131 : i32
    %dma_start3A_1133 = tpu.memref_slice %arg2[%add3A_1132, %mul3A_3] : memref<32768x512xf32, #tpu.memory_space<hbm>> -> memref<64x128xf32, #tpu.memory_space<hbm>>
    %dma_start3A_1134 = tpu.memref_slice %arg2[%add3A_1132, %mul3A_3] : memref<32768x512xf32, #tpu.memory_space<hbm>> -> memref<64x128xf32, #tpu.memory_space<hbm>>
    tpu.enqueue_dma source(%dma_start3A_1134 : memref<64x128xf32, #tpu.memory_space<hbm>>) target(%arg8 : memref<64x128xf32, #tpu.memory_space<vmem>>) target_semaphore(%arg17 : memref<!tpu.dma_semaphore, #tpu.memory_space<semaphore_mem>>)
    %dma_wait3A_1135 = tpu.memref_slice %arg2[%add3A_1105, %mul3A_0] : memref<32768x512xf32, #tpu.memory_space<hbm>> -> memref<64x128xf32, #tpu.memory_space<hbm>>
    %dma_wait3A_1136 = tpu.memref_slice %arg2[%add3A_1105, %mul3A_0] : memref<32768x512xf32, #tpu.memory_space<hbm>> -> memref<64x128xf32, #tpu.memory_space<hbm>>
    tpu.wait_dma2 semaphore(%arg14 : memref<!tpu.dma_semaphore, #tpu.memory_space<semaphore_mem>>) src(%dma_wait3A_1136 : memref<64x128xf32, #tpu.memory_space<hbm>>) dst(%arg7 : memref<64x128xf32, #tpu.memory_space<vmem>>)
    %dma_wait3A_1137 = tpu.memref_slice %arg3[%add3A_1111] : memref<32768xi32, #tpu.memory_space<hbm>> -> memref<64xi32, #tpu.memory_space<hbm>>
    %dma_wait3A_1138 = tpu.memref_slice %arg3[%add3A_1111] : memref<32768xi32, #tpu.memory_space<hbm>> -> memref<64xi32, #tpu.memory_space<hbm>>
    tpu.wait_dma2 semaphore(%arg16 : memref<!tpu.dma_semaphore, #tpu.memory_space<semaphore_mem>>) src(%dma_wait3A_1138 : memref<64xi32, #tpu.memory_space<hbm>>) dst(%arg10 : memref<64xi32, #tpu.memory_space<vmem>>)
    %dma_wait3A_1139 = tpu.memref_slice %arg2[%add3A_1132, %mul3A_3] : memref<32768x512xf32, #tpu.memory_space<hbm>> -> memref<64x128xf32, #tpu.memory_space<hbm>>
    %dma_wait3A_1140 = tpu.memref_slice %arg2[%add3A_1132, %mul3A_3] : memref<32768x512xf32, #tpu.memory_space<hbm>> -> memref<64x128xf32, #tpu.memory_space<hbm>>
    tpu.wait_dma2 semaphore(%arg17 : memref<!tpu.dma_semaphore, #tpu.memory_space<semaphore_mem>>) src(%dma_wait3A_1140 : memref<64x128xf32, #tpu.memory_space<hbm>>) dst(%arg8 : memref<64x128xf32, #tpu.memory_space<vmem>>)
    %dma_start3A_1141 = arith.constant 0 : i32
    %dma_start3A_1142 = arith.constant 0 : i32
    %dma_start3A_1143 = tpu.memref_slice %arg11[%dma_start3A_1141, %dma_start3A_1142] : memref<2048x128xf32, #tpu.memory_space<vmem_shared>> -> memref<2048x128xf32, #tpu.memory_space<vmem_shared>>
    tpu.enqueue_indirect_dma source(%arg7 : memref<64x128xf32, #tpu.memory_space<vmem>>) target(%dma_start3A_1143 : memref<2048x128xf32, #tpu.memory_space<vmem_shared>>) offsets(%arg10 : memref<64xi32, #tpu.memory_space<vmem>>) semaphore(%arg18 : memref<!tpu.dma_semaphore, #tpu.memory_space<semaphore_mem>>) {add = true}
    %dma_start3A_1144 = arith.constant 0 : i32
    %dma_start3A_1145 = arith.constant 0 : i32
    %dma_start3A_1146 = tpu.memref_slice %arg12[%dma_start3A_1144, %dma_start3A_1145] : memref<2048x128xf32, #tpu.memory_space<vmem_shared>> -> memref<2048x128xf32, #tpu.memory_space<vmem_shared>>
    tpu.enqueue_indirect_dma source(%arg8 : memref<64x128xf32, #tpu.memory_space<vmem>>) target(%dma_start3A_1146 : memref<2048x128xf32, #tpu.memory_space<vmem_shared>>) offsets(%arg10 : memref<64xi32, #tpu.memory_space<vmem>>) semaphore(%arg19 : memref<!tpu.dma_semaphore, #tpu.memory_space<semaphore_mem>>) {add = true}
    %dma_wait3A_1147 = arith.constant 0 : i32
    %dma_wait3A_1148 = arith.constant 0 : i32
    %dma_wait3A_1149 = tpu.memref_slice %arg12[%dma_wait3A_1147, %dma_wait3A_1148] : memref<2048x128xf32, #tpu.memory_space<vmem_shared>> -> memref<2048x128xf32, #tpu.memory_space<vmem_shared>>
    tpu.wait_indirect_dma semaphore(%arg19 : memref<!tpu.dma_semaphore, #tpu.memory_space<semaphore_mem>>) src(%arg8 : memref<64x128xf32, #tpu.memory_space<vmem>>) dst(%dma_wait3A_1149 : memref<2048x128xf32, #tpu.memory_space<vmem_shared>>)
    %dma_wait3A_1150 = arith.constant 0 : i32
    %dma_wait3A_1151 = arith.constant 0 : i32
    %dma_wait3A_1152 = tpu.memref_slice %arg11[%dma_wait3A_1150, %dma_wait3A_1151] : memref<2048x128xf32, #tpu.memory_space<vmem_shared>> -> memref<2048x128xf32, #tpu.memory_space<vmem_shared>>
    tpu.wait_indirect_dma semaphore(%arg18 : memref<!tpu.dma_semaphore, #tpu.memory_space<semaphore_mem>>) src(%arg6 : memref<64x128xf32, #tpu.memory_space<vmem>>) dst(%dma_wait3A_1152 : memref<2048x128xf32, #tpu.memory_space<vmem_shared>>)
    %dma_wait3A_1153 = arith.constant 0 : i32
    %dma_wait3A_1154 = arith.constant 0 : i32
    %dma_wait3A_1155 = tpu.memref_slice %arg11[%dma_wait3A_1153, %dma_wait3A_1154] : memref<2048x128xf32, #tpu.memory_space<vmem_shared>> -> memref<2048x128xf32, #tpu.memory_space<vmem_shared>>
    tpu.wait_indirect_dma semaphore(%arg18 : memref<!tpu.dma_semaphore, #tpu.memory_space<semaphore_mem>>) src(%arg7 : memref<64x128xf32, #tpu.memory_space<vmem>>) dst(%dma_wait3A_1155 : memref<2048x128xf32, #tpu.memory_space<vmem_shared>>)
    "tpu.region"() ({
      %run_scoped3A = tpu.sem_alloc : memref<!tpu.dma_semaphore, #tpu.memory_space<semaphore_mem>>
      %dma_start3A_1156 = tpu.memref_slice %arg5[%mul3A_5, %mul3A_0] : memref<2048x512xf32, #tpu.memory_space<hbm>> -> memref<128x128xf32, #tpu.memory_space<hbm>>
      %dma_start3A_1157 = arith.constant 0 : i32
      %dma_start3A_1158 = tpu.memref_slice %arg11[%mul3A_5, %dma_start3A_1157] : memref<2048x128xf32, #tpu.memory_space<vmem_shared>> -> memref<128x128xf32, #tpu.memory_space<vmem_shared>>
      tpu.enqueue_dma source(%dma_start3A_1158 : memref<128x128xf32, #tpu.memory_space<vmem_shared>>) target(%dma_start3A_1156 : memref<128x128xf32, #tpu.memory_space<hbm>>) target_semaphore(%run_scoped3A : memref<!tpu.dma_semaphore, #tpu.memory_space<semaphore_mem>>)
      %dma_wait3A_1159 = tpu.memref_slice %arg5[%mul3A_5, %mul3A_0] : memref<2048x512xf32, #tpu.memory_space<hbm>> -> memref<128x128xf32, #tpu.memory_space<hbm>>
      %dma_wait3A_1160 = arith.constant 0 : i32
      %dma_wait3A_1161 = tpu.memref_slice %arg11[%mul3A_5, %dma_wait3A_1160] : memref<2048x128xf32, #tpu.memory_space<vmem_shared>> -> memref<128x128xf32, #tpu.memory_space<vmem_shared>>
      tpu.wait_dma2 semaphore(%run_scoped3A : memref<!tpu.dma_semaphore, #tpu.memory_space<semaphore_mem>>) src(%dma_wait3A_1161 : memref<128x128xf32, #tpu.memory_space<vmem_shared>>) dst(%dma_wait3A_1159 : memref<128x128xf32, #tpu.memory_space<hbm>>)
      tpu.yield
    }) : () -> ()
    "tpu.region"() ({
      %run_scoped3A = tpu.sem_alloc : memref<!tpu.dma_semaphore, #tpu.memory_space<semaphore_mem>>
      %dma_start3A_1156 = tpu.memref_slice %arg5[%mul3A_5, %mul3A_3] : memref<2048x512xf32, #tpu.memory_space<hbm>> -> memref<128x128xf32, #tpu.memory_space<hbm>>
      %dma_start3A_1157 = arith.constant 0 : i32
      %dma_start3A_1158 = tpu.memref_slice %arg12[%mul3A_5, %dma_start3A_1157] : memref<2048x128xf32, #tpu.memory_space<vmem_shared>> -> memref<128x128xf32, #tpu.memory_space<vmem_shared>>
      tpu.enqueue_dma source(%dma_start3A_1158 : memref<128x128xf32, #tpu.memory_space<vmem_shared>>) target(%dma_start3A_1156 : memref<128x128xf32, #tpu.memory_space<hbm>>) target_semaphore(%run_scoped3A : memref<!tpu.dma_semaphore, #tpu.memory_space<semaphore_mem>>)
      %dma_wait3A_1159 = tpu.memref_slice %arg5[%mul3A_5, %mul3A_3] : memref<2048x512xf32, #tpu.memory_space<hbm>> -> memref<128x128xf32, #tpu.memory_space<hbm>>
      %dma_wait3A_1160 = arith.constant 0 : i32
      %dma_wait3A_1161 = tpu.memref_slice %arg12[%mul3A_5, %dma_wait3A_1160] : memref<2048x128xf32, #tpu.memory_space<vmem_shared>> -> memref<128x128xf32, #tpu.memory_space<vmem_shared>>
      tpu.wait_dma2 semaphore(%run_scoped3A : memref<!tpu.dma_semaphore, #tpu.memory_space<semaphore_mem>>) src(%dma_wait3A_1161 : memref<128x128xf32, #tpu.memory_space<vmem_shared>>) dst(%dma_wait3A_1159 : memref<128x128xf32, #tpu.memory_space<hbm>>)
      tpu.yield
    }) : () -> ()
    return
  }
}

module attributes {stable_mosaic.version = 14 : i64} {
  func.func @_tc_body(%arg0: i32, %arg1: memref<1x1x2048xi32, #tpu.memory_space<vmem>>, %arg2: memref<1x2048x512xf32, #tpu.memory_space<vmem>>, %arg3: memref<1x2048x512xf32, #tpu.memory_space<vmem>>, %arg4: memref<1x128x512xf32, #tpu.memory_space<vmem>>, %arg5: memref<1x8x128xf32, #tpu.memory_space<vmem>>) attributes {dimension_semantics = [#tpu.dimension_semantics<arbitrary>], iteration_bounds = array<i64: 16>, scalar_prefetch = 0 : i64, scratch_operands = 0 : i64, tpu.core_type = #tpu.core_type<tc>, window_params = [{transform_indices = @transform_0, window_bounds = array<i64: 1, 1, 2048>}, {transform_indices = @transform_1, window_bounds = array<i64: 1, 2048, 512>}, {transform_indices = @transform_2, window_bounds = array<i64: 1, 2048, 512>}, {transform_indices = @transform_3, window_bounds = array<i64: 1, 128, 512>}, {transform_indices = @transform_4, window_bounds = array<i64: 1, 8, 128>}]} {
    %get3A = arith.constant 0 : index
    %get3A_0 = arith.constant 0 : index
    %get3A_1 = arith.constant 0 : index
    %get3A_2 = vector.load %arg2[%get3A, %get3A_0, %get3A_1] : memref<1x2048x512xf32, #tpu.memory_space<vmem>>, vector<1x2048x512xf32>
    %get3A_3 = vector.shape_cast %get3A_2 : vector<1x2048x512xf32> to vector<2048x512xf32>
    %get3A_4 = arith.constant 0 : index
    %get3A_5 = arith.constant 0 : index
    %get3A_6 = arith.constant 0 : index
    %get3A_7 = vector.load %arg3[%get3A_4, %get3A_5, %get3A_6] : memref<1x2048x512xf32, #tpu.memory_space<vmem>>, vector<1x2048x512xf32>
    %get3A_8 = vector.shape_cast %get3A_7 : vector<1x2048x512xf32> to vector<2048x512xf32>
    %get3A_9 = arith.constant 0 : index
    %get3A_10 = arith.constant 0 : index
    %get3A_11 = arith.constant 0 : index
    %get3A_12 = vector.load %arg1[%get3A_9, %get3A_10, %get3A_11] : memref<1x1x2048xi32, #tpu.memory_space<vmem>>, vector<1x1x2048xi32>
    %get3A_13 = vector.shape_cast %get3A_12 : vector<1x1x2048xi32> to vector<1x2048xi32>
    %iota3A = tpu.iota {dimensions = array<i32: 1>} : vector<2048x128xi32>
    %reshape3A = vector.shape_cast %get3A_13 : vector<1x2048xi32> to vector<2048x1xi32>
    %eq3A = vector.broadcast %reshape3A : vector<2048x1xi32> to vector<2048x128xi32>
    %eq3A_14 = arith.cmpi eq, %eq3A, %iota3A : vector<2048x128xi32>
    %convert_element_type3A = arith.extui %eq3A_14 : vector<2048x128xi1> to vector<2048x128xi32>
    %convert_element_type3A_15 = arith.sitofp %convert_element_type3A : vector<2048x128xi32> to vector<2048x128xf32>
    %convert_element_type3A_16 = arith.truncf %convert_element_type3A_15 : vector<2048x128xf32> to vector<2048x128xbf16>
    %mul3A = arith.mulf %get3A_3, %get3A_8 : vector<2048x512xf32>
    %convert_element_type3A_17 = arith.truncf %mul3A : vector<2048x512xf32> to vector<2048x512xbf16>
    %convert_element_type3A_18 = arith.extf %convert_element_type3A_17 : vector<2048x512xbf16> to vector<2048x512xf32>
    %sub3A = arith.subf %mul3A, %convert_element_type3A_18 : vector<2048x512xf32>
    %convert_element_type3A_19 = arith.truncf %sub3A : vector<2048x512xf32> to vector<2048x512xbf16>
    %dot_general3A = arith.constant dense<0.000000e+00> : vector<128x512xf32>
    %dot_general3A_20 = tpu.matmul %convert_element_type3A_16, %convert_element_type3A_17, %dot_general3A {dimension_numbers = #tpu.dot_dimension_numbers<[0], [0], [1], [1], [0, 1, 1, 1], [], []>, transpose_lhs_hint = false} : vector<2048x128xbf16>, vector<2048x512xbf16>, vector<128x512xf32> -> vector<128x512xf32>
    %dot_general3A_21 = arith.constant dense<0.000000e+00> : vector<128x512xf32>
    %dot_general3A_22 = tpu.matmul %convert_element_type3A_16, %convert_element_type3A_19, %dot_general3A_21 {dimension_numbers = #tpu.dot_dimension_numbers<[0], [0], [1], [1], [0, 1, 1, 1], [], []>, transpose_lhs_hint = false} : vector<2048x128xbf16>, vector<2048x512xbf16>, vector<128x512xf32> -> vector<128x512xf32>
    %add3A = arith.addf %dot_general3A_20, %dot_general3A_22 : vector<128x512xf32>
    %swap3A = arith.constant 0 : index
    %swap3A_23 = arith.constant 0 : index
    %swap3A_24 = arith.constant 0 : index
    %swap3A_25 = vector.load %arg4[%swap3A, %swap3A_23, %swap3A_24] : memref<1x128x512xf32, #tpu.memory_space<vmem>>, vector<1x128x512xf32>
    %swap3A_26 = vector.shape_cast %swap3A_25 : vector<1x128x512xf32> to vector<128x512xf32>
    %swap3A_27 = vector.shape_cast %add3A : vector<128x512xf32> to vector<1x128x512xf32>
    tpu.vector_store %arg4[%swap3A, %swap3A_23, %swap3A_24], %swap3A_27 {strides = array<i32>} : memref<1x128x512xf32, #tpu.memory_space<vmem>>, vector<1x128x512xf32>,
    %mul3A_28 = arith.mulf %mul3A, %get3A_8 : vector<2048x512xf32>
    %reduce_sum3A = arith.constant dense<0.000000e+00> : vector<2048xf32>
    %reduce_sum3A_29 = vector.multi_reduction <add>, %mul3A_28, %reduce_sum3A [1] : vector<2048x512xf32> to vector<2048xf32>
    %broadcast_in_dim3A = vector.shape_cast %reduce_sum3A_29 : vector<2048xf32> to vector<2048x1xf32>
    %log3A = math.log %get3A_3 : vector<2048x512xf32>
    %reduce_sum3A_30 = arith.constant dense<0.000000e+00> : vector<2048xf32>
    %reduce_sum3A_31 = vector.multi_reduction <add>, %log3A, %reduce_sum3A_30 [1] : vector<2048x512xf32> to vector<2048xf32>
    %broadcast_in_dim3A_32 = vector.shape_cast %reduce_sum3A_31 : vector<2048xf32> to vector<2048x1xf32>
    %jit3A = arith.constant 0.000000e+00 : f32
    %broadcast_in_dim3A_33 = vector.shape_cast %broadcast_in_dim3A : vector<2048x1xf32> to vector<2048x1xf32>
    %broadcast_in_dim3A_34 = vector.broadcast %broadcast_in_dim3A_33 : vector<2048x1xf32> to vector<2048x128xf32>
    %broadcast_in_dim3A_35 = vector.broadcast %jit3A : f32 to vector<2048x128xf32>
    %select_n3A = arith.select %eq3A_14, %broadcast_in_dim3A_34, %broadcast_in_dim3A_35 : vector<2048x128xi1>, vector<2048x128xf32>
    %reduce_sum3A_36 = arith.constant dense<0.000000e+00> : vector<128xf32>
    %reduce_sum3A_37 = vector.multi_reduction <add>, %select_n3A, %reduce_sum3A_36 [0] : vector<2048x128xf32> to vector<128xf32>
    %broadcast_in_dim3A_38 = vector.shape_cast %reduce_sum3A_37 : vector<128xf32> to vector<1x128xf32>
    %jit3A_39 = arith.constant 0.000000e+00 : f32
    %broadcast_in_dim3A_40 = vector.shape_cast %broadcast_in_dim3A_32 : vector<2048x1xf32> to vector<2048x1xf32>
    %broadcast_in_dim3A_41 = vector.broadcast %broadcast_in_dim3A_40 : vector<2048x1xf32> to vector<2048x128xf32>
    %broadcast_in_dim3A_42 = vector.broadcast %jit3A_39 : f32 to vector<2048x128xf32>
    %select_n3A_43 = arith.select %eq3A_14, %broadcast_in_dim3A_41, %broadcast_in_dim3A_42 : vector<2048x128xi1>, vector<2048x128xf32>
    %reduce_sum3A_44 = arith.constant dense<0.000000e+00> : vector<128xf32>
    %reduce_sum3A_45 = vector.multi_reduction <add>, %select_n3A_43, %reduce_sum3A_44 [0] : vector<2048x128xf32> to vector<128xf32>
    %broadcast_in_dim3A_46 = vector.shape_cast %reduce_sum3A_45 : vector<128xf32> to vector<1x128xf32>
    %convert_element_type3A_47 = arith.extui %eq3A_14 : vector<2048x128xi1> to vector<2048x128xi32>
    %convert_element_type3A_48 = arith.sitofp %convert_element_type3A_47 : vector<2048x128xi32> to vector<2048x128xf32>
    %reduce_sum3A_49 = arith.constant dense<0.000000e+00> : vector<128xf32>
    %reduce_sum3A_50 = vector.multi_reduction <add>, %convert_element_type3A_48, %reduce_sum3A_49 [0] : vector<2048x128xf32> to vector<128xf32>
    %broadcast_in_dim3A_51 = vector.shape_cast %reduce_sum3A_50 : vector<128xf32> to vector<1x128xf32>
    %broadcast_in_dim3A_52 = arith.constant 0.000000e+00 : f32
    %broadcast_in_dim3A_53 = vector.broadcast %broadcast_in_dim3A_52 : f32 to vector<5x128xf32>
    %concatenate3A = tpu.concatenate %broadcast_in_dim3A_38, %broadcast_in_dim3A_46, %broadcast_in_dim3A_51, %broadcast_in_dim3A_53 in 0 : vector<1x128xf32>, vector<1x128xf32>, vector<1x128xf32>, vector<5x128xf32> -> vector<8x128xf32>
    %swap3A_54 = arith.constant 0 : index
    %swap3A_55 = arith.constant 0 : index
    %swap3A_56 = arith.constant 0 : index
    %swap3A_57 = vector.load %arg5[%swap3A_54, %swap3A_55, %swap3A_56] : memref<1x8x128xf32, #tpu.memory_space<vmem>>, vector<1x8x128xf32>
    %swap3A_58 = vector.shape_cast %swap3A_57 : vector<1x8x128xf32> to vector<8x128xf32>
    %swap3A_59 = vector.shape_cast %concatenate3A : vector<8x128xf32> to vector<1x8x128xf32>
    tpu.vector_store %arg5[%swap3A_54, %swap3A_55, %swap3A_56], %swap3A_59 {strides = array<i32>} : memref<1x8x128xf32, #tpu.memory_space<vmem>>, vector<1x8x128xf32>,
    return
  }
  func.func @transform_0(%arg0: i32) -> (i32, i32, i32) {
    %c0_i32 = arith.constant 0 : i32
    %c0_i32_0 = arith.constant 0 : i32
    %c0_i32_1 = arith.constant 0 : i32
    return %arg0, %c0_i32, %c0_i32_0 : i32, i32, i32
  }
  func.func @transform_1(%arg0: i32) -> (i32, i32, i32) {
    %c0_i32 = arith.constant 0 : i32
    %c0_i32_0 = arith.constant 0 : i32
    %c0_i32_1 = arith.constant 0 : i32
    return %arg0, %c0_i32, %c0_i32_0 : i32, i32, i32
  }
  func.func @transform_2(%arg0: i32) -> (i32, i32, i32) {
    %c0_i32 = arith.constant 0 : i32
    %c0_i32_0 = arith.constant 0 : i32
    %c0_i32_1 = arith.constant 0 : i32
    return %arg0, %c0_i32, %c0_i32_0 : i32, i32, i32
  }
  func.func @transform_3(%arg0: i32) -> (i32, i32, i32) {
    %c0_i32 = arith.constant 0 : i32
    %c0_i32_0 = arith.constant 0 : i32
    %c0_i32_1 = arith.constant 0 : i32
    return %arg0, %c0_i32, %c0_i32_0 : i32, i32, i32
  }
  func.func @transform_4(%arg0: i32) -> (i32, i32, i32) {
    %c0_i32 = arith.constant 0 : i32
    %c0_i32_0 = arith.constant 0 : i32
    %c0_i32_1 = arith.constant 0 : i32
    return %arg0, %c0_i32, %c0_i32_0 : i32, i32, i32
  }
}

module attributes {stable_mosaic.version = 14 : i64} {
  func.func @_fin_body(%arg0: i32, %arg1: memref<1x128x512xf32, #tpu.memory_space<vmem>>, %arg2: memref<1x128x512xf32, #tpu.memory_space<vmem>>, %arg3: memref<1x8x128xf32, #tpu.memory_space<vmem>>, %arg4: memref<1x128x512xf32, #tpu.memory_space<vmem>>, %arg5: memref<1x1x128xf32, #tpu.memory_space<vmem>>) attributes {dimension_semantics = [#tpu.dimension_semantics<arbitrary>], iteration_bounds = array<i64: 16>, scalar_prefetch = 0 : i64, scratch_operands = 0 : i64, tpu.core_type = #tpu.core_type<tc>, window_params = [{transform_indices = @transform_0, window_bounds = array<i64: 1, 128, 512>}, {transform_indices = @transform_1, window_bounds = array<i64: 1, 128, 512>}, {transform_indices = @transform_2, window_bounds = array<i64: 1, 8, 128>}, {transform_indices = @transform_3, window_bounds = array<i64: 1, 128, 512>}, {transform_indices = @transform_4, window_bounds = array<i64: 1, 1, 128>}]} {
    %get3A = arith.constant 0 : index
    %get3A_0 = arith.constant 0 : index
    %get3A_1 = arith.constant 0 : index
    %get3A_2 = vector.load %arg1[%get3A, %get3A_0, %get3A_1] : memref<1x128x512xf32, #tpu.memory_space<vmem>>, vector<1x128x512xf32>
    %get3A_3 = vector.shape_cast %get3A_2 : vector<1x128x512xf32> to vector<128x512xf32>
    %get3A_4 = arith.constant 0 : index
    %get3A_5 = arith.constant 0 : index
    %get3A_6 = arith.constant 0 : index
    %get3A_7 = vector.load %arg2[%get3A_4, %get3A_5, %get3A_6] : memref<1x128x512xf32, #tpu.memory_space<vmem>>, vector<1x128x512xf32>
    %get3A_8 = vector.shape_cast %get3A_7 : vector<1x128x512xf32> to vector<128x512xf32>
    %get3A_9 = arith.constant 0 : index
    %get3A_10 = arith.constant 0 : index
    %get3A_11 = arith.constant 0 : index
    %get3A_12 = vector.load %arg3[%get3A_9, %get3A_10, %get3A_11] : memref<1x8x128xf32, #tpu.memory_space<vmem>>, vector<1x8x128xf32>
    %get3A_13 = vector.shape_cast %get3A_12 : vector<1x8x128xf32> to vector<8x128xf32>
    %integer_pow3A = arith.constant 1.000000e+00 : f32
    %integer_pow3A_14 = vector.broadcast %integer_pow3A : f32 to vector<128x512xf32>
    %integer_pow3A_15 = arith.divf %integer_pow3A_14, %get3A_3 : vector<128x512xf32>
    %mul3A = arith.mulf %get3A_8, %integer_pow3A_15 : vector<128x512xf32>
    %swap3A = arith.constant 0 : index
    %swap3A_16 = arith.constant 0 : index
    %swap3A_17 = arith.constant 0 : index
    %swap3A_18 = vector.load %arg4[%swap3A, %swap3A_16, %swap3A_17] : memref<1x128x512xf32, #tpu.memory_space<vmem>>, vector<1x128x512xf32>
    %swap3A_19 = vector.shape_cast %swap3A_18 : vector<1x128x512xf32> to vector<128x512xf32>
    %swap3A_20 = vector.shape_cast %mul3A : vector<128x512xf32> to vector<1x128x512xf32>
    tpu.vector_store %arg4[%swap3A, %swap3A_16, %swap3A_17], %swap3A_20 {strides = array<i32>} : memref<1x128x512xf32, #tpu.memory_space<vmem>>, vector<1x128x512xf32>,
    %slice3A = vector.extract_strided_slice %get3A_13 {offsets = [0, 0], sizes = [1, 128], strides = [1, 1]} : vector<8x128xf32> to vector<1x128xf32>
    %slice3A_21 = vector.extract_strided_slice %get3A_13 {offsets = [1, 0], sizes = [1, 128], strides = [1, 1]} : vector<8x128xf32> to vector<1x128xf32>
    %slice3A_22 = vector.extract_strided_slice %get3A_13 {offsets = [2, 0], sizes = [1, 128], strides = [1, 1]} : vector<8x128xf32> to vector<1x128xf32>
    %max3A = arith.constant 1.000000e+00 : f32
    %max3A_23 = vector.broadcast %max3A : f32 to vector<1x128xf32>
    %max3A_24 = arith.maximumf %slice3A_22, %max3A_23 : vector<1x128xf32>
    %mul3A_25 = arith.mulf %get3A_8, %mul3A : vector<128x512xf32>
    %reduce_sum3A = arith.constant dense<0.000000e+00> : vector<128xf32>
    %reduce_sum3A_26 = vector.multi_reduction <add>, %mul3A_25, %reduce_sum3A [1] : vector<128x512xf32> to vector<128xf32>
    %reshape3A = vector.shape_cast %reduce_sum3A_26 : vector<128xf32> to vector<1x128xf32>
    %sub3A = arith.subf %reshape3A, %slice3A : vector<1x128xf32>
    %mul3A_27 = arith.constant 5.000000e-01 : f32
    %mul3A_28 = vector.broadcast %mul3A_27 : f32 to vector<1x128xf32>
    %mul3A_29 = arith.mulf %mul3A_28, %sub3A : vector<1x128xf32>
    %log3A = math.log %get3A_3 : vector<128x512xf32>
    %reduce_sum3A_30 = arith.constant dense<0.000000e+00> : vector<128xf32>
    %reduce_sum3A_31 = vector.multi_reduction <add>, %log3A, %reduce_sum3A_30 [1] : vector<128x512xf32> to vector<128xf32>
    %reshape3A_32 = vector.shape_cast %reduce_sum3A_31 : vector<128xf32> to vector<1x128xf32>
    %sub3A_33 = arith.subf %slice3A_21, %reshape3A_32 : vector<1x128xf32>
    %mul3A_34 = arith.constant 5.000000e-01 : f32
    %mul3A_35 = vector.broadcast %mul3A_34 : f32 to vector<1x128xf32>
    %mul3A_36 = arith.mulf %mul3A_35, %sub3A_33 : vector<1x128xf32>
    %sub3A_37 = arith.constant 1.000000e+00 : f32
    %sub3A_38 = vector.broadcast %sub3A_37 : f32 to vector<1x128xf32>
    %sub3A_39 = arith.subf %sub3A_38, %max3A_24 : vector<1x128xf32>
    %mul3A_40 = arith.constant 5.000000e-01 : f32
    %mul3A_41 = vector.broadcast %mul3A_40 : f32 to vector<1x128xf32>
    %mul3A_42 = arith.mulf %mul3A_41, %sub3A_39 : vector<1x128xf32>
    %mul3A_43 = arith.constant 940.993041 : f32
    %mul3A_44 = vector.broadcast %mul3A_43 : f32 to vector<1x128xf32>
    %mul3A_45 = arith.mulf %mul3A_42, %mul3A_44 : vector<1x128xf32>
    %add3A = arith.addf %mul3A_45, %mul3A_36 : vector<1x128xf32>
    %add3A_46 = arith.addf %add3A, %mul3A_29 : vector<1x128xf32>
    %swap3A_47 = arith.constant 0 : index
    %swap3A_48 = arith.constant 0 : index
    %swap3A_49 = arith.constant 0 : index
    %swap3A_50 = vector.load %arg5[%swap3A_47, %swap3A_48, %swap3A_49] : memref<1x1x128xf32, #tpu.memory_space<vmem>>, vector<1x1x128xf32>
    %swap3A_51 = vector.shape_cast %swap3A_50 : vector<1x1x128xf32> to vector<1x128xf32>
    %swap3A_52 = vector.shape_cast %add3A_46 : vector<1x128xf32> to vector<1x1x128xf32>
    tpu.vector_store %arg5[%swap3A_47, %swap3A_48, %swap3A_49], %swap3A_52 {strides = array<i32>} : memref<1x1x128xf32, #tpu.memory_space<vmem>>, vector<1x1x128xf32>,
    return
  }
  func.func @transform_0(%arg0: i32) -> (i32, i32, i32) {
    %c0_i32 = arith.constant 0 : i32
    %c0_i32_0 = arith.constant 0 : i32
    %c0_i32_1 = arith.constant 0 : i32
    return %arg0, %c0_i32, %c0_i32_0 : i32, i32, i32
  }
  func.func @transform_1(%arg0: i32) -> (i32, i32, i32) {
    %c0_i32 = arith.constant 0 : i32
    %c0_i32_0 = arith.constant 0 : i32
    %c0_i32_1 = arith.constant 0 : i32
    return %arg0, %c0_i32, %c0_i32_0 : i32, i32, i32
  }
  func.func @transform_2(%arg0: i32) -> (i32, i32, i32) {
    %c0_i32 = arith.constant 0 : i32
    %c0_i32_0 = arith.constant 0 : i32
    %c0_i32_1 = arith.constant 0 : i32
    return %arg0, %c0_i32, %c0_i32_0 : i32, i32, i32
  }
  func.func @transform_3(%arg0: i32) -> (i32, i32, i32) {
    %c0_i32 = arith.constant 0 : i32
    %c0_i32_0 = arith.constant 0 : i32
    %c0_i32_1 = arith.constant 0 : i32
    return %arg0, %c0_i32, %c0_i32_0 : i32, i32, i32
  }
  func.func @transform_4(%arg0: i32) -> (i32, i32, i32) {
    %c0_i32 = arith.constant 0 : i32
    %c0_i32_0 = arith.constant 0 : i32
    %c0_i32_1 = arith.constant 0 : i32
    return %arg0, %c0_i32, %c0_i32_0 : i32, i32, i32
  }
}

</mosaic_0001>

<sc_bundles>
// kernel: kernel.5.cloned.1.call-start
scs
__scs_entry_jumppad:
0x0: {  	(pc) =	sbr.rel $0x88, $3  }
0x1: {  	(tag) =	ssettag $0x0;
	lr =	simm.s32 $0x1  }
0x2: {  	[smem:$0x3F9E] =	sst lr;
	_ =	strace $0xD0000000  }
0x3: {  	_ = 	snop  }
0x4: {  	_ = 	snop  }
0x5: {  	_ = 	snop  }
0x6: {  	_ = 	snop  }
0x7: {  	_ = 	snop  }
__scs_overlays_trampoline_lowered:
0x8: {  	[smem:$0x3FAD] =	sst s0  }
0x9: {  	[smem:$0x3FAE] =	sst s1  }
0xa: {  	[smem:$0x3FAF] =	sst s2  }
0xb: {  	[smem:$0x3FB0] =	sst s3  }
0xc: {  	[smem:$0x3FB1] =	sst s4  }
0xd: {  	[smem:$0x3FB2] =	sst s5  }
0xe: {  	[smem:$0x3FB3] =	sst s6  }
0xf: {  	[smem:$0x3FB4] =	sst s7  }
0x10: {  	[smem:$0x3FB5] =	sst s8  }
0x11: {  	[smem:$0x3FB6] =	sst s9;
	s0 =	simm.s32 @!p0 $0x0  }
0x12: {  	s1 =	sld [smem:$0x3F9C];
	s0 =	simm.s32 @p0 $0x1  }
0x13: {  	[smem:$0x3FB7] =	sst s0;
	s0 =	simm.s32 @!p1 $0x0  }
0x14: {  	s2 =	sld [smem:$0x3F9B];
	s0 =	simm.s32 @p1 $0x1  }
0x15: {  	[smem:$0x3FB8] =	sst s0;
	s0 =	simm.s32 @!p2 $0x0  }
0x16: {  	s3 =	sld [smem:$0x3FDB];
	s0 =	simm.s32 @p2 $0x1  }
0x17: {  	s4 =	simm.s32 $0x1BF5;
	[smem:$0x3FBA] =	sst s0  }
0x18: {  	s0 =	sld [smem:$0x3F9D];
	_ =	swait.ge [sflag:s4], $0x0  }
0x19: {  	s7 =	sld [smem:$0x3F9E]  }
0x1a: {  	s8 =	sadd.s32 $0xFFFFE003, lr  }
0x1b: {  	s9 =	sadd.s32 $0xFFFFFEF7, lr;
	s5 =	simm.s32 $0xFFFFFFFF;
	p2 =	slt.u32 s8, $0xFFFFF086  }
0x1c: {  	p1 =	slt.u32 s9, $0xF7A;
	s5 =	simm.s32 @!p2 $0x0  }
0x1d: {  	s5 =	simm.s32 @p1 $0x1;
	p0 =	seq.s32 s7, s2  }
0x1e: {  	s7 =	smul.u32 @!p0 $0xF7A, s2;
	p2 =	seq.s32 @!p0 s5, $0x0  }
0x1f: {  	s9 =	smul.u32 $0xF7A, s1;
	s8 =	simm.s32 @!p0 $0x1BF5;
	p2 =	por !p2, p0  }
0x20: {  	[sflag:s8] =	ssyncset.s32 @!p0 $0xFFFFF086;
	s6 =	sadd.s32 @!p0 s3, s7;
	s7 =	simm.s32 @!p0 $0x108  }
0x21: {  	s3 =	sadd.s32 s3, s9;
	s6 =	sadd.s32 @!p0 $0x88, s6;
	s7 =	simm.s32 @p2 $0x1082  }
0x22: {  	[simem:s7], [sflag:s8] =	dma.local @!p0 [hbm:s6], $0xF7A  }
0x23: {  	s9 =	sor.u32 $0xD0000000, s2;
	s6 =	simm.s32 $0x108;
	_ =	swait.ge @!p0 [sflag:s8], $0x0  }
0x24: {  	s3 =	sadd.s32 $0x88, s3;
	s6 =	simm.s32 @!p1 $0x1082;
	[sflag:s4] =	ssyncset.s32 $0xFFFFF086  }
0x25: {  	[simem:s6], [sflag:s4] =	dma.local [hbm:s3], $0xF7A  }
0x26: {  	[smem:$0x3F9E] =	sst s1;
	(tag) =	ssettag s2;
	_ =	strace s9  }
0x27: {  	s1 =	sld [smem:$0x3FAE]  }
0x28: {  	s2 =	sld [smem:$0x3FAF]  }
0x29: {  	s4 =	sld [smem:$0x3FB1]  }
0x2a: {  	p0 =	seq.s32 s5, $0x0;
	s5 =	sld [smem:$0x3FB2]  }
0x2b: {  	s6 =	sld [smem:$0x3FB3]  }
0x2c: {  	s7 =	sld [smem:$0x3FB4]  }
0x2d: {  	s3 =	simm.s32 $0x108;
	s8 =	sld [smem:$0x3FB5]  }
0x2e: {  	s3 =	simm.s32 @!p0 $0x1082;
	s9 =	sld [smem:$0x3FB6]  }
0x2f: {  	lr =	sadd.s32 s0, s3;
	s0 =	sld [smem:$0x3FAD]  }
0x30: {  	s3 =	sld [smem:$0x3FB0]  }
0x31: {  	[smem:$0x3FB9] =	sst s10  }
0x32: {  	s10 =	sld [smem:$0x3FB7];
	_ =	sdelay $0x3  }
0x33: {  	p0 =	seq.s32 s10, $0x1;
	s10 =	sld [smem:$0x3FB9];
	_ =	sdelay $0x3  }
0x34: {  	[smem:$0x3FB9] =	sst s10  }
0x35: {  	s10 =	sld [smem:$0x3FB8];
	_ =	sdelay $0x3  }
0x36: {  	p1 =	seq.s32 s10, $0x1;
	s10 =	sld [smem:$0x3FB9];
	_ =	sdelay $0x3  }
0x37: {  	[smem:$0x3FB9] =	sst s10  }
0x38: {  	s10 =	sld [smem:$0x3FBA]  }
0x39: {  	_ = 	snop;
	(pc) =	sbr.ind lr, $3  }
0x3a: {  	_ = 	snop  }
0x3b: {  	_ = 	snop  }
0x3c: {  	p2 =	seq.s32 s10, $0x1;
	s10 =	sld [smem:$0x3FB9]  }
0x3d: {  	_ =	shalt  }
0x3e: {  	_ =	shalt  }
0x3f: {  	_ =	shalt  }
0x40: {  	_ =	shalt  }
0x41: {  	_ =	shalt  }
0x42: {  	_ =	shalt  }
0x43: {  	_ =	shalt  }
0x44: {  	_ =	shalt  }
0x45: {  	_ =	shalt  }
0x46: {  	_ =	shalt  }
0x47: {  	_ =	shalt  }
0x48: {  	_ =	shalt  }
0x49: {  	_ =	shalt  }
0x4a: {  	_ =	shalt  }
0x4b: {  	_ =	shalt  }
0x4c: {  	_ =	shalt  }
0x4d: {  	_ =	shalt  }
0x4e: {  	_ =	shalt  }
0x4f: {  	_ =	shalt  }
0x50: {  	_ =	shalt  }
0x51: {  	_ =	shalt  }
0x52: {  	_ =	shalt  }
0x53: {  	_ =	shalt  }
0x54: {  	_ =	shalt  }
0x55: {  	_ =	shalt  }
0x56: {  	_ =	shalt  }
0x57: {  	_ =	shalt  }
0x58: {  	_ =	shalt  }
0x59: {  	_ =	shalt  }
0x5a: {  	_ =	shalt  }
0x5b: {  	_ =	shalt  }
0x5c: {  	_ =	shalt  }
0x5d: {  	_ =	shalt  }
0x5e: {  	_ =	shalt  }
0x5f: {  	_ =	shalt  }
0x60: {  	_ =	shalt  }
0x61: {  	_ =	shalt  }
0x62: {  	_ =	shalt  }
0x63: {  	_ =	shalt  }
0x64: {  	_ =	shalt  }
0x65: {  	_ =	shalt  }
0x66: {  	_ =	shalt  }
0x67: {  	_ =	shalt  }
0x68: {  	_ =	shalt  }
0x69: {  	_ =	shalt  }
0x6a: {  	_ =	shalt  }
0x6b: {  	_ =	shalt  }
0x6c: {  	_ =	shalt  }
0x6d: {  	_ =	shalt  }
0x6e: {  	_ =	shalt  }
0x6f: {  	_ =	shalt  }
0x70: {  	_ =	shalt  }
0x71: {  	_ =	shalt  }
0x72: {  	_ =	shalt  }
0x73: {  	_ =	shalt  }
0x74: {  	_ =	shalt  }
0x75: {  	_ =	shalt  }
0x76: {  	_ =	shalt  }
0x77: {  	_ =	shalt  }
0x78: {  	_ =	shalt  }
0x79: {  	_ =	shalt  }
0x7a: {  	_ =	shalt  }
0x7b: {  	_ =	shalt  }
0x7c: {  	_ =	shalt  }
0x7d: {  	_ =	shalt  }
0x7e: {  	_ =	shalt  }
0x7f: {  	_ =	shalt  }
0x80: {  	_ =	shalt  }
0x81: {  	_ =	shalt  }
0x82: {  	_ =	shalt  }
0x83: {  	_ =	shalt  }
0x84: {  	_ =	shalt  }
0x85: {  	_ =	shalt  }
0x86: {  	_ =	shalt  }
0x87: {  	_ =	shalt  }
.Lfunc_end0:
.L_simem_size_0:
called_computation_lowered:
.L_overlay_start_0:
0x88: {  	s2 =	sld [smem:$0x3FD9]  }
0x89: {  	s3 =	sld [smem:$0x3FFE];
	_ =	sdelay $0x1  }
0x8a: {  	s1 =	srdreg.scid  }
0x8b: {  	s0 =	sand.u32 $0x1, s1  }
0x8c: {  	s14 =	sshll.u32 s0, $0xA;
	s2 =	sadd.s32 s3, s2  }
0x8d: {  	s2 =	sadd.s32 s2, s14  }
0x8e: {  	[smem:$0x3FC5] =	sst s2  }
0x8f: {  	_ = 	snop  }
0x90: {  	s2 =	sld [smem:$0x3FD0];
	_ =	sdelay $0x2  }
0x91: {  	s4 =	simm.s32 $0xA;
	s5 =	simm.s32 $0x10;
	s15 =	sld [smem:$0x3FC8]  }
0x92: {  	[smem:s5], [sflag:s4] =	dma.local [hbm:s2], $0x1  }
0x93: {  	_ =	swait.eq [sflag:s4], $0x1  }
0x94: {  	[sflag:s4] =	ssyncset.done $0x0  }
0x95: {  	s16 =	sld [smem:$0x10];
	[sflag:s4] =	ssyncadd.s32 $0xFFFFFFFF  }
0x96: {  	s17 =	sld [smem:$0x11];
	(tm) =	ssettm $0x1  }
0x97: {  	s18 =	sld [smem:$0x3FFB];
	_ =	sdelay $0x3  }
0x98: {  	_ =	strace s18  }
0x99: {  	s5 =	sld [smem:$0x3FFC];
	_ =	sdelay $0x3  }
0x9a: {  	_ =	strace s5  }
0x9b: {  	s5 =	sld [smem:$0x3FFD];
	_ =	sdelay $0x3  }
0x9c: {  	_ =	strace s5  }
0x9d: {  	_ =	strace $0x8FFFFFFF  }
0x9e: {  	s19 =	sld [smem:$0x3FDB];
	_ =	sdelay $0x1  }
0x9f: {  	s6 =	simm.s32 $_scs_section_size  }
0xa0: {  	s7 =	simm.s32 $_size__tile_overlayer_lowered;
	s8 =	simm.s32 $_tile_overlayer_lowered  }
0xa1: {  	s22 =	simm.s32 $0x1BFF;
	s21 =	sshll.u32 s8, $0x1;
	s5 =	sadd.s32 s6, s19  }
0xa2: {  	s9 =	simm.s32 $0x0;
	s20 =	sshll.u32 s7, $0x1;
	s7 =	sadd.s32 s21, s5  }
0xa3: {  	[timem:s9], [sflag:s22] =	dma.local [hbm:s7], s20  }
0xa4: {  	_ =	swait.ge [sflag:s22], s20  }
0xa5: {  	s6 =	ssub.s32 $0x0, s20;
	[sflag:s22] =	ssyncset.done $0x0  }
0xa6: {  	[sflag:s22] =	ssyncadd.s32 s6;
	_ =	sdelay $0x1  }
0xa7: {  	s23 =	simm.s32 $0x1B8B  }
0xa8: {  	_ =	swait.ge [sflag:s23], $0x1  }
0xa9: {  	[sflag:s23] =	ssyncset.done $0x0  }
0xaa: {  	s25 =	simm.s32 $0x1B8E;
	s24 =	sld [smem:$0x3FFE];
	[sflag:s23] =	ssyncadd.s32 $0xFFFFFFFF  }
0xab: {  	s26 =	simm.s32 $execute0_lowered;
	[smem:$0x3FD2] =	sst s25  }
0xac: {  	s7 =	sshll.u32 s26, $0x1;
	_ =	strace $0x80000046;
	[dreg:$0x1] =	wrdreg $0xFFFFFFFF  }
0xad: {  	s28 =	simm.s32 $_size_execute0_lowered;
	s5 =	sadd.s32 s5, s7;
	[dreg:$0x0] =	wrdreg $0x0  }
0xae: {  	s7 =	sshll.u32 s28, $0x1;
	[dreg:$0x2] =	wrdreg s5  }
0xaf: {  	[dreg:$0x3] =	wrdreg s7  }
0xb0: {  	[dreg:$0x4] =	wrdreg $0xC0  }
0xb1: {  	_ =	task [dreg:s9], $0x5FFFF  }
0xb2: {  	[dreg:$0x1] =	wrdreg $0xFFFFFFFF  }
0xb3: {  	[dreg:$0x0] =	wrdreg $0x60  }
0xb4: {  	[dreg:$0x2] =	wrdreg s15  }
0xb5: {  	[dreg:$0x3] =	wrdreg s16  }
0xb6: {  	[dreg:$0x4] =	wrdreg s24  }
0xb7: {  	[dreg:$0x5] =	wrdreg s17  }
0xb8: {  	[dreg:$0x6] =	wrdreg $0x61000  }
0xb9: {  	[dreg:$0x7] =	wrdreg $0xA1000  }
0xba: {  	[dreg:$0x8] =	wrdreg $0x9  }
0xbb: {  	_ =	task.clear_ibuf [dreg:s9], $0x9FFFF;
	_ =	strace $0x90000046  }
0xbc: {  	s29 =	simm.s32 $0x9;
	_ =	strace $0x80000048  }
0xbd: {  	_ =	swait.ge [sflag:s29], $0x1  }
0xbe: {  	[sflag:s29] =	ssyncadd.s32 $0xFFFFFFFF  }
0xbf: {  	_ =	strace $0x90000048  }
0xc0: {  	_ =	sfence  }
0xc1: {  	s30 =	sld [smem:$0x0];
	_ =	sdelay $0x2  }
0xc2: {  	s31 =	sshll.u32 s1, $0xD;
	s1 =	sshrl.u32 s1, $0x2  }
0xc3: {  	s3 =	sand.u32 $0x4000, s31;
	s1 =	sadd.s32 s1, s30  }
0xc4: {  	s0 =	sor.u32 s3, s0;
	s1 =	sshll.u32 s1, $0x11  }
0xc5: {  	s0 =	sor.u32 s1, s0  }
0xc6: {  	s0 =	sadd.s32 $0x8F2B, s0  }
0xc7: {  	[sflag:s0] =	ssyncadd.remote.s32 $0x1  }
0xc8: {  	_ =	sfence.sel $0xFFFF  }
0xc9: {  	[dreg:$0x0] =	wrdreg $0xFFFFFFFF;
	(pc) =	sbr.abs _section_cstart, $3  }
0xca: {  	[dreg:$0x1] =	wrdreg $0xFFFFFFFF  }
0xcb: {  	_ =	task.clear_ibuf [dreg:s9], $0x2FFFF;
	_ =	strace $0x9FFFFFFF  }
0xcc: {  	(tm) =	ssettm $0x7FFFFFFF  }
0xcd: {  	_ =	shalt  }
tec
execute0_lowered:
.L_overlay_start_1:
0x0: {  	(tag) =	ssettag $0x1  }
0x1: {  	s26 =	rddreg [dreg:$0x0]  }
0x2: {  	s1 =	rddreg [dreg:$0x1]  }
0x3: {  	s5 =	rddreg [dreg:$0x2]  }
0x4: {  	s2 =	rddreg [dreg:$0x4]  }
0x5: {  	s3 =	rddreg [dreg:$0x5]  }
0x6: {  	s4 =	srdreg.scid;
	s28 =	stileid.u32  }
0x7: {  	s0 =	sand.u32 $0x1, s4;
	s24 =	sshll.u32 s28, $0xB;
	s6 =	sshll.u32 s28, $0x14  }
0x8: {  	s4 =	simm.s32 $0x0;
	s18 =	sshll.u32 s28, $0x8;
	s5 =	sadd.s32 $0xC00, s5  }
0x9: {  	[smem:$0x7FD] =	sst s0;
	s29 =	sshll.u32 s0, $0xA;
	s7 =	sor.u32 $0x40, s24  }
0xa: {  	[smem:$0x7FF] =	sst s4;
	s19 =	sadd.s32 s1, s18;
	s20 =	sor.u32 $0x80, s24  }
0xb: {  	s11 =	sor.u32 $0xC0, s24;
	s18 =	sor.u32 $0x100, s24;
	s8 =	sor.u32 s29, s6  }
0xc: {  	s9 =	sshll.u32 s7, $0x9;
	_ =	strace $0x80000047;
	s7 =	sshrl.u32 s7, $0x3  }
0xd: {  	[dreg:$0x9] =	wrdreg s19;
	s31 =	sor.u32 $0x800, s29;
	s22 =	sshll.u32 s20, $0x9  }
0xe: {  	s13 =	sshll.u32 s11, $0x9;
	s8 =	sshrl.u32 s8, $0x3;
	s10 =	sor.u32 s29, s9  }
0xf: {  	s7 =	sadd.s32 s1, s7;
	s6 =	sor.u32 s6, s31;
	s21 =	sor.u32 s31, s9  }
0x10: {  	s23 =	sor.u32 s29, s22;
	s12 =	sor.u32 s31, s22;
	s14 =	sor.u32 s29, s13  }
0x11: {  	s19 =	sor.u32 s31, s13;
	s8 =	sadd.s32 s26, s8;
	s10 =	sshrl.u32 s10, $0x3  }
0x12: {  	[dreg:$0xa] =	wrdreg s7;
	s6 =	sshrl.u32 s6, $0x3;
	s0 =	sshrl.u32 s23, $0x3  }
0x13: {  	s7 =	sshrl.u32 s20, $0x3;
	s16 =	sshrl.u32 s14, $0x3;
	s20 =	sshll.u32 s18, $0x9  }
0x14: {  	[dreg:$0x7] =	wrdreg s8;
	s17 =	sadd.s32 s26, s10;
	s6 =	sadd.s32 s26, s6  }
0x15: {  	s8 =	sshrl.u32 s21, $0x3;
	s10 =	sadd.s32 s26, s0;
	[dreg:$0x8] =	wrdreg s17  }
0x16: {  	s7 =	sadd.s32 s1, s7;
	s21 =	sor.u32 s29, s20;
	[dreg:$0xb] =	wrdreg s6  }
0x17: {  	s0 =	sor.u32 $0x140, s24;
	s25 =	sadd.s32 s26, s8;
	[dreg:$0xd] =	wrdreg s10  }
0x18: {  	s8 =	sshrl.u32 s12, $0x3;
	[dreg:$0xe] =	wrdreg s7;
	s17 =	sadd.s32 s26, s16  }
0x19: {  	s6 =	sshrl.u32 s11, $0x3;
	s23 =	sshrl.u32 s21, $0x3;
	s7 =	sshrl.u32 s18, $0x3  }
0x1a: {  	s10 =	sor.u32 s31, s20;
	s11 =	sshll.u32 s0, $0x9;
	[dreg:$0xc] =	wrdreg s25  }
0x1b: {  	s16 =	sor.u32 $0x180, s24;
	s15 =	sadd.s32 s26, s8;
	[dreg:$0x10] =	wrdreg s17  }
0x1c: {  	s6 =	sadd.s32 s1, s6;
	s8 =	sshrl.u32 s19, $0x3;
	s25 =	sadd.s32 s26, s23  }
0x1d: {  	s7 =	sadd.s32 s1, s7;
	s12 =	sor.u32 s29, s11;
	[dreg:$0xf] =	wrdreg s15  }
0x1e: {  	s17 =	sor.u32 s31, s11;
	s18 =	sshll.u32 s16, $0x9;
	[dreg:$0x11] =	wrdreg s6  }
0x1f: {  	s23 =	sor.u32 $0x1C0, s24;
	s22 =	sadd.s32 s26, s8;
	[dreg:$0x13] =	wrdreg s25  }
0x20: {  	s8 =	sshrl.u32 s10, $0x3;
	[dreg:$0x14] =	wrdreg s7;
	s14 =	sshrl.u32 s12, $0x3  }
0x21: {  	s6 =	sshrl.u32 s0, $0x3;
	s19 =	sor.u32 s29, s18;
	s7 =	sshrl.u32 s16, $0x3  }
0x22: {  	s25 =	sor.u32 s31, s18;
	s0 =	sshll.u32 s23, $0x9;
	[dreg:$0x12] =	wrdreg s22  }
0x23: {  	s13 =	sadd.s32 s26, s8;
	s15 =	sadd.s32 s26, s14;
	s6 =	sadd.s32 s1, s6  }
0x24: {  	s8 =	sshrl.u32 s17, $0x3;
	s21 =	sshrl.u32 s19, $0x3;
	[dreg:$0x15] =	wrdreg s13  }
0x25: {  	s7 =	sadd.s32 s1, s7;
	s11 =	sor.u32 s29, s0;
	[dreg:$0x16] =	wrdreg s15  }
0x26: {  	s16 =	sor.u32 s31, s0;
	[dreg:$0x17] =	wrdreg s6;
	s20 =	sadd.s32 s26, s8  }
0x27: {  	s22 =	sadd.s32 s26, s21;
	s8 =	sshrl.u32 s25, $0x3;
	[dreg:$0x1a] =	wrdreg s7  }
0x28: {  	s13 =	sshrl.u32 s11, $0x3;
	s15 =	sor.u32 $0x200, s24;
	[dreg:$0x18] =	wrdreg s20  }
0x29: {  	s6 =	sshrl.u32 s23, $0x3;
	[dreg:$0x19] =	wrdreg s22;
	s12 =	sadd.s32 s26, s8  }
0x2a: {  	s14 =	sadd.s32 s26, s13;
	s17 =	sshll.u32 s15, $0x9;
	s6 =	sadd.s32 s1, s6  }
0x2b: {  	s8 =	sshrl.u32 s16, $0x3;
	s22 =	sor.u32 $0x240, s24;
	[dreg:$0x1b] =	wrdreg s12  }
0x2c: {  	s7 =	sshrl.u32 s15, $0x3;
	s13 =	sor.u32 $0x280, s24;
	[dreg:$0x1c] =	wrdreg s14  }
0x2d: {  	s18 =	sor.u32 s29, s17;
	[dreg:$0x1d] =	wrdreg s6;
	s19 =	sadd.s32 s26, s8  }
0x2e: {  	s23 =	sor.u32 s31, s17;
	s25 =	sshll.u32 s22, $0x9;
	s7 =	sadd.s32 s1, s7  }
0x2f: {  	s6 =	sshrl.u32 s22, $0x3;
	s15 =	sshll.u32 s13, $0x9;
	s20 =	sshrl.u32 s18, $0x3  }
0x30: {  	[dreg:$0x1e] =	wrdreg s19;
	s8 =	sshrl.u32 s23, $0x3;
	s0 =	sor.u32 s29, s25  }
0x31: {  	[smem:$0x7B8] =	sst s7;
	s14 =	sor.u32 s31, s25;
	s6 =	sadd.s32 s1, s6  }
0x32: {  	s16 =	sor.u32 s29, s15;
	s7 =	sshrl.u32 s13, $0x3;
	s21 =	sadd.s32 s26, s20  }
0x33: {  	s8 =	sadd.s32 s26, s8;
	s11 =	sshrl.u32 s0, $0x3;
	[smem:$0x7BB] =	sst s6  }
0x34: {  	s18 =	sshrl.u32 s16, $0x3;
	s20 =	sor.u32 $0x2C0, s24;
	[dreg:$0x1f] =	wrdreg s21  }
0x35: {  	s7 =	sadd.s32 s1, s7;
	[smem:$0x7B9] =	sst s8;
	s12 =	sadd.s32 s26, s11  }
0x36: {  	s8 =	sshrl.u32 s14, $0x3;
	s19 =	sadd.s32 s26, s18;
	s21 =	sor.u32 s31, s15  }
0x37: {  	s22 =	sshll.u32 s20, $0x9;
	[smem:$0x7BE] =	sst s7;
	s11 =	sor.u32 $0x300, s24  }
0x38: {  	s6 =	sshrl.u32 s20, $0x3;
	s18 =	sor.u32 $0x340, s24;
	[smem:$0x7BA] =	sst s12  }
0x39: {  	s17 =	sadd.s32 s26, s8;
	[smem:$0x7BD] =	sst s19;
	s8 =	sshrl.u32 s21, $0x3  }
0x3a: {  	s23 =	sor.u32 s29, s22;
	s12 =	sor.u32 s31, s22;
	s13 =	sshll.u32 s11, $0x9  }
0x3b: {  	s6 =	sadd.s32 s1, s6;
	s7 =	sshrl.u32 s11, $0x3;
	s20 =	sshll.u32 s18, $0x9  }
0x3c: {  	[smem:$0x7BC] =	sst s17;
	s25 =	sadd.s32 s26, s8;
	s0 =	sshrl.u32 s23, $0x3  }
0x3d: {  	s8 =	sshrl.u32 s12, $0x3;
	s14 =	sor.u32 s29, s13;
	[smem:$0x7C1] =	sst s6  }
0x3e: {  	s19 =	sor.u32 s31, s13;
	s7 =	sadd.s32 s1, s7;
	s21 =	sor.u32 s29, s20  }
0x3f: {  	s6 =	sshrl.u32 s18, $0x3;
	[smem:$0x7BF] =	sst s25;
	s10 =	sadd.s32 s26, s0  }
0x40: {  	s15 =	sadd.s32 s26, s8;
	s16 =	sshrl.u32 s14, $0x3;
	[smem:$0x7C4] =	sst s7  }
0x41: {  	s8 =	sshrl.u32 s19, $0x3;
	s23 =	sshrl.u32 s21, $0x3;
	[smem:$0x7C0] =	sst s10  }
0x42: {  	s0 =	sor.u32 $0x380, s24;
	s6 =	sadd.s32 s1, s6;
	[smem:$0x7C2] =	sst s15  }
0x43: {  	s17 =	sadd.s32 s26, s16;
	s22 =	sadd.s32 s26, s8;
	[smem:$0x7C7] =	sst s6  }
0x44: {  	s25 =	sadd.s32 s26, s23;
	s10 =	sor.u32 s31, s20;
	[smem:$0x7C3] =	sst s17  }
0x45: {  	s11 =	sshll.u32 s0, $0x9;
	s16 =	sor.u32 $0x3C0, s24;
	[smem:$0x7C5] =	sst s22  }
0x46: {  	s7 =	sshrl.u32 s0, $0x3;
	s23 =	sor.u32 $0x400, s24;
	[smem:$0x7C6] =	sst s25  }
0x47: {  	s8 =	sshrl.u32 s10, $0x3;
	s12 =	sor.u32 s29, s11;
	s17 =	sor.u32 s31, s11  }
0x48: {  	s18 =	sshll.u32 s16, $0x9;
	s7 =	sadd.s32 s1, s7;
	s6 =	sshrl.u32 s16, $0x3  }
0x49: {  	s0 =	sshll.u32 s23, $0x9;
	s13 =	sadd.s32 s26, s8;
	s14 =	sshrl.u32 s12, $0x3  }
0x4a: {  	s8 =	sshrl.u32 s17, $0x3;
	s19 =	sor.u32 s29, s18;
	[smem:$0x7CA] =	sst s7  }
0x4b: {  	s25 =	sor.u32 s31, s18;
	s6 =	sadd.s32 s1, s6;
	s11 =	sor.u32 s29, s0  }
0x4c: {  	s7 =	sshrl.u32 s23, $0x3;
	s16 =	sor.u32 s31, s0;
	[smem:$0x7C8] =	sst s13  }
0x4d: {  	s15 =	sadd.s32 s26, s14;
	s20 =	sadd.s32 s26, s8;
	[smem:$0x7CD] =	sst s6  }
0x4e: {  	s21 =	sshrl.u32 s19, $0x3;
	s8 =	sshrl.u32 s25, $0x3;
	[smem:$0x7C9] =	sst s15  }
0x4f: {  	s13 =	sshrl.u32 s11, $0x3;
	s7 =	sadd.s32 s1, s7;
	[smem:$0x7CB] =	sst s20  }
0x50: {  	s22 =	sadd.s32 s26, s21;
	s12 =	sadd.s32 s26, s8;
	[smem:$0x7D0] =	sst s7  }
0x51: {  	s14 =	sadd.s32 s26, s13;
	s15 =	sor.u32 $0x440, s24;
	[smem:$0x7CC] =	sst s22  }
0x52: {  	s8 =	sshrl.u32 s16, $0x3;
	s13 =	sor.u32 $0x4C0, s24;
	[smem:$0x7CE] =	sst s12  }
0x53: {  	[smem:$0x7CF] =	sst s14;
	s17 =	sshll.u32 s15, $0x9;
	s19 =	sadd.s32 s26, s8  }
0x54: {  	s22 =	sor.u32 $0x480, s24;
	s6 =	sshrl.u32 s15, $0x3;
	s15 =	sshll.u32 s13, $0x9  }
0x55: {  	s18 =	sor.u32 s29, s17;
	[smem:$0x7D1] =	sst s19;
	s23 =	sor.u32 s31, s17  }
0x56: {  	s25 =	sshll.u32 s22, $0x9;
	s6 =	sadd.s32 s1, s6;
	s7 =	sshrl.u32 s22, $0x3  }
0x57: {  	s16 =	sor.u32 s29, s15;
	s20 =	sshrl.u32 s18, $0x3;
	s8 =	sshrl.u32 s23, $0x3  }
0x58: {  	s0 =	sor.u32 s29, s25;
	[smem:$0x7D3] =	sst s6;
	s14 =	sor.u32 s31, s25  }
0x59: {  	s7 =	sadd.s32 s1, s7;
	s18 =	sshrl.u32 s16, $0x3;
	s6 =	sshrl.u32 s13, $0x3  }
0x5a: {  	s21 =	sadd.s32 s26, s20;
	s8 =	sadd.s32 s26, s8;
	s11 =	sshrl.u32 s0, $0x3  }
0x5b: {  	[smem:$0x7D6] =	sst s7;
	s19 =	sadd.s32 s26, s18;
	s20 =	sor.u32 $0x500, s24  }
0x5c: {  	s6 =	sadd.s32 s1, s6;
	s18 =	sor.u32 $0x580, s24;
	[smem:$0x7D2] =	sst s21  }
0x5d: {  	[smem:$0x7D4] =	sst s8;
	s12 =	sadd.s32 s26, s11;
	s8 =	sshrl.u32 s14, $0x3  }
0x5e: {  	[smem:$0x7D8] =	sst s19;
	s21 =	sor.u32 s31, s15;
	s22 =	sshll.u32 s20, $0x9  }
0x5f: {  	[smem:$0x7D9] =	sst s6;
	s11 =	sor.u32 $0x540, s24;
	s7 =	sshrl.u32 s20, $0x3  }
0x60: {  	s20 =	sshll.u32 s18, $0x9;
	[smem:$0x7D5] =	sst s12;
	s17 =	sadd.s32 s26, s8  }
0x61: {  	s8 =	sshrl.u32 s21, $0x3;
	s23 =	sor.u32 s29, s22;
	s12 =	sor.u32 s31, s22  }
0x62: {  	s13 =	sshll.u32 s11, $0x9;
	s7 =	sadd.s32 s1, s7;
	s6 =	sshrl.u32 s11, $0x3  }
0x63: {  	s21 =	sor.u32 s29, s20;
	[smem:$0x7D7] =	sst s17;
	s25 =	sadd.s32 s26, s8  }
0x64: {  	s0 =	sshrl.u32 s23, $0x3;
	s8 =	sshrl.u32 s12, $0x3;
	s14 =	sor.u32 s29, s13  }
0x65: {  	[smem:$0x7DC] =	sst s7;
	s19 =	sor.u32 s31, s13;
	s6 =	sadd.s32 s1, s6  }
0x66: {  	s23 =	sshrl.u32 s21, $0x3;
	s7 =	sshrl.u32 s18, $0x3;
	[smem:$0x7DA] =	sst s25  }
0x67: {  	s10 =	sadd.s32 s26, s0;
	s15 =	sadd.s32 s26, s8;
	s16 =	sshrl.u32 s14, $0x3  }
0x68: {  	s8 =	sshrl.u32 s19, $0x3;
	[smem:$0x7DF] =	sst s6;
	s25 =	sadd.s32 s26, s23  }
0x69: {  	s0 =	sor.u32 $0x5C0, s24;
	s7 =	sadd.s32 s1, s7;
	[smem:$0x7DB] =	sst s10  }
0x6a: {  	s23 =	sor.u32 $0x640, s24;
	[smem:$0x7DD] =	sst s15;
	s17 =	sadd.s32 s26, s16  }
0x6b: {  	s22 =	sadd.s32 s26, s8;
	[smem:$0x7E1] =	sst s25;
	s10 =	sor.u32 s31, s20  }
0x6c: {  	s11 =	sshll.u32 s0, $0x9;
	[smem:$0x7E2] =	sst s7;
	s16 =	sor.u32 $0x600, s24  }
0x6d: {  	s6 =	sshrl.u32 s0, $0x3;
	s0 =	sshll.u32 s23, $0x9;
	[smem:$0x7DE] =	sst s17  }
0x6e: {  	[smem:$0x7E0] =	sst s22;
	s8 =	sshrl.u32 s10, $0x3;
	s12 =	sor.u32 s29, s11  }
0x6f: {  	s17 =	sor.u32 s31, s11;
	s18 =	sshll.u32 s16, $0x9;
	s6 =	sadd.s32 s1, s6  }
0x70: {  	s7 =	sshrl.u32 s16, $0x3;
	s11 =	sor.u32 s29, s0;
	s13 =	sadd.s32 s26, s8  }
0x71: {  	s14 =	sshrl.u32 s12, $0x3;
	s8 =	sshrl.u32 s17, $0x3;
	[smem:$0x7E5] =	sst s6  }
0x72: {  	s19 =	sor.u32 s29, s18;
	s7 =	sadd.s32 s1, s7;
	[smem:$0x7E3] =	sst s13  }
0x73: {  	s25 =	sor.u32 s31, s18;
	s15 =	sadd.s32 s26, s14;
	[smem:$0x7E8] =	sst s7  }
0x74: {  	s6 =	sshrl.u32 s23, $0x3;
	s20 =	sadd.s32 s26, s8;
	[smem:$0x7E4] =	sst s15  }
0x75: {  	s21 =	sshrl.u32 s19, $0x3;
	s6 =	sadd.s32 s1, s6;
	[smem:$0x7E6] =	sst s20  }
0x76: {  	s8 =	sshrl.u32 s25, $0x3;
	s22 =	sadd.s32 s26, s21;
	[smem:$0x7EB] =	sst s6  }
0x77: {  	s13 =	sshrl.u32 s11, $0x3;
	s12 =	sadd.s32 s26, s8;
	[smem:$0x7E7] =	sst s22  }
0x78: {  	s16 =	sor.u32 s31, s0;
	s14 =	sadd.s32 s26, s13;
	[smem:$0x7E9] =	sst s12  }
0x79: {  	s15 =	sor.u32 $0x680, s24;
	s8 =	sshrl.u32 s16, $0x3;
	[smem:$0x7EA] =	sst s14  }
0x7a: {  	s17 =	sshll.u32 s15, $0x9;
	s19 =	sadd.s32 s26, s8;
	s22 =	sor.u32 $0x6C0, s24  }
0x7b: {  	s7 =	sshrl.u32 s15, $0x3;
	s12 =	sor.u32 $0x700, s24;
	s18 =	sor.u32 s29, s17  }
0x7c: {  	[smem:$0x7EC] =	sst s19;
	s23 =	sor.u32 s31, s17;
	s25 =	sshll.u32 s22, $0x9  }
0x7d: {  	s7 =	sadd.s32 s1, s7;
	s6 =	sshrl.u32 s22, $0x3;
	s14 =	sshll.u32 s12, $0x9  }
0x7e: {  	s19 =	sor.u32 $0x740, s24;
	s20 =	sshrl.u32 s18, $0x3;
	s8 =	sshrl.u32 s23, $0x3  }
0x7f: {  	s0 =	sor.u32 s29, s25;
	[smem:$0x7EE] =	sst s7;
	s13 =	sor.u32 s31, s25  }
0x80: {  	s6 =	sadd.s32 s1, s6;
	s15 =	sor.u32 s29, s14;
	s7 =	sshrl.u32 s12, $0x3  }
0x81: {  	s21 =	sadd.s32 s26, s20;
	s8 =	sadd.s32 s26, s8;
	s10 =	sshrl.u32 s0, $0x3  }
0x82: {  	[smem:$0x7F1] =	sst s6;
	s17 =	sshrl.u32 s15, $0x3;
	s20 =	sor.u32 s31, s14  }
0x83: {  	s7 =	sadd.s32 s1, s7;
	s0 =	sshll.u32 s28, $0xE;
	[smem:$0x7ED] =	sst s21  }
0x84: {  	s6 =	sshrl.u32 s19, $0x3;
	s15 =	sor.u32 $0x780, s24;
	[smem:$0x7EF] =	sst s8  }
0x85: {  	s11 =	sadd.s32 s26, s10;
	s8 =	sshrl.u32 s13, $0x3;
	s18 =	sadd.s32 s26, s17  }
0x86: {  	s21 =	sshll.u32 s19, $0x9;
	[smem:$0x7F4] =	sst s7;
	s13 =	sadd.s32 s0, s2  }
0x87: {  	s6 =	sadd.s32 s1, s6;
	s19 =	sshrl.u32 s15, $0x3;
	[smem:$0x7F0] =	sst s11  }
0x88: {  	s16 =	sadd.s32 s26, s8;
	[smem:$0x7F3] =	sst s18;
	s8 =	sshrl.u32 s20, $0x3  }
0x89: {  	s22 =	sor.u32 s29, s21;
	s14 =	sor.u32 s31, s21;
	[smem:$0x7F7] =	sst s6  }
0x8a: {  	s11 =	sshll.u32 s15, $0x9;
	[smem:$0x7F2] =	sst s16;
	s23 =	sadd.s32 s26, s8  }
0x8b: {  	s25 =	sshrl.u32 s22, $0x3;
	s7 =	sshrl.u32 s14, $0x3;
	s17 =	sor.u32 s29, s11  }
0x8c: {  	s20 =	sor.u32 s31, s11;
	[smem:$0x7F5] =	sst s23;
	s12 =	sadd.s32 s26, s25  }
0x8d: {  	s8 =	sshrl.u32 s13, $0x3;
	s16 =	sadd.s32 s26, s7;
	[smem:$0x7F6] =	sst s12  }
0x8e: {  	s18 =	sshrl.u32 s17, $0x3;
	s7 =	sadd.s32 s1, s19;
	[smem:$0x7F8] =	sst s16  }
0x8f: {  	s9 =	sshrl.u32 s20, $0x3;
	s6 =	sadd.s32 s26, s18;
	[smem:$0x7FA] =	sst s7  }
0x90: {  	s12 =	sshll.u32 s28, $0x6;
	s21 =	sadd.s32 s26, s9;
	[smem:$0x7F9] =	sst s6  }
0x91: {  	s7 =	simm.s32 $0x8;
	s6 =	sor.u32 $0x1C08, s12;
	[smem:$0x7FB] =	sst s21  }
0x92: {  	[spmem:s8], [sflag:s6] =	dma.local [hbm:s5], $0x800  }
0x93: {  	_ =	swait.ge [sflag:s7], $0x800  }
0x94: {  	s22 =	sadd.s32 s0, s3;
	[sflag:s7] =	ssyncset.done $0x0  }
0x95: {  	s9 =	sshrl.u32 s22, $0x3;
	[sflag:s7] =	ssyncadd.s32 $0xFFFFF800  }
0x96: {  	[spmem:s9], [sflag:s6] =	dma.local [hbm:s5], $0x800  }
0x97: {  	_ =	swait.ge [sflag:s7], $0x800  }
0x98: {  	s10 =	simm.s32 $0x400;
	[sflag:s7] =	ssyncset.done $0x0  }
0x99: {  	s11 =	simm.s32 $0x1000;
	s23 =	rddreg [dreg:$0x7];
	[sflag:s7] =	ssyncadd.s32 $0xFFFFF800  }
0x9a: {  	[tilespmem:s4], [sflag:$0x1] =	stream.strided.gather [hbm4b:s23+s10], $0x2000, s11, s10, $0x38;
	[tilespmem:$0xE100] =	vst v63  }
0x9b: {  	s12 =	simm.s32 $0x2000;
	s13 =	rddreg [dreg:$0x8]  }
0x9c: {  	[tilespmem:s12], [sflag:$0x2] =	stream.strided.gather [hbm4b:s13+s10], $0x2000, s11, s10, $0x38;
	[tilespmem:$0xE100] =	vst v63  }
0x9d: {  	s14 =	rddreg [dreg:$0x9];
	s13 =	simm.s32 $0x6000  }
0x9e: {  	[tilespmem:s13], [sflag:$0x3] =	stream.linear.gather [hbm4b:s14+s4], $0x40, $0x38;
	[tilespmem:$0xE100] =	vst v63  }
0x9f: {  	s15 =	rddreg [dreg:$0xa];
	s14 =	simm.s32 $0x6080  }
0xa0: {  	[tilespmem:s14], [sflag:$0x4] =	stream.linear.gather [hbm4b:s15+s4], $0x40, $0x38;
	[tilespmem:$0xE100] =	vst v63  }
0xa1: {  	s16 =	simm.s32 $0x1;
	s17 =	rddreg [dreg:$0xb];
	s15 =	simm.s32 $0x4000  }
0xa2: {  	[tilespmem:s15], [sflag:$0x5] =	stream.strided.gather [hbm4b:s17+s10], $0x2000, s11, s10, $0x38;
	[tilespmem:$0xE100] =	vst v63  }
0xa3: {  	_ =	swait.ge [sflag:s16], $0x2000  }
0xa4: {  	[sflag:s16] =	ssyncset.done $0x0  }
0xa5: {  	s17 =	simm.s32 $0x3;
	[sflag:s16] =	ssyncadd.s32 $0xFFFFE000  }
0xa6: {  	_ =	swait.ge [sflag:s17], $0x40  }
0xa7: {  	[sflag:s17] =	ssyncset.done $0x0  }
0xa8: {  	s18 =	simm.s32 $0x5;
	[sflag:s17] =	ssyncadd.s32 $0xFFFFFFC0  }
0xa9: {  	_ =	swait.ge [sflag:s18], $0x2000  }
0xaa: {  	[sflag:s18] =	ssyncset.done $0x0  }
0xab: {  	s19 =	simm.s32 $0x40;
	[sflag:s18] =	ssyncadd.s32 $0xFFFFE000  }
0xac: {  	[spmem:s2] =	stream.indirect.scatter.add.f32 [tilespmem:s4], [sflag:$0x6], $0x80, s13, s19, $0xb8;
	[tilespmem:$0xE100] =	vst v63  }
0xad: {  	s20 =	simm.s32 $0x7  }
0xae: {  	[spmem:s3] =	stream.indirect.scatter.add.f32 [tilespmem:s15], [sflag:$0x7], $0x80, s13, s19, $0xb8;
	[tilespmem:$0xE100] =	vst v63  }
0xaf: {  	_ =	swait.ge [sflag:s20], $0x2000  }
0xb0: {  	[sflag:s20] =	ssyncset.done $0x0  }
0xb1: {  	s21 =	rddreg [dreg:$0xc];
	[sflag:s20] =	ssyncadd.s32 $0xFFFFE000  }
0xb2: {  	[tilespmem:s15], [sflag:$0x5] =	stream.strided.gather [hbm4b:s21+s10], $0x2000, s11, s10, $0x38;
	[tilespmem:$0xE100] =	vst v63  }
0xb3: {  	s21 =	simm.s32 $0x6  }
0xb4: {  	_ =	swait.ge [sflag:s21], $0x2000  }
0xb5: {  	[sflag:s21] =	ssyncset.done $0x0  }
0xb6: {  	s22 =	rddreg [dreg:$0xd];
	[sflag:s21] =	ssyncadd.s32 $0xFFFFE000  }
0xb7: {  	[tilespmem:s4], [sflag:$0x1] =	stream.strided.gather [hbm4b:s22+s10], $0x2000, s11, s10, $0x38;
	[tilespmem:$0xE100] =	vst v63  }
0xb8: {  	s23 =	rddreg [dreg:$0xe];
	s22 =	simm.s32 $0x2  }
0xb9: {  	[tilespmem:s13], [sflag:$0x3] =	stream.linear.gather [hbm4b:s23+s4], $0x40, $0x38;
	[tilespmem:$0xE100] =	vst v63  }
0xba: {  	_ =	swait.ge [sflag:s22], $0x2000  }
0xbb: {  	[sflag:s22] =	ssyncset.done $0x0  }
0xbc: {  	s23 =	simm.s32 $0x4;
	[sflag:s22] =	ssyncadd.s32 $0xFFFFE000  }
0xbd: {  	_ =	swait.ge [sflag:s23], $0x40  }
0xbe: {  	[sflag:s23] =	ssyncset.done $0x0  }
0xbf: {  	[sflag:s23] =	ssyncadd.s32 $0xFFFFFFC0  }
0xc0: {  	_ =	swait.ge [sflag:s18], $0x2000  }
0xc1: {  	[sflag:s18] =	ssyncset.done $0x0  }
0xc2: {  	[sflag:s18] =	ssyncadd.s32 $0xFFFFE000  }
0xc3: {  	[spmem:s2] =	stream.indirect.scatter.add.f32 [tilespmem:s12], [sflag:$0x6], $0x80, s14, s19, $0xb8;
	[tilespmem:$0xE100] =	vst v63  }
0xc4: {  	_ = 	snop  }
0xc5: {  	[spmem:s3] =	stream.indirect.scatter.add.f32 [tilespmem:s15], [sflag:$0x7], $0x80, s14, s19, $0xb8;
	[tilespmem:$0xE100] =	vst v63  }
0xc6: {  	_ =	swait.ge [sflag:s20], $0x2000  }
0xc7: {  	[sflag:s20] =	ssyncset.done $0x0  }
0xc8: {  	s30 =	rddreg [dreg:$0xf];
	[sflag:s20] =	ssyncadd.s32 $0xFFFFE000  }
0xc9: {  	[tilespmem:s15], [sflag:$0x5] =	stream.strided.gather [hbm4b:s30+s10], $0x2000, s11, s10, $0x38;
	[tilespmem:$0xE100] =	vst v63  }
0xca: {  	_ =	swait.ge [sflag:s21], $0x2000  }
0xcb: {  	[sflag:s21] =	ssyncset.done $0x0  }
0xcc: {  	s30 =	rddreg [dreg:$0x10];
	[sflag:s21] =	ssyncadd.s32 $0xFFFFE000  }
0xcd: {  	[tilespmem:s12], [sflag:$0x2] =	stream.strided.gather [hbm4b:s30+s10], $0x2000, s11, s10, $0x38;
	[tilespmem:$0xE100] =	vst v63  }
0xce: {  	s25 =	rddreg [dreg:$0x11]  }
0xcf: {  	[tilespmem:s14], [sflag:$0x4] =	stream.linear.gather [hbm4b:s25+s4], $0x40, $0x38;
	[tilespmem:$0xE100] =	vst v63  }
0xd0: {  	_ =	swait.ge [sflag:s16], $0x2000  }
0xd1: {  	[sflag:s16] =	ssyncset.done $0x0  }
0xd2: {  	[sflag:s16] =	ssyncadd.s32 $0xFFFFE000  }
0xd3: {  	_ =	swait.ge [sflag:s17], $0x40  }
0xd4: {  	[sflag:s17] =	ssyncset.done $0x0  }
0xd5: {  	[sflag:s17] =	ssyncadd.s32 $0xFFFFFFC0  }
0xd6: {  	_ =	swait.ge [sflag:s18], $0x2000  }
0xd7: {  	[sflag:s18] =	ssyncset.done $0x0  }
0xd8: {  	[sflag:s18] =	ssyncadd.s32 $0xFFFFE000  }
0xd9: {  	[spmem:s2] =	stream.indirect.scatter.add.f32 [tilespmem:s4], [sflag:$0x6], $0x80, s13, s19, $0xb8;
	[tilespmem:$0xE100] =	vst v63  }
0xda: {  	_ = 	snop  }
0xdb: {  	[spmem:s3] =	stream.indirect.scatter.add.f32 [tilespmem:s15], [sflag:$0x7], $0x80, s13, s19, $0xb8;
	[tilespmem:$0xE100] =	vst v63  }
0xdc: {  	_ =	swait.ge [sflag:s20], $0x2000  }
0xdd: {  	[sflag:s20] =	ssyncset.done $0x0  }
0xde: {  	s25 =	rddreg [dreg:$0x12];
	[sflag:s20] =	ssyncadd.s32 $0xFFFFE000  }
0xdf: {  	[tilespmem:s15], [sflag:$0x5] =	stream.strided.gather [hbm4b:s25+s10], $0x2000, s11, s10, $0x38;
	[tilespmem:$0xE100] =	vst v63  }
0xe0: {  	_ =	swait.ge [sflag:s21], $0x2000  }
0xe1: {  	[sflag:s21] =	ssyncset.done $0x0  }
0xe2: {  	s25 =	rddreg [dreg:$0x13];
	[sflag:s21] =	ssyncadd.s32 $0xFFFFE000  }
0xe3: {  	[tilespmem:s4], [sflag:$0x1] =	stream.strided.gather [hbm4b:s25+s10], $0x2000, s11, s10, $0x38;
	[tilespmem:$0xE100] =	vst v63  }
0xe4: {  	s30 =	rddreg [dreg:$0x14]  }
0xe5: {  	[tilespmem:s13], [sflag:$0x3] =	stream.linear.gather [hbm4b:s30+s4], $0x40, $0x38;
	[tilespmem:$0xE100] =	vst v63  }
0xe6: {  	_ =	swait.ge [sflag:s22], $0x2000  }
0xe7: {  	[sflag:s22] =	ssyncset.done $0x0  }
0xe8: {  	[sflag:s22] =	ssyncadd.s32 $0xFFFFE000  }
0xe9: {  	_ =	swait.ge [sflag:s23], $0x40  }
0xea: {  	[sflag:s23] =	ssyncset.done $0x0  }
0xeb: {  	[sflag:s23] =	ssyncadd.s32 $0xFFFFFFC0  }
0xec: {  	_ =	swait.ge [sflag:s18], $0x2000  }
0xed: {  	[sflag:s18] =	ssyncset.done $0x0  }
0xee: {  	[sflag:s18] =	ssyncadd.s32 $0xFFFFE000  }
0xef: {  	[spmem:s2] =	stream.indirect.scatter.add.f32 [tilespmem:s12], [sflag:$0x6], $0x80, s14, s19, $0xb8;
	[tilespmem:$0xE100] =	vst v63  }
0xf0: {  	_ = 	snop  }
0xf1: {  	[spmem:s3] =	stream.indirect.scatter.add.f32 [tilespmem:s15], [sflag:$0x7], $0x80, s14, s19, $0xb8;
	[tilespmem:$0xE100] =	vst v63  }
0xf2: {  	_ =	swait.ge [sflag:s20], $0x2000  }
0xf3: {  	[sflag:s20] =	ssyncset.done $0x0  }
0xf4: {  	s25 =	rddreg [dreg:$0x15];
	[sflag:s20] =	ssyncadd.s32 $0xFFFFE000  }
0xf5: {  	[tilespmem:s15], [sflag:$0x5] =	stream.strided.gather [hbm4b:s25+s10], $0x2000, s11, s10, $0x38;
	[tilespmem:$0xE100] =	vst v63  }
0xf6: {  	_ =	swait.ge [sflag:s21], $0x2000  }
0xf7: {  	[sflag:s21] =	ssyncset.done $0x0  }
0xf8: {  	s25 =	rddreg [dreg:$0x16];
	[sflag:s21] =	ssyncadd.s32 $0xFFFFE000  }
0xf9: {  	s30 =	rddreg [dreg:$0x17]  }
0xfa: {  	[tilespmem:s12], [sflag:$0x2] =	stream.strided.gather [hbm4b:s25+s10], $0x2000, s11, s10, $0x38;
	[tilespmem:$0xE100] =	vst v63  }
0xfb: {  	_ = 	snop  }
0xfc: {  	[tilespmem:s14], [sflag:$0x4] =	stream.linear.gather [hbm4b:s30+s4], $0x40, $0x38;
	[tilespmem:$0xE100] =	vst v63  }
0xfd: {  	_ =	swait.ge [sflag:s16], $0x2000  }
0xfe: {  	[sflag:s16] =	ssyncset.done $0x0  }
0xff: {  	[sflag:s16] =	ssyncadd.s32 $0xFFFFE000  }
0x100: {  	_ =	swait.ge [sflag:s17], $0x40  }
0x101: {  	[sflag:s17] =	ssyncset.done $0x0  }
0x102: {  	[sflag:s17] =	ssyncadd.s32 $0xFFFFFFC0  }
0x103: {  	_ =	swait.ge [sflag:s18], $0x2000  }
0x104: {  	[sflag:s18] =	ssyncset.done $0x0  }
0x105: {  	[sflag:s18] =	ssyncadd.s32 $0xFFFFE000  }
0x106: {  	[spmem:s2] =	stream.indirect.scatter.add.f32 [tilespmem:s4], [sflag:$0x6], $0x80, s13, s19, $0xb8;
	[tilespmem:$0xE100] =	vst v63  }
0x107: {  	_ = 	snop  }
0x108: {  	[spmem:s3] =	stream.indirect.scatter.add.f32 [tilespmem:s15], [sflag:$0x7], $0x80, s13, s19, $0xb8;
	[tilespmem:$0xE100] =	vst v63  }
0x109: {  	_ =	swait.ge [sflag:s20], $0x2000  }
0x10a: {  	[sflag:s20] =	ssyncset.done $0x0  }
0x10b: {  	s25 =	rddreg [dreg:$0x18];
	[sflag:s20] =	ssyncadd.s32 $0xFFFFE000  }
0x10c: {  	[tilespmem:s15], [sflag:$0x5] =	stream.strided.gather [hbm4b:s25+s10], $0x2000, s11, s10, $0x38;
	[tilespmem:$0xE100] =	vst v63  }
0x10d: {  	_ =	swait.ge [sflag:s21], $0x2000  }
0x10e: {  	[sflag:s21] =	ssyncset.done $0x0  }
0x10f: {  	s25 =	rddreg [dreg:$0x19];
	[sflag:s21] =	ssyncadd.s32 $0xFFFFE000  }
0x110: {  	[tilespmem:s4], [sflag:$0x1] =	stream.strided.gather [hbm4b:s25+s10], $0x2000, s11, s10, $0x38;
	[tilespmem:$0xE100] =	vst v63  }
0x111: {  	s30 =	rddreg [dreg:$0x1a]  }
0x112: {  	[tilespmem:s13], [sflag:$0x3] =	stream.linear.gather [hbm4b:s30+s4], $0x40, $0x38;
	[tilespmem:$0xE100] =	vst v63  }
0x113: {  	_ =	swait.ge [sflag:s22], $0x2000  }
0x114: {  	[sflag:s22] =	ssyncset.done $0x0  }
0x115: {  	[sflag:s22] =	ssyncadd.s32 $0xFFFFE000  }
0x116: {  	_ =	swait.ge [sflag:s23], $0x40  }
0x117: {  	[sflag:s23] =	ssyncset.done $0x0  }
0x118: {  	[sflag:s23] =	ssyncadd.s32 $0xFFFFFFC0  }
0x119: {  	_ =	swait.ge [sflag:s18], $0x2000  }
0x11a: {  	[sflag:s18] =	ssyncset.done $0x0  }
0x11b: {  	[sflag:s18] =	ssyncadd.s32 $0xFFFFE000  }
0x11c: {  	[spmem:s2] =	stream.indirect.scatter.add.f32 [tilespmem:s12], [sflag:$0x6], $0x80, s14, s19, $0xb8;
	[tilespmem:$0xE100] =	vst v63  }
0x11d: {  	_ = 	snop  }
0x11e: {  	[spmem:s3] =	stream.indirect.scatter.add.f32 [tilespmem:s15], [sflag:$0x7], $0x80, s14, s19, $0xb8;
	[tilespmem:$0xE100] =	vst v63  }
0x11f: {  	_ =	swait.ge [sflag:s20], $0x2000  }
0x120: {  	[sflag:s20] =	ssyncset.done $0x0  }
0x121: {  	s25 =	rddreg [dreg:$0x1b];
	[sflag:s20] =	ssyncadd.s32 $0xFFFFE000  }
0x122: {  	[tilespmem:s15], [sflag:$0x5] =	stream.strided.gather [hbm4b:s25+s10], $0x2000, s11, s10, $0x38;
	[tilespmem:$0xE100] =	vst v63  }
0x123: {  	_ =	swait.ge [sflag:s21], $0x2000  }
0x124: {  	[sflag:s21] =	ssyncset.done $0x0  }
0x125: {  	s25 =	rddreg [dreg:$0x1c];
	[sflag:s21] =	ssyncadd.s32 $0xFFFFE000  }
0x126: {  	[tilespmem:s12], [sflag:$0x2] =	stream.strided.gather [hbm4b:s25+s10], $0x2000, s11, s10, $0x38;
	[tilespmem:$0xE100] =	vst v63  }
0x127: {  	s30 =	rddreg [dreg:$0x1d]  }
0x128: {  	[tilespmem:s14], [sflag:$0x4] =	stream.linear.gather [hbm4b:s30+s4], $0x40, $0x38;
	[tilespmem:$0xE100] =	vst v63  }
0x129: {  	_ =	swait.ge [sflag:s16], $0x2000  }
0x12a: {  	[sflag:s16] =	ssyncset.done $0x0  }
0x12b: {  	[sflag:s16] =	ssyncadd.s32 $0xFFFFE000  }
0x12c: {  	_ =	swait.ge [sflag:s17], $0x40  }
0x12d: {  	[sflag:s17] =	ssyncset.done $0x0  }
0x12e: {  	[sflag:s17] =	ssyncadd.s32 $0xFFFFFFC0  }
0x12f: {  	_ =	swait.ge [sflag:s18], $0x2000  }
0x130: {  	[sflag:s18] =	ssyncset.done $0x0  }
0x131: {  	[sflag:s18] =	ssyncadd.s32 $0xFFFFE000  }
0x132: {  	[spmem:s2] =	stream.indirect.scatter.add.f32 [tilespmem:s4], [sflag:$0x6], $0x80, s13, s19, $0xb8;
	[tilespmem:$0xE100] =	vst v63  }
0x133: {  	_ = 	snop  }
0x134: {  	[spmem:s3] =	stream.indirect.scatter.add.f32 [tilespmem:s15], [sflag:$0x7], $0x80, s13, s19, $0xb8;
	[tilespmem:$0xE100] =	vst v63  }
0x135: {  	_ =	swait.ge [sflag:s20], $0x2000  }
0x136: {  	[sflag:s20] =	ssyncset.done $0x0  }
0x137: {  	s25 =	rddreg [dreg:$0x1e];
	[sflag:s20] =	ssyncadd.s32 $0xFFFFE000  }
0x138: {  	[tilespmem:s15], [sflag:$0x5] =	stream.strided.gather [hbm4b:s25+s10], $0x2000, s11, s10, $0x38;
	[tilespmem:$0xE100] =	vst v63  }
0x139: {  	_ =	swait.ge [sflag:s21], $0x2000  }
0x13a: {  	s25 =	rddreg [dreg:$0x1f];
	[sflag:s21] =	ssyncset.done $0x0  }
0x13b: {  	s30 =	sld [smem:$0x7B8];
	[sflag:s21] =	ssyncadd.s32 $0xFFFFE000  }
0x13c: {  	[tilespmem:s4], [sflag:$0x1] =	stream.strided.gather [hbm4b:s25+s10], $0x2000, s11, s10, $0x38;
	[tilespmem:$0xE100] =	vst v63  }
0x13d: {  	_ = 	snop  }
0x13e: {  	[tilespmem:s13], [sflag:$0x3] =	stream.linear.gather [hbm4b:s30+s4], $0x40, $0x38;
	[tilespmem:$0xE100] =	vst v63  }
0x13f: {  	_ =	swait.ge [sflag:s22], $0x2000  }
0x140: {  	[sflag:s22] =	ssyncset.done $0x0  }
0x141: {  	[sflag:s22] =	ssyncadd.s32 $0xFFFFE000  }
0x142: {  	_ =	swait.ge [sflag:s23], $0x40  }
0x143: {  	[sflag:s23] =	ssyncset.done $0x0  }
0x144: {  	[sflag:s23] =	ssyncadd.s32 $0xFFFFFFC0  }
0x145: {  	_ =	swait.ge [sflag:s18], $0x2000  }
0x146: {  	[sflag:s18] =	ssyncset.done $0x0  }
0x147: {  	[sflag:s18] =	ssyncadd.s32 $0xFFFFE000  }
0x148: {  	[spmem:s2] =	stream.indirect.scatter.add.f32 [tilespmem:s12], [sflag:$0x6], $0x80, s14, s19, $0xb8;
	[tilespmem:$0xE100] =	vst v63  }
0x149: {  	_ = 	snop  }
0x14a: {  	[spmem:s3] =	stream.indirect.scatter.add.f32 [tilespmem:s15], [sflag:$0x7], $0x80, s14, s19, $0xb8;
	[tilespmem:$0xE100] =	vst v63  }
0x14b: {  	_ =	swait.ge [sflag:s20], $0x2000  }
0x14c: {  	s25 =	sld [smem:$0x7B9]  }
0x14d: {  	[sflag:s20] =	ssyncset.done $0x0  }
0x14e: {  	[sflag:s20] =	ssyncadd.s32 $0xFFFFE000  }
0x14f: {  	[tilespmem:s15], [sflag:$0x5] =	stream.strided.gather [hbm4b:s25+s10], $0x2000, s11, s10, $0x38;
	[tilespmem:$0xE100] =	vst v63  }
0x150: {  	_ =	swait.ge [sflag:s21], $0x2000  }
0x151: {  	s25 =	sld [smem:$0x7BA]  }
0x152: {  	[sflag:s21] =	ssyncset.done $0x0  }
0x153: {  	s30 =	sld [smem:$0x7BB];
	[sflag:s21] =	ssyncadd.s32 $0xFFFFE000  }
0x154: {  	[tilespmem:s12], [sflag:$0x2] =	stream.strided.gather [hbm4b:s25+s10], $0x2000, s11, s10, $0x38;
	[tilespmem:$0xE100] =	vst v63  }
0x155: {  	_ = 	snop  }
0x156: {  	[tilespmem:s14], [sflag:$0x4] =	stream.linear.gather [hbm4b:s30+s4], $0x40, $0x38;
	[tilespmem:$0xE100] =	vst v63  }
0x157: {  	_ =	swait.ge [sflag:s16], $0x2000  }
0x158: {  	[sflag:s16] =	ssyncset.done $0x0  }
0x159: {  	[sflag:s16] =	ssyncadd.s32 $0xFFFFE000  }
0x15a: {  	_ =	swait.ge [sflag:s17], $0x40  }
0x15b: {  	[sflag:s17] =	ssyncset.done $0x0  }
0x15c: {  	[sflag:s17] =	ssyncadd.s32 $0xFFFFFFC0  }
0x15d: {  	_ =	swait.ge [sflag:s18], $0x2000  }
0x15e: {  	[sflag:s18] =	ssyncset.done $0x0  }
0x15f: {  	[sflag:s18] =	ssyncadd.s32 $0xFFFFE000  }
0x160: {  	[spmem:s2] =	stream.indirect.scatter.add.f32 [tilespmem:s4], [sflag:$0x6], $0x80, s13, s19, $0xb8;
	[tilespmem:$0xE100] =	vst v63  }
0x161: {  	_ = 	snop  }
0x162: {  	[spmem:s3] =	stream.indirect.scatter.add.f32 [tilespmem:s15], [sflag:$0x7], $0x80, s13, s19, $0xb8;
	[tilespmem:$0xE100] =	vst v63  }
0x163: {  	_ =	swait.ge [sflag:s20], $0x2000  }
0x164: {  	s25 =	sld [smem:$0x7BC]  }
0x165: {  	[sflag:s20] =	ssyncset.done $0x0  }
0x166: {  	[sflag:s20] =	ssyncadd.s32 $0xFFFFE000  }
0x167: {  	[tilespmem:s15], [sflag:$0x5] =	stream.strided.gather [hbm4b:s25+s10], $0x2000, s11, s10, $0x38;
	[tilespmem:$0xE100] =	vst v63  }
0x168: {  	_ =	swait.ge [sflag:s21], $0x2000  }
0x169: {  	s25 =	sld [smem:$0x7BD]  }
0x16a: {  	[sflag:s21] =	ssyncset.done $0x0  }
0x16b: {  	s30 =	sld [smem:$0x7BE];
	[sflag:s21] =	ssyncadd.s32 $0xFFFFE000  }
0x16c: {  	[tilespmem:s4], [sflag:$0x1] =	stream.strided.gather [hbm4b:s25+s10], $0x2000, s11, s10, $0x38;
	[tilespmem:$0xE100] =	vst v63  }
0x16d: {  	_ = 	snop  }
0x16e: {  	[tilespmem:s13], [sflag:$0x3] =	stream.linear.gather [hbm4b:s30+s4], $0x40, $0x38;
	[tilespmem:$0xE100] =	vst v63  }
0x16f: {  	_ =	swait.ge [sflag:s22], $0x2000  }
0x170: {  	[sflag:s22] =	ssyncset.done $0x0  }
0x171: {  	[sflag:s22] =	ssyncadd.s32 $0xFFFFE000  }
0x172: {  	_ =	swait.ge [sflag:s23], $0x40  }
0x173: {  	[sflag:s23] =	ssyncset.done $0x0  }
0x174: {  	[sflag:s23] =	ssyncadd.s32 $0xFFFFFFC0  }
0x175: {  	_ =	swait.ge [sflag:s18], $0x2000  }
0x176: {  	[sflag:s18] =	ssyncset.done $0x0  }
0x177: {  	[sflag:s18] =	ssyncadd.s32 $0xFFFFE000  }
0x178: {  	[spmem:s2] =	stream.indirect.scatter.add.f32 [tilespmem:s12], [sflag:$0x6], $0x80, s14, s19, $0xb8;
	[tilespmem:$0xE100] =	vst v63  }
0x179: {  	_ = 	snop  }
0x17a: {  	[spmem:s3] =	stream.indirect.scatter.add.f32 [tilespmem:s15], [sflag:$0x7], $0x80, s14, s19, $0xb8;
	[tilespmem:$0xE100] =	vst v63  }
0x17b: {  	_ =	swait.ge [sflag:s20], $0x2000  }
0x17c: {  	s25 =	sld [smem:$0x7BF]  }
0x17d: {  	[sflag:s20] =	ssyncset.done $0x0  }
0x17e: {  	[sflag:s20] =	ssyncadd.s32 $0xFFFFE000  }
0x17f: {  	[tilespmem:s15], [sflag:$0x5] =	stream.strided.gather [hbm4b:s25+s10], $0x2000, s11, s10, $0x38;
	[tilespmem:$0xE100] =	vst v63  }
0x180: {  	_ =	swait.ge [sflag:s21], $0x2000  }
0x181: {  	s25 =	sld [smem:$0x7C0]  }
0x182: {  	[sflag:s21] =	ssyncset.done $0x0  }
0x183: {  	s30 =	sld [smem:$0x7C1];
	[sflag:s21] =	ssyncadd.s32 $0xFFFFE000  }
0x184: {  	[tilespmem:s12], [sflag:$0x2] =	stream.strided.gather [hbm4b:s25+s10], $0x2000, s11, s10, $0x38;
	[tilespmem:$0xE100] =	vst v63  }
0x185: {  	_ = 	snop  }
0x186: {  	[tilespmem:s14], [sflag:$0x4] =	stream.linear.gather [hbm4b:s30+s4], $0x40, $0x38;
	[tilespmem:$0xE100] =	vst v63  }
0x187: {  	_ =	swait.ge [sflag:s16], $0x2000  }
0x188: {  	[sflag:s16] =	ssyncset.done $0x0  }
0x189: {  	[sflag:s16] =	ssyncadd.s32 $0xFFFFE000  }
0x18a: {  	_ =	swait.ge [sflag:s17], $0x40  }
0x18b: {  	[sflag:s17] =	ssyncset.done $0x0  }
0x18c: {  	[sflag:s17] =	ssyncadd.s32 $0xFFFFFFC0  }
0x18d: {  	_ =	swait.ge [sflag:s18], $0x2000  }
0x18e: {  	[sflag:s18] =	ssyncset.done $0x0  }
0x18f: {  	[sflag:s18] =	ssyncadd.s32 $0xFFFFE000  }
0x190: {  	[spmem:s2] =	stream.indirect.scatter.add.f32 [tilespmem:s4], [sflag:$0x6], $0x80, s13, s19, $0xb8;
	[tilespmem:$0xE100] =	vst v63  }
0x191: {  	_ = 	snop  }
0x192: {  	[spmem:s3] =	stream.indirect.scatter.add.f32 [tilespmem:s15], [sflag:$0x7], $0x80, s13, s19, $0xb8;
	[tilespmem:$0xE100] =	vst v63  }
0x193: {  	_ =	swait.ge [sflag:s20], $0x2000  }
0x194: {  	s25 =	sld [smem:$0x7C2]  }
0x195: {  	[sflag:s20] =	ssyncset.done $0x0  }
0x196: {  	[sflag:s20] =	ssyncadd.s32 $0xFFFFE000  }
0x197: {  	[tilespmem:s15], [sflag:$0x5] =	stream.strided.gather [hbm4b:s25+s10], $0x2000, s11, s10, $0x38;
	[tilespmem:$0xE100] =	vst v63  }
0x198: {  	_ =	swait.ge [sflag:s21], $0x2000  }
0x199: {  	s25 =	sld [smem:$0x7C3]  }
0x19a: {  	[sflag:s21] =	ssyncset.done $0x0  }
0x19b: {  	s30 =	sld [smem:$0x7C4];
	[sflag:s21] =	ssyncadd.s32 $0xFFFFE000  }
0x19c: {  	[tilespmem:s4], [sflag:$0x1] =	stream.strided.gather [hbm4b:s25+s10], $0x2000, s11, s10, $0x38;
	[tilespmem:$0xE100] =	vst v63  }
0x19d: {  	_ = 	snop  }
0x19e: {  	[tilespmem:s13], [sflag:$0x3] =	stream.linear.gather [hbm4b:s30+s4], $0x40, $0x38;
	[tilespmem:$0xE100] =	vst v63  }
0x19f: {  	_ =	swait.ge [sflag:s22], $0x2000  }
0x1a0: {  	[sflag:s22] =	ssyncset.done $0x0  }
0x1a1: {  	[sflag:s22] =	ssyncadd.s32 $0xFFFFE000  }
0x1a2: {  	_ =	swait.ge [sflag:s23], $0x40  }
0x1a3: {  	[sflag:s23] =	ssyncset.done $0x0  }
0x1a4: {  	[sflag:s23] =	ssyncadd.s32 $0xFFFFFFC0  }
0x1a5: {  	_ =	swait.ge [sflag:s18], $0x2000  }
0x1a6: {  	[sflag:s18] =	ssyncset.done $0x0  }
0x1a7: {  	[sflag:s18] =	ssyncadd.s32 $0xFFFFE000  }
0x1a8: {  	[spmem:s2] =	stream.indirect.scatter.add.f32 [tilespmem:s12], [sflag:$0x6], $0x80, s14, s19, $0xb8;
	[tilespmem:$0xE100] =	vst v63  }
0x1a9: {  	_ = 	snop  }
0x1aa: {  	[spmem:s3] =	stream.indirect.scatter.add.f32 [tilespmem:s15], [sflag:$0x7], $0x80, s14, s19, $0xb8;
	[tilespmem:$0xE100] =	vst v63  }
0x1ab: {  	_ =	swait.ge [sflag:s20], $0x2000  }
0x1ac: {  	s25 =	sld [smem:$0x7C5]  }
0x1ad: {  	[sflag:s20] =	ssyncset.done $0x0  }
0x1ae: {  	[sflag:s20] =	ssyncadd.s32 $0xFFFFE000  }
0x1af: {  	[tilespmem:s15], [sflag:$0x5] =	stream.strided.gather [hbm4b:s25+s10], $0x2000, s11, s10, $0x38;
	[tilespmem:$0xE100] =	vst v63  }
0x1b0: {  	_ =	swait.ge [sflag:s21], $0x2000  }
0x1b1: {  	s25 =	sld [smem:$0x7C6]  }
0x1b2: {  	[sflag:s21] =	ssyncset.done $0x0  }
0x1b3: {  	s30 =	sld [smem:$0x7C7];
	[sflag:s21] =	ssyncadd.s32 $0xFFFFE000  }
0x1b4: {  	[tilespmem:s12], [sflag:$0x2] =	stream.strided.gather [hbm4b:s25+s10], $0x2000, s11, s10, $0x38;
	[tilespmem:$0xE100] =	vst v63  }
0x1b5: {  	_ = 	snop  }
0x1b6: {  	[tilespmem:s14], [sflag:$0x4] =	stream.linear.gather [hbm4b:s30+s4], $0x40, $0x38;
	[tilespmem:$0xE100] =	vst v63  }
0x1b7: {  	_ =	swait.ge [sflag:s16], $0x2000  }
0x1b8: {  	[sflag:s16] =	ssyncset.done $0x0  }
0x1b9: {  	[sflag:s16] =	ssyncadd.s32 $0xFFFFE000  }
0x1ba: {  	_ =	swait.ge [sflag:s17], $0x40  }
0x1bb: {  	[sflag:s17] =	ssyncset.done $0x0  }
0x1bc: {  	[sflag:s17] =	ssyncadd.s32 $0xFFFFFFC0  }
0x1bd: {  	_ =	swait.ge [sflag:s18], $0x2000  }
0x1be: {  	[sflag:s18] =	ssyncset.done $0x0  }
0x1bf: {  	[sflag:s18] =	ssyncadd.s32 $0xFFFFE000  }
0x1c0: {  	[spmem:s2] =	stream.indirect.scatter.add.f32 [tilespmem:s4], [sflag:$0x6], $0x80, s13, s19, $0xb8;
	[tilespmem:$0xE100] =	vst v63  }
0x1c1: {  	_ = 	snop  }
0x1c2: {  	[spmem:s3] =	stream.indirect.scatter.add.f32 [tilespmem:s15], [sflag:$0x7], $0x80, s13, s19, $0xb8;
	[tilespmem:$0xE100] =	vst v63  }
0x1c3: {  	_ =	swait.ge [sflag:s20], $0x2000  }
0x1c4: {  	s25 =	sld [smem:$0x7C8]  }
0x1c5: {  	[sflag:s20] =	ssyncset.done $0x0  }
0x1c6: {  	[sflag:s20] =	ssyncadd.s32 $0xFFFFE000  }
0x1c7: {  	[tilespmem:s15], [sflag:$0x5] =	stream.strided.gather [hbm4b:s25+s10], $0x2000, s11, s10, $0x38;
	[tilespmem:$0xE100] =	vst v63  }
0x1c8: {  	_ =	swait.ge [sflag:s21], $0x2000  }
0x1c9: {  	s25 =	sld [smem:$0x7C9]  }
0x1ca: {  	[sflag:s21] =	ssyncset.done $0x0  }
0x1cb: {  	s30 =	sld [smem:$0x7CA];
	[sflag:s21] =	ssyncadd.s32 $0xFFFFE000  }
0x1cc: {  	[tilespmem:s4], [sflag:$0x1] =	stream.strided.gather [hbm4b:s25+s10], $0x2000, s11, s10, $0x38;
	[tilespmem:$0xE100] =	vst v63  }
0x1cd: {  	_ = 	snop  }
0x1ce: {  	[tilespmem:s13], [sflag:$0x3] =	stream.linear.gather [hbm4b:s30+s4], $0x40, $0x38;
	[tilespmem:$0xE100] =	vst v63  }
0x1cf: {  	_ =	swait.ge [sflag:s22], $0x2000  }
0x1d0: {  	[sflag:s22] =	ssyncset.done $0x0  }
0x1d1: {  	[sflag:s22] =	ssyncadd.s32 $0xFFFFE000  }
0x1d2: {  	_ =	swait.ge [sflag:s23], $0x40  }
0x1d3: {  	[sflag:s23] =	ssyncset.done $0x0  }
0x1d4: {  	[sflag:s23] =	ssyncadd.s32 $0xFFFFFFC0  }
0x1d5: {  	_ =	swait.ge [sflag:s18], $0x2000  }
0x1d6: {  	[sflag:s18] =	ssyncset.done $0x0  }
0x1d7: {  	[sflag:s18] =	ssyncadd.s32 $0xFFFFE000  }
0x1d8: {  	[spmem:s2] =	stream.indirect.scatter.add.f32 [tilespmem:s12], [sflag:$0x6], $0x80, s14, s19, $0xb8;
	[tilespmem:$0xE100] =	vst v63  }
0x1d9: {  	_ = 	snop  }
0x1da: {  	[spmem:s3] =	stream.indirect.scatter.add.f32 [tilespmem:s15], [sflag:$0x7], $0x80, s14, s19, $0xb8;
	[tilespmem:$0xE100] =	vst v63  }
0x1db: {  	_ =	swait.ge [sflag:s20], $0x2000  }
0x1dc: {  	s25 =	sld [smem:$0x7CB]  }
0x1dd: {  	[sflag:s20] =	ssyncset.done $0x0  }
0x1de: {  	[sflag:s20] =	ssyncadd.s32 $0xFFFFE000  }
0x1df: {  	[tilespmem:s15], [sflag:$0x5] =	stream.strided.gather [hbm4b:s25+s10], $0x2000, s11, s10, $0x38;
	[tilespmem:$0xE100] =	vst v63  }
0x1e0: {  	_ =	swait.ge [sflag:s21], $0x2000  }
0x1e1: {  	s25 =	sld [smem:$0x7CC]  }
0x1e2: {  	[sflag:s21] =	ssyncset.done $0x0  }
0x1e3: {  	s30 =	sld [smem:$0x7CD];
	[sflag:s21] =	ssyncadd.s32 $0xFFFFE000  }
0x1e4: {  	[tilespmem:s12], [sflag:$0x2] =	stream.strided.gather [hbm4b:s25+s10], $0x2000, s11, s10, $0x38;
	[tilespmem:$0xE100] =	vst v63  }
0x1e5: {  	_ = 	snop  }
0x1e6: {  	[tilespmem:s14], [sflag:$0x4] =	stream.linear.gather [hbm4b:s30+s4], $0x40, $0x38;
	[tilespmem:$0xE100] =	vst v63  }
0x1e7: {  	_ =	swait.ge [sflag:s16], $0x2000  }
0x1e8: {  	[sflag:s16] =	ssyncset.done $0x0  }
0x1e9: {  	[sflag:s16] =	ssyncadd.s32 $0xFFFFE000  }
0x1ea: {  	_ =	swait.ge [sflag:s17], $0x40  }
0x1eb: {  	[sflag:s17] =	ssyncset.done $0x0  }
0x1ec: {  	[sflag:s17] =	ssyncadd.s32 $0xFFFFFFC0  }
0x1ed: {  	_ =	swait.ge [sflag:s18], $0x2000  }
0x1ee: {  	[sflag:s18] =	ssyncset.done $0x0  }
0x1ef: {  	[sflag:s18] =	ssyncadd.s32 $0xFFFFE000  }
0x1f0: {  	[spmem:s2] =	stream.indirect.scatter.add.f32 [tilespmem:s4], [sflag:$0x6], $0x80, s13, s19, $0xb8;
	[tilespmem:$0xE100] =	vst v63  }
0x1f1: {  	_ = 	snop  }
0x1f2: {  	[spmem:s3] =	stream.indirect.scatter.add.f32 [tilespmem:s15], [sflag:$0x7], $0x80, s13, s19, $0xb8;
	[tilespmem:$0xE100] =	vst v63  }
0x1f3: {  	_ =	swait.ge [sflag:s20], $0x2000  }
0x1f4: {  	s25 =	sld [smem:$0x7CE]  }
0x1f5: {  	[sflag:s20] =	ssyncset.done $0x0  }
0x1f6: {  	[sflag:s20] =	ssyncadd.s32 $0xFFFFE000  }
0x1f7: {  	[tilespmem:s15], [sflag:$0x5] =	stream.strided.gather [hbm4b:s25+s10], $0x2000, s11, s10, $0x38;
	[tilespmem:$0xE100] =	vst v63  }
0x1f8: {  	_ =	swait.ge [sflag:s21], $0x2000  }
0x1f9: {  	s25 =	sld [smem:$0x7CF]  }
0x1fa: {  	[sflag:s21] =	ssyncset.done $0x0  }
0x1fb: {  	s30 =	sld [smem:$0x7D0];
	[sflag:s21] =	ssyncadd.s32 $0xFFFFE000  }
0x1fc: {  	[tilespmem:s4], [sflag:$0x1] =	stream.strided.gather [hbm4b:s25+s10], $0x2000, s11, s10, $0x38;
	[tilespmem:$0xE100] =	vst v63  }
0x1fd: {  	_ = 	snop  }
0x1fe: {  	[tilespmem:s13], [sflag:$0x3] =	stream.linear.gather [hbm4b:s30+s4], $0x40, $0x38;
	[tilespmem:$0xE100] =	vst v63  }
0x1ff: {  	_ =	swait.ge [sflag:s22], $0x2000  }
0x200: {  	[sflag:s22] =	ssyncset.done $0x0  }
0x201: {  	[sflag:s22] =	ssyncadd.s32 $0xFFFFE000  }
0x202: {  	_ =	swait.ge [sflag:s23], $0x40  }
0x203: {  	[sflag:s23] =	ssyncset.done $0x0  }
0x204: {  	[sflag:s23] =	ssyncadd.s32 $0xFFFFFFC0  }
0x205: {  	_ =	swait.ge [sflag:s18], $0x2000  }
0x206: {  	[sflag:s18] =	ssyncset.done $0x0  }
0x207: {  	[sflag:s18] =	ssyncadd.s32 $0xFFFFE000  }
0x208: {  	[spmem:s2] =	stream.indirect.scatter.add.f32 [tilespmem:s12], [sflag:$0x6], $0x80, s14, s19, $0xb8;
	[tilespmem:$0xE100] =	vst v63  }
0x209: {  	_ = 	snop  }
0x20a: {  	[spmem:s3] =	stream.indirect.scatter.add.f32 [tilespmem:s15], [sflag:$0x7], $0x80, s14, s19, $0xb8;
	[tilespmem:$0xE100] =	vst v63  }
0x20b: {  	_ =	swait.ge [sflag:s20], $0x2000  }
0x20c: {  	s25 =	sld [smem:$0x7D1]  }
0x20d: {  	[sflag:s20] =	ssyncset.done $0x0  }
0x20e: {  	[sflag:s20] =	ssyncadd.s32 $0xFFFFE000  }
0x20f: {  	[tilespmem:s15], [sflag:$0x5] =	stream.strided.gather [hbm4b:s25+s10], $0x2000, s11, s10, $0x38;
	[tilespmem:$0xE100] =	vst v63  }
0x210: {  	_ =	swait.ge [sflag:s21], $0x2000  }
0x211: {  	s25 =	sld [smem:$0x7D2]  }
0x212: {  	[sflag:s21] =	ssyncset.done $0x0  }
0x213: {  	s30 =	sld [smem:$0x7D3];
	[sflag:s21] =	ssyncadd.s32 $0xFFFFE000  }
0x214: {  	[tilespmem:s12], [sflag:$0x2] =	stream.strided.gather [hbm4b:s25+s10], $0x2000, s11, s10, $0x38;
	[tilespmem:$0xE100] =	vst v63  }
0x215: {  	_ = 	snop  }
0x216: {  	[tilespmem:s14], [sflag:$0x4] =	stream.linear.gather [hbm4b:s30+s4], $0x40, $0x38;
	[tilespmem:$0xE100] =	vst v63  }
0x217: {  	_ =	swait.ge [sflag:s16], $0x2000  }
0x218: {  	[sflag:s16] =	ssyncset.done $0x0  }
0x219: {  	[sflag:s16] =	ssyncadd.s32 $0xFFFFE000  }
0x21a: {  	_ =	swait.ge [sflag:s17], $0x40  }
0x21b: {  	[sflag:s17] =	ssyncset.done $0x0  }
0x21c: {  	[sflag:s17] =	ssyncadd.s32 $0xFFFFFFC0  }
0x21d: {  	_ =	swait.ge [sflag:s18], $0x2000  }
0x21e: {  	[sflag:s18] =	ssyncset.done $0x0  }
0x21f: {  	[sflag:s18] =	ssyncadd.s32 $0xFFFFE000  }
0x220: {  	[spmem:s2] =	stream.indirect.scatter.add.f32 [tilespmem:s4], [sflag:$0x6], $0x80, s13, s19, $0xb8;
	[tilespmem:$0xE100] =	vst v63  }
0x221: {  	_ = 	snop  }
0x222: {  	[spmem:s3] =	stream.indirect.scatter.add.f32 [tilespmem:s15], [sflag:$0x7], $0x80, s13, s19, $0xb8;
	[tilespmem:$0xE100] =	vst v63  }
0x223: {  	_ =	swait.ge [sflag:s20], $0x2000  }
0x224: {  	s25 =	sld [smem:$0x7D4]  }
0x225: {  	[sflag:s20] =	ssyncset.done $0x0  }
0x226: {  	[sflag:s20] =	ssyncadd.s32 $0xFFFFE000  }
0x227: {  	[tilespmem:s15], [sflag:$0x5] =	stream.strided.gather [hbm4b:s25+s10], $0x2000, s11, s10, $0x38;
	[tilespmem:$0xE100] =	vst v63  }
0x228: {  	_ =	swait.ge [sflag:s21], $0x2000  }
0x229: {  	s25 =	sld [smem:$0x7D5]  }
0x22a: {  	[sflag:s21] =	ssyncset.done $0x0  }
0x22b: {  	s30 =	sld [smem:$0x7D6];
	[sflag:s21] =	ssyncadd.s32 $0xFFFFE000  }
0x22c: {  	[tilespmem:s4], [sflag:$0x1] =	stream.strided.gather [hbm4b:s25+s10], $0x2000, s11, s10, $0x38;
	[tilespmem:$0xE100] =	vst v63  }
0x22d: {  	_ = 	snop  }
0x22e: {  	[tilespmem:s13], [sflag:$0x3] =	stream.linear.gather [hbm4b:s30+s4], $0x40, $0x38;
	[tilespmem:$0xE100] =	vst v63  }
0x22f: {  	_ =	swait.ge [sflag:s22], $0x2000  }
0x230: {  	[sflag:s22] =	ssyncset.done $0x0  }
0x231: {  	[sflag:s22] =	ssyncadd.s32 $0xFFFFE000  }
0x232: {  	_ =	swait.ge [sflag:s23], $0x40  }
0x233: {  	[sflag:s23] =	ssyncset.done $0x0  }
0x234: {  	[sflag:s23] =	ssyncadd.s32 $0xFFFFFFC0  }
0x235: {  	_ =	swait.ge [sflag:s18], $0x2000  }
0x236: {  	[sflag:s18] =	ssyncset.done $0x0  }
0x237: {  	[sflag:s18] =	ssyncadd.s32 $0xFFFFE000  }
0x238: {  	[spmem:s2] =	stream.indirect.scatter.add.f32 [tilespmem:s12], [sflag:$0x6], $0x80, s14, s19, $0xb8;
	[tilespmem:$0xE100] =	vst v63  }
0x239: {  	_ = 	snop  }
0x23a: {  	[spmem:s3] =	stream.indirect.scatter.add.f32 [tilespmem:s15], [sflag:$0x7], $0x80, s14, s19, $0xb8;
	[tilespmem:$0xE100] =	vst v63  }
0x23b: {  	_ =	swait.ge [sflag:s20], $0x2000  }
0x23c: {  	s25 =	sld [smem:$0x7D7]  }
0x23d: {  	[sflag:s20] =	ssyncset.done $0x0  }
0x23e: {  	[sflag:s20] =	ssyncadd.s32 $0xFFFFE000  }
0x23f: {  	[tilespmem:s15], [sflag:$0x5] =	stream.strided.gather [hbm4b:s25+s10], $0x2000, s11, s10, $0x38;
	[tilespmem:$0xE100] =	vst v63  }
0x240: {  	_ =	swait.ge [sflag:s21], $0x2000  }
0x241: {  	s25 =	sld [smem:$0x7D8]  }
0x242: {  	[sflag:s21] =	ssyncset.done $0x0  }
0x243: {  	s30 =	sld [smem:$0x7D9];
	[sflag:s21] =	ssyncadd.s32 $0xFFFFE000  }
0x244: {  	[tilespmem:s12], [sflag:$0x2] =	stream.strided.gather [hbm4b:s25+s10], $0x2000, s11, s10, $0x38;
	[tilespmem:$0xE100] =	vst v63  }
0x245: {  	_ = 	snop  }
0x246: {  	[tilespmem:s14], [sflag:$0x4] =	stream.linear.gather [hbm4b:s30+s4], $0x40, $0x38;
	[tilespmem:$0xE100] =	vst v63  }
0x247: {  	_ =	swait.ge [sflag:s16], $0x2000  }
0x248: {  	[sflag:s16] =	ssyncset.done $0x0  }
0x249: {  	[sflag:s16] =	ssyncadd.s32 $0xFFFFE000  }
0x24a: {  	_ =	swait.ge [sflag:s17], $0x40  }
0x24b: {  	[sflag:s17] =	ssyncset.done $0x0  }
0x24c: {  	[sflag:s17] =	ssyncadd.s32 $0xFFFFFFC0  }
0x24d: {  	_ =	swait.ge [sflag:s18], $0x2000  }
0x24e: {  	[sflag:s18] =	ssyncset.done $0x0  }
0x24f: {  	[sflag:s18] =	ssyncadd.s32 $0xFFFFE000  }
0x250: {  	[spmem:s2] =	stream.indirect.scatter.add.f32 [tilespmem:s4], [sflag:$0x6], $0x80, s13, s19, $0xb8;
	[tilespmem:$0xE100] =	vst v63  }
0x251: {  	_ = 	snop  }
0x252: {  	[spmem:s3] =	stream.indirect.scatter.add.f32 [tilespmem:s15], [sflag:$0x7], $0x80, s13, s19, $0xb8;
	[tilespmem:$0xE100] =	vst v63  }
0x253: {  	_ =	swait.ge [sflag:s20], $0x2000  }
0x254: {  	s25 =	sld [smem:$0x7DA]  }
0x255: {  	[sflag:s20] =	ssyncset.done $0x0  }
0x256: {  	[sflag:s20] =	ssyncadd.s32 $0xFFFFE000  }
0x257: {  	[tilespmem:s15], [sflag:$0x5] =	stream.strided.gather [hbm4b:s25+s10], $0x2000, s11, s10, $0x38;
	[tilespmem:$0xE100] =	vst v63  }
0x258: {  	_ =	swait.ge [sflag:s21], $0x2000  }
0x259: {  	s25 =	sld [smem:$0x7DB]  }
0x25a: {  	[sflag:s21] =	ssyncset.done $0x0  }
0x25b: {  	s30 =	sld [smem:$0x7DC];
	[sflag:s21] =	ssyncadd.s32 $0xFFFFE000  }
0x25c: {  	[tilespmem:s4], [sflag:$0x1] =	stream.strided.gather [hbm4b:s25+s10], $0x2000, s11, s10, $0x38;
	[tilespmem:$0xE100] =	vst v63  }
0x25d: {  	_ = 	snop  }
0x25e: {  	[tilespmem:s13], [sflag:$0x3] =	stream.linear.gather [hbm4b:s30+s4], $0x40, $0x38;
	[tilespmem:$0xE100] =	vst v63  }
0x25f: {  	_ =	swait.ge [sflag:s22], $0x2000  }
0x260: {  	[sflag:s22] =	ssyncset.done $0x0  }
0x261: {  	[sflag:s22] =	ssyncadd.s32 $0xFFFFE000  }
0x262: {  	_ =	swait.ge [sflag:s23], $0x40  }
0x263: {  	[sflag:s23] =	ssyncset.done $0x0  }
0x264: {  	[sflag:s23] =	ssyncadd.s32 $0xFFFFFFC0  }
0x265: {  	_ =	swait.ge [sflag:s18], $0x2000  }
0x266: {  	[sflag:s18] =	ssyncset.done $0x0  }
0x267: {  	[sflag:s18] =	ssyncadd.s32 $0xFFFFE000  }
0x268: {  	[spmem:s2] =	stream.indirect.scatter.add.f32 [tilespmem:s12], [sflag:$0x6], $0x80, s14, s19, $0xb8;
	[tilespmem:$0xE100] =	vst v63  }
0x269: {  	_ = 	snop  }
0x26a: {  	[spmem:s3] =	stream.indirect.scatter.add.f32 [tilespmem:s15], [sflag:$0x7], $0x80, s14, s19, $0xb8;
	[tilespmem:$0xE100] =	vst v63  }
0x26b: {  	_ =	swait.ge [sflag:s20], $0x2000  }
0x26c: {  	s25 =	sld [smem:$0x7DD]  }
0x26d: {  	[sflag:s20] =	ssyncset.done $0x0  }
0x26e: {  	[sflag:s20] =	ssyncadd.s32 $0xFFFFE000  }
0x26f: {  	[tilespmem:s15], [sflag:$0x5] =	stream.strided.gather [hbm4b:s25+s10], $0x2000, s11, s10, $0x38;
	[tilespmem:$0xE100] =	vst v63  }
0x270: {  	_ =	swait.ge [sflag:s21], $0x2000  }
0x271: {  	s25 =	sld [smem:$0x7DE]  }
0x272: {  	[sflag:s21] =	ssyncset.done $0x0  }
0x273: {  	s30 =	sld [smem:$0x7DF];
	[sflag:s21] =	ssyncadd.s32 $0xFFFFE000  }
0x274: {  	[tilespmem:s12], [sflag:$0x2] =	stream.strided.gather [hbm4b:s25+s10], $0x2000, s11, s10, $0x38;
	[tilespmem:$0xE100] =	vst v63  }
0x275: {  	_ = 	snop  }
0x276: {  	[tilespmem:s14], [sflag:$0x4] =	stream.linear.gather [hbm4b:s30+s4], $0x40, $0x38;
	[tilespmem:$0xE100] =	vst v63  }
0x277: {  	_ =	swait.ge [sflag:s16], $0x2000  }
0x278: {  	[sflag:s16] =	ssyncset.done $0x0  }
0x279: {  	[sflag:s16] =	ssyncadd.s32 $0xFFFFE000  }
0x27a: {  	_ =	swait.ge [sflag:s17], $0x40  }
0x27b: {  	[sflag:s17] =	ssyncset.done $0x0  }
0x27c: {  	[sflag:s17] =	ssyncadd.s32 $0xFFFFFFC0  }
0x27d: {  	_ =	swait.ge [sflag:s18], $0x2000  }
0x27e: {  	[sflag:s18] =	ssyncset.done $0x0  }
0x27f: {  	[sflag:s18] =	ssyncadd.s32 $0xFFFFE000  }
0x280: {  	[spmem:s2] =	stream.indirect.scatter.add.f32 [tilespmem:s4], [sflag:$0x6], $0x80, s13, s19, $0xb8;
	[tilespmem:$0xE100] =	vst v63  }
0x281: {  	_ = 	snop  }
0x282: {  	[spmem:s3] =	stream.indirect.scatter.add.f32 [tilespmem:s15], [sflag:$0x7], $0x80, s13, s19, $0xb8;
	[tilespmem:$0xE100] =	vst v63  }
0x283: {  	_ =	swait.ge [sflag:s20], $0x2000  }
0x284: {  	s25 =	sld [smem:$0x7E0]  }
0x285: {  	[sflag:s20] =	ssyncset.done $0x0  }
0x286: {  	[sflag:s20] =	ssyncadd.s32 $0xFFFFE000  }
0x287: {  	[tilespmem:s15], [sflag:$0x5] =	stream.strided.gather [hbm4b:s25+s10], $0x2000, s11, s10, $0x38;
	[tilespmem:$0xE100] =	vst v63  }
0x288: {  	_ =	swait.ge [sflag:s21], $0x2000  }
0x289: {  	s25 =	sld [smem:$0x7E1]  }
0x28a: {  	[sflag:s21] =	ssyncset.done $0x0  }
0x28b: {  	s30 =	sld [smem:$0x7E2];
	[sflag:s21] =	ssyncadd.s32 $0xFFFFE000  }
0x28c: {  	[tilespmem:s4], [sflag:$0x1] =	stream.strided.gather [hbm4b:s25+s10], $0x2000, s11, s10, $0x38;
	[tilespmem:$0xE100] =	vst v63  }
0x28d: {  	_ = 	snop  }
0x28e: {  	[tilespmem:s13], [sflag:$0x3] =	stream.linear.gather [hbm4b:s30+s4], $0x40, $0x38;
	[tilespmem:$0xE100] =	vst v63  }
0x28f: {  	_ =	swait.ge [sflag:s22], $0x2000  }
0x290: {  	[sflag:s22] =	ssyncset.done $0x0  }
0x291: {  	[sflag:s22] =	ssyncadd.s32 $0xFFFFE000  }
0x292: {  	_ =	swait.ge [sflag:s23], $0x40  }
0x293: {  	[sflag:s23] =	ssyncset.done $0x0  }
0x294: {  	[sflag:s23] =	ssyncadd.s32 $0xFFFFFFC0  }
0x295: {  	_ =	swait.ge [sflag:s18], $0x2000  }
0x296: {  	[sflag:s18] =	ssyncset.done $0x0  }
0x297: {  	[sflag:s18] =	ssyncadd.s32 $0xFFFFE000  }
0x298: {  	[spmem:s2] =	stream.indirect.scatter.add.f32 [tilespmem:s12], [sflag:$0x6], $0x80, s14, s19, $0xb8;
	[tilespmem:$0xE100] =	vst v63  }
0x299: {  	_ = 	snop  }
0x29a: {  	[spmem:s3] =	stream.indirect.scatter.add.f32 [tilespmem:s15], [sflag:$0x7], $0x80, s14, s19, $0xb8;
	[tilespmem:$0xE100] =	vst v63  }
0x29b: {  	_ =	swait.ge [sflag:s20], $0x2000  }
0x29c: {  	s25 =	sld [smem:$0x7E3]  }
0x29d: {  	[sflag:s20] =	ssyncset.done $0x0  }
0x29e: {  	[sflag:s20] =	ssyncadd.s32 $0xFFFFE000  }
0x29f: {  	[tilespmem:s15], [sflag:$0x5] =	stream.strided.gather [hbm4b:s25+s10], $0x2000, s11, s10, $0x38;
	[tilespmem:$0xE100] =	vst v63  }
0x2a0: {  	_ =	swait.ge [sflag:s21], $0x2000  }
0x2a1: {  	s25 =	sld [smem:$0x7E4]  }
0x2a2: {  	[sflag:s21] =	ssyncset.done $0x0  }
0x2a3: {  	s30 =	sld [smem:$0x7E5];
	[sflag:s21] =	ssyncadd.s32 $0xFFFFE000  }
0x2a4: {  	[tilespmem:s12], [sflag:$0x2] =	stream.strided.gather [hbm4b:s25+s10], $0x2000, s11, s10, $0x38;
	[tilespmem:$0xE100] =	vst v63  }
0x2a5: {  	_ = 	snop  }
0x2a6: {  	[tilespmem:s14], [sflag:$0x4] =	stream.linear.gather [hbm4b:s30+s4], $0x40, $0x38;
	[tilespmem:$0xE100] =	vst v63  }
0x2a7: {  	_ =	swait.ge [sflag:s16], $0x2000  }
0x2a8: {  	[sflag:s16] =	ssyncset.done $0x0  }
0x2a9: {  	[sflag:s16] =	ssyncadd.s32 $0xFFFFE000  }
0x2aa: {  	_ =	swait.ge [sflag:s17], $0x40  }
0x2ab: {  	[sflag:s17] =	ssyncset.done $0x0  }
0x2ac: {  	[sflag:s17] =	ssyncadd.s32 $0xFFFFFFC0  }
0x2ad: {  	_ =	swait.ge [sflag:s18], $0x2000  }
0x2ae: {  	[sflag:s18] =	ssyncset.done $0x0  }
0x2af: {  	[sflag:s18] =	ssyncadd.s32 $0xFFFFE000  }
0x2b0: {  	[spmem:s2] =	stream.indirect.scatter.add.f32 [tilespmem:s4], [sflag:$0x6], $0x80, s13, s19, $0xb8;
	[tilespmem:$0xE100] =	vst v63  }
0x2b1: {  	_ = 	snop  }
0x2b2: {  	[spmem:s3] =	stream.indirect.scatter.add.f32 [tilespmem:s15], [sflag:$0x7], $0x80, s13, s19, $0xb8;
	[tilespmem:$0xE100] =	vst v63  }
0x2b3: {  	_ =	swait.ge [sflag:s20], $0x2000  }
0x2b4: {  	s25 =	sld [smem:$0x7E6]  }
0x2b5: {  	[sflag:s20] =	ssyncset.done $0x0  }
0x2b6: {  	[sflag:s20] =	ssyncadd.s32 $0xFFFFE000  }
0x2b7: {  	[tilespmem:s15], [sflag:$0x5] =	stream.strided.gather [hbm4b:s25+s10], $0x2000, s11, s10, $0x38;
	[tilespmem:$0xE100] =	vst v63  }
0x2b8: {  	_ =	swait.ge [sflag:s21], $0x2000  }
0x2b9: {  	s25 =	sld [smem:$0x7E7]  }
0x2ba: {  	[sflag:s21] =	ssyncset.done $0x0  }
0x2bb: {  	s30 =	sld [smem:$0x7E8];
	[sflag:s21] =	ssyncadd.s32 $0xFFFFE000  }
0x2bc: {  	[tilespmem:s4], [sflag:$0x1] =	stream.strided.gather [hbm4b:s25+s10], $0x2000, s11, s10, $0x38;
	[tilespmem:$0xE100] =	vst v63  }
0x2bd: {  	_ = 	snop  }
0x2be: {  	[tilespmem:s13], [sflag:$0x3] =	stream.linear.gather [hbm4b:s30+s4], $0x40, $0x38;
	[tilespmem:$0xE100] =	vst v63  }
0x2bf: {  	_ =	swait.ge [sflag:s22], $0x2000  }
0x2c0: {  	[sflag:s22] =	ssyncset.done $0x0  }
0x2c1: {  	[sflag:s22] =	ssyncadd.s32 $0xFFFFE000  }
0x2c2: {  	_ =	swait.ge [sflag:s23], $0x40  }
0x2c3: {  	[sflag:s23] =	ssyncset.done $0x0  }
0x2c4: {  	[sflag:s23] =	ssyncadd.s32 $0xFFFFFFC0  }
0x2c5: {  	_ =	swait.ge [sflag:s18], $0x2000  }
0x2c6: {  	[sflag:s18] =	ssyncset.done $0x0  }
0x2c7: {  	[sflag:s18] =	ssyncadd.s32 $0xFFFFE000  }
0x2c8: {  	[spmem:s2] =	stream.indirect.scatter.add.f32 [tilespmem:s12], [sflag:$0x6], $0x80, s14, s19, $0xb8;
	[tilespmem:$0xE100] =	vst v63  }
0x2c9: {  	_ = 	snop  }
0x2ca: {  	[spmem:s3] =	stream.indirect.scatter.add.f32 [tilespmem:s15], [sflag:$0x7], $0x80, s14, s19, $0xb8;
	[tilespmem:$0xE100] =	vst v63  }
0x2cb: {  	_ =	swait.ge [sflag:s20], $0x2000  }
0x2cc: {  	s25 =	sld [smem:$0x7E9]  }
0x2cd: {  	[sflag:s20] =	ssyncset.done $0x0  }
0x2ce: {  	[sflag:s20] =	ssyncadd.s32 $0xFFFFE000  }
0x2cf: {  	[tilespmem:s15], [sflag:$0x5] =	stream.strided.gather [hbm4b:s25+s10], $0x2000, s11, s10, $0x38;
	[tilespmem:$0xE100] =	vst v63  }
0x2d0: {  	_ =	swait.ge [sflag:s21], $0x2000  }
0x2d1: {  	s25 =	sld [smem:$0x7EA]  }
0x2d2: {  	[sflag:s21] =	ssyncset.done $0x0  }
0x2d3: {  	s30 =	sld [smem:$0x7EB];
	[sflag:s21] =	ssyncadd.s32 $0xFFFFE000  }
0x2d4: {  	[tilespmem:s12], [sflag:$0x2] =	stream.strided.gather [hbm4b:s25+s10], $0x2000, s11, s10, $0x38;
	[tilespmem:$0xE100] =	vst v63  }
0x2d5: {  	_ = 	snop  }
0x2d6: {  	[tilespmem:s14], [sflag:$0x4] =	stream.linear.gather [hbm4b:s30+s4], $0x40, $0x38;
	[tilespmem:$0xE100] =	vst v63  }
0x2d7: {  	_ =	swait.ge [sflag:s16], $0x2000  }
0x2d8: {  	[sflag:s16] =	ssyncset.done $0x0  }
0x2d9: {  	[sflag:s16] =	ssyncadd.s32 $0xFFFFE000  }
0x2da: {  	_ =	swait.ge [sflag:s17], $0x40  }
0x2db: {  	[sflag:s17] =	ssyncset.done $0x0  }
0x2dc: {  	[sflag:s17] =	ssyncadd.s32 $0xFFFFFFC0  }
0x2dd: {  	_ =	swait.ge [sflag:s18], $0x2000  }
0x2de: {  	[sflag:s18] =	ssyncset.done $0x0  }
0x2df: {  	[sflag:s18] =	ssyncadd.s32 $0xFFFFE000  }
0x2e0: {  	[spmem:s2] =	stream.indirect.scatter.add.f32 [tilespmem:s4], [sflag:$0x6], $0x80, s13, s19, $0xb8;
	[tilespmem:$0xE100] =	vst v63  }
0x2e1: {  	_ = 	snop  }
0x2e2: {  	[spmem:s3] =	stream.indirect.scatter.add.f32 [tilespmem:s15], [sflag:$0x7], $0x80, s13, s19, $0xb8;
	[tilespmem:$0xE100] =	vst v63  }
0x2e3: {  	_ =	swait.ge [sflag:s20], $0x2000  }
0x2e4: {  	s25 =	sld [smem:$0x7EC]  }
0x2e5: {  	[sflag:s20] =	ssyncset.done $0x0  }
0x2e6: {  	[sflag:s20] =	ssyncadd.s32 $0xFFFFE000  }
0x2e7: {  	[tilespmem:s15], [sflag:$0x5] =	stream.strided.gather [hbm4b:s25+s10], $0x2000, s11, s10, $0x38;
	[tilespmem:$0xE100] =	vst v63  }
0x2e8: {  	_ =	swait.ge [sflag:s21], $0x2000  }
0x2e9: {  	s25 =	sld [smem:$0x7ED]  }
0x2ea: {  	[sflag:s21] =	ssyncset.done $0x0  }
0x2eb: {  	s30 =	sld [smem:$0x7EE];
	[sflag:s21] =	ssyncadd.s32 $0xFFFFE000  }
0x2ec: {  	[tilespmem:s4], [sflag:$0x1] =	stream.strided.gather [hbm4b:s25+s10], $0x2000, s11, s10, $0x38;
	[tilespmem:$0xE100] =	vst v63  }
0x2ed: {  	_ = 	snop  }
0x2ee: {  	[tilespmem:s13], [sflag:$0x3] =	stream.linear.gather [hbm4b:s30+s4], $0x40, $0x38;
	[tilespmem:$0xE100] =	vst v63  }
0x2ef: {  	_ =	swait.ge [sflag:s22], $0x2000  }
0x2f0: {  	[sflag:s22] =	ssyncset.done $0x0  }
0x2f1: {  	[sflag:s22] =	ssyncadd.s32 $0xFFFFE000  }
0x2f2: {  	_ =	swait.ge [sflag:s23], $0x40  }
0x2f3: {  	[sflag:s23] =	ssyncset.done $0x0  }
0x2f4: {  	[sflag:s23] =	ssyncadd.s32 $0xFFFFFFC0  }
0x2f5: {  	_ =	swait.ge [sflag:s18], $0x2000  }
0x2f6: {  	[sflag:s18] =	ssyncset.done $0x0  }
0x2f7: {  	[sflag:s18] =	ssyncadd.s32 $0xFFFFE000  }
0x2f8: {  	[spmem:s2] =	stream.indirect.scatter.add.f32 [tilespmem:s12], [sflag:$0x6], $0x80, s14, s19, $0xb8;
	[tilespmem:$0xE100] =	vst v63  }
0x2f9: {  	_ = 	snop  }
0x2fa: {  	[spmem:s3] =	stream.indirect.scatter.add.f32 [tilespmem:s15], [sflag:$0x7], $0x80, s14, s19, $0xb8;
	[tilespmem:$0xE100] =	vst v63  }
0x2fb: {  	_ =	swait.ge [sflag:s20], $0x2000  }
0x2fc: {  	s25 =	sld [smem:$0x7EF]  }
0x2fd: {  	[sflag:s20] =	ssyncset.done $0x0  }
0x2fe: {  	[sflag:s20] =	ssyncadd.s32 $0xFFFFE000  }
0x2ff: {  	[tilespmem:s15], [sflag:$0x5] =	stream.strided.gather [hbm4b:s25+s10], $0x2000, s11, s10, $0x38;
	[tilespmem:$0xE100] =	vst v63  }
0x300: {  	_ =	swait.ge [sflag:s21], $0x2000  }
0x301: {  	s25 =	sld [smem:$0x7F0]  }
0x302: {  	[sflag:s21] =	ssyncset.done $0x0  }
0x303: {  	s30 =	sld [smem:$0x7F1];
	[sflag:s21] =	ssyncadd.s32 $0xFFFFE000  }
0x304: {  	[tilespmem:s12], [sflag:$0x2] =	stream.strided.gather [hbm4b:s25+s10], $0x2000, s11, s10, $0x38;
	[tilespmem:$0xE100] =	vst v63  }
0x305: {  	_ = 	snop  }
0x306: {  	[tilespmem:s14], [sflag:$0x4] =	stream.linear.gather [hbm4b:s30+s4], $0x40, $0x38;
	[tilespmem:$0xE100] =	vst v63  }
0x307: {  	_ =	swait.ge [sflag:s16], $0x2000  }
0x308: {  	[sflag:s16] =	ssyncset.done $0x0  }
0x309: {  	[sflag:s16] =	ssyncadd.s32 $0xFFFFE000  }
0x30a: {  	_ =	swait.ge [sflag:s17], $0x40  }
0x30b: {  	[sflag:s17] =	ssyncset.done $0x0  }
0x30c: {  	[sflag:s17] =	ssyncadd.s32 $0xFFFFFFC0  }
0x30d: {  	_ =	swait.ge [sflag:s18], $0x2000  }
0x30e: {  	[sflag:s18] =	ssyncset.done $0x0  }
0x30f: {  	[sflag:s18] =	ssyncadd.s32 $0xFFFFE000  }
0x310: {  	[spmem:s2] =	stream.indirect.scatter.add.f32 [tilespmem:s4], [sflag:$0x6], $0x80, s13, s19, $0xb8;
	[tilespmem:$0xE100] =	vst v63  }
0x311: {  	_ = 	snop  }
0x312: {  	[spmem:s3] =	stream.indirect.scatter.add.f32 [tilespmem:s15], [sflag:$0x7], $0x80, s13, s19, $0xb8;
	[tilespmem:$0xE100] =	vst v63  }
0x313: {  	_ =	swait.ge [sflag:s20], $0x2000  }
0x314: {  	s25 =	sld [smem:$0x7F2]  }
0x315: {  	[sflag:s20] =	ssyncset.done $0x0  }
0x316: {  	[sflag:s20] =	ssyncadd.s32 $0xFFFFE000  }
0x317: {  	[tilespmem:s15], [sflag:$0x5] =	stream.strided.gather [hbm4b:s25+s10], $0x2000, s11, s10, $0x38;
	[tilespmem:$0xE100] =	vst v63  }
0x318: {  	_ =	swait.ge [sflag:s21], $0x2000  }
0x319: {  	s25 =	sld [smem:$0x7F3]  }
0x31a: {  	[sflag:s21] =	ssyncset.done $0x0  }
0x31b: {  	s30 =	sld [smem:$0x7F4];
	[sflag:s21] =	ssyncadd.s32 $0xFFFFE000  }
0x31c: {  	[tilespmem:s4], [sflag:$0x1] =	stream.strided.gather [hbm4b:s25+s10], $0x2000, s11, s10, $0x38;
	[tilespmem:$0xE100] =	vst v63  }
0x31d: {  	_ = 	snop  }
0x31e: {  	[tilespmem:s13], [sflag:$0x3] =	stream.linear.gather [hbm4b:s30+s4], $0x40, $0x38;
	[tilespmem:$0xE100] =	vst v63  }
0x31f: {  	_ =	swait.ge [sflag:s22], $0x2000  }
0x320: {  	[sflag:s22] =	ssyncset.done $0x0  }
0x321: {  	[sflag:s22] =	ssyncadd.s32 $0xFFFFE000  }
0x322: {  	_ =	swait.ge [sflag:s23], $0x40  }
0x323: {  	[sflag:s23] =	ssyncset.done $0x0  }
0x324: {  	[sflag:s23] =	ssyncadd.s32 $0xFFFFFFC0  }
0x325: {  	_ =	swait.ge [sflag:s18], $0x2000  }
0x326: {  	[sflag:s18] =	ssyncset.done $0x0  }
0x327: {  	[sflag:s18] =	ssyncadd.s32 $0xFFFFE000  }
0x328: {  	[spmem:s2] =	stream.indirect.scatter.add.f32 [tilespmem:s12], [sflag:$0x6], $0x80, s14, s19, $0xb8;
	[tilespmem:$0xE100] =	vst v63  }
0x329: {  	_ = 	snop  }
0x32a: {  	[spmem:s3] =	stream.indirect.scatter.add.f32 [tilespmem:s15], [sflag:$0x7], $0x80, s14, s19, $0xb8;
	[tilespmem:$0xE100] =	vst v63  }
0x32b: {  	_ =	swait.ge [sflag:s20], $0x2000  }
0x32c: {  	s25 =	sld [smem:$0x7F5]  }
0x32d: {  	[sflag:s20] =	ssyncset.done $0x0  }
0x32e: {  	[sflag:s20] =	ssyncadd.s32 $0xFFFFE000  }
0x32f: {  	[tilespmem:s15], [sflag:$0x5] =	stream.strided.gather [hbm4b:s25+s10], $0x2000, s11, s10, $0x38;
	[tilespmem:$0xE100] =	vst v63  }
0x330: {  	_ =	swait.ge [sflag:s21], $0x2000  }
0x331: {  	s25 =	sld [smem:$0x7F6]  }
0x332: {  	[sflag:s21] =	ssyncset.done $0x0  }
0x333: {  	s30 =	sld [smem:$0x7F7];
	[sflag:s21] =	ssyncadd.s32 $0xFFFFE000  }
0x334: {  	[tilespmem:s12], [sflag:$0x2] =	stream.strided.gather [hbm4b:s25+s10], $0x2000, s11, s10, $0x38;
	[tilespmem:$0xE100] =	vst v63  }
0x335: {  	_ = 	snop  }
0x336: {  	[tilespmem:s14], [sflag:$0x4] =	stream.linear.gather [hbm4b:s30+s4], $0x40, $0x38;
	[tilespmem:$0xE100] =	vst v63  }
0x337: {  	_ =	swait.ge [sflag:s16], $0x2000  }
0x338: {  	[sflag:s16] =	ssyncset.done $0x0  }
0x339: {  	[sflag:s16] =	ssyncadd.s32 $0xFFFFE000  }
0x33a: {  	_ =	swait.ge [sflag:s17], $0x40  }
0x33b: {  	[sflag:s17] =	ssyncset.done $0x0  }
0x33c: {  	[sflag:s17] =	ssyncadd.s32 $0xFFFFFFC0  }
0x33d: {  	_ =	swait.ge [sflag:s18], $0x2000  }
0x33e: {  	[sflag:s18] =	ssyncset.done $0x0  }
0x33f: {  	[sflag:s18] =	ssyncadd.s32 $0xFFFFE000  }
0x340: {  	[spmem:s2] =	stream.indirect.scatter.add.f32 [tilespmem:s4], [sflag:$0x6], $0x80, s13, s19, $0xb8;
	[tilespmem:$0xE100] =	vst v63  }
0x341: {  	_ = 	snop  }
0x342: {  	[spmem:s3] =	stream.indirect.scatter.add.f32 [tilespmem:s15], [sflag:$0x7], $0x80, s13, s19, $0xb8;
	[tilespmem:$0xE100] =	vst v63  }
0x343: {  	_ =	swait.ge [sflag:s20], $0x2000  }
0x344: {  	s25 =	sld [smem:$0x7F8]  }
0x345: {  	[sflag:s20] =	ssyncset.done $0x0  }
0x346: {  	[sflag:s20] =	ssyncadd.s32 $0xFFFFE000  }
0x347: {  	[tilespmem:s15], [sflag:$0x5] =	stream.strided.gather [hbm4b:s25+s10], $0x2000, s11, s10, $0x38;
	[tilespmem:$0xE100] =	vst v63  }
0x348: {  	_ =	swait.ge [sflag:s21], $0x2000  }
0x349: {  	s25 =	sld [smem:$0x7F9]  }
0x34a: {  	[sflag:s21] =	ssyncset.done $0x0  }
0x34b: {  	s30 =	sld [smem:$0x7FA];
	[sflag:s21] =	ssyncadd.s32 $0xFFFFE000  }
0x34c: {  	[tilespmem:s4], [sflag:$0x1] =	stream.strided.gather [hbm4b:s25+s10], $0x2000, s11, s10, $0x38;
	[tilespmem:$0xE100] =	vst v63  }
0x34d: {  	_ = 	snop  }
0x34e: {  	[tilespmem:s13], [sflag:$0x3] =	stream.linear.gather [hbm4b:s30+s4], $0x40, $0x38;
	[tilespmem:$0xE100] =	vst v63  }
0x34f: {  	_ =	swait.ge [sflag:s22], $0x2000  }
0x350: {  	[sflag:s22] =	ssyncset.done $0x0  }
0x351: {  	[sflag:s22] =	ssyncadd.s32 $0xFFFFE000  }
0x352: {  	_ =	swait.ge [sflag:s23], $0x40  }
0x353: {  	[sflag:s23] =	ssyncset.done $0x0  }
0x354: {  	[sflag:s23] =	ssyncadd.s32 $0xFFFFFFC0  }
0x355: {  	_ =	swait.ge [sflag:s18], $0x2000  }
0x356: {  	[sflag:s18] =	ssyncset.done $0x0  }
0x357: {  	[sflag:s18] =	ssyncadd.s32 $0xFFFFE000  }
0x358: {  	[spmem:s2] =	stream.indirect.scatter.add.f32 [tilespmem:s12], [sflag:$0x6], $0x80, s14, s19, $0xb8;
	[tilespmem:$0xE100] =	vst v63  }
0x359: {  	_ = 	snop  }
0x35a: {  	[spmem:s3] =	stream.indirect.scatter.add.f32 [tilespmem:s15], [sflag:$0x7], $0x80, s14, s19, $0xb8;
	[tilespmem:$0xE100] =	vst v63  }
0x35b: {  	_ =	swait.ge [sflag:s20], $0x2000  }
0x35c: {  	s25 =	sld [smem:$0x7FB]  }
0x35d: {  	s0 =	sor.u32 $0x7C0, s24;
	[sflag:s20] =	ssyncset.done $0x0  }
0x35e: {  	s30 =	sshll.u32 s0, $0x9;
	[sflag:s20] =	ssyncadd.s32 $0xFFFFE000  }
0x35f: {  	[tilespmem:s15], [sflag:$0x5] =	stream.strided.gather [hbm4b:s25+s10], $0x2000, s11, s10, $0x38;
	[tilespmem:$0xE100] =	vst v63  }
0x360: {  	s25 =	sor.u32 s29, s30;
	_ =	swait.ge [sflag:s21], $0x2000  }
0x361: {  	s24 =	sshrl.u32 s25, $0x3;
	[sflag:s21] =	ssyncset.done $0x0  }
0x362: {  	s0 =	sshrl.u32 s0, $0x3;
	s24 =	sadd.s32 s26, s24;
	[sflag:s21] =	ssyncadd.s32 $0xFFFFE000  }
0x363: {  	[tilespmem:s12], [sflag:$0x2] =	stream.strided.gather [hbm4b:s24+s10], $0x2000, s11, s10, $0x38;
	[tilespmem:$0xE100] =	vst v63  }
0x364: {  	s0 =	sadd.s32 s1, s0;
	[smem:$0x7FC] =	sst s24  }
0x365: {  	[tilespmem:s14], [sflag:$0x4] =	stream.linear.gather [hbm4b:s0+s4], $0x40, $0x38;
	[tilespmem:$0xE100] =	vst v63  }
0x366: {  	_ =	swait.ge [sflag:s16], $0x2000  }
0x367: {  	[sflag:s16] =	ssyncset.done $0x0  }
0x368: {  	[sflag:s16] =	ssyncadd.s32 $0xFFFFE000  }
0x369: {  	_ =	swait.ge [sflag:s17], $0x40  }
0x36a: {  	[sflag:s17] =	ssyncset.done $0x0  }
0x36b: {  	[sflag:s17] =	ssyncadd.s32 $0xFFFFFFC0  }
0x36c: {  	_ =	swait.ge [sflag:s18], $0x2000  }
0x36d: {  	[sflag:s18] =	ssyncset.done $0x0  }
0x36e: {  	[sflag:s18] =	ssyncadd.s32 $0xFFFFE000  }
0x36f: {  	[spmem:s2] =	stream.indirect.scatter.add.f32 [tilespmem:s4], [sflag:$0x6], $0x80, s13, s19, $0xb8;
	[tilespmem:$0xE100] =	vst v63  }
0x370: {  	_ = 	snop  }
0x371: {  	[spmem:s3] =	stream.indirect.scatter.add.f32 [tilespmem:s15], [sflag:$0x7], $0x80, s13, s19, $0xb8;
	[tilespmem:$0xE100] =	vst v63  }
0x372: {  	s1 =	sor.u32 s31, s30;
	_ =	swait.ge [sflag:s20], $0x2000  }
0x373: {  	s25 =	smov.u32 s0;
	s0 =	sshrl.u32 s1, $0x3;
	[sflag:s20] =	ssyncset.done $0x0  }
0x374: {  	s26 =	sadd.s32 s26, s0;
	[sflag:s20] =	ssyncadd.s32 $0xFFFFE000  }
0x375: {  	[tilespmem:s15], [sflag:$0x5] =	stream.strided.gather [hbm4b:s26+s10], $0x2000, s11, s10, $0x38;
	[tilespmem:$0xE100] =	vst v63  }
0x376: {  	_ =	swait.ge [sflag:s22], $0x2000  }
0x377: {  	[sflag:s22] =	ssyncset.done $0x0  }
0x378: {  	[sflag:s22] =	ssyncadd.s32 $0xFFFFE000  }
0x379: {  	_ =	swait.ge [sflag:s23], $0x40  }
0x37a: {  	[sflag:s23] =	ssyncset.done $0x0  }
0x37b: {  	[sflag:s23] =	ssyncadd.s32 $0xFFFFFFC0  }
0x37c: {  	_ =	swait.ge [sflag:s18], $0x2000  }
0x37d: {  	[sflag:s18] =	ssyncset.done $0x0  }
0x37e: {  	[sflag:s18] =	ssyncadd.s32 $0xFFFFE000  }
0x37f: {  	[spmem:s2] =	stream.indirect.scatter.add.f32 [tilespmem:s12], [sflag:$0x6], $0x80, s14, s19, $0xb8;
	[tilespmem:$0xE100] =	vst v63  }
0x380: {  	_ = 	snop  }
0x381: {  	[spmem:s3] =	stream.indirect.scatter.add.f32 [tilespmem:s15], [sflag:$0x7], $0x80, s14, s19, $0xb8;
	[tilespmem:$0xE100] =	vst v63  }
0x382: {  	_ =	swait.ge [sflag:s20], $0x2000  }
0x383: {  	[sflag:s20] =	ssyncset.done $0x0  }
0x384: {  	[sflag:s20] =	ssyncadd.s32 $0xFFFFE000  }
0x385: {  	_ =	swait.ge [sflag:s21], $0x2000  }
0x386: {  	[sflag:s21] =	ssyncset.done $0x0  }
0x387: {  	[sflag:s21] =	ssyncadd.s32 $0xFFFFE000  }
0x388: {  	_ =	swait.ge [sflag:s21], $0x2000  }
0x389: {  	s24 =	sld [smem:$0x7FD]  }
0x38a: {  	s0 =	sshll.u32 s28, $0x10  }
0x38b: {  	s30 =	simm.s32 $0x80;
	s29 =	sor.u32 s29, s0  }
0x38c: {  	s29 =	sshrl.u32 s29, $0x3;
	s1 =	ssub.s32 $0x2, s24;
	s24 =	rddreg [dreg:$0x3]  }
0x38d: {  	s0 =	sor.u32 s0, s31;
	[sflag:s21] =	ssyncset.done $0x0;
	s28 =	sadd.s32 s24, s29  }
0x38e: {  	[sflag:s21] =	ssyncadd.s32 $0xFFFFE000;
	s29 =	simm.s32 $0x200;
	s31 =	sshrl.u32 s1, $0x1  }
0x38f: {  	[hbm:s28@s29], [sflag:s6] =	dma.strided [spmem:s8@s30], $0x800, s7, $0x10   }
0x390: {  	s0 =	sshrl.u32 s0, $0x3;
	s1 =	ssub.s32 s1, s31  }
0x391: {  	s31 =	sadd.s32 s24, s0;
	s24 =	smax.u32 s1, $0x1  }
0x392: {  	_ =	swait.ge [sflag:s7], $0x800;
	p0 =	sne.s32 s24, $0x1  }
.Ltmp0:
0x393: {  	[sflag:s7] =	ssyncset.done $0x0;
	(pc) =	sbr.rel @!p0 .LBB2_2-.Ltmp0, $4  }
0x394: {  	[sflag:s7] =	ssyncadd.s32 $0xFFFFF800  }
0x395: {  	[hbm:s31@s29], [sflag:s6] =	dma.strided [spmem:s9@s30], $0x800, s7, $0x10   }
0x396: {  	_ =	swait.ge [sflag:s7], $0x800  }
0x397: {  	s0 =	sadd.s32 $0xFFFFFFFF, s24;
	[sflag:s7] =	ssyncset.done $0x0  }
.LBB2_1:
0x398: {  	[sflag:s7] =	ssyncadd.s32 $0xFFFFF800  }
0x399: {  	[spmem:s8], [sflag:s6] =	dma.local [hbm:s5], $0x800  }
0x39a: {  	_ =	swait.ge [sflag:s7], $0x800  }
0x39b: {  	[sflag:s7] =	ssyncset.done $0x0  }
0x39c: {  	[sflag:s7] =	ssyncadd.s32 $0xFFFFF800  }
0x39d: {  	[spmem:s9], [sflag:s6] =	dma.local [hbm:s5], $0x800  }
0x39e: {  	_ =	swait.ge [sflag:s7], $0x800  }
0x39f: {  	[sflag:s7] =	ssyncset.done $0x0  }
0x3a0: {  	s1 =	rddreg [dreg:$0x7];
	[sflag:s7] =	ssyncadd.s32 $0xFFFFF800  }
0x3a1: {  	[tilespmem:s4], [sflag:$0x1] =	stream.strided.gather [hbm4b:s1+s10], $0x2000, s11, s10, $0x38;
	[tilespmem:$0xE100] =	vst v63  }
0x3a2: {  	s24 =	rddreg [dreg:$0x8]  }
0x3a3: {  	[tilespmem:s12], [sflag:$0x2] =	stream.strided.gather [hbm4b:s24+s10], $0x2000, s11, s10, $0x38;
	[tilespmem:$0xE100] =	vst v63  }
0x3a4: {  	s1 =	rddreg [dreg:$0x9]  }
0x3a5: {  	[tilespmem:s13], [sflag:$0x3] =	stream.linear.gather [hbm4b:s1+s4], $0x40, $0x38;
	[tilespmem:$0xE100] =	vst v63  }
0x3a6: {  	s24 =	rddreg [dreg:$0xa]  }
0x3a7: {  	[tilespmem:s14], [sflag:$0x4] =	stream.linear.gather [hbm4b:s24+s4], $0x40, $0x38;
	[tilespmem:$0xE100] =	vst v63  }
0x3a8: {  	s1 =	rddreg [dreg:$0xb]  }
0x3a9: {  	[tilespmem:s15], [sflag:$0x5] =	stream.strided.gather [hbm4b:s1+s10], $0x2000, s11, s10, $0x38;
	[tilespmem:$0xE100] =	vst v63  }
0x3aa: {  	_ =	swait.ge [sflag:s16], $0x2000  }
0x3ab: {  	[sflag:s16] =	ssyncset.done $0x0  }
0x3ac: {  	[sflag:s16] =	ssyncadd.s32 $0xFFFFE000  }
0x3ad: {  	_ =	swait.ge [sflag:s17], $0x40  }
0x3ae: {  	[sflag:s17] =	ssyncset.done $0x0  }
0x3af: {  	[sflag:s17] =	ssyncadd.s32 $0xFFFFFFC0  }
0x3b0: {  	_ =	swait.ge [sflag:s18], $0x2000  }
0x3b1: {  	[sflag:s18] =	ssyncset.done $0x0  }
0x3b2: {  	[sflag:s18] =	ssyncadd.s32 $0xFFFFE000  }
0x3b3: {  	[spmem:s2] =	stream.indirect.scatter.add.f32 [tilespmem:s4], [sflag:$0x6], $0x80, s13, s19, $0xb8;
	[tilespmem:$0xE100] =	vst v63  }
0x3b4: {  	_ = 	snop  }
0x3b5: {  	[spmem:s3] =	stream.indirect.scatter.add.f32 [tilespmem:s15], [sflag:$0x7], $0x80, s13, s19, $0xb8;
	[tilespmem:$0xE100] =	vst v63  }
0x3b6: {  	_ =	swait.ge [sflag:s20], $0x2000  }
0x3b7: {  	[sflag:s20] =	ssyncset.done $0x0  }
0x3b8: {  	s24 =	rddreg [dreg:$0xc];
	[sflag:s20] =	ssyncadd.s32 $0xFFFFE000  }
0x3b9: {  	[tilespmem:s15], [sflag:$0x5] =	stream.strided.gather [hbm4b:s24+s10], $0x2000, s11, s10, $0x38;
	[tilespmem:$0xE100] =	vst v63  }
0x3ba: {  	_ =	swait.ge [sflag:s21], $0x2000  }
0x3bb: {  	[sflag:s21] =	ssyncset.done $0x0  }
0x3bc: {  	s1 =	rddreg [dreg:$0xd];
	[sflag:s21] =	ssyncadd.s32 $0xFFFFE000  }
0x3bd: {  	[tilespmem:s4], [sflag:$0x1] =	stream.strided.gather [hbm4b:s1+s10], $0x2000, s11, s10, $0x38;
	[tilespmem:$0xE100] =	vst v63  }
0x3be: {  	s24 =	rddreg [dreg:$0xe]  }
0x3bf: {  	[tilespmem:s13], [sflag:$0x3] =	stream.linear.gather [hbm4b:s24+s4], $0x40, $0x38;
	[tilespmem:$0xE100] =	vst v63  }
0x3c0: {  	_ =	swait.ge [sflag:s22], $0x2000  }
0x3c1: {  	[sflag:s22] =	ssyncset.done $0x0  }
0x3c2: {  	[sflag:s22] =	ssyncadd.s32 $0xFFFFE000  }
0x3c3: {  	_ =	swait.ge [sflag:s23], $0x40  }
0x3c4: {  	[sflag:s23] =	ssyncset.done $0x0  }
0x3c5: {  	[sflag:s23] =	ssyncadd.s32 $0xFFFFFFC0  }
0x3c6: {  	_ =	swait.ge [sflag:s18], $0x2000  }
0x3c7: {  	[sflag:s18] =	ssyncset.done $0x0  }
0x3c8: {  	[sflag:s18] =	ssyncadd.s32 $0xFFFFE000  }
0x3c9: {  	[spmem:s2] =	stream.indirect.scatter.add.f32 [tilespmem:s12], [sflag:$0x6], $0x80, s14, s19, $0xb8;
	[tilespmem:$0xE100] =	vst v63  }
0x3ca: {  	_ = 	snop  }
0x3cb: {  	[spmem:s3] =	stream.indirect.scatter.add.f32 [tilespmem:s15], [sflag:$0x7], $0x80, s14, s19, $0xb8;
	[tilespmem:$0xE100] =	vst v63  }
0x3cc: {  	_ =	swait.ge [sflag:s20], $0x2000  }
0x3cd: {  	[sflag:s20] =	ssyncset.done $0x0  }
0x3ce: {  	s24 =	rddreg [dreg:$0xf];
	[sflag:s20] =	ssyncadd.s32 $0xFFFFE000  }
0x3cf: {  	[tilespmem:s15], [sflag:$0x5] =	stream.strided.gather [hbm4b:s24+s10], $0x2000, s11, s10, $0x38;
	[tilespmem:$0xE100] =	vst v63  }
0x3d0: {  	_ =	swait.ge [sflag:s21], $0x2000  }
0x3d1: {  	[sflag:s21] =	ssyncset.done $0x0  }
0x3d2: {  	s1 =	rddreg [dreg:$0x10];
	[sflag:s21] =	ssyncadd.s32 $0xFFFFE000  }
0x3d3: {  	[tilespmem:s12], [sflag:$0x2] =	stream.strided.gather [hbm4b:s1+s10], $0x2000, s11, s10, $0x38;
	[tilespmem:$0xE100] =	vst v63  }
0x3d4: {  	s24 =	rddreg [dreg:$0x11]  }
0x3d5: {  	[tilespmem:s14], [sflag:$0x4] =	stream.linear.gather [hbm4b:s24+s4], $0x40, $0x38;
	[tilespmem:$0xE100] =	vst v63  }
0x3d6: {  	_ =	swait.ge [sflag:s16], $0x2000  }
0x3d7: {  	[sflag:s16] =	ssyncset.done $0x0  }
0x3d8: {  	[sflag:s16] =	ssyncadd.s32 $0xFFFFE000  }
0x3d9: {  	_ =	swait.ge [sflag:s17], $0x40  }
0x3da: {  	[sflag:s17] =	ssyncset.done $0x0  }
0x3db: {  	[sflag:s17] =	ssyncadd.s32 $0xFFFFFFC0  }
0x3dc: {  	_ =	swait.ge [sflag:s18], $0x2000  }
0x3dd: {  	[sflag:s18] =	ssyncset.done $0x0  }
0x3de: {  	[sflag:s18] =	ssyncadd.s32 $0xFFFFE000  }
0x3df: {  	[spmem:s2] =	stream.indirect.scatter.add.f32 [tilespmem:s4], [sflag:$0x6], $0x80, s13, s19, $0xb8;
	[tilespmem:$0xE100] =	vst v63  }
0x3e0: {  	_ = 	snop  }
0x3e1: {  	[spmem:s3] =	stream.indirect.scatter.add.f32 [tilespmem:s15], [sflag:$0x7], $0x80, s13, s19, $0xb8;
	[tilespmem:$0xE100] =	vst v63  }
0x3e2: {  	_ =	swait.ge [sflag:s20], $0x2000  }
0x3e3: {  	[sflag:s20] =	ssyncset.done $0x0  }
0x3e4: {  	s24 =	rddreg [dreg:$0x12];
	[sflag:s20] =	ssyncadd.s32 $0xFFFFE000  }
0x3e5: {  	[tilespmem:s15], [sflag:$0x5] =	stream.strided.gather [hbm4b:s24+s10], $0x2000, s11, s10, $0x38;
	[tilespmem:$0xE100] =	vst v63  }
0x3e6: {  	_ =	swait.ge [sflag:s21], $0x2000  }
0x3e7: {  	[sflag:s21] =	ssyncset.done $0x0  }
0x3e8: {  	s1 =	rddreg [dreg:$0x13];
	[sflag:s21] =	ssyncadd.s32 $0xFFFFE000  }
0x3e9: {  	[tilespmem:s4], [sflag:$0x1] =	stream.strided.gather [hbm4b:s1+s10], $0x2000, s11, s10, $0x38;
	[tilespmem:$0xE100] =	vst v63  }
0x3ea: {  	s24 =	rddreg [dreg:$0x14]  }
0x3eb: {  	[tilespmem:s13], [sflag:$0x3] =	stream.linear.gather [hbm4b:s24+s4], $0x40, $0x38;
	[tilespmem:$0xE100] =	vst v63  }
0x3ec: {  	_ =	swait.ge [sflag:s22], $0x2000  }
0x3ed: {  	[sflag:s22] =	ssyncset.done $0x0  }
0x3ee: {  	[sflag:s22] =	ssyncadd.s32 $0xFFFFE000  }
0x3ef: {  	_ =	swait.ge [sflag:s23], $0x40  }
0x3f0: {  	[sflag:s23] =	ssyncset.done $0x0  }
0x3f1: {  	[sflag:s23] =	ssyncadd.s32 $0xFFFFFFC0  }
0x3f2: {  	_ =	swait.ge [sflag:s18], $0x2000  }
0x3f3: {  	[sflag:s18] =	ssyncset.done $0x0  }
0x3f4: {  	[sflag:s18] =	ssyncadd.s32 $0xFFFFE000  }
0x3f5: {  	[spmem:s2] =	stream.indirect.scatter.add.f32 [tilespmem:s12], [sflag:$0x6], $0x80, s14, s19, $0xb8;
	[tilespmem:$0xE100] =	vst v63  }
0x3f6: {  	_ = 	snop  }
0x3f7: {  	[spmem:s3] =	stream.indirect.scatter.add.f32 [tilespmem:s15], [sflag:$0x7], $0x80, s14, s19, $0xb8;
	[tilespmem:$0xE100] =	vst v63  }
0x3f8: {  	_ =	swait.ge [sflag:s20], $0x2000  }
0x3f9: {  	[sflag:s20] =	ssyncset.done $0x0  }
0x3fa: {  	s24 =	rddreg [dreg:$0x15];
	[sflag:s20] =	ssyncadd.s32 $0xFFFFE000  }
0x3fb: {  	[tilespmem:s15], [sflag:$0x5] =	stream.strided.gather [hbm4b:s24+s10], $0x2000, s11, s10, $0x38;
	[tilespmem:$0xE100] =	vst v63  }
0x3fc: {  	_ =	swait.ge [sflag:s21], $0x2000  }
0x3fd: {  	[sflag:s21] =	ssyncset.done $0x0  }
0x3fe: {  	[sflag:s21] =	ssyncadd.s32 $0xFFFFE000  }
0x3ff: {  	s1 =	rddreg [dreg:$0x16]  }
0x400: {  	[tilespmem:s12], [sflag:$0x2] =	stream.strided.gather [hbm4b:s1+s10], $0x2000, s11, s10, $0x38;
	[tilespmem:$0xE100] =	vst v63  }
0x401: {  	s24 =	rddreg [dreg:$0x17]  }
0x402: {  	[tilespmem:s14], [sflag:$0x4] =	stream.linear.gather [hbm4b:s24+s4], $0x40, $0x38;
	[tilespmem:$0xE100] =	vst v63  }
0x403: {  	_ =	swait.ge [sflag:s16], $0x2000  }
0x404: {  	[sflag:s16] =	ssyncset.done $0x0  }
0x405: {  	[sflag:s16] =	ssyncadd.s32 $0xFFFFE000  }
0x406: {  	_ =	swait.ge [sflag:s17], $0x40  }
0x407: {  	[sflag:s17] =	ssyncset.done $0x0  }
0x408: {  	[sflag:s17] =	ssyncadd.s32 $0xFFFFFFC0  }
0x409: {  	_ =	swait.ge [sflag:s18], $0x2000  }
0x40a: {  	[sflag:s18] =	ssyncset.done $0x0  }
0x40b: {  	[sflag:s18] =	ssyncadd.s32 $0xFFFFE000  }
0x40c: {  	[spmem:s2] =	stream.indirect.scatter.add.f32 [tilespmem:s4], [sflag:$0x6], $0x80, s13, s19, $0xb8;
	[tilespmem:$0xE100] =	vst v63  }
0x40d: {  	_ = 	snop  }
0x40e: {  	[spmem:s3] =	stream.indirect.scatter.add.f32 [tilespmem:s15], [sflag:$0x7], $0x80, s13, s19, $0xb8;
	[tilespmem:$0xE100] =	vst v63  }
0x40f: {  	_ =	swait.ge [sflag:s20], $0x2000  }
0x410: {  	[sflag:s20] =	ssyncset.done $0x0  }
0x411: {  	s24 =	rddreg [dreg:$0x18];
	[sflag:s20] =	ssyncadd.s32 $0xFFFFE000  }
0x412: {  	[tilespmem:s15], [sflag:$0x5] =	stream.strided.gather [hbm4b:s24+s10], $0x2000, s11, s10, $0x38;
	[tilespmem:$0xE100] =	vst v63  }
0x413: {  	_ =	swait.ge [sflag:s21], $0x2000  }
0x414: {  	[sflag:s21] =	ssyncset.done $0x0  }
0x415: {  	s1 =	rddreg [dreg:$0x19];
	[sflag:s21] =	ssyncadd.s32 $0xFFFFE000  }
0x416: {  	[tilespmem:s4], [sflag:$0x1] =	stream.strided.gather [hbm4b:s1+s10], $0x2000, s11, s10, $0x38;
	[tilespmem:$0xE100] =	vst v63  }
0x417: {  	s24 =	rddreg [dreg:$0x1a]  }
0x418: {  	[tilespmem:s13], [sflag:$0x3] =	stream.linear.gather [hbm4b:s24+s4], $0x40, $0x38;
	[tilespmem:$0xE100] =	vst v63  }
0x419: {  	_ =	swait.ge [sflag:s22], $0x2000  }
0x41a: {  	[sflag:s22] =	ssyncset.done $0x0  }
0x41b: {  	[sflag:s22] =	ssyncadd.s32 $0xFFFFE000  }
0x41c: {  	_ =	swait.ge [sflag:s23], $0x40  }
0x41d: {  	[sflag:s23] =	ssyncset.done $0x0  }
0x41e: {  	[sflag:s23] =	ssyncadd.s32 $0xFFFFFFC0  }
0x41f: {  	_ =	swait.ge [sflag:s18], $0x2000  }
0x420: {  	[sflag:s18] =	ssyncset.done $0x0  }
0x421: {  	[sflag:s18] =	ssyncadd.s32 $0xFFFFE000  }
0x422: {  	[spmem:s2] =	stream.indirect.scatter.add.f32 [tilespmem:s12], [sflag:$0x6], $0x80, s14, s19, $0xb8;
	[tilespmem:$0xE100] =	vst v63  }
0x423: {  	_ = 	snop  }
0x424: {  	[spmem:s3] =	stream.indirect.scatter.add.f32 [tilespmem:s15], [sflag:$0x7], $0x80, s14, s19, $0xb8;
	[tilespmem:$0xE100] =	vst v63  }
0x425: {  	_ =	swait.ge [sflag:s20], $0x2000  }
0x426: {  	[sflag:s20] =	ssyncset.done $0x0  }
0x427: {  	s24 =	rddreg [dreg:$0x1b];
	[sflag:s20] =	ssyncadd.s32 $0xFFFFE000  }
0x428: {  	[tilespmem:s15], [sflag:$0x5] =	stream.strided.gather [hbm4b:s24+s10], $0x2000, s11, s10, $0x38;
	[tilespmem:$0xE100] =	vst v63  }
0x429: {  	_ =	swait.ge [sflag:s21], $0x2000  }
0x42a: {  	[sflag:s21] =	ssyncset.done $0x0  }
0x42b: {  	s1 =	rddreg [dreg:$0x1c];
	[sflag:s21] =	ssyncadd.s32 $0xFFFFE000  }
0x42c: {  	[tilespmem:s12], [sflag:$0x2] =	stream.strided.gather [hbm4b:s1+s10], $0x2000, s11, s10, $0x38;
	[tilespmem:$0xE100] =	vst v63  }
0x42d: {  	s24 =	rddreg [dreg:$0x1d]  }
0x42e: {  	[tilespmem:s14], [sflag:$0x4] =	stream.linear.gather [hbm4b:s24+s4], $0x40, $0x38;
	[tilespmem:$0xE100] =	vst v63  }
0x42f: {  	_ =	swait.ge [sflag:s16], $0x2000  }
0x430: {  	[sflag:s16] =	ssyncset.done $0x0  }
0x431: {  	[sflag:s16] =	ssyncadd.s32 $0xFFFFE000  }
0x432: {  	_ =	swait.ge [sflag:s17], $0x40  }
0x433: {  	[sflag:s17] =	ssyncset.done $0x0  }
0x434: {  	[sflag:s17] =	ssyncadd.s32 $0xFFFFFFC0  }
0x435: {  	_ =	swait.ge [sflag:s18], $0x2000  }
0x436: {  	[sflag:s18] =	ssyncset.done $0x0  }
0x437: {  	[sflag:s18] =	ssyncadd.s32 $0xFFFFE000  }
0x438: {  	[spmem:s2] =	stream.indirect.scatter.add.f32 [tilespmem:s4], [sflag:$0x6], $0x80, s13, s19, $0xb8;
	[tilespmem:$0xE100] =	vst v63  }
0x439: {  	_ = 	snop  }
0x43a: {  	[spmem:s3] =	stream.indirect.scatter.add.f32 [tilespmem:s15], [sflag:$0x7], $0x80, s13, s19, $0xb8;
	[tilespmem:$0xE100] =	vst v63  }
0x43b: {  	_ =	swait.ge [sflag:s20], $0x2000  }
0x43c: {  	[sflag:s20] =	ssyncset.done $0x0  }
0x43d: {  	s24 =	rddreg [dreg:$0x1e];
	[sflag:s20] =	ssyncadd.s32 $0xFFFFE000  }
0x43e: {  	[tilespmem:s15], [sflag:$0x5] =	stream.strided.gather [hbm4b:s24+s10], $0x2000, s11, s10, $0x38;
	[tilespmem:$0xE100] =	vst v63  }
0x43f: {  	_ =	swait.ge [sflag:s21], $0x2000  }
0x440: {  	s1 =	rddreg [dreg:$0x1f];
	[sflag:s21] =	ssyncset.done $0x0  }
0x441: {  	s24 =	sld [smem:$0x7B8];
	[sflag:s21] =	ssyncadd.s32 $0xFFFFE000  }
0x442: {  	[tilespmem:s4], [sflag:$0x1] =	stream.strided.gather [hbm4b:s1+s10], $0x2000, s11, s10, $0x38;
	[tilespmem:$0xE100] =	vst v63  }
0x443: {  	_ = 	snop  }
0x444: {  	[tilespmem:s13], [sflag:$0x3] =	stream.linear.gather [hbm4b:s24+s4], $0x40, $0x38;
	[tilespmem:$0xE100] =	vst v63  }
0x445: {  	_ =	swait.ge [sflag:s22], $0x2000  }
0x446: {  	[sflag:s22] =	ssyncset.done $0x0  }
0x447: {  	[sflag:s22] =	ssyncadd.s32 $0xFFFFE000  }
0x448: {  	_ =	swait.ge [sflag:s23], $0x40  }
0x449: {  	[sflag:s23] =	ssyncset.done $0x0  }
0x44a: {  	[sflag:s23] =	ssyncadd.s32 $0xFFFFFFC0  }
0x44b: {  	_ =	swait.ge [sflag:s18], $0x2000  }
0x44c: {  	[sflag:s18] =	ssyncset.done $0x0  }
0x44d: {  	[sflag:s18] =	ssyncadd.s32 $0xFFFFE000  }
0x44e: {  	[spmem:s2] =	stream.indirect.scatter.add.f32 [tilespmem:s12], [sflag:$0x6], $0x80, s14, s19, $0xb8;
	[tilespmem:$0xE100] =	vst v63  }
0x44f: {  	_ = 	snop  }
0x450: {  	[spmem:s3] =	stream.indirect.scatter.add.f32 [tilespmem:s15], [sflag:$0x7], $0x80, s14, s19, $0xb8;
	[tilespmem:$0xE100] =	vst v63  }
0x451: {  	_ =	swait.ge [sflag:s20], $0x2000  }
0x452: {  	s24 =	sld [smem:$0x7B9]  }
0x453: {  	[sflag:s20] =	ssyncset.done $0x0  }
0x454: {  	[sflag:s20] =	ssyncadd.s32 $0xFFFFE000  }
0x455: {  	[tilespmem:s15], [sflag:$0x5] =	stream.strided.gather [hbm4b:s24+s10], $0x2000, s11, s10, $0x38;
	[tilespmem:$0xE100] =	vst v63  }
0x456: {  	_ =	swait.ge [sflag:s21], $0x2000  }
0x457: {  	s1 =	sld [smem:$0x7BA]  }
0x458: {  	[sflag:s21] =	ssyncset.done $0x0  }
0x459: {  	s24 =	sld [smem:$0x7BB];
	[sflag:s21] =	ssyncadd.s32 $0xFFFFE000  }
0x45a: {  	[tilespmem:s12], [sflag:$0x2] =	stream.strided.gather [hbm4b:s1+s10], $0x2000, s11, s10, $0x38;
	[tilespmem:$0xE100] =	vst v63  }
0x45b: {  	_ = 	snop  }
0x45c: {  	[tilespmem:s14], [sflag:$0x4] =	stream.linear.gather [hbm4b:s24+s4], $0x40, $0x38;
	[tilespmem:$0xE100] =	vst v63  }
0x45d: {  	_ =	swait.ge [sflag:s16], $0x2000  }
0x45e: {  	[sflag:s16] =	ssyncset.done $0x0  }
0x45f: {  	[sflag:s16] =	ssyncadd.s32 $0xFFFFE000  }
0x460: {  	_ =	swait.ge [sflag:s17], $0x40  }
0x461: {  	[sflag:s17] =	ssyncset.done $0x0  }
0x462: {  	[sflag:s17] =	ssyncadd.s32 $0xFFFFFFC0  }
0x463: {  	_ =	swait.ge [sflag:s18], $0x2000  }
0x464: {  	[sflag:s18] =	ssyncset.done $0x0  }
0x465: {  	[sflag:s18] =	ssyncadd.s32 $0xFFFFE000  }
0x466: {  	[spmem:s2] =	stream.indirect.scatter.add.f32 [tilespmem:s4], [sflag:$0x6], $0x80, s13, s19, $0xb8;
	[tilespmem:$0xE100] =	vst v63  }
0x467: {  	_ = 	snop  }
0x468: {  	[spmem:s3] =	stream.indirect.scatter.add.f32 [tilespmem:s15], [sflag:$0x7], $0x80, s13, s19, $0xb8;
	[tilespmem:$0xE100] =	vst v63  }
0x469: {  	_ =	swait.ge [sflag:s20], $0x2000  }
0x46a: {  	s24 =	sld [smem:$0x7BC]  }
0x46b: {  	[sflag:s20] =	ssyncset.done $0x0  }
0x46c: {  	[sflag:s20] =	ssyncadd.s32 $0xFFFFE000  }
0x46d: {  	[tilespmem:s15], [sflag:$0x5] =	stream.strided.gather [hbm4b:s24+s10], $0x2000, s11, s10, $0x38;
	[tilespmem:$0xE100] =	vst v63  }
0x46e: {  	_ =	swait.ge [sflag:s21], $0x2000  }
0x46f: {  	s1 =	sld [smem:$0x7BD]  }
0x470: {  	[sflag:s21] =	ssyncset.done $0x0  }
0x471: {  	s24 =	sld [smem:$0x7BE];
	[sflag:s21] =	ssyncadd.s32 $0xFFFFE000  }
0x472: {  	[tilespmem:s4], [sflag:$0x1] =	stream.strided.gather [hbm4b:s1+s10], $0x2000, s11, s10, $0x38;
	[tilespmem:$0xE100] =	vst v63  }
0x473: {  	_ = 	snop  }
0x474: {  	[tilespmem:s13], [sflag:$0x3] =	stream.linear.gather [hbm4b:s24+s4], $0x40, $0x38;
	[tilespmem:$0xE100] =	vst v63  }
0x475: {  	_ =	swait.ge [sflag:s22], $0x2000  }
0x476: {  	[sflag:s22] =	ssyncset.done $0x0  }
0x477: {  	[sflag:s22] =	ssyncadd.s32 $0xFFFFE000  }
0x478: {  	_ =	swait.ge [sflag:s23], $0x40  }
0x479: {  	[sflag:s23] =	ssyncset.done $0x0  }
0x47a: {  	[sflag:s23] =	ssyncadd.s32 $0xFFFFFFC0  }
0x47b: {  	_ =	swait.ge [sflag:s18], $0x2000  }
0x47c: {  	[sflag:s18] =	ssyncset.done $0x0  }
0x47d: {  	[sflag:s18] =	ssyncadd.s32 $0xFFFFE000  }
0x47e: {  	[spmem:s2] =	stream.indirect.scatter.add.f32 [tilespmem:s12], [sflag:$0x6], $0x80, s14, s19, $0xb8;
	[tilespmem:$0xE100] =	vst v63  }
0x47f: {  	_ = 	snop  }
0x480: {  	[spmem:s3] =	stream.indirect.scatter.add.f32 [tilespmem:s15], [sflag:$0x7], $0x80, s14, s19, $0xb8;
	[tilespmem:$0xE100] =	vst v63  }
0x481: {  	_ =	swait.ge [sflag:s20], $0x2000  }
0x482: {  	s24 =	sld [smem:$0x7BF]  }
0x483: {  	[sflag:s20] =	ssyncset.done $0x0  }
0x484: {  	[sflag:s20] =	ssyncadd.s32 $0xFFFFE000  }
0x485: {  	[tilespmem:s15], [sflag:$0x5] =	stream.strided.gather [hbm4b:s24+s10], $0x2000, s11, s10, $0x38;
	[tilespmem:$0xE100] =	vst v63  }
0x486: {  	_ =	swait.ge [sflag:s21], $0x2000  }
0x487: {  	s1 =	sld [smem:$0x7C0]  }
0x488: {  	[sflag:s21] =	ssyncset.done $0x0  }
0x489: {  	s24 =	sld [smem:$0x7C1];
	[sflag:s21] =	ssyncadd.s32 $0xFFFFE000  }
0x48a: {  	[tilespmem:s12], [sflag:$0x2] =	stream.strided.gather [hbm4b:s1+s10], $0x2000, s11, s10, $0x38;
	[tilespmem:$0xE100] =	vst v63  }
0x48b: {  	_ = 	snop  }
0x48c: {  	[tilespmem:s14], [sflag:$0x4] =	stream.linear.gather [hbm4b:s24+s4], $0x40, $0x38;
	[tilespmem:$0xE100] =	vst v63  }
0x48d: {  	_ =	swait.ge [sflag:s16], $0x2000  }
0x48e: {  	[sflag:s16] =	ssyncset.done $0x0  }
0x48f: {  	[sflag:s16] =	ssyncadd.s32 $0xFFFFE000  }
0x490: {  	_ =	swait.ge [sflag:s17], $0x40  }
0x491: {  	[sflag:s17] =	ssyncset.done $0x0  }
0x492: {  	[sflag:s17] =	ssyncadd.s32 $0xFFFFFFC0  }
0x493: {  	_ =	swait.ge [sflag:s18], $0x2000  }
0x494: {  	[sflag:s18] =	ssyncset.done $0x0  }
0x495: {  	[sflag:s18] =	ssyncadd.s32 $0xFFFFE000  }
0x496: {  	[spmem:s2] =	stream.indirect.scatter.add.f32 [tilespmem:s4], [sflag:$0x6], $0x80, s13, s19, $0xb8;
	[tilespmem:$0xE100] =	vst v63  }
0x497: {  	_ = 	snop  }
0x498: {  	[spmem:s3] =	stream.indirect.scatter.add.f32 [tilespmem:s15], [sflag:$0x7], $0x80, s13, s19, $0xb8;
	[tilespmem:$0xE100] =	vst v63  }
0x499: {  	_ =	swait.ge [sflag:s20], $0x2000  }
0x49a: {  	s24 =	sld [smem:$0x7C2]  }
0x49b: {  	[sflag:s20] =	ssyncset.done $0x0  }
0x49c: {  	[sflag:s20] =	ssyncadd.s32 $0xFFFFE000  }
0x49d: {  	[tilespmem:s15], [sflag:$0x5] =	stream.strided.gather [hbm4b:s24+s10], $0x2000, s11, s10, $0x38;
	[tilespmem:$0xE100] =	vst v63  }
0x49e: {  	_ =	swait.ge [sflag:s21], $0x2000  }
0x49f: {  	s1 =	sld [smem:$0x7C3]  }
0x4a0: {  	[sflag:s21] =	ssyncset.done $0x0  }
0x4a1: {  	s24 =	sld [smem:$0x7C4];
	[sflag:s21] =	ssyncadd.s32 $0xFFFFE000  }
0x4a2: {  	[tilespmem:s4], [sflag:$0x1] =	stream.strided.gather [hbm4b:s1+s10], $0x2000, s11, s10, $0x38;
	[tilespmem:$0xE100] =	vst v63  }
0x4a3: {  	_ = 	snop  }
0x4a4: {  	[tilespmem:s13], [sflag:$0x3] =	stream.linear.gather [hbm4b:s24+s4], $0x40, $0x38;
	[tilespmem:$0xE100] =	vst v63  }
0x4a5: {  	_ =	swait.ge [sflag:s22], $0x2000  }
0x4a6: {  	[sflag:s22] =	ssyncset.done $0x0  }
0x4a7: {  	[sflag:s22] =	ssyncadd.s32 $0xFFFFE000  }
0x4a8: {  	_ =	swait.ge [sflag:s23], $0x40  }
0x4a9: {  	[sflag:s23] =	ssyncset.done $0x0  }
0x4aa: {  	[sflag:s23] =	ssyncadd.s32 $0xFFFFFFC0  }
0x4ab: {  	_ =	swait.ge [sflag:s18], $0x2000  }
0x4ac: {  	[sflag:s18] =	ssyncset.done $0x0  }
0x4ad: {  	[sflag:s18] =	ssyncadd.s32 $0xFFFFE000  }
0x4ae: {  	[spmem:s2] =	stream.indirect.scatter.add.f32 [tilespmem:s12], [sflag:$0x6], $0x80, s14, s19, $0xb8;
	[tilespmem:$0xE100] =	vst v63  }
0x4af: {  	_ = 	snop  }
0x4b0: {  	[spmem:s3] =	stream.indirect.scatter.add.f32 [tilespmem:s15], [sflag:$0x7], $0x80, s14, s19, $0xb8;
	[tilespmem:$0xE100] =	vst v63  }
0x4b1: {  	_ =	swait.ge [sflag:s20], $0x2000  }
0x4b2: {  	s24 =	sld [smem:$0x7C5]  }
0x4b3: {  	[sflag:s20] =	ssyncset.done $0x0  }
0x4b4: {  	[sflag:s20] =	ssyncadd.s32 $0xFFFFE000  }
0x4b5: {  	[tilespmem:s15], [sflag:$0x5] =	stream.strided.gather [hbm4b:s24+s10], $0x2000, s11, s10, $0x38;
	[tilespmem:$0xE100] =	vst v63  }
0x4b6: {  	_ =	swait.ge [sflag:s21], $0x2000  }
0x4b7: {  	s1 =	sld [smem:$0x7C6]  }
0x4b8: {  	[sflag:s21] =	ssyncset.done $0x0  }
0x4b9: {  	s24 =	sld [smem:$0x7C7];
	[sflag:s21] =	ssyncadd.s32 $0xFFFFE000  }
0x4ba: {  	[tilespmem:s12], [sflag:$0x2] =	stream.strided.gather [hbm4b:s1+s10], $0x2000, s11, s10, $0x38;
	[tilespmem:$0xE100] =	vst v63  }
0x4bb: {  	_ = 	snop  }
0x4bc: {  	[tilespmem:s14], [sflag:$0x4] =	stream.linear.gather [hbm4b:s24+s4], $0x40, $0x38;
	[tilespmem:$0xE100] =	vst v63  }
0x4bd: {  	_ =	swait.ge [sflag:s16], $0x2000  }
0x4be: {  	[sflag:s16] =	ssyncset.done $0x0  }
0x4bf: {  	[sflag:s16] =	ssyncadd.s32 $0xFFFFE000  }
0x4c0: {  	_ =	swait.ge [sflag:s17], $0x40  }
0x4c1: {  	[sflag:s17] =	ssyncset.done $0x0  }
0x4c2: {  	[sflag:s17] =	ssyncadd.s32 $0xFFFFFFC0  }
0x4c3: {  	_ =	swait.ge [sflag:s18], $0x2000  }
0x4c4: {  	[sflag:s18] =	ssyncset.done $0x0  }
0x4c5: {  	[sflag:s18] =	ssyncadd.s32 $0xFFFFE000  }
0x4c6: {  	[spmem:s2] =	stream.indirect.scatter.add.f32 [tilespmem:s4], [sflag:$0x6], $0x80, s13, s19, $0xb8;
	[tilespmem:$0xE100] =	vst v63  }
0x4c7: {  	_ = 	snop  }
0x4c8: {  	[spmem:s3] =	stream.indirect.scatter.add.f32 [tilespmem:s15], [sflag:$0x7], $0x80, s13, s19, $0xb8;
	[tilespmem:$0xE100] =	vst v63  }
0x4c9: {  	_ =	swait.ge [sflag:s20], $0x2000  }
0x4ca: {  	s24 =	sld [smem:$0x7C8]  }
0x4cb: {  	[sflag:s20] =	ssyncset.done $0x0  }
0x4cc: {  	[sflag:s20] =	ssyncadd.s32 $0xFFFFE000  }
0x4cd: {  	[tilespmem:s15], [sflag:$0x5] =	stream.strided.gather [hbm4b:s24+s10], $0x2000, s11, s10, $0x38;
	[tilespmem:$0xE100] =	vst v63  }
0x4ce: {  	_ =	swait.ge [sflag:s21], $0x2000  }
0x4cf: {  	s1 =	sld [smem:$0x7C9]  }
0x4d0: {  	[sflag:s21] =	ssyncset.done $0x0  }
0x4d1: {  	s24 =	sld [smem:$0x7CA];
	[sflag:s21] =	ssyncadd.s32 $0xFFFFE000  }
0x4d2: {  	[tilespmem:s4], [sflag:$0x1] =	stream.strided.gather [hbm4b:s1+s10], $0x2000, s11, s10, $0x38;
	[tilespmem:$0xE100] =	vst v63  }
0x4d3: {  	_ = 	snop  }
0x4d4: {  	[tilespmem:s13], [sflag:$0x3] =	stream.linear.gather [hbm4b:s24+s4], $0x40, $0x38;
	[tilespmem:$0xE100] =	vst v63  }
0x4d5: {  	_ =	swait.ge [sflag:s22], $0x2000  }
0x4d6: {  	[sflag:s22] =	ssyncset.done $0x0  }
0x4d7: {  	[sflag:s22] =	ssyncadd.s32 $0xFFFFE000  }
0x4d8: {  	_ =	swait.ge [sflag:s23], $0x40  }
0x4d9: {  	[sflag:s23] =	ssyncset.done $0x0  }
0x4da: {  	[sflag:s23] =	ssyncadd.s32 $0xFFFFFFC0  }
0x4db: {  	_ =	swait.ge [sflag:s18], $0x2000  }
0x4dc: {  	[sflag:s18] =	ssyncset.done $0x0  }
0x4dd: {  	[sflag:s18] =	ssyncadd.s32 $0xFFFFE000  }
0x4de: {  	[spmem:s2] =	stream.indirect.scatter.add.f32 [tilespmem:s12], [sflag:$0x6], $0x80, s14, s19, $0xb8;
	[tilespmem:$0xE100] =	vst v63  }
0x4df: {  	_ = 	snop  }
0x4e0: {  	[spmem:s3] =	stream.indirect.scatter.add.f32 [tilespmem:s15], [sflag:$0x7], $0x80, s14, s19, $0xb8;
	[tilespmem:$0xE100] =	vst v63  }
0x4e1: {  	_ =	swait.ge [sflag:s20], $0x2000  }
0x4e2: {  	s24 =	sld [smem:$0x7CB]  }
0x4e3: {  	[sflag:s20] =	ssyncset.done $0x0  }
0x4e4: {  	[sflag:s20] =	ssyncadd.s32 $0xFFFFE000  }
0x4e5: {  	[tilespmem:s15], [sflag:$0x5] =	stream.strided.gather [hbm4b:s24+s10], $0x2000, s11, s10, $0x38;
	[tilespmem:$0xE100] =	vst v63  }
0x4e6: {  	_ =	swait.ge [sflag:s21], $0x2000  }
0x4e7: {  	s1 =	sld [smem:$0x7CC]  }
0x4e8: {  	[sflag:s21] =	ssyncset.done $0x0  }
0x4e9: {  	s24 =	sld [smem:$0x7CD];
	[sflag:s21] =	ssyncadd.s32 $0xFFFFE000  }
0x4ea: {  	[tilespmem:s12], [sflag:$0x2] =	stream.strided.gather [hbm4b:s1+s10], $0x2000, s11, s10, $0x38;
	[tilespmem:$0xE100] =	vst v63  }
0x4eb: {  	_ = 	snop  }
0x4ec: {  	[tilespmem:s14], [sflag:$0x4] =	stream.linear.gather [hbm4b:s24+s4], $0x40, $0x38;
	[tilespmem:$0xE100] =	vst v63  }
0x4ed: {  	_ =	swait.ge [sflag:s16], $0x2000  }
0x4ee: {  	[sflag:s16] =	ssyncset.done $0x0  }
0x4ef: {  	[sflag:s16] =	ssyncadd.s32 $0xFFFFE000  }
0x4f0: {  	_ =	swait.ge [sflag:s17], $0x40  }
0x4f1: {  	[sflag:s17] =	ssyncset.done $0x0  }
0x4f2: {  	[sflag:s17] =	ssyncadd.s32 $0xFFFFFFC0  }
0x4f3: {  	_ =	swait.ge [sflag:s18], $0x2000  }
0x4f4: {  	[sflag:s18] =	ssyncset.done $0x0  }
0x4f5: {  	[sflag:s18] =	ssyncadd.s32 $0xFFFFE000  }
0x4f6: {  	[spmem:s2] =	stream.indirect.scatter.add.f32 [tilespmem:s4], [sflag:$0x6], $0x80, s13, s19, $0xb8;
	[tilespmem:$0xE100] =	vst v63  }
0x4f7: {  	_ = 	snop  }
0x4f8: {  	[spmem:s3] =	stream.indirect.scatter.add.f32 [tilespmem:s15], [sflag:$0x7], $0x80, s13, s19, $0xb8;
	[tilespmem:$0xE100] =	vst v63  }
0x4f9: {  	_ =	swait.ge [sflag:s20], $0x2000  }
0x4fa: {  	s24 =	sld [smem:$0x7CE]  }
0x4fb: {  	[sflag:s20] =	ssyncset.done $0x0  }
0x4fc: {  	[sflag:s20] =	ssyncadd.s32 $0xFFFFE000  }
0x4fd: {  	[tilespmem:s15], [sflag:$0x5] =	stream.strided.gather [hbm4b:s24+s10], $0x2000, s11, s10, $0x38;
	[tilespmem:$0xE100] =	vst v63  }
0x4fe: {  	_ =	swait.ge [sflag:s21], $0x2000  }
0x4ff: {  	s1 =	sld [smem:$0x7CF]  }
0x500: {  	[sflag:s21] =	ssyncset.done $0x0  }
0x501: {  	s24 =	sld [smem:$0x7D0];
	[sflag:s21] =	ssyncadd.s32 $0xFFFFE000  }
0x502: {  	[tilespmem:s4], [sflag:$0x1] =	stream.strided.gather [hbm4b:s1+s10], $0x2000, s11, s10, $0x38;
	[tilespmem:$0xE100] =	vst v63  }
0x503: {  	_ = 	snop  }
0x504: {  	[tilespmem:s13], [sflag:$0x3] =	stream.linear.gather [hbm4b:s24+s4], $0x40, $0x38;
	[tilespmem:$0xE100] =	vst v63  }
0x505: {  	_ =	swait.ge [sflag:s22], $0x2000  }
0x506: {  	[sflag:s22] =	ssyncset.done $0x0  }
0x507: {  	[sflag:s22] =	ssyncadd.s32 $0xFFFFE000  }
0x508: {  	_ =	swait.ge [sflag:s23], $0x40  }
0x509: {  	[sflag:s23] =	ssyncset.done $0x0  }
0x50a: {  	[sflag:s23] =	ssyncadd.s32 $0xFFFFFFC0  }
0x50b: {  	_ =	swait.ge [sflag:s18], $0x2000  }
0x50c: {  	[sflag:s18] =	ssyncset.done $0x0  }
0x50d: {  	[sflag:s18] =	ssyncadd.s32 $0xFFFFE000  }
0x50e: {  	[spmem:s2] =	stream.indirect.scatter.add.f32 [tilespmem:s12], [sflag:$0x6], $0x80, s14, s19, $0xb8;
	[tilespmem:$0xE100] =	vst v63  }
0x50f: {  	_ = 	snop  }
0x510: {  	[spmem:s3] =	stream.indirect.scatter.add.f32 [tilespmem:s15], [sflag:$0x7], $0x80, s14, s19, $0xb8;
	[tilespmem:$0xE100] =	vst v63  }
0x511: {  	_ =	swait.ge [sflag:s20], $0x2000  }
0x512: {  	s24 =	sld [smem:$0x7D1]  }
0x513: {  	[sflag:s20] =	ssyncset.done $0x0  }
0x514: {  	[sflag:s20] =	ssyncadd.s32 $0xFFFFE000  }
0x515: {  	[tilespmem:s15], [sflag:$0x5] =	stream.strided.gather [hbm4b:s24+s10], $0x2000, s11, s10, $0x38;
	[tilespmem:$0xE100] =	vst v63  }
0x516: {  	_ =	swait.ge [sflag:s21], $0x2000  }
0x517: {  	s1 =	sld [smem:$0x7D2]  }
0x518: {  	[sflag:s21] =	ssyncset.done $0x0  }
0x519: {  	s24 =	sld [smem:$0x7D3];
	[sflag:s21] =	ssyncadd.s32 $0xFFFFE000  }
0x51a: {  	[tilespmem:s12], [sflag:$0x2] =	stream.strided.gather [hbm4b:s1+s10], $0x2000, s11, s10, $0x38;
	[tilespmem:$0xE100] =	vst v63  }
0x51b: {  	_ = 	snop  }
0x51c: {  	[tilespmem:s14], [sflag:$0x4] =	stream.linear.gather [hbm4b:s24+s4], $0x40, $0x38;
	[tilespmem:$0xE100] =	vst v63  }
0x51d: {  	_ =	swait.ge [sflag:s16], $0x2000  }
0x51e: {  	[sflag:s16] =	ssyncset.done $0x0  }
0x51f: {  	[sflag:s16] =	ssyncadd.s32 $0xFFFFE000  }
0x520: {  	_ =	swait.ge [sflag:s17], $0x40  }
0x521: {  	[sflag:s17] =	ssyncset.done $0x0  }
0x522: {  	[sflag:s17] =	ssyncadd.s32 $0xFFFFFFC0  }
0x523: {  	_ =	swait.ge [sflag:s18], $0x2000  }
0x524: {  	[sflag:s18] =	ssyncset.done $0x0  }
0x525: {  	[sflag:s18] =	ssyncadd.s32 $0xFFFFE000  }
0x526: {  	[spmem:s2] =	stream.indirect.scatter.add.f32 [tilespmem:s4], [sflag:$0x6], $0x80, s13, s19, $0xb8;
	[tilespmem:$0xE100] =	vst v63  }
0x527: {  	_ = 	snop  }
0x528: {  	[spmem:s3] =	stream.indirect.scatter.add.f32 [tilespmem:s15], [sflag:$0x7], $0x80, s13, s19, $0xb8;
	[tilespmem:$0xE100] =	vst v63  }
0x529: {  	_ =	swait.ge [sflag:s20], $0x2000  }
0x52a: {  	s24 =	sld [smem:$0x7D4]  }
0x52b: {  	[sflag:s20] =	ssyncset.done $0x0  }
0x52c: {  	[sflag:s20] =	ssyncadd.s32 $0xFFFFE000  }
0x52d: {  	[tilespmem:s15], [sflag:$0x5] =	stream.strided.gather [hbm4b:s24+s10], $0x2000, s11, s10, $0x38;
	[tilespmem:$0xE100] =	vst v63  }
0x52e: {  	_ =	swait.ge [sflag:s21], $0x2000  }
0x52f: {  	s1 =	sld [smem:$0x7D5]  }
0x530: {  	[sflag:s21] =	ssyncset.done $0x0  }
0x531: {  	s24 =	sld [smem:$0x7D6];
	[sflag:s21] =	ssyncadd.s32 $0xFFFFE000  }
0x532: {  	[tilespmem:s4], [sflag:$0x1] =	stream.strided.gather [hbm4b:s1+s10], $0x2000, s11, s10, $0x38;
	[tilespmem:$0xE100] =	vst v63  }
0x533: {  	_ = 	snop  }
0x534: {  	[tilespmem:s13], [sflag:$0x3] =	stream.linear.gather [hbm4b:s24+s4], $0x40, $0x38;
	[tilespmem:$0xE100] =	vst v63  }
0x535: {  	_ =	swait.ge [sflag:s22], $0x2000  }
0x536: {  	[sflag:s22] =	ssyncset.done $0x0  }
0x537: {  	[sflag:s22] =	ssyncadd.s32 $0xFFFFE000  }
0x538: {  	_ =	swait.ge [sflag:s23], $0x40  }
0x539: {  	[sflag:s23] =	ssyncset.done $0x0  }
0x53a: {  	[sflag:s23] =	ssyncadd.s32 $0xFFFFFFC0  }
0x53b: {  	_ =	swait.ge [sflag:s18], $0x2000  }
0x53c: {  	[sflag:s18] =	ssyncset.done $0x0  }
0x53d: {  	[sflag:s18] =	ssyncadd.s32 $0xFFFFE000  }
0x53e: {  	[spmem:s2] =	stream.indirect.scatter.add.f32 [tilespmem:s12], [sflag:$0x6], $0x80, s14, s19, $0xb8;
	[tilespmem:$0xE100] =	vst v63  }
0x53f: {  	_ = 	snop  }
0x540: {  	[spmem:s3] =	stream.indirect.scatter.add.f32 [tilespmem:s15], [sflag:$0x7], $0x80, s14, s19, $0xb8;
	[tilespmem:$0xE100] =	vst v63  }
0x541: {  	_ =	swait.ge [sflag:s20], $0x2000  }
0x542: {  	s24 =	sld [smem:$0x7D7]  }
0x543: {  	[sflag:s20] =	ssyncset.done $0x0  }
0x544: {  	[sflag:s20] =	ssyncadd.s32 $0xFFFFE000  }
0x545: {  	[tilespmem:s15], [sflag:$0x5] =	stream.strided.gather [hbm4b:s24+s10], $0x2000, s11, s10, $0x38;
	[tilespmem:$0xE100] =	vst v63  }
0x546: {  	_ =	swait.ge [sflag:s21], $0x2000  }
0x547: {  	s1 =	sld [smem:$0x7D8]  }
0x548: {  	[sflag:s21] =	ssyncset.done $0x0  }
0x549: {  	s24 =	sld [smem:$0x7D9];
	[sflag:s21] =	ssyncadd.s32 $0xFFFFE000  }
0x54a: {  	[tilespmem:s12], [sflag:$0x2] =	stream.strided.gather [hbm4b:s1+s10], $0x2000, s11, s10, $0x38;
	[tilespmem:$0xE100] =	vst v63  }
0x54b: {  	_ = 	snop  }
0x54c: {  	[tilespmem:s14], [sflag:$0x4] =	stream.linear.gather [hbm4b:s24+s4], $0x40, $0x38;
	[tilespmem:$0xE100] =	vst v63  }
0x54d: {  	_ =	swait.ge [sflag:s16], $0x2000  }
0x54e: {  	[sflag:s16] =	ssyncset.done $0x0  }
0x54f: {  	[sflag:s16] =	ssyncadd.s32 $0xFFFFE000  }
0x550: {  	_ =	swait.ge [sflag:s17], $0x40  }
0x551: {  	[sflag:s17] =	ssyncset.done $0x0  }
0x552: {  	[sflag:s17] =	ssyncadd.s32 $0xFFFFFFC0  }
0x553: {  	_ =	swait.ge [sflag:s18], $0x2000  }
0x554: {  	[sflag:s18] =	ssyncset.done $0x0  }
0x555: {  	[sflag:s18] =	ssyncadd.s32 $0xFFFFE000  }
0x556: {  	[spmem:s2] =	stream.indirect.scatter.add.f32 [tilespmem:s4], [sflag:$0x6], $0x80, s13, s19, $0xb8;
	[tilespmem:$0xE100] =	vst v63  }
0x557: {  	_ = 	snop  }
0x558: {  	[spmem:s3] =	stream.indirect.scatter.add.f32 [tilespmem:s15], [sflag:$0x7], $0x80, s13, s19, $0xb8;
	[tilespmem:$0xE100] =	vst v63  }
0x559: {  	_ =	swait.ge [sflag:s20], $0x2000  }
0x55a: {  	s24 =	sld [smem:$0x7DA]  }
0x55b: {  	[sflag:s20] =	ssyncset.done $0x0  }
0x55c: {  	[sflag:s20] =	ssyncadd.s32 $0xFFFFE000  }
0x55d: {  	[tilespmem:s15], [sflag:$0x5] =	stream.strided.gather [hbm4b:s24+s10], $0x2000, s11, s10, $0x38;
	[tilespmem:$0xE100] =	vst v63  }
0x55e: {  	_ =	swait.ge [sflag:s21], $0x2000  }
0x55f: {  	s1 =	sld [smem:$0x7DB]  }
0x560: {  	[sflag:s21] =	ssyncset.done $0x0  }
0x561: {  	s24 =	sld [smem:$0x7DC];
	[sflag:s21] =	ssyncadd.s32 $0xFFFFE000  }
0x562: {  	[tilespmem:s4], [sflag:$0x1] =	stream.strided.gather [hbm4b:s1+s10], $0x2000, s11, s10, $0x38;
	[tilespmem:$0xE100] =	vst v63  }
0x563: {  	_ = 	snop  }
0x564: {  	[tilespmem:s13], [sflag:$0x3] =	stream.linear.gather [hbm4b:s24+s4], $0x40, $0x38;
	[tilespmem:$0xE100] =	vst v63  }
0x565: {  	_ =	swait.ge [sflag:s22], $0x2000  }
0x566: {  	[sflag:s22] =	ssyncset.done $0x0  }
0x567: {  	[sflag:s22] =	ssyncadd.s32 $0xFFFFE000  }
0x568: {  	_ =	swait.ge [sflag:s23], $0x40  }
0x569: {  	[sflag:s23] =	ssyncset.done $0x0  }
0x56a: {  	[sflag:s23] =	ssyncadd.s32 $0xFFFFFFC0  }
0x56b: {  	_ =	swait.ge [sflag:s18], $0x2000  }
0x56c: {  	[sflag:s18] =	ssyncset.done $0x0  }
0x56d: {  	[sflag:s18] =	ssyncadd.s32 $0xFFFFE000  }
0x56e: {  	[spmem:s2] =	stream.indirect.scatter.add.f32 [tilespmem:s12], [sflag:$0x6], $0x80, s14, s19, $0xb8;
	[tilespmem:$0xE100] =	vst v63  }
0x56f: {  	_ = 	snop  }
0x570: {  	[spmem:s3] =	stream.indirect.scatter.add.f32 [tilespmem:s15], [sflag:$0x7], $0x80, s14, s19, $0xb8;
	[tilespmem:$0xE100] =	vst v63  }
0x571: {  	_ =	swait.ge [sflag:s20], $0x2000  }
0x572: {  	s24 =	sld [smem:$0x7DD]  }
0x573: {  	[sflag:s20] =	ssyncset.done $0x0  }
0x574: {  	[sflag:s20] =	ssyncadd.s32 $0xFFFFE000  }
0x575: {  	[tilespmem:s15], [sflag:$0x5] =	stream.strided.gather [hbm4b:s24+s10], $0x2000, s11, s10, $0x38;
	[tilespmem:$0xE100] =	vst v63  }
0x576: {  	_ =	swait.ge [sflag:s21], $0x2000  }
0x577: {  	s1 =	sld [smem:$0x7DE]  }
0x578: {  	[sflag:s21] =	ssyncset.done $0x0  }
0x579: {  	s24 =	sld [smem:$0x7DF];
	[sflag:s21] =	ssyncadd.s32 $0xFFFFE000  }
0x57a: {  	[tilespmem:s12], [sflag:$0x2] =	stream.strided.gather [hbm4b:s1+s10], $0x2000, s11, s10, $0x38;
	[tilespmem:$0xE100] =	vst v63  }
0x57b: {  	_ = 	snop  }
0x57c: {  	[tilespmem:s14], [sflag:$0x4] =	stream.linear.gather [hbm4b:s24+s4], $0x40, $0x38;
	[tilespmem:$0xE100] =	vst v63  }
0x57d: {  	_ =	swait.ge [sflag:s16], $0x2000  }
0x57e: {  	[sflag:s16] =	ssyncset.done $0x0  }
0x57f: {  	[sflag:s16] =	ssyncadd.s32 $0xFFFFE000  }
0x580: {  	_ =	swait.ge [sflag:s17], $0x40  }
0x581: {  	[sflag:s17] =	ssyncset.done $0x0  }
0x582: {  	[sflag:s17] =	ssyncadd.s32 $0xFFFFFFC0  }
0x583: {  	_ =	swait.ge [sflag:s18], $0x2000  }
0x584: {  	[sflag:s18] =	ssyncset.done $0x0  }
0x585: {  	[sflag:s18] =	ssyncadd.s32 $0xFFFFE000  }
0x586: {  	[spmem:s2] =	stream.indirect.scatter.add.f32 [tilespmem:s4], [sflag:$0x6], $0x80, s13, s19, $0xb8;
	[tilespmem:$0xE100] =	vst v63  }
0x587: {  	_ = 	snop  }
0x588: {  	[spmem:s3] =	stream.indirect.scatter.add.f32 [tilespmem:s15], [sflag:$0x7], $0x80, s13, s19, $0xb8;
	[tilespmem:$0xE100] =	vst v63  }
0x589: {  	_ =	swait.ge [sflag:s20], $0x2000  }
0x58a: {  	s24 =	sld [smem:$0x7E0]  }
0x58b: {  	[sflag:s20] =	ssyncset.done $0x0  }
0x58c: {  	[sflag:s20] =	ssyncadd.s32 $0xFFFFE000  }
0x58d: {  	[tilespmem:s15], [sflag:$0x5] =	stream.strided.gather [hbm4b:s24+s10], $0x2000, s11, s10, $0x38;
	[tilespmem:$0xE100] =	vst v63  }
0x58e: {  	_ =	swait.ge [sflag:s21], $0x2000  }
0x58f: {  	s1 =	sld [smem:$0x7E1]  }
0x590: {  	[sflag:s21] =	ssyncset.done $0x0  }
0x591: {  	s24 =	sld [smem:$0x7E2];
	[sflag:s21] =	ssyncadd.s32 $0xFFFFE000  }
0x592: {  	[tilespmem:s4], [sflag:$0x1] =	stream.strided.gather [hbm4b:s1+s10], $0x2000, s11, s10, $0x38;
	[tilespmem:$0xE100] =	vst v63  }
0x593: {  	_ = 	snop  }
0x594: {  	[tilespmem:s13], [sflag:$0x3] =	stream.linear.gather [hbm4b:s24+s4], $0x40, $0x38;
	[tilespmem:$0xE100] =	vst v63  }
0x595: {  	_ =	swait.ge [sflag:s22], $0x2000  }
0x596: {  	[sflag:s22] =	ssyncset.done $0x0  }
0x597: {  	[sflag:s22] =	ssyncadd.s32 $0xFFFFE000  }
0x598: {  	_ =	swait.ge [sflag:s23], $0x40  }
0x599: {  	[sflag:s23] =	ssyncset.done $0x0  }
0x59a: {  	[sflag:s23] =	ssyncadd.s32 $0xFFFFFFC0  }
0x59b: {  	_ =	swait.ge [sflag:s18], $0x2000  }
0x59c: {  	[sflag:s18] =	ssyncset.done $0x0  }
0x59d: {  	[sflag:s18] =	ssyncadd.s32 $0xFFFFE000  }
0x59e: {  	[spmem:s2] =	stream.indirect.scatter.add.f32 [tilespmem:s12], [sflag:$0x6], $0x80, s14, s19, $0xb8;
	[tilespmem:$0xE100] =	vst v63  }
0x59f: {  	_ = 	snop  }
0x5a0: {  	[spmem:s3] =	stream.indirect.scatter.add.f32 [tilespmem:s15], [sflag:$0x7], $0x80, s14, s19, $0xb8;
	[tilespmem:$0xE100] =	vst v63  }
0x5a1: {  	_ =	swait.ge [sflag:s20], $0x2000  }
0x5a2: {  	s24 =	sld [smem:$0x7E3]  }
0x5a3: {  	[sflag:s20] =	ssyncset.done $0x0  }
0x5a4: {  	[sflag:s20] =	ssyncadd.s32 $0xFFFFE000  }
0x5a5: {  	[tilespmem:s15], [sflag:$0x5] =	stream.strided.gather [hbm4b:s24+s10], $0x2000, s11, s10, $0x38;
	[tilespmem:$0xE100] =	vst v63  }
0x5a6: {  	_ =	swait.ge [sflag:s21], $0x2000  }
0x5a7: {  	s1 =	sld [smem:$0x7E4]  }
0x5a8: {  	[sflag:s21] =	ssyncset.done $0x0  }
0x5a9: {  	s24 =	sld [smem:$0x7E5];
	[sflag:s21] =	ssyncadd.s32 $0xFFFFE000  }
0x5aa: {  	[tilespmem:s12], [sflag:$0x2] =	stream.strided.gather [hbm4b:s1+s10], $0x2000, s11, s10, $0x38;
	[tilespmem:$0xE100] =	vst v63  }
0x5ab: {  	_ = 	snop  }
0x5ac: {  	[tilespmem:s14], [sflag:$0x4] =	stream.linear.gather [hbm4b:s24+s4], $0x40, $0x38;
	[tilespmem:$0xE100] =	vst v63  }
0x5ad: {  	_ =	swait.ge [sflag:s16], $0x2000  }
0x5ae: {  	[sflag:s16] =	ssyncset.done $0x0  }
0x5af: {  	[sflag:s16] =	ssyncadd.s32 $0xFFFFE000  }
0x5b0: {  	_ =	swait.ge [sflag:s17], $0x40  }
0x5b1: {  	[sflag:s17] =	ssyncset.done $0x0  }
0x5b2: {  	[sflag:s17] =	ssyncadd.s32 $0xFFFFFFC0  }
0x5b3: {  	_ =	swait.ge [sflag:s18], $0x2000  }
0x5b4: {  	[sflag:s18] =	ssyncset.done $0x0  }
0x5b5: {  	[sflag:s18] =	ssyncadd.s32 $0xFFFFE000  }
0x5b6: {  	[spmem:s2] =	stream.indirect.scatter.add.f32 [tilespmem:s4], [sflag:$0x6], $0x80, s13, s19, $0xb8;
	[tilespmem:$0xE100] =	vst v63  }
0x5b7: {  	_ = 	snop  }
0x5b8: {  	[spmem:s3] =	stream.indirect.scatter.add.f32 [tilespmem:s15], [sflag:$0x7], $0x80, s13, s19, $0xb8;
	[tilespmem:$0xE100] =	vst v63  }
0x5b9: {  	_ =	swait.ge [sflag:s20], $0x2000  }
0x5ba: {  	s24 =	sld [smem:$0x7E6]  }
0x5bb: {  	[sflag:s20] =	ssyncset.done $0x0  }
0x5bc: {  	[sflag:s20] =	ssyncadd.s32 $0xFFFFE000  }
0x5bd: {  	[tilespmem:s15], [sflag:$0x5] =	stream.strided.gather [hbm4b:s24+s10], $0x2000, s11, s10, $0x38;
	[tilespmem:$0xE100] =	vst v63  }
0x5be: {  	_ =	swait.ge [sflag:s21], $0x2000  }
0x5bf: {  	s1 =	sld [smem:$0x7E7]  }
0x5c0: {  	[sflag:s21] =	ssyncset.done $0x0  }
0x5c1: {  	s24 =	sld [smem:$0x7E8];
	[sflag:s21] =	ssyncadd.s32 $0xFFFFE000  }
0x5c2: {  	[tilespmem:s4], [sflag:$0x1] =	stream.strided.gather [hbm4b:s1+s10], $0x2000, s11, s10, $0x38;
	[tilespmem:$0xE100] =	vst v63  }
0x5c3: {  	_ = 	snop  }
0x5c4: {  	[tilespmem:s13], [sflag:$0x3] =	stream.linear.gather [hbm4b:s24+s4], $0x40, $0x38;
	[tilespmem:$0xE100] =	vst v63  }
0x5c5: {  	_ =	swait.ge [sflag:s22], $0x2000  }
0x5c6: {  	[sflag:s22] =	ssyncset.done $0x0  }
0x5c7: {  	[sflag:s22] =	ssyncadd.s32 $0xFFFFE000  }
0x5c8: {  	_ =	swait.ge [sflag:s23], $0x40  }
0x5c9: {  	[sflag:s23] =	ssyncset.done $0x0  }
0x5ca: {  	[sflag:s23] =	ssyncadd.s32 $0xFFFFFFC0  }
0x5cb: {  	_ =	swait.ge [sflag:s18], $0x2000  }
0x5cc: {  	[sflag:s18] =	ssyncset.done $0x0  }
0x5cd: {  	[sflag:s18] =	ssyncadd.s32 $0xFFFFE000  }
0x5ce: {  	[spmem:s2] =	stream.indirect.scatter.add.f32 [tilespmem:s12], [sflag:$0x6], $0x80, s14, s19, $0xb8;
	[tilespmem:$0xE100] =	vst v63  }
0x5cf: {  	_ = 	snop  }
0x5d0: {  	[spmem:s3] =	stream.indirect.scatter.add.f32 [tilespmem:s15], [sflag:$0x7], $0x80, s14, s19, $0xb8;
	[tilespmem:$0xE100] =	vst v63  }
0x5d1: {  	_ =	swait.ge [sflag:s20], $0x2000  }
0x5d2: {  	s24 =	sld [smem:$0x7E9]  }
0x5d3: {  	[sflag:s20] =	ssyncset.done $0x0  }
0x5d4: {  	[sflag:s20] =	ssyncadd.s32 $0xFFFFE000  }
0x5d5: {  	[tilespmem:s15], [sflag:$0x5] =	stream.strided.gather [hbm4b:s24+s10], $0x2000, s11, s10, $0x38;
	[tilespmem:$0xE100] =	vst v63  }
0x5d6: {  	_ =	swait.ge [sflag:s21], $0x2000  }
0x5d7: {  	s1 =	sld [smem:$0x7EA]  }
0x5d8: {  	[sflag:s21] =	ssyncset.done $0x0  }
0x5d9: {  	s24 =	sld [smem:$0x7EB];
	[sflag:s21] =	ssyncadd.s32 $0xFFFFE000  }
0x5da: {  	[tilespmem:s12], [sflag:$0x2] =	stream.strided.gather [hbm4b:s1+s10], $0x2000, s11, s10, $0x38;
	[tilespmem:$0xE100] =	vst v63  }
0x5db: {  	_ = 	snop  }
0x5dc: {  	[tilespmem:s14], [sflag:$0x4] =	stream.linear.gather [hbm4b:s24+s4], $0x40, $0x38;
	[tilespmem:$0xE100] =	vst v63  }
0x5dd: {  	_ =	swait.ge [sflag:s16], $0x2000  }
0x5de: {  	[sflag:s16] =	ssyncset.done $0x0  }
0x5df: {  	[sflag:s16] =	ssyncadd.s32 $0xFFFFE000  }
0x5e0: {  	_ =	swait.ge [sflag:s17], $0x40  }
0x5e1: {  	[sflag:s17] =	ssyncset.done $0x0  }
0x5e2: {  	[sflag:s17] =	ssyncadd.s32 $0xFFFFFFC0  }
0x5e3: {  	_ =	swait.ge [sflag:s18], $0x2000  }
0x5e4: {  	[sflag:s18] =	ssyncset.done $0x0  }
0x5e5: {  	[sflag:s18] =	ssyncadd.s32 $0xFFFFE000  }
0x5e6: {  	[spmem:s2] =	stream.indirect.scatter.add.f32 [tilespmem:s4], [sflag:$0x6], $0x80, s13, s19, $0xb8;
	[tilespmem:$0xE100] =	vst v63  }
0x5e7: {  	_ = 	snop  }
0x5e8: {  	[spmem:s3] =	stream.indirect.scatter.add.f32 [tilespmem:s15], [sflag:$0x7], $0x80, s13, s19, $0xb8;
	[tilespmem:$0xE100] =	vst v63  }
0x5e9: {  	_ =	swait.ge [sflag:s20], $0x2000  }
0x5ea: {  	s24 =	sld [smem:$0x7EC]  }
0x5eb: {  	[sflag:s20] =	ssyncset.done $0x0  }
0x5ec: {  	[sflag:s20] =	ssyncadd.s32 $0xFFFFE000  }
0x5ed: {  	[tilespmem:s15], [sflag:$0x5] =	stream.strided.gather [hbm4b:s24+s10], $0x2000, s11, s10, $0x38;
	[tilespmem:$0xE100] =	vst v63  }
0x5ee: {  	_ =	swait.ge [sflag:s21], $0x2000  }
0x5ef: {  	s1 =	sld [smem:$0x7ED]  }
0x5f0: {  	[sflag:s21] =	ssyncset.done $0x0  }
0x5f1: {  	s24 =	sld [smem:$0x7EE];
	[sflag:s21] =	ssyncadd.s32 $0xFFFFE000  }
0x5f2: {  	[tilespmem:s4], [sflag:$0x1] =	stream.strided.gather [hbm4b:s1+s10], $0x2000, s11, s10, $0x38;
	[tilespmem:$0xE100] =	vst v63  }
0x5f3: {  	_ = 	snop  }
0x5f4: {  	[tilespmem:s13], [sflag:$0x3] =	stream.linear.gather [hbm4b:s24+s4], $0x40, $0x38;
	[tilespmem:$0xE100] =	vst v63  }
0x5f5: {  	_ =	swait.ge [sflag:s22], $0x2000  }
0x5f6: {  	[sflag:s22] =	ssyncset.done $0x0  }
0x5f7: {  	[sflag:s22] =	ssyncadd.s32 $0xFFFFE000  }
0x5f8: {  	_ =	swait.ge [sflag:s23], $0x40  }
0x5f9: {  	[sflag:s23] =	ssyncset.done $0x0  }
0x5fa: {  	[sflag:s23] =	ssyncadd.s32 $0xFFFFFFC0  }
0x5fb: {  	_ =	swait.ge [sflag:s18], $0x2000  }
0x5fc: {  	[sflag:s18] =	ssyncset.done $0x0  }
0x5fd: {  	[sflag:s18] =	ssyncadd.s32 $0xFFFFE000  }
0x5fe: {  	[spmem:s2] =	stream.indirect.scatter.add.f32 [tilespmem:s12], [sflag:$0x6], $0x80, s14, s19, $0xb8;
	[tilespmem:$0xE100] =	vst v63  }
0x5ff: {  	_ = 	snop  }
0x600: {  	[spmem:s3] =	stream.indirect.scatter.add.f32 [tilespmem:s15], [sflag:$0x7], $0x80, s14, s19, $0xb8;
	[tilespmem:$0xE100] =	vst v63  }
0x601: {  	_ =	swait.ge [sflag:s20], $0x2000  }
0x602: {  	s24 =	sld [smem:$0x7EF]  }
0x603: {  	[sflag:s20] =	ssyncset.done $0x0  }
0x604: {  	[sflag:s20] =	ssyncadd.s32 $0xFFFFE000  }
0x605: {  	[tilespmem:s15], [sflag:$0x5] =	stream.strided.gather [hbm4b:s24+s10], $0x2000, s11, s10, $0x38;
	[tilespmem:$0xE100] =	vst v63  }
0x606: {  	_ =	swait.ge [sflag:s21], $0x2000  }
0x607: {  	s1 =	sld [smem:$0x7F0]  }
0x608: {  	[sflag:s21] =	ssyncset.done $0x0  }
0x609: {  	s24 =	sld [smem:$0x7F1];
	[sflag:s21] =	ssyncadd.s32 $0xFFFFE000  }
0x60a: {  	[tilespmem:s12], [sflag:$0x2] =	stream.strided.gather [hbm4b:s1+s10], $0x2000, s11, s10, $0x38;
	[tilespmem:$0xE100] =	vst v63  }
0x60b: {  	_ = 	snop  }
0x60c: {  	[tilespmem:s14], [sflag:$0x4] =	stream.linear.gather [hbm4b:s24+s4], $0x40, $0x38;
	[tilespmem:$0xE100] =	vst v63  }
0x60d: {  	_ =	swait.ge [sflag:s16], $0x2000  }
0x60e: {  	[sflag:s16] =	ssyncset.done $0x0  }
0x60f: {  	[sflag:s16] =	ssyncadd.s32 $0xFFFFE000  }
0x610: {  	_ =	swait.ge [sflag:s17], $0x40  }
0x611: {  	[sflag:s17] =	ssyncset.done $0x0  }
0x612: {  	[sflag:s17] =	ssyncadd.s32 $0xFFFFFFC0  }
0x613: {  	_ =	swait.ge [sflag:s18], $0x2000  }
0x614: {  	[sflag:s18] =	ssyncset.done $0x0  }
0x615: {  	[sflag:s18] =	ssyncadd.s32 $0xFFFFE000  }
0x616: {  	[spmem:s2] =	stream.indirect.scatter.add.f32 [tilespmem:s4], [sflag:$0x6], $0x80, s13, s19, $0xb8;
	[tilespmem:$0xE100] =	vst v63  }
0x617: {  	_ = 	snop  }
0x618: {  	[spmem:s3] =	stream.indirect.scatter.add.f32 [tilespmem:s15], [sflag:$0x7], $0x80, s13, s19, $0xb8;
	[tilespmem:$0xE100] =	vst v63  }
0x619: {  	_ =	swait.ge [sflag:s20], $0x2000  }
0x61a: {  	s24 =	sld [smem:$0x7F2]  }
0x61b: {  	[sflag:s20] =	ssyncset.done $0x0  }
0x61c: {  	[sflag:s20] =	ssyncadd.s32 $0xFFFFE000  }
0x61d: {  	[tilespmem:s15], [sflag:$0x5] =	stream.strided.gather [hbm4b:s24+s10], $0x2000, s11, s10, $0x38;
	[tilespmem:$0xE100] =	vst v63  }
0x61e: {  	_ =	swait.ge [sflag:s21], $0x2000  }
0x61f: {  	s1 =	sld [smem:$0x7F3]  }
0x620: {  	[sflag:s21] =	ssyncset.done $0x0  }
0x621: {  	s24 =	sld [smem:$0x7F4];
	[sflag:s21] =	ssyncadd.s32 $0xFFFFE000  }
0x622: {  	[tilespmem:s4], [sflag:$0x1] =	stream.strided.gather [hbm4b:s1+s10], $0x2000, s11, s10, $0x38;
	[tilespmem:$0xE100] =	vst v63  }
0x623: {  	_ = 	snop  }
0x624: {  	[tilespmem:s13], [sflag:$0x3] =	stream.linear.gather [hbm4b:s24+s4], $0x40, $0x38;
	[tilespmem:$0xE100] =	vst v63  }
0x625: {  	_ =	swait.ge [sflag:s22], $0x2000  }
0x626: {  	[sflag:s22] =	ssyncset.done $0x0  }
0x627: {  	[sflag:s22] =	ssyncadd.s32 $0xFFFFE000  }
0x628: {  	_ =	swait.ge [sflag:s23], $0x40  }
0x629: {  	[sflag:s23] =	ssyncset.done $0x0  }
0x62a: {  	[sflag:s23] =	ssyncadd.s32 $0xFFFFFFC0  }
0x62b: {  	_ =	swait.ge [sflag:s18], $0x2000  }
0x62c: {  	[sflag:s18] =	ssyncset.done $0x0  }
0x62d: {  	[sflag:s18] =	ssyncadd.s32 $0xFFFFE000  }
0x62e: {  	[spmem:s2] =	stream.indirect.scatter.add.f32 [tilespmem:s12], [sflag:$0x6], $0x80, s14, s19, $0xb8;
	[tilespmem:$0xE100] =	vst v63  }
0x62f: {  	_ = 	snop  }
0x630: {  	[spmem:s3] =	stream.indirect.scatter.add.f32 [tilespmem:s15], [sflag:$0x7], $0x80, s14, s19, $0xb8;
	[tilespmem:$0xE100] =	vst v63  }
0x631: {  	_ =	swait.ge [sflag:s20], $0x2000  }
0x632: {  	s24 =	sld [smem:$0x7F5]  }
0x633: {  	[sflag:s20] =	ssyncset.done $0x0  }
0x634: {  	[sflag:s20] =	ssyncadd.s32 $0xFFFFE000  }
0x635: {  	[tilespmem:s15], [sflag:$0x5] =	stream.strided.gather [hbm4b:s24+s10], $0x2000, s11, s10, $0x38;
	[tilespmem:$0xE100] =	vst v63  }
0x636: {  	_ =	swait.ge [sflag:s21], $0x2000  }
0x637: {  	s1 =	sld [smem:$0x7F6]  }
0x638: {  	[sflag:s21] =	ssyncset.done $0x0  }
0x639: {  	s24 =	sld [smem:$0x7F7];
	[sflag:s21] =	ssyncadd.s32 $0xFFFFE000  }
0x63a: {  	[tilespmem:s12], [sflag:$0x2] =	stream.strided.gather [hbm4b:s1+s10], $0x2000, s11, s10, $0x38;
	[tilespmem:$0xE100] =	vst v63  }
0x63b: {  	_ = 	snop  }
0x63c: {  	[tilespmem:s14], [sflag:$0x4] =	stream.linear.gather [hbm4b:s24+s4], $0x40, $0x38;
	[tilespmem:$0xE100] =	vst v63  }
0x63d: {  	_ =	swait.ge [sflag:s16], $0x2000  }
0x63e: {  	[sflag:s16] =	ssyncset.done $0x0  }
0x63f: {  	[sflag:s16] =	ssyncadd.s32 $0xFFFFE000  }
0x640: {  	_ =	swait.ge [sflag:s17], $0x40  }
0x641: {  	[sflag:s17] =	ssyncset.done $0x0  }
0x642: {  	[sflag:s17] =	ssyncadd.s32 $0xFFFFFFC0  }
0x643: {  	_ =	swait.ge [sflag:s18], $0x2000  }
0x644: {  	[sflag:s18] =	ssyncset.done $0x0  }
0x645: {  	[sflag:s18] =	ssyncadd.s32 $0xFFFFE000  }
0x646: {  	[spmem:s2] =	stream.indirect.scatter.add.f32 [tilespmem:s4], [sflag:$0x6], $0x80, s13, s19, $0xb8;
	[tilespmem:$0xE100] =	vst v63  }
0x647: {  	_ = 	snop  }
0x648: {  	[spmem:s3] =	stream.indirect.scatter.add.f32 [tilespmem:s15], [sflag:$0x7], $0x80, s13, s19, $0xb8;
	[tilespmem:$0xE100] =	vst v63  }
0x649: {  	_ =	swait.ge [sflag:s20], $0x2000  }
0x64a: {  	s24 =	sld [smem:$0x7F8]  }
0x64b: {  	[sflag:s20] =	ssyncset.done $0x0  }
0x64c: {  	[sflag:s20] =	ssyncadd.s32 $0xFFFFE000  }
0x64d: {  	[tilespmem:s15], [sflag:$0x5] =	stream.strided.gather [hbm4b:s24+s10], $0x2000, s11, s10, $0x38;
	[tilespmem:$0xE100] =	vst v63  }
0x64e: {  	_ =	swait.ge [sflag:s21], $0x2000  }
0x64f: {  	s1 =	sld [smem:$0x7F9]  }
0x650: {  	[sflag:s21] =	ssyncset.done $0x0  }
0x651: {  	s24 =	sld [smem:$0x7FA];
	[sflag:s21] =	ssyncadd.s32 $0xFFFFE000  }
0x652: {  	[tilespmem:s4], [sflag:$0x1] =	stream.strided.gather [hbm4b:s1+s10], $0x2000, s11, s10, $0x38;
	[tilespmem:$0xE100] =	vst v63  }
0x653: {  	_ = 	snop  }
0x654: {  	[tilespmem:s13], [sflag:$0x3] =	stream.linear.gather [hbm4b:s24+s4], $0x40, $0x38;
	[tilespmem:$0xE100] =	vst v63  }
0x655: {  	_ =	swait.ge [sflag:s22], $0x2000  }
0x656: {  	[sflag:s22] =	ssyncset.done $0x0  }
0x657: {  	[sflag:s22] =	ssyncadd.s32 $0xFFFFE000  }
0x658: {  	_ =	swait.ge [sflag:s23], $0x40  }
0x659: {  	[sflag:s23] =	ssyncset.done $0x0  }
0x65a: {  	[sflag:s23] =	ssyncadd.s32 $0xFFFFFFC0  }
0x65b: {  	_ =	swait.ge [sflag:s18], $0x2000  }
0x65c: {  	[sflag:s18] =	ssyncset.done $0x0  }
0x65d: {  	[sflag:s18] =	ssyncadd.s32 $0xFFFFE000  }
0x65e: {  	[spmem:s2] =	stream.indirect.scatter.add.f32 [tilespmem:s12], [sflag:$0x6], $0x80, s14, s19, $0xb8;
	[tilespmem:$0xE100] =	vst v63  }
0x65f: {  	_ = 	snop  }
0x660: {  	[spmem:s3] =	stream.indirect.scatter.add.f32 [tilespmem:s15], [sflag:$0x7], $0x80, s14, s19, $0xb8;
	[tilespmem:$0xE100] =	vst v63  }
0x661: {  	_ =	swait.ge [sflag:s20], $0x2000  }
0x662: {  	s24 =	sld [smem:$0x7FB]  }
0x663: {  	[sflag:s20] =	ssyncset.done $0x0  }
0x664: {  	[sflag:s20] =	ssyncadd.s32 $0xFFFFE000  }
0x665: {  	[tilespmem:s15], [sflag:$0x5] =	stream.strided.gather [hbm4b:s24+s10], $0x2000, s11, s10, $0x38;
	[tilespmem:$0xE100] =	vst v63  }
0x666: {  	_ =	swait.ge [sflag:s21], $0x2000  }
0x667: {  	s24 =	sld [smem:$0x7FC]  }
0x668: {  	[sflag:s21] =	ssyncset.done $0x0  }
0x669: {  	[sflag:s21] =	ssyncadd.s32 $0xFFFFE000  }
0x66a: {  	[tilespmem:s12], [sflag:$0x2] =	stream.strided.gather [hbm4b:s24+s10], $0x2000, s11, s10, $0x38;
	[tilespmem:$0xE100] =	vst v63  }
0x66b: {  	_ = 	snop  }
0x66c: {  	[tilespmem:s14], [sflag:$0x4] =	stream.linear.gather [hbm4b:s25+s4], $0x40, $0x38;
	[tilespmem:$0xE100] =	vst v63  }
0x66d: {  	_ =	swait.ge [sflag:s16], $0x2000  }
0x66e: {  	[sflag:s16] =	ssyncset.done $0x0  }
0x66f: {  	[sflag:s16] =	ssyncadd.s32 $0xFFFFE000  }
0x670: {  	_ =	swait.ge [sflag:s17], $0x40  }
0x671: {  	[sflag:s17] =	ssyncset.done $0x0  }
0x672: {  	[sflag:s17] =	ssyncadd.s32 $0xFFFFFFC0  }
0x673: {  	_ =	swait.ge [sflag:s18], $0x2000  }
0x674: {  	[sflag:s18] =	ssyncset.done $0x0  }
0x675: {  	[sflag:s18] =	ssyncadd.s32 $0xFFFFE000  }
0x676: {  	[spmem:s2] =	stream.indirect.scatter.add.f32 [tilespmem:s4], [sflag:$0x6], $0x80, s13, s19, $0xb8;
	[tilespmem:$0xE100] =	vst v63  }
0x677: {  	_ = 	snop  }
0x678: {  	[spmem:s3] =	stream.indirect.scatter.add.f32 [tilespmem:s15], [sflag:$0x7], $0x80, s13, s19, $0xb8;
	[tilespmem:$0xE100] =	vst v63  }
0x679: {  	_ =	swait.ge [sflag:s20], $0x2000  }
0x67a: {  	[sflag:s20] =	ssyncset.done $0x0  }
0x67b: {  	[sflag:s20] =	ssyncadd.s32 $0xFFFFE000  }
0x67c: {  	[tilespmem:s15], [sflag:$0x5] =	stream.strided.gather [hbm4b:s26+s10], $0x2000, s11, s10, $0x38;
	[tilespmem:$0xE100] =	vst v63  }
0x67d: {  	_ =	swait.ge [sflag:s22], $0x2000  }
0x67e: {  	[sflag:s22] =	ssyncset.done $0x0  }
0x67f: {  	[sflag:s22] =	ssyncadd.s32 $0xFFFFE000  }
0x680: {  	_ =	swait.ge [sflag:s23], $0x40  }
0x681: {  	[sflag:s23] =	ssyncset.done $0x0  }
0x682: {  	[sflag:s23] =	ssyncadd.s32 $0xFFFFFFC0  }
0x683: {  	_ =	swait.ge [sflag:s18], $0x2000  }
0x684: {  	[sflag:s18] =	ssyncset.done $0x0  }
0x685: {  	[sflag:s18] =	ssyncadd.s32 $0xFFFFE000  }
0x686: {  	[spmem:s2] =	stream.indirect.scatter.add.f32 [tilespmem:s12], [sflag:$0x6], $0x80, s14, s19, $0xb8;
	[tilespmem:$0xE100] =	vst v63  }
0x687: {  	_ = 	snop  }
0x688: {  	[spmem:s3] =	stream.indirect.scatter.add.f32 [tilespmem:s15], [sflag:$0x7], $0x80, s14, s19, $0xb8;
	[tilespmem:$0xE100] =	vst v63  }
0x689: {  	_ =	swait.ge [sflag:s20], $0x2000  }
0x68a: {  	[sflag:s20] =	ssyncset.done $0x0  }
0x68b: {  	[sflag:s20] =	ssyncadd.s32 $0xFFFFE000  }
0x68c: {  	_ =	swait.ge [sflag:s21], $0x2000  }
0x68d: {  	[sflag:s21] =	ssyncset.done $0x0  }
0x68e: {  	[sflag:s21] =	ssyncadd.s32 $0xFFFFE000  }
0x68f: {  	_ =	swait.ge [sflag:s21], $0x2000  }
0x690: {  	[sflag:s21] =	ssyncset.done $0x0  }
0x691: {  	[sflag:s21] =	ssyncadd.s32 $0xFFFFE000  }
0x692: {  	[hbm:s28@s29], [sflag:s6] =	dma.strided [spmem:s8@s30], $0x800, s7, $0x10   }
0x693: {  	p0 =	sne.s32 s0, $0x1;
	_ =	swait.ge [sflag:s7], $0x800  }
.Ltmp1:
0x694: {  	[sflag:s7] =	ssyncset.done $0x0;
	(pc) =	sbr.rel @p0 .LBB2_1-.Ltmp1, $4  }
0x695: {  	[sflag:s7] =	ssyncadd.s32 $0xFFFFF800  }
0x696: {  	[hbm:s31@s29], [sflag:s6] =	dma.strided [spmem:s9@s30], $0x800, s7, $0x10   }
0x697: {  	_ =	swait.ge [sflag:s7], $0x800  }
0x698: {  	s0 =	sadd.s32 $0xFFFFFFFF, s0;
	[sflag:s7] =	ssyncset.done $0x0  }
.LBB2_2:
0x699: {  	[sflag:s7] =	ssyncadd.s32 $0xFFFFF800  }
0x69a: {  	_ =	sfence.sel $0x180000  }
0x69b: {  	[bflag:$0x0] =	sbarrier.arrive $0xFFFF  }
0x69c: {  	_ =	strace $0x90000047  }
0x69d: {  	s0 =	stileid.u32;
	[bflag:$0x2] =	sbarrier.arrive $0xFFFF  }
0x69e: {  	p0 =	sne.s32 s0, $0x0;
	s0 =	rddreg [dreg:$0x6]  }
0x69f: {  	s0 =	sadd.s32 @!p0 $0x100000, s0  }
0x6a0: {  	[sflag:s0] =	ssyncadd.tile.s32 @!p0 $0x1;
	_ =	shalt  }
.Lfunc_end2:
_tile_overlayer_lowered:
.L_overlay_start_2:
0x6a1: {  	(tag) =	ssettag $0x2  }
0x6a2: {  	s0 =	rddreg [dreg:$0x0];
	s2 =	stileid.u32  }
0x6a3: {  	s1 =	rddreg [dreg:$0x1];
	p0 =	sne.s32 s2, $0x0  }
0x6a4: {  	s3 =	rddreg [dreg:$0x2];
	[bflag:$0x3] =	sbarrier.arrive $0xFFFF;
	s2 =	simm.s32 @!p0 $0x1C08  }
0x6a5: {  	[timem:s3], [sflag:s2] =	dma.local @!p0 [hbm:s0], s1  }
0x6a6: {  	s0 =	simm.s32 @!p0 $0x8  }
0x6a7: {  	_ =	swait.ge @!p0 [sflag:s0], s1  }
0x6a8: {  	s1 =	ssub.s32 @!p0 $0x0, s1;
	[sflag:s0] =	ssyncset.done @!p0 $0x0  }
0x6a9: {  	[sflag:s0] =	ssyncadd.s32 @!p0 s1  }
0x6aa: {  	[bflag:$0x3] =	sbarrier.arrive $0xFFFF  }
0x6ab: {  	_ =	shalt  }

</sc_bundles>
